<compile_context>
chip_gen: v7x
topology: tpu7x:2x2x1
jax: 0.10.2.dev20260603
libtpu: 0.0.44.dev20260713+nightly
codegen_flags: <defaults>
</compile_context>

<pallas_src>
import functools
import math

import jax
import jax.numpy as jnp
from jax import lax
from jax.experimental import pallas as pl
from jax.experimental.pallas import tpu as pltpu
from jax.experimental.pallas import tpu_sc as plsc

D = 32
NC, NS, L = 2, 16, 16
NW = NC * NS
W = 128
NBUF = 4
G = 2

_SCALE = math.sqrt(float(D))


@functools.cache
def _make_gather(S, B):
    assert B % (NW * W * NBUF) == 0
    b_per_w = B // NW
    n_chunks = S * (b_per_w // W)
    mesh = plsc.VectorSubcoreMesh(core_axis_name="c", subcore_axis_name="s")

    @functools.partial(
        pl.kernel,
        mesh=mesh,
        out_type=jax.ShapeDtypeStruct((S, D, B), jnp.float32),
        scratch_types=[
            pltpu.VMEM((B // NW, S), jnp.int32),
            pltpu.VMEM((NBUF, W), jnp.int32),
            pltpu.VMEM((NBUF, W, D), jnp.float32),
            pltpu.VMEM((NBUF, D, W + 1), jnp.float32),
            pltpu.SemaphoreType.DMA((NBUF,)),
            pltpu.SemaphoreType.DMA((NBUF,)),
        ],
        compiler_params=pltpu.CompilerParams(
            use_tc_tiling_on_sc=False, needs_layout_passes=False),
    )
    def gather_kernel(emb, idx2, out3, blk_v, raw_v, g_v, stg_v,
                      sem_g, sem_o):
        wid = lax.axis_index("s") * NC + lax.axis_index("c")
        bstripe = wid * b_per_w
        iota = lax.iota(jnp.int32, L)

        def prep(ci, sl):
            s = ci // NBUF
            base = (ci % NBUF) * W
            cs = jnp.full((L,), s, jnp.int32)
            for g in range(W // L):
                rows = iota + (base + g * L)
                raw_v[sl, pl.ds(g * L, L)] = plsc.load_gather(
                    blk_v, [rows, cs])

        def gather_copy(sl):
            return pltpu.make_async_copy(
                emb.at[raw_v.at[sl]], g_v.at[sl], sem_g.at[sl])

        def out_copy(ci, sl):
            s = ci // NBUF
            b0 = bstripe + (ci % NBUF) * W
            return pltpu.make_async_copy(
                stg_v.at[sl, :, pl.ds(0, W)], out3.at[s, :, pl.ds(b0, W)],
                sem_o.at[sl])

        pltpu.sync_copy(idx2.at[pl.ds(bstripe, b_per_w)], blk_v)
        for b in range(G):
            prep(b, b)
            gather_copy(b).start()

        r_lo = iota
        r_hi = iota + L

        def chunk_body(ci, carry):
            b = ci % NBUF
            gather_copy(b).wait()

            @pl.when(ci >= NBUF)
            def _drain():
                out_copy(ci - NBUF, b).wait()

            for j in range(W):
                cj = jnp.full((L,), j, jnp.int32)
                v0 = g_v[b, j, pl.ds(0, L)] * _SCALE
                v1 = g_v[b, j, pl.ds(L, L)] * _SCALE
                plsc.store_scatter(stg_v.at[b], [r_lo, cj], v0)
                plsc.store_scatter(stg_v.at[b], [r_hi, cj], v1)

            out_copy(ci, b).start()

            nxt = ci + G
            sp = (b + G) % NBUF

            @pl.when(nxt < n_chunks)
            def _prefetch():
                prep(nxt, sp)
                gather_copy(sp).start()

            return carry

        lax.fori_loop(0, n_chunks, chunk_body, 0)

        for b in range(NBUF):
            out_copy(n_chunks - NBUF + b, b).wait()

    return gather_kernel


def kernel(inputs, emb):
    n, s = inputs.shape
    raw = _make_gather(s, n)(emb, inputs)
    return raw.transpose(2, 0, 1)

# --- scband reference (transcript-rebuilt; emitter-appended) ---
"""Pipeline reference for scband-embedding-layer-15882789061117 (READ-ONLY COPY).

The authoritative reference and input builder live on the scoring server;
editing this copy changes nothing except your own understanding.
"""

import jax, jax.numpy as jnp
import numpy as np

INPUT_DIM = 1000000
OUTPUT_DIM = 32
SCALE = True


def setup_inputs(seed: int = 0) -> dict:
    key = jax.random.key(seed)
    k_idx, k_emb = jax.random.split(key)
    inputs = jax.random.randint(k_idx, (16384, 50), 0, INPUT_DIM, dtype=jnp.int64 if jax.config.jax_enable_x64 else jnp.int32).astype(jnp.int32)
    emb = jax.random.normal(k_emb, (INPUT_DIM, OUTPUT_DIM), dtype=jnp.float32) * 0.02
    return {"inputs": inputs, "emb": emb}


def reference(inputs, emb):
    # tf.gather(self.emb, inputs)
    outputs = jnp.take(emb, inputs, axis=0)
    if SCALE:
        dims = jnp.asarray(emb.shape[1], dtype=jnp.float32)
        outputs = outputs * dims ** 0.5
    return outputs

if __name__ == "__main__":
    import jax
    _d = setup_inputs()
    print(jax.jit(kernel)(*tuple(_d.values())))

</pallas_src>

<mosaic_0001>
#map = affine_map<(d0, d1) -> (0, 0)>
#map1 = affine_map<(d0, d1) -> (0, 0, 0)>
module attributes {stable_mosaic.version = 14 : i64} {
  func.func @gather_kernel(%arg0: i32, %arg1: i32, %arg2: memref<1000000x32xf32, #tpu.memory_space<hbm>>, %arg3: memref<16384x50xi32, #tpu.memory_space<hbm>>, %arg4: memref<50x32x16384xf32, #tpu.memory_space<hbm>>, %arg5: memref<512x50xi32, #tpu.memory_space<vmem>>, %arg6: memref<4x128xi32, #tpu.memory_space<vmem>>, %arg7: memref<4x128x32xf32, #tpu.memory_space<vmem>>, %arg8: memref<4x32x129xf32, #tpu.memory_space<vmem>>, %arg9: memref<4x!tpu.dma_semaphore, #tpu.memory_space<semaphore_mem>>, %arg10: memref<4x!tpu.dma_semaphore, #tpu.memory_space<semaphore_mem>>) attributes {dimension_semantics = [#tpu.dimension_semantics<core_parallel>, #tpu.dimension_semantics<subcore_parallel>], iteration_bounds = array<i64: 2, 16>, scalar_prefetch = 0 : i64, scratch_operands = 6 : i64, tpu.core_type = #tpu.core_type<sc_vector_subcore>, window_params = [{transform_indices = #map}, {transform_indices = #map}, {transform_indices = #map1}]} {
    %mul3A = arith.constant 2 : i32
    %mul3A_0 = arith.muli %arg1, %mul3A : i32
    %add3A = arith.addi %mul3A_0, %arg0 : i32
    %mul3A_1 = arith.constant 512 : i32
    %mul3A_2 = arith.muli %add3A, %mul3A_1 : i32
    %iota3A = tpu.iota {dimensions = array<i32: 0>} : vector<16xi32>
    "tpu.region"() ({
      %run_scoped3A = tpu.sem_alloc : memref<!tpu.dma_semaphore, #tpu.memory_space<semaphore_mem>>
      %dma_start3A_252 = arith.constant 0 : i32
      %dma_start3A_253 = tpu.memref_slice %arg3[%mul3A_2, %dma_start3A_252] : memref<16384x50xi32, #tpu.memory_space<hbm>> -> memref<512x50xi32, #tpu.memory_space<hbm>>
      %dma_start3A_254 = arith.constant 0 : i32
      %dma_start3A_255 = tpu.memref_slice %arg3[%mul3A_2, %dma_start3A_254] : memref<16384x50xi32, #tpu.memory_space<hbm>> -> memref<512x50xi32, #tpu.memory_space<hbm>>
      tpu.enqueue_dma source(%dma_start3A_255 : memref<512x50xi32, #tpu.memory_space<hbm>>) target(%arg5 : memref<512x50xi32, #tpu.memory_space<vmem>>) target_semaphore(%run_scoped3A : memref<!tpu.dma_semaphore, #tpu.memory_space<semaphore_mem>>)
      %dma_wait3A_256 = arith.constant 0 : i32
      %dma_wait3A_257 = tpu.memref_slice %arg3[%mul3A_2, %dma_wait3A_256] : memref<16384x50xi32, #tpu.memory_space<hbm>> -> memref<512x50xi32, #tpu.memory_space<hbm>>
      %dma_wait3A_258 = arith.constant 0 : i32
      %dma_wait3A_259 = tpu.memref_slice %arg3[%mul3A_2, %dma_wait3A_258] : memref<16384x50xi32, #tpu.memory_space<hbm>> -> memref<512x50xi32, #tpu.memory_space<hbm>>
      tpu.wait_dma2 semaphore(%run_scoped3A : memref<!tpu.dma_semaphore, #tpu.memory_space<semaphore_mem>>) src(%dma_wait3A_259 : memref<512x50xi32, #tpu.memory_space<hbm>>) dst(%arg5 : memref<512x50xi32, #tpu.memory_space<vmem>>)
      tpu.yield
    }) : () -> ()
    %broadcast_in_dim3A = arith.constant 0 : i32
    %broadcast_in_dim3A_3 = vector.broadcast %broadcast_in_dim3A : i32 to vector<16xi32>
    %add3A_4 = arith.constant 0 : i32
    %add3A_5 = vector.broadcast %add3A_4 : i32 to vector<16xi32>
    %add3A_6 = arith.addi %iota3A, %add3A_5 : vector<16xi32>
    %gather3A = tpu.vector_load_idx %arg5[%add3A_6, %broadcast_in_dim3A_3] : memref<512x50xi32, #tpu.memory_space<vmem>>[vector<16xi32>, vector<16xi32>], vector<16xi32>,
    %swap3A = arith.constant 0 : i32
    %swap3A_7 = arith.index_cast %swap3A : i32 to index
    %swap3A_8 = arith.constant 0 : index
    %swap3A_9 = tpu.vector_load %arg6[%swap3A_7, %swap3A_8] {strides = array<i32>} : memref<4x128xi32, #tpu.memory_space<vmem>>, vector<16xi32>,
    tpu.vector_store %arg6[%swap3A_7, %swap3A_8], %gather3A {strides = array<i32>} : memref<4x128xi32, #tpu.memory_space<vmem>>, vector<16xi32>,
    %add3A_10 = arith.constant 16 : i32
    %add3A_11 = vector.broadcast %add3A_10 : i32 to vector<16xi32>
    %add3A_12 = arith.addi %iota3A, %add3A_11 : vector<16xi32>
    %gather3A_13 = tpu.vector_load_idx %arg5[%add3A_12, %broadcast_in_dim3A_3] : memref<512x50xi32, #tpu.memory_space<vmem>>[vector<16xi32>, vector<16xi32>], vector<16xi32>,
    %swap3A_14 = arith.constant 0 : i32
    %swap3A_15 = arith.index_cast %swap3A_14 : i32 to index
    %swap3A_16 = arith.constant 16 : index
    %swap3A_17 = tpu.vector_load %arg6[%swap3A_15, %swap3A_16] {strides = array<i32>} : memref<4x128xi32, #tpu.memory_space<vmem>>, vector<16xi32>,
    tpu.vector_store %arg6[%swap3A_15, %swap3A_16], %gather3A_13 {strides = array<i32>} : memref<4x128xi32, #tpu.memory_space<vmem>>, vector<16xi32>,
    %add3A_18 = arith.constant 32 : i32
    %add3A_19 = vector.broadcast %add3A_18 : i32 to vector<16xi32>
    %add3A_20 = arith.addi %iota3A, %add3A_19 : vector<16xi32>
    %gather3A_21 = tpu.vector_load_idx %arg5[%add3A_20, %broadcast_in_dim3A_3] : memref<512x50xi32, #tpu.memory_space<vmem>>[vector<16xi32>, vector<16xi32>], vector<16xi32>,
    %swap3A_22 = arith.constant 0 : i32
    %swap3A_23 = arith.index_cast %swap3A_22 : i32 to index
    %swap3A_24 = arith.constant 32 : index
    %swap3A_25 = tpu.vector_load %arg6[%swap3A_23, %swap3A_24] {strides = array<i32>} : memref<4x128xi32, #tpu.memory_space<vmem>>, vector<16xi32>,
    tpu.vector_store %arg6[%swap3A_23, %swap3A_24], %gather3A_21 {strides = array<i32>} : memref<4x128xi32, #tpu.memory_space<vmem>>, vector<16xi32>,
    %add3A_26 = arith.constant 48 : i32
    %add3A_27 = vector.broadcast %add3A_26 : i32 to vector<16xi32>
    %add3A_28 = arith.addi %iota3A, %add3A_27 : vector<16xi32>
    %gather3A_29 = tpu.vector_load_idx %arg5[%add3A_28, %broadcast_in_dim3A_3] : memref<512x50xi32, #tpu.memory_space<vmem>>[vector<16xi32>, vector<16xi32>], vector<16xi32>,
    %swap3A_30 = arith.constant 0 : i32
    %swap3A_31 = arith.index_cast %swap3A_30 : i32 to index
    %swap3A_32 = arith.constant 48 : index
    %swap3A_33 = tpu.vector_load %arg6[%swap3A_31, %swap3A_32] {strides = array<i32>} : memref<4x128xi32, #tpu.memory_space<vmem>>, vector<16xi32>,
    tpu.vector_store %arg6[%swap3A_31, %swap3A_32], %gather3A_29 {strides = array<i32>} : memref<4x128xi32, #tpu.memory_space<vmem>>, vector<16xi32>,
    %add3A_34 = arith.constant 64 : i32
    %add3A_35 = vector.broadcast %add3A_34 : i32 to vector<16xi32>
    %add3A_36 = arith.addi %iota3A, %add3A_35 : vector<16xi32>
    %gather3A_37 = tpu.vector_load_idx %arg5[%add3A_36, %broadcast_in_dim3A_3] : memref<512x50xi32, #tpu.memory_space<vmem>>[vector<16xi32>, vector<16xi32>], vector<16xi32>,
    %swap3A_38 = arith.constant 0 : i32
    %swap3A_39 = arith.index_cast %swap3A_38 : i32 to index
    %swap3A_40 = arith.constant 64 : index
    %swap3A_41 = tpu.vector_load %arg6[%swap3A_39, %swap3A_40] {strides = array<i32>} : memref<4x128xi32, #tpu.memory_space<vmem>>, vector<16xi32>,
    tpu.vector_store %arg6[%swap3A_39, %swap3A_40], %gather3A_37 {strides = array<i32>} : memref<4x128xi32, #tpu.memory_space<vmem>>, vector<16xi32>,
    %add3A_42 = arith.constant 80 : i32
    %add3A_43 = vector.broadcast %add3A_42 : i32 to vector<16xi32>
    %add3A_44 = arith.addi %iota3A, %add3A_43 : vector<16xi32>
    %gather3A_45 = tpu.vector_load_idx %arg5[%add3A_44, %broadcast_in_dim3A_3] : memref<512x50xi32, #tpu.memory_space<vmem>>[vector<16xi32>, vector<16xi32>], vector<16xi32>,
    %swap3A_46 = arith.constant 0 : i32
    %swap3A_47 = arith.index_cast %swap3A_46 : i32 to index
    %swap3A_48 = arith.constant 80 : index
    %swap3A_49 = tpu.vector_load %arg6[%swap3A_47, %swap3A_48] {strides = array<i32>} : memref<4x128xi32, #tpu.memory_space<vmem>>, vector<16xi32>,
    tpu.vector_store %arg6[%swap3A_47, %swap3A_48], %gather3A_45 {strides = array<i32>} : memref<4x128xi32, #tpu.memory_space<vmem>>, vector<16xi32>,
    %add3A_50 = arith.constant 96 : i32
    %add3A_51 = vector.broadcast %add3A_50 : i32 to vector<16xi32>
    %add3A_52 = arith.addi %iota3A, %add3A_51 : vector<16xi32>
    %gather3A_53 = tpu.vector_load_idx %arg5[%add3A_52, %broadcast_in_dim3A_3] : memref<512x50xi32, #tpu.memory_space<vmem>>[vector<16xi32>, vector<16xi32>], vector<16xi32>,
    %swap3A_54 = arith.constant 0 : i32
    %swap3A_55 = arith.index_cast %swap3A_54 : i32 to index
    %swap3A_56 = arith.constant 96 : index
    %swap3A_57 = tpu.vector_load %arg6[%swap3A_55, %swap3A_56] {strides = array<i32>} : memref<4x128xi32, #tpu.memory_space<vmem>>, vector<16xi32>,
    tpu.vector_store %arg6[%swap3A_55, %swap3A_56], %gather3A_53 {strides = array<i32>} : memref<4x128xi32, #tpu.memory_space<vmem>>, vector<16xi32>,
    %add3A_58 = arith.constant 112 : i32
    %add3A_59 = vector.broadcast %add3A_58 : i32 to vector<16xi32>
    %add3A_60 = arith.addi %iota3A, %add3A_59 : vector<16xi32>
    %gather3A_61 = tpu.vector_load_idx %arg5[%add3A_60, %broadcast_in_dim3A_3] : memref<512x50xi32, #tpu.memory_space<vmem>>[vector<16xi32>, vector<16xi32>], vector<16xi32>,
    %swap3A_62 = arith.constant 0 : i32
    %swap3A_63 = arith.index_cast %swap3A_62 : i32 to index
    %swap3A_64 = arith.constant 112 : index
    %swap3A_65 = tpu.vector_load %arg6[%swap3A_63, %swap3A_64] {strides = array<i32>} : memref<4x128xi32, #tpu.memory_space<vmem>>, vector<16xi32>,
    tpu.vector_store %arg6[%swap3A_63, %swap3A_64], %gather3A_61 {strides = array<i32>} : memref<4x128xi32, #tpu.memory_space<vmem>>, vector<16xi32>,
    %dma_start3A = arith.constant 0 : i32
    %dma_start3A_66 = arith.constant 0 : i32
    %dma_start3A_67 = arith.constant 0 : i32
    %dma_start3A_68 = arith.constant 0 : i32
    %dma_start3A_69 = arith.constant 0 : i32
    %dma_start3A_70 = tpu.memref_slice %arg7[%dma_start3A_66, %dma_start3A_68, %dma_start3A_69] : memref<4x128x32xf32, #tpu.memory_space<vmem>> -> memref<1x128x32xf32, #tpu.memory_space<vmem>>
    %dma_start3A_71 = tpu.memref_squeeze %dma_start3A_70 : memref<1x128x32xf32, #tpu.memory_space<vmem>> -> memref<128x32xf32, #tpu.memory_space<vmem>>
    %dma_start3A_72 = arith.constant 0 : i32
    %dma_start3A_73 = tpu.memref_slice %arg6[%dma_start3A, %dma_start3A_72] : memref<4x128xi32, #tpu.memory_space<vmem>> -> memref<1x128xi32, #tpu.memory_space<vmem>>
    %dma_start3A_74 = tpu.memref_squeeze %dma_start3A_73 : memref<1x128xi32, #tpu.memory_space<vmem>> -> memref<128xi32, #tpu.memory_space<vmem>>
    %dma_start3A_75 = arith.constant 0 : i32
    %dma_start3A_76 = arith.constant 0 : i32
    %dma_start3A_77 = tpu.memref_slice %arg2[%dma_start3A_75, %dma_start3A_76] : memref<1000000x32xf32, #tpu.memory_space<hbm>> -> memref<1000000x32xf32, #tpu.memory_space<hbm>>
    %dma_start3A_78 = tpu.memref_slice %arg9[%dma_start3A_67] : memref<4x!tpu.dma_semaphore, #tpu.memory_space<semaphore_mem>> -> memref<1x!tpu.dma_semaphore, #tpu.memory_space<semaphore_mem>>
    %dma_start3A_79 = tpu.memref_squeeze %dma_start3A_78 : memref<1x!tpu.dma_semaphore, #tpu.memory_space<semaphore_mem>> -> memref<!tpu.dma_semaphore, #tpu.memory_space<semaphore_mem>>
    tpu.enqueue_indirect_dma source(%dma_start3A_77 : memref<1000000x32xf32, #tpu.memory_space<hbm>>) target(%dma_start3A_71 : memref<128x32xf32, #tpu.memory_space<vmem>>) offsets(%dma_start3A_74 : memref<128xi32, #tpu.memory_space<vmem>>) semaphore(%dma_start3A_79 : memref<!tpu.dma_semaphore, #tpu.memory_space<semaphore_mem>>)
    %broadcast_in_dim3A_80 = arith.constant 0 : i32
    %broadcast_in_dim3A_81 = vector.broadcast %broadcast_in_dim3A_80 : i32 to vector<16xi32>
    %add3A_82 = arith.constant 128 : i32
    %add3A_83 = vector.broadcast %add3A_82 : i32 to vector<16xi32>
    %add3A_84 = arith.addi %iota3A, %add3A_83 : vector<16xi32>
    %gather3A_85 = tpu.vector_load_idx %arg5[%add3A_84, %broadcast_in_dim3A_81] : memref<512x50xi32, #tpu.memory_space<vmem>>[vector<16xi32>, vector<16xi32>], vector<16xi32>,
    %swap3A_86 = arith.constant 1 : i32
    %swap3A_87 = arith.index_cast %swap3A_86 : i32 to index
    %swap3A_88 = arith.constant 0 : index
    %swap3A_89 = tpu.vector_load %arg6[%swap3A_87, %swap3A_88] {strides = array<i32>} : memref<4x128xi32, #tpu.memory_space<vmem>>, vector<16xi32>,
    tpu.vector_store %arg6[%swap3A_87, %swap3A_88], %gather3A_85 {strides = array<i32>} : memref<4x128xi32, #tpu.memory_space<vmem>>, vector<16xi32>,
    %add3A_90 = arith.constant 144 : i32
    %add3A_91 = vector.broadcast %add3A_90 : i32 to vector<16xi32>
    %add3A_92 = arith.addi %iota3A, %add3A_91 : vector<16xi32>
    %gather3A_93 = tpu.vector_load_idx %arg5[%add3A_92, %broadcast_in_dim3A_81] : memref<512x50xi32, #tpu.memory_space<vmem>>[vector<16xi32>, vector<16xi32>], vector<16xi32>,
    %swap3A_94 = arith.constant 1 : i32
    %swap3A_95 = arith.index_cast %swap3A_94 : i32 to index
    %swap3A_96 = arith.constant 16 : index
    %swap3A_97 = tpu.vector_load %arg6[%swap3A_95, %swap3A_96] {strides = array<i32>} : memref<4x128xi32, #tpu.memory_space<vmem>>, vector<16xi32>,
    tpu.vector_store %arg6[%swap3A_95, %swap3A_96], %gather3A_93 {strides = array<i32>} : memref<4x128xi32, #tpu.memory_space<vmem>>, vector<16xi32>,
    %add3A_98 = arith.constant 160 : i32
    %add3A_99 = vector.broadcast %add3A_98 : i32 to vector<16xi32>
    %add3A_100 = arith.addi %iota3A, %add3A_99 : vector<16xi32>
    %gather3A_101 = tpu.vector_load_idx %arg5[%add3A_100, %broadcast_in_dim3A_81] : memref<512x50xi32, #tpu.memory_space<vmem>>[vector<16xi32>, vector<16xi32>], vector<16xi32>,
    %swap3A_102 = arith.constant 1 : i32
    %swap3A_103 = arith.index_cast %swap3A_102 : i32 to index
    %swap3A_104 = arith.constant 32 : index
    %swap3A_105 = tpu.vector_load %arg6[%swap3A_103, %swap3A_104] {strides = array<i32>} : memref<4x128xi32, #tpu.memory_space<vmem>>, vector<16xi32>,
    tpu.vector_store %arg6[%swap3A_103, %swap3A_104], %gather3A_101 {strides = array<i32>} : memref<4x128xi32, #tpu.memory_space<vmem>>, vector<16xi32>,
    %add3A_106 = arith.constant 176 : i32
    %add3A_107 = vector.broadcast %add3A_106 : i32 to vector<16xi32>
    %add3A_108 = arith.addi %iota3A, %add3A_107 : vector<16xi32>
    %gather3A_109 = tpu.vector_load_idx %arg5[%add3A_108, %broadcast_in_dim3A_81] : memref<512x50xi32, #tpu.memory_space<vmem>>[vector<16xi32>, vector<16xi32>], vector<16xi32>,
    %swap3A_110 = arith.constant 1 : i32
    %swap3A_111 = arith.index_cast %swap3A_110 : i32 to index
    %swap3A_112 = arith.constant 48 : index
    %swap3A_113 = tpu.vector_load %arg6[%swap3A_111, %swap3A_112] {strides = array<i32>} : memref<4x128xi32, #tpu.memory_space<vmem>>, vector<16xi32>,
    tpu.vector_store %arg6[%swap3A_111, %swap3A_112], %gather3A_109 {strides = array<i32>} : memref<4x128xi32, #tpu.memory_space<vmem>>, vector<16xi32>,
    %add3A_114 = arith.constant 192 : i32
    %add3A_115 = vector.broadcast %add3A_114 : i32 to vector<16xi32>
    %add3A_116 = arith.addi %iota3A, %add3A_115 : vector<16xi32>
    %gather3A_117 = tpu.vector_load_idx %arg5[%add3A_116, %broadcast_in_dim3A_81] : memref<512x50xi32, #tpu.memory_space<vmem>>[vector<16xi32>, vector<16xi32>], vector<16xi32>,
    %swap3A_118 = arith.constant 1 : i32
    %swap3A_119 = arith.index_cast %swap3A_118 : i32 to index
    %swap3A_120 = arith.constant 64 : index
    %swap3A_121 = tpu.vector_load %arg6[%swap3A_119, %swap3A_120] {strides = array<i32>} : memref<4x128xi32, #tpu.memory_space<vmem>>, vector<16xi32>,
    tpu.vector_store %arg6[%swap3A_119, %swap3A_120], %gather3A_117 {strides = array<i32>} : memref<4x128xi32, #tpu.memory_space<vmem>>, vector<16xi32>,
    %add3A_122 = arith.constant 208 : i32
    %add3A_123 = vector.broadcast %add3A_122 : i32 to vector<16xi32>
    %add3A_124 = arith.addi %iota3A, %add3A_123 : vector<16xi32>
    %gather3A_125 = tpu.vector_load_idx %arg5[%add3A_124, %broadcast_in_dim3A_81] : memref<512x50xi32, #tpu.memory_space<vmem>>[vector<16xi32>, vector<16xi32>], vector<16xi32>,
    %swap3A_126 = arith.constant 1 : i32
    %swap3A_127 = arith.index_cast %swap3A_126 : i32 to index
    %swap3A_128 = arith.constant 80 : index
    %swap3A_129 = tpu.vector_load %arg6[%swap3A_127, %swap3A_128] {strides = array<i32>} : memref<4x128xi32, #tpu.memory_space<vmem>>, vector<16xi32>,
    tpu.vector_store %arg6[%swap3A_127, %swap3A_128], %gather3A_125 {strides = array<i32>} : memref<4x128xi32, #tpu.memory_space<vmem>>, vector<16xi32>,
    %add3A_130 = arith.constant 224 : i32
    %add3A_131 = vector.broadcast %add3A_130 : i32 to vector<16xi32>
    %add3A_132 = arith.addi %iota3A, %add3A_131 : vector<16xi32>
    %gather3A_133 = tpu.vector_load_idx %arg5[%add3A_132, %broadcast_in_dim3A_81] : memref<512x50xi32, #tpu.memory_space<vmem>>[vector<16xi32>, vector<16xi32>], vector<16xi32>,
    %swap3A_134 = arith.constant 1 : i32
    %swap3A_135 = arith.index_cast %swap3A_134 : i32 to index
    %swap3A_136 = arith.constant 96 : index
    %swap3A_137 = tpu.vector_load %arg6[%swap3A_135, %swap3A_136] {strides = array<i32>} : memref<4x128xi32, #tpu.memory_space<vmem>>, vector<16xi32>,
    tpu.vector_store %arg6[%swap3A_135, %swap3A_136], %gather3A_133 {strides = array<i32>} : memref<4x128xi32, #tpu.memory_space<vmem>>, vector<16xi32>,
    %add3A_138 = arith.constant 240 : i32
    %add3A_139 = vector.broadcast %add3A_138 : i32 to vector<16xi32>
    %add3A_140 = arith.addi %iota3A, %add3A_139 : vector<16xi32>
    %gather3A_141 = tpu.vector_load_idx %arg5[%add3A_140, %broadcast_in_dim3A_81] : memref<512x50xi32, #tpu.memory_space<vmem>>[vector<16xi32>, vector<16xi32>], vector<16xi32>,
    %swap3A_142 = arith.constant 1 : i32
    %swap3A_143 = arith.index_cast %swap3A_142 : i32 to index
    %swap3A_144 = arith.constant 112 : index
    %swap3A_145 = tpu.vector_load %arg6[%swap3A_143, %swap3A_144] {strides = array<i32>} : memref<4x128xi32, #tpu.memory_space<vmem>>, vector<16xi32>,
    tpu.vector_store %arg6[%swap3A_143, %swap3A_144], %gather3A_141 {strides = array<i32>} : memref<4x128xi32, #tpu.memory_space<vmem>>, vector<16xi32>,
    %dma_start3A_146 = arith.constant 1 : i32
    %dma_start3A_147 = arith.constant 1 : i32
    %dma_start3A_148 = arith.constant 1 : i32
    %dma_start3A_149 = arith.constant 0 : i32
    %dma_start3A_150 = arith.constant 0 : i32
    %dma_start3A_151 = tpu.memref_slice %arg7[%dma_start3A_147, %dma_start3A_149, %dma_start3A_150] : memref<4x128x32xf32, #tpu.memory_space<vmem>> -> memref<1x128x32xf32, #tpu.memory_space<vmem>>
    %dma_start3A_152 = tpu.memref_squeeze %dma_start3A_151 : memref<1x128x32xf32, #tpu.memory_space<vmem>> -> memref<128x32xf32, #tpu.memory_space<vmem>>
    %dma_start3A_153 = arith.constant 0 : i32
    %dma_start3A_154 = tpu.memref_slice %arg6[%dma_start3A_146, %dma_start3A_153] : memref<4x128xi32, #tpu.memory_space<vmem>> -> memref<1x128xi32, #tpu.memory_space<vmem>>
    %dma_start3A_155 = tpu.memref_squeeze %dma_start3A_154 : memref<1x128xi32, #tpu.memory_space<vmem>> -> memref<128xi32, #tpu.memory_space<vmem>>
    %dma_start3A_156 = arith.constant 0 : i32
    %dma_start3A_157 = arith.constant 0 : i32
    %dma_start3A_158 = tpu.memref_slice %arg2[%dma_start3A_156, %dma_start3A_157] : memref<1000000x32xf32, #tpu.memory_space<hbm>> -> memref<1000000x32xf32, #tpu.memory_space<hbm>>
    %dma_start3A_159 = tpu.memref_slice %arg9[%dma_start3A_148] : memref<4x!tpu.dma_semaphore, #tpu.memory_space<semaphore_mem>> -> memref<1x!tpu.dma_semaphore, #tpu.memory_space<semaphore_mem>>
    %dma_start3A_160 = tpu.memref_squeeze %dma_start3A_159 : memref<1x!tpu.dma_semaphore, #tpu.memory_space<semaphore_mem>> -> memref<!tpu.dma_semaphore, #tpu.memory_space<semaphore_mem>>
    tpu.enqueue_indirect_dma source(%dma_start3A_158 : memref<1000000x32xf32, #tpu.memory_space<hbm>>) target(%dma_start3A_152 : memref<128x32xf32, #tpu.memory_space<vmem>>) offsets(%dma_start3A_155 : memref<128xi32, #tpu.memory_space<vmem>>) semaphore(%dma_start3A_160 : memref<!tpu.dma_semaphore, #tpu.memory_space<semaphore_mem>>)
    %add3A_161 = arith.constant 16 : i32
    %add3A_162 = vector.broadcast %add3A_161 : i32 to vector<16xi32>
    %add3A_163 = arith.addi %iota3A, %add3A_162 : vector<16xi32>
    %scan3A = arith.constant 0 : i32
    %scan3A_164 = arith.constant 0 : i32
    %scan3A_165 = arith.constant 200 : i32
    %scan3A_166 = arith.addi %scan3A_164, %scan3A_165 : i32
    %scan3A_167 = arith.constant 1 : i32
    scf.for %scan3A_252 = %scan3A_164 to %scan3A_166 step %scan3A_167  : i32 {
      %jit3A = arith.constant 4 : i32
      %eq3A = arith.constant 0 : i32
      %eq3A_253 = arith.cmpi eq, %jit3A, %eq3A : i32
      %jit3A_254 = arith.constant 1 : i32
      %select_n3A = arith.select %eq3A_253, %jit3A_254, %jit3A : i32
      %rem3A = arith.remsi %scan3A_252, %select_n3A : i32
      %ne3A = arith.constant 0 : i32
      %ne3A_255 = arith.cmpi ne, %rem3A, %ne3A : i32
      %lt3A = arith.constant 0 : i32
      %lt3A_256 = arith.cmpi slt, %rem3A, %lt3A : i32
      %lt3A_257 = arith.constant 0 : i32
      %lt3A_258 = arith.cmpi slt, %select_n3A, %lt3A_257 : i32
      %ne3A_259 = arith.xori %lt3A_256, %lt3A_258 : i1
      %and3A = arith.andi %ne3A_259, %ne3A_255 : i1
      %add3A_260 = arith.addi %rem3A, %select_n3A : i32
      %select_n3A_261 = arith.select %and3A, %add3A_260, %rem3A : i32
      %dma_wait3A_262 = arith.constant 0 : i32
      %dma_wait3A_263 = arith.constant 0 : i32
      %dma_wait3A_264 = tpu.memref_slice %arg7[%select_n3A_261, %dma_wait3A_262, %dma_wait3A_263] : memref<4x128x32xf32, #tpu.memory_space<vmem>> -> memref<1x128x32xf32, #tpu.memory_space<vmem>>
      %dma_wait3A_265 = tpu.memref_squeeze %dma_wait3A_264 : memref<1x128x32xf32, #tpu.memory_space<vmem>> -> memref<128x32xf32, #tpu.memory_space<vmem>>
      %dma_wait3A_266 = arith.constant 0 : i32
      %dma_wait3A_267 = tpu.memref_slice %arg6[%select_n3A_261, %dma_wait3A_266] : memref<4x128xi32, #tpu.memory_space<vmem>> -> memref<1x128xi32, #tpu.memory_space<vmem>>
      %dma_wait3A_268 = tpu.memref_squeeze %dma_wait3A_267 : memref<1x128xi32, #tpu.memory_space<vmem>> -> memref<128xi32, #tpu.memory_space<vmem>>
      %dma_wait3A_269 = arith.constant 0 : i32
      %dma_wait3A_270 = arith.constant 0 : i32
      %dma_wait3A_271 = tpu.memref_slice %arg2[%dma_wait3A_269, %dma_wait3A_270] : memref<1000000x32xf32, #tpu.memory_space<hbm>> -> memref<1000000x32xf32, #tpu.memory_space<hbm>>
      %dma_wait3A_272 = tpu.memref_slice %arg9[%select_n3A_261] : memref<4x!tpu.dma_semaphore, #tpu.memory_space<semaphore_mem>> -> memref<1x!tpu.dma_semaphore, #tpu.memory_space<semaphore_mem>>
      %dma_wait3A_273 = tpu.memref_squeeze %dma_wait3A_272 : memref<1x!tpu.dma_semaphore, #tpu.memory_space<semaphore_mem>> -> memref<!tpu.dma_semaphore, #tpu.memory_space<semaphore_mem>>
      tpu.wait_indirect_dma semaphore(%dma_wait3A_273 : memref<!tpu.dma_semaphore, #tpu.memory_space<semaphore_mem>>) src(%dma_wait3A_271 : memref<1000000x32xf32, #tpu.memory_space<hbm>>) dst(%dma_wait3A_265 : memref<128x32xf32, #tpu.memory_space<vmem>>)
      %ge3A = arith.constant 4 : i32
      %ge3A_274 = arith.cmpi sge, %scan3A_252, %ge3A : i32
      %convert_element_type3A = arith.extui %ge3A_274 : i1 to i32
      %cond3A = arith.constant 0 : i32
      %cond3A_275 = arith.cmpi ne, %convert_element_type3A, %cond3A : i32
      scf.if %cond3A_275 {
        %sub3A_3683 = arith.constant 4 : i32
        %sub3A_3684 = arith.subi %scan3A_252, %sub3A_3683 : i32
        %jit3A_3685 = arith.constant 4 : i32
        %div3A_3686 = arith.divsi %sub3A_3684, %jit3A_3685 : i32
        %sign3A_3687 = arith.constant 0 : i32
        %sign3A_3688 = arith.cmpi sgt, %sub3A_3684, %sign3A_3687 : i32
        %sign3A_3689 = arith.extui %sign3A_3688 : i1 to i32
        %sign3A_3690 = arith.constant 0 : i32
        %sign3A_3691 = arith.cmpi slt, %sub3A_3684, %sign3A_3690 : i32
        %sign3A_3692 = arith.extui %sign3A_3691 : i1 to i32
        %sign3A_3693 = arith.subi %sign3A_3689, %sign3A_3692 : i32
        %sign3A_3694 = arith.constant 0 : i32
        %sign3A_3695 = arith.cmpi sgt, %jit3A_3685, %sign3A_3694 : i32
        %sign3A_3696 = arith.extui %sign3A_3695 : i1 to i32
        %sign3A_3697 = arith.constant 0 : i32
        %sign3A_3698 = arith.cmpi slt, %jit3A_3685, %sign3A_3697 : i32
        %sign3A_3699 = arith.extui %sign3A_3698 : i1 to i32
        %sign3A_3700 = arith.subi %sign3A_3696, %sign3A_3699 : i32
        %ne3A_3701 = arith.cmpi ne, %sign3A_3693, %sign3A_3700 : i32
        %rem3A_3702 = arith.remsi %sub3A_3684, %jit3A_3685 : i32
        %ne3A_3703 = arith.constant 0 : i32
        %ne3A_3704 = arith.cmpi ne, %rem3A_3702, %ne3A_3703 : i32
        %and3A_3705 = arith.andi %ne3A_3701, %ne3A_3704 : i1
        %sub3A_3706 = arith.constant 1 : i32
        %sub3A_3707 = arith.subi %div3A_3686, %sub3A_3706 : i32
        %select_n3A_3708 = arith.select %and3A_3705, %sub3A_3707, %div3A_3686 : i32
        %jit3A_3709 = arith.constant 4 : i32
        %eq3A_3710 = arith.constant 0 : i32
        %eq3A_3711 = arith.cmpi eq, %jit3A_3709, %eq3A_3710 : i32
        %jit3A_3712 = arith.constant 1 : i32
        %select_n3A_3713 = arith.select %eq3A_3711, %jit3A_3712, %jit3A_3709 : i32
        %rem3A_3714 = arith.remsi %sub3A_3684, %select_n3A_3713 : i32
        %ne3A_3715 = arith.constant 0 : i32
        %ne3A_3716 = arith.cmpi ne, %rem3A_3714, %ne3A_3715 : i32
        %lt3A_3717 = arith.constant 0 : i32
        %lt3A_3718 = arith.cmpi slt, %rem3A_3714, %lt3A_3717 : i32
        %lt3A_3719 = arith.constant 0 : i32
        %lt3A_3720 = arith.cmpi slt, %select_n3A_3713, %lt3A_3719 : i32
        %ne3A_3721 = arith.xori %lt3A_3718, %lt3A_3720 : i1
        %and3A_3722 = arith.andi %ne3A_3721, %ne3A_3716 : i1
        %add3A_3723 = arith.addi %rem3A_3714, %select_n3A_3713 : i32
        %select_n3A_3724 = arith.select %and3A_3722, %add3A_3723, %rem3A_3714 : i32
        %mul3A_3725 = arith.constant 128 : i32
        %mul3A_3726 = arith.muli %select_n3A_3724, %mul3A_3725 : i32
        %add3A_3727 = arith.addi %mul3A_2, %mul3A_3726 : i32
        %dma_wait3A_3728 = arith.constant 0 : i32
        %dma_wait3A_3729 = arith.constant 0 : i32
        %dma_wait3A_3730 = tpu.memref_slice %arg8[%select_n3A_261, %dma_wait3A_3728, %dma_wait3A_3729] : memref<4x32x129xf32, #tpu.memory_space<vmem>> -> memref<1x32x128xf32, #tpu.memory_space<vmem>>
        %dma_wait3A_3731 = tpu.memref_squeeze %dma_wait3A_3730 : memref<1x32x128xf32, #tpu.memory_space<vmem>> -> memref<32x128xf32, #tpu.memory_space<vmem>>
        %dma_wait3A_3732 = arith.constant 0 : i32
        %dma_wait3A_3733 = tpu.memref_slice %arg4[%select_n3A_3708, %dma_wait3A_3732, %add3A_3727] : memref<50x32x16384xf32, #tpu.memory_space<hbm>> -> memref<1x32x128xf32, #tpu.memory_space<hbm>>
        %dma_wait3A_3734 = tpu.memref_squeeze %dma_wait3A_3733 : memref<1x32x128xf32, #tpu.memory_space<hbm>> -> memref<32x128xf32, #tpu.memory_space<hbm>>
        %dma_wait3A_3735 = tpu.memref_slice %arg10[%select_n3A_261] : memref<4x!tpu.dma_semaphore, #tpu.memory_space<semaphore_mem>> -> memref<1x!tpu.dma_semaphore, #tpu.memory_space<semaphore_mem>>
        %dma_wait3A_3736 = tpu.memref_squeeze %dma_wait3A_3735 : memref<1x!tpu.dma_semaphore, #tpu.memory_space<semaphore_mem>> -> memref<!tpu.dma_semaphore, #tpu.memory_space<semaphore_mem>>
        %dma_wait3A_3737 = arith.constant 0 : i32
        %dma_wait3A_3738 = tpu.memref_slice %arg4[%select_n3A_3708, %dma_wait3A_3737, %add3A_3727] : memref<50x32x16384xf32, #tpu.memory_space<hbm>> -> memref<1x32x128xf32, #tpu.memory_space<hbm>>
        %dma_wait3A_3739 = tpu.memref_squeeze %dma_wait3A_3738 : memref<1x32x128xf32, #tpu.memory_space<hbm>> -> memref<32x128xf32, #tpu.memory_space<hbm>>
        %dma_wait3A_3740 = arith.constant 0 : i32
        %dma_wait3A_3741 = arith.constant 0 : i32
        %dma_wait3A_3742 = tpu.memref_slice %arg8[%select_n3A_261, %dma_wait3A_3740, %dma_wait3A_3741] : memref<4x32x129xf32, #tpu.memory_space<vmem>> -> memref<1x32x128xf32, #tpu.memory_space<vmem>>
        %dma_wait3A_3743 = tpu.memref_squeeze %dma_wait3A_3742 : memref<1x32x128xf32, #tpu.memory_space<vmem>> -> memref<32x128xf32, #tpu.memory_space<vmem>>
        tpu.wait_dma2 semaphore(%dma_wait3A_3736 : memref<!tpu.dma_semaphore, #tpu.memory_space<semaphore_mem>>) src(%dma_wait3A_3743 : memref<32x128xf32, #tpu.memory_space<vmem>>) dst(%dma_wait3A_3739 : memref<32x128xf32, #tpu.memory_space<hbm>>)
      } else {
      }
      %broadcast_in_dim3A_276 = arith.constant 0 : i32
      %broadcast_in_dim3A_277 = vector.broadcast %broadcast_in_dim3A_276 : i32 to vector<16xi32>
      %get3A = arith.constant 0 : i32
      %get3A_278 = arith.index_cast %select_n3A_261 : i32 to index
      %get3A_279 = arith.index_cast %get3A : i32 to index
      %get3A_280 = arith.constant 0 : index
      %get3A_281 = tpu.vector_load %arg7[%get3A_278, %get3A_279, %get3A_280] {strides = array<i32>} : memref<4x128x32xf32, #tpu.memory_space<vmem>>, vector<16xf32>,
      %mul3A_282 = arith.constant 5.65685415 : f32
      %mul3A_283 = vector.broadcast %mul3A_282 : f32 to vector<16xf32>
      %mul3A_284 = arith.mulf %get3A_281, %mul3A_283 : vector<16xf32>
      %get3A_285 = arith.constant 0 : i32
      %get3A_286 = arith.index_cast %select_n3A_261 : i32 to index
      %get3A_287 = arith.index_cast %get3A_285 : i32 to index
      %get3A_288 = arith.constant 16 : index
      %get3A_289 = tpu.vector_load %arg7[%get3A_286, %get3A_287, %get3A_288] {strides = array<i32>} : memref<4x128x32xf32, #tpu.memory_space<vmem>>, vector<16xf32>,
      %mul3A_290 = arith.constant 5.65685415 : f32
      %mul3A_291 = vector.broadcast %mul3A_290 : f32 to vector<16xf32>
      %mul3A_292 = arith.mulf %get3A_289, %mul3A_291 : vector<16xf32>
      %scatter3A = arith.constant 0 : i32
      %scatter3A_293 = arith.constant 0 : i32
      %scatter3A_294 = tpu.memref_slice %arg8[%select_n3A_261, %scatter3A, %scatter3A_293] : memref<4x32x129xf32, #tpu.memory_space<vmem>> -> memref<1x32x129xf32, #tpu.memory_space<vmem>>
      %scatter3A_295 = tpu.memref_squeeze %scatter3A_294 : memref<1x32x129xf32, #tpu.memory_space<vmem>> -> memref<32x129xf32, #tpu.memory_space<vmem>>
      tpu.vector_store_idx %scatter3A_295[%iota3A, %broadcast_in_dim3A_277], %mul3A_284 : memref<32x129xf32, #tpu.memory_space<vmem>>[vector<16xi32>, vector<16xi32>], vector<16xf32>,
      %scatter3A_296 = arith.constant 0 : i32
      %scatter3A_297 = arith.constant 0 : i32
      %scatter3A_298 = tpu.memref_slice %arg8[%select_n3A_261, %scatter3A_296, %scatter3A_297] : memref<4x32x129xf32, #tpu.memory_space<vmem>> -> memref<1x32x129xf32, #tpu.memory_space<vmem>>
      %scatter3A_299 = tpu.memref_squeeze %scatter3A_298 : memref<1x32x129xf32, #tpu.memory_space<vmem>> -> memref<32x129xf32, #tpu.memory_space<vmem>>
      tpu.vector_store_idx %scatter3A_299[%add3A_163, %broadcast_in_dim3A_277], %mul3A_292 : memref<32x129xf32, #tpu.memory_space<vmem>>[vector<16xi32>, vector<16xi32>], vector<16xf32>,
      %broadcast_in_dim3A_300 = arith.constant 1 : i32
      %broadcast_in_dim3A_301 = vector.broadcast %broadcast_in_dim3A_300 : i32 to vector<16xi32>
      %get3A_302 = arith.constant 1 : i32
      %get3A_303 = arith.index_cast %select_n3A_261 : i32 to index
      %get3A_304 = arith.index_cast %get3A_302 : i32 to index
      %get3A_305 = arith.constant 0 : index
      %get3A_306 = tpu.vector_load %arg7[%get3A_303, %get3A_304, %get3A_305] {strides = array<i32>} : memref<4x128x32xf32, #tpu.memory_space<vmem>>, vector<16xf32>,
      %mul3A_307 = arith.constant 5.65685415 : f32
      %mul3A_308 = vector.broadcast %mul3A_307 : f32 to vector<16xf32>
      %mul3A_309 = arith.mulf %get3A_306, %mul3A_308 : vector<16xf32>
      %get3A_310 = arith.constant 1 : i32
      %get3A_311 = arith.index_cast %select_n3A_261 : i32 to index
      %get3A_312 = arith.index_cast %get3A_310 : i32 to index
      %get3A_313 = arith.constant 16 : index
      %get3A_314 = tpu.vector_load %arg7[%get3A_311, %get3A_312, %get3A_313] {strides = array<i32>} : memref<4x128x32xf32, #tpu.memory_space<vmem>>, vector<16xf32>,
      %mul3A_315 = arith.constant 5.65685415 : f32
      %mul3A_316 = vector.broadcast %mul3A_315 : f32 to vector<16xf32>
      %mul3A_317 = arith.mulf %get3A_314, %mul3A_316 : vector<16xf32>
      %scatter3A_318 = arith.constant 0 : i32
      %scatter3A_319 = arith.constant 0 : i32
      %scatter3A_320 = tpu.memref_slice %arg8[%select_n3A_261, %scatter3A_318, %scatter3A_319] : memref<4x32x129xf32, #tpu.memory_space<vmem>> -> memref<1x32x129xf32, #tpu.memory_space<vmem>>
      %scatter3A_321 = tpu.memref_squeeze %scatter3A_320 : memref<1x32x129xf32, #tpu.memory_space<vmem>> -> memref<32x129xf32, #tpu.memory_space<vmem>>
      tpu.vector_store_idx %scatter3A_321[%iota3A, %broadcast_in_dim3A_301], %mul3A_309 : memref<32x129xf32, #tpu.memory_space<vmem>>[vector<16xi32>, vector<16xi32>], vector<16xf32>,
      %scatter3A_322 = arith.constant 0 : i32
      %scatter3A_323 = arith.constant 0 : i32
      %scatter3A_324 = tpu.memref_slice %arg8[%select_n3A_261, %scatter3A_322, %scatter3A_323] : memref<4x32x129xf32, #tpu.memory_space<vmem>> -> memref<1x32x129xf32, #tpu.memory_space<vmem>>
      %scatter3A_325 = tpu.memref_squeeze %scatter3A_324 : memref<1x32x129xf32, #tpu.memory_space<vmem>> -> memref<32x129xf32, #tpu.memory_space<vmem>>
      tpu.vector_store_idx %scatter3A_325[%add3A_163, %broadcast_in_dim3A_301], %mul3A_317 : memref<32x129xf32, #tpu.memory_space<vmem>>[vector<16xi32>, vector<16xi32>], vector<16xf32>,
      %broadcast_in_dim3A_326 = arith.constant 2 : i32
      %broadcast_in_dim3A_327 = vector.broadcast %broadcast_in_dim3A_326 : i32 to vector<16xi32>
      %get3A_328 = arith.constant 2 : i32
      %get3A_329 = arith.index_cast %select_n3A_261 : i32 to index
      %get3A_330 = arith.index_cast %get3A_328 : i32 to index
      %get3A_331 = arith.constant 0 : index
      %get3A_332 = tpu.vector_load %arg7[%get3A_329, %get3A_330, %get3A_331] {strides = array<i32>} : memref<4x128x32xf32, #tpu.memory_space<vmem>>, vector<16xf32>,
      %mul3A_333 = arith.constant 5.65685415 : f32
      %mul3A_334 = vector.broadcast %mul3A_333 : f32 to vector<16xf32>
      %mul3A_335 = arith.mulf %get3A_332, %mul3A_334 : vector<16xf32>
      %get3A_336 = arith.constant 2 : i32
      %get3A_337 = arith.index_cast %select_n3A_261 : i32 to index
      %get3A_338 = arith.index_cast %get3A_336 : i32 to index
      %get3A_339 = arith.constant 16 : index
      %get3A_340 = tpu.vector_load %arg7[%get3A_337, %get3A_338, %get3A_339] {strides = array<i32>} : memref<4x128x32xf32, #tpu.memory_space<vmem>>, vector<16xf32>,
      %mul3A_341 = arith.constant 5.65685415 : f32
      %mul3A_342 = vector.broadcast %mul3A_341 : f32 to vector<16xf32>
      %mul3A_343 = arith.mulf %get3A_340, %mul3A_342 : vector<16xf32>
      %scatter3A_344 = arith.constant 0 : i32
      %scatter3A_345 = arith.constant 0 : i32
      %scatter3A_346 = tpu.memref_slice %arg8[%select_n3A_261, %scatter3A_344, %scatter3A_345] : memref<4x32x129xf32, #tpu.memory_space<vmem>> -> memref<1x32x129xf32, #tpu.memory_space<vmem>>
      %scatter3A_347 = tpu.memref_squeeze %scatter3A_346 : memref<1x32x129xf32, #tpu.memory_space<vmem>> -> memref<32x129xf32, #tpu.memory_space<vmem>>
      tpu.vector_store_idx %scatter3A_347[%iota3A, %broadcast_in_dim3A_327], %mul3A_335 : memref<32x129xf32, #tpu.memory_space<vmem>>[vector<16xi32>, vector<16xi32>], vector<16xf32>,
      %scatter3A_348 = arith.constant 0 : i32
      %scatter3A_349 = arith.constant 0 : i32
      %scatter3A_350 = tpu.memref_slice %arg8[%select_n3A_261, %scatter3A_348, %scatter3A_349] : memref<4x32x129xf32, #tpu.memory_space<vmem>> -> memref<1x32x129xf32, #tpu.memory_space<vmem>>
      %scatter3A_351 = tpu.memref_squeeze %scatter3A_350 : memref<1x32x129xf32, #tpu.memory_space<vmem>> -> memref<32x129xf32, #tpu.memory_space<vmem>>
      tpu.vector_store_idx %scatter3A_351[%add3A_163, %broadcast_in_dim3A_327], %mul3A_343 : memref<32x129xf32, #tpu.memory_space<vmem>>[vector<16xi32>, vector<16xi32>], vector<16xf32>,
      %broadcast_in_dim3A_352 = arith.constant 3 : i32
      %broadcast_in_dim3A_353 = vector.broadcast %broadcast_in_dim3A_352 : i32 to vector<16xi32>
      %get3A_354 = arith.constant 3 : i32
      %get3A_355 = arith.index_cast %select_n3A_261 : i32 to index
      %get3A_356 = arith.index_cast %get3A_354 : i32 to index
      %get3A_357 = arith.constant 0 : index
      %get3A_358 = tpu.vector_load %arg7[%get3A_355, %get3A_356, %get3A_357] {strides = array<i32>} : memref<4x128x32xf32, #tpu.memory_space<vmem>>, vector<16xf32>,
      %mul3A_359 = arith.constant 5.65685415 : f32
      %mul3A_360 = vector.broadcast %mul3A_359 : f32 to vector<16xf32>
      %mul3A_361 = arith.mulf %get3A_358, %mul3A_360 : vector<16xf32>
      %get3A_362 = arith.constant 3 : i32
      %get3A_363 = arith.index_cast %select_n3A_261 : i32 to index
      %get3A_364 = arith.index_cast %get3A_362 : i32 to index
      %get3A_365 = arith.constant 16 : index
      %get3A_366 = tpu.vector_load %arg7[%get3A_363, %get3A_364, %get3A_365] {strides = array<i32>} : memref<4x128x32xf32, #tpu.memory_space<vmem>>, vector<16xf32>,
      %mul3A_367 = arith.constant 5.65685415 : f32
      %mul3A_368 = vector.broadcast %mul3A_367 : f32 to vector<16xf32>
      %mul3A_369 = arith.mulf %get3A_366, %mul3A_368 : vector<16xf32>
      %scatter3A_370 = arith.constant 0 : i32
      %scatter3A_371 = arith.constant 0 : i32
      %scatter3A_372 = tpu.memref_slice %arg8[%select_n3A_261, %scatter3A_370, %scatter3A_371] : memref<4x32x129xf32, #tpu.memory_space<vmem>> -> memref<1x32x129xf32, #tpu.memory_space<vmem>>
      %scatter3A_373 = tpu.memref_squeeze %scatter3A_372 : memref<1x32x129xf32, #tpu.memory_space<vmem>> -> memref<32x129xf32, #tpu.memory_space<vmem>>
      tpu.vector_store_idx %scatter3A_373[%iota3A, %broadcast_in_dim3A_353], %mul3A_361 : memref<32x129xf32, #tpu.memory_space<vmem>>[vector<16xi32>, vector<16xi32>], vector<16xf32>,
      %scatter3A_374 = arith.constant 0 : i32
      %scatter3A_375 = arith.constant 0 : i32
      %scatter3A_376 = tpu.memref_slice %arg8[%select_n3A_261, %scatter3A_374, %scatter3A_375] : memref<4x32x129xf32, #tpu.memory_space<vmem>> -> memref<1x32x129xf32, #tpu.memory_space<vmem>>
      %scatter3A_377 = tpu.memref_squeeze %scatter3A_376 : memref<1x32x129xf32, #tpu.memory_space<vmem>> -> memref<32x129xf32, #tpu.memory_space<vmem>>
      tpu.vector_store_idx %scatter3A_377[%add3A_163, %broadcast_in_dim3A_353], %mul3A_369 : memref<32x129xf32, #tpu.memory_space<vmem>>[vector<16xi32>, vector<16xi32>], vector<16xf32>,
      %broadcast_in_dim3A_378 = arith.constant 4 : i32
      %broadcast_in_dim3A_379 = vector.broadcast %broadcast_in_dim3A_378 : i32 to vector<16xi32>
      %get3A_380 = arith.constant 4 : i32
      %get3A_381 = arith.index_cast %select_n3A_261 : i32 to index
      %get3A_382 = arith.index_cast %get3A_380 : i32 to index
      %get3A_383 = arith.constant 0 : index
      %get3A_384 = tpu.vector_load %arg7[%get3A_381, %get3A_382, %get3A_383] {strides = array<i32>} : memref<4x128x32xf32, #tpu.memory_space<vmem>>, vector<16xf32>,
      %mul3A_385 = arith.constant 5.65685415 : f32
      %mul3A_386 = vector.broadcast %mul3A_385 : f32 to vector<16xf32>
      %mul3A_387 = arith.mulf %get3A_384, %mul3A_386 : vector<16xf32>
      %get3A_388 = arith.constant 4 : i32
      %get3A_389 = arith.index_cast %select_n3A_261 : i32 to index
      %get3A_390 = arith.index_cast %get3A_388 : i32 to index
      %get3A_391 = arith.constant 16 : index
      %get3A_392 = tpu.vector_load %arg7[%get3A_389, %get3A_390, %get3A_391] {strides = array<i32>} : memref<4x128x32xf32, #tpu.memory_space<vmem>>, vector<16xf32>,
      %mul3A_393 = arith.constant 5.65685415 : f32
      %mul3A_394 = vector.broadcast %mul3A_393 : f32 to vector<16xf32>
      %mul3A_395 = arith.mulf %get3A_392, %mul3A_394 : vector<16xf32>
      %scatter3A_396 = arith.constant 0 : i32
      %scatter3A_397 = arith.constant 0 : i32
      %scatter3A_398 = tpu.memref_slice %arg8[%select_n3A_261, %scatter3A_396, %scatter3A_397] : memref<4x32x129xf32, #tpu.memory_space<vmem>> -> memref<1x32x129xf32, #tpu.memory_space<vmem>>
      %scatter3A_399 = tpu.memref_squeeze %scatter3A_398 : memref<1x32x129xf32, #tpu.memory_space<vmem>> -> memref<32x129xf32, #tpu.memory_space<vmem>>
      tpu.vector_store_idx %scatter3A_399[%iota3A, %broadcast_in_dim3A_379], %mul3A_387 : memref<32x129xf32, #tpu.memory_space<vmem>>[vector<16xi32>, vector<16xi32>], vector<16xf32>,
      %scatter3A_400 = arith.constant 0 : i32
      %scatter3A_401 = arith.constant 0 : i32
      %scatter3A_402 = tpu.memref_slice %arg8[%select_n3A_261, %scatter3A_400, %scatter3A_401] : memref<4x32x129xf32, #tpu.memory_space<vmem>> -> memref<1x32x129xf32, #tpu.memory_space<vmem>>
      %scatter3A_403 = tpu.memref_squeeze %scatter3A_402 : memref<1x32x129xf32, #tpu.memory_space<vmem>> -> memref<32x129xf32, #tpu.memory_space<vmem>>
      tpu.vector_store_idx %scatter3A_403[%add3A_163, %broadcast_in_dim3A_379], %mul3A_395 : memref<32x129xf32, #tpu.memory_space<vmem>>[vector<16xi32>, vector<16xi32>], vector<16xf32>,
      %broadcast_in_dim3A_404 = arith.constant 5 : i32
      %broadcast_in_dim3A_405 = vector.broadcast %broadcast_in_dim3A_404 : i32 to vector<16xi32>
      %get3A_406 = arith.constant 5 : i32
      %get3A_407 = arith.index_cast %select_n3A_261 : i32 to index
      %get3A_408 = arith.index_cast %get3A_406 : i32 to index
      %get3A_409 = arith.constant 0 : index
      %get3A_410 = tpu.vector_load %arg7[%get3A_407, %get3A_408, %get3A_409] {strides = array<i32>} : memref<4x128x32xf32, #tpu.memory_space<vmem>>, vector<16xf32>,
      %mul3A_411 = arith.constant 5.65685415 : f32
      %mul3A_412 = vector.broadcast %mul3A_411 : f32 to vector<16xf32>
      %mul3A_413 = arith.mulf %get3A_410, %mul3A_412 : vector<16xf32>
      %get3A_414 = arith.constant 5 : i32
      %get3A_415 = arith.index_cast %select_n3A_261 : i32 to index
      %get3A_416 = arith.index_cast %get3A_414 : i32 to index
      %get3A_417 = arith.constant 16 : index
      %get3A_418 = tpu.vector_load %arg7[%get3A_415, %get3A_416, %get3A_417] {strides = array<i32>} : memref<4x128x32xf32, #tpu.memory_space<vmem>>, vector<16xf32>,
      %mul3A_419 = arith.constant 5.65685415 : f32
      %mul3A_420 = vector.broadcast %mul3A_419 : f32 to vector<16xf32>
      %mul3A_421 = arith.mulf %get3A_418, %mul3A_420 : vector<16xf32>
      %scatter3A_422 = arith.constant 0 : i32
      %scatter3A_423 = arith.constant 0 : i32
      %scatter3A_424 = tpu.memref_slice %arg8[%select_n3A_261, %scatter3A_422, %scatter3A_423] : memref<4x32x129xf32, #tpu.memory_space<vmem>> -> memref<1x32x129xf32, #tpu.memory_space<vmem>>
      %scatter3A_425 = tpu.memref_squeeze %scatter3A_424 : memref<1x32x129xf32, #tpu.memory_space<vmem>> -> memref<32x129xf32, #tpu.memory_space<vmem>>
      tpu.vector_store_idx %scatter3A_425[%iota3A, %broadcast_in_dim3A_405], %mul3A_413 : memref<32x129xf32, #tpu.memory_space<vmem>>[vector<16xi32>, vector<16xi32>], vector<16xf32>,
      %scatter3A_426 = arith.constant 0 : i32
      %scatter3A_427 = arith.constant 0 : i32
      %scatter3A_428 = tpu.memref_slice %arg8[%select_n3A_261, %scatter3A_426, %scatter3A_427] : memref<4x32x129xf32, #tpu.memory_space<vmem>> -> memref<1x32x129xf32, #tpu.memory_space<vmem>>
      %scatter3A_429 = tpu.memref_squeeze %scatter3A_428 : memref<1x32x129xf32, #tpu.memory_space<vmem>> -> memref<32x129xf32, #tpu.memory_space<vmem>>
      tpu.vector_store_idx %scatter3A_429[%add3A_163, %broadcast_in_dim3A_405], %mul3A_421 : memref<32x129xf32, #tpu.memory_space<vmem>>[vector<16xi32>, vector<16xi32>], vector<16xf32>,
      %broadcast_in_dim3A_430 = arith.constant 6 : i32
      %broadcast_in_dim3A_431 = vector.broadcast %broadcast_in_dim3A_430 : i32 to vector<16xi32>
      %get3A_432 = arith.constant 6 : i32
      %get3A_433 = arith.index_cast %select_n3A_261 : i32 to index
      %get3A_434 = arith.index_cast %get3A_432 : i32 to index
      %get3A_435 = arith.constant 0 : index
      %get3A_436 = tpu.vector_load %arg7[%get3A_433, %get3A_434, %get3A_435] {strides = array<i32>} : memref<4x128x32xf32, #tpu.memory_space<vmem>>, vector<16xf32>,
      %mul3A_437 = arith.constant 5.65685415 : f32
      %mul3A_438 = vector.broadcast %mul3A_437 : f32 to vector<16xf32>
      %mul3A_439 = arith.mulf %get3A_436, %mul3A_438 : vector<16xf32>
      %get3A_440 = arith.constant 6 : i32
      %get3A_441 = arith.index_cast %select_n3A_261 : i32 to index
      %get3A_442 = arith.index_cast %get3A_440 : i32 to index
      %get3A_443 = arith.constant 16 : index
      %get3A_444 = tpu.vector_load %arg7[%get3A_441, %get3A_442, %get3A_443] {strides = array<i32>} : memref<4x128x32xf32, #tpu.memory_space<vmem>>, vector<16xf32>,
      %mul3A_445 = arith.constant 5.65685415 : f32
      %mul3A_446 = vector.broadcast %mul3A_445 : f32 to vector<16xf32>
      %mul3A_447 = arith.mulf %get3A_444, %mul3A_446 : vector<16xf32>
      %scatter3A_448 = arith.constant 0 : i32
      %scatter3A_449 = arith.constant 0 : i32
      %scatter3A_450 = tpu.memref_slice %arg8[%select_n3A_261, %scatter3A_448, %scatter3A_449] : memref<4x32x129xf32, #tpu.memory_space<vmem>> -> memref<1x32x129xf32, #tpu.memory_space<vmem>>
      %scatter3A_451 = tpu.memref_squeeze %scatter3A_450 : memref<1x32x129xf32, #tpu.memory_space<vmem>> -> memref<32x129xf32, #tpu.memory_space<vmem>>
      tpu.vector_store_idx %scatter3A_451[%iota3A, %broadcast_in_dim3A_431], %mul3A_439 : memref<32x129xf32, #tpu.memory_space<vmem>>[vector<16xi32>, vector<16xi32>], vector<16xf32>,
      %scatter3A_452 = arith.constant 0 : i32
      %scatter3A_453 = arith.constant 0 : i32
      %scatter3A_454 = tpu.memref_slice %arg8[%select_n3A_261, %scatter3A_452, %scatter3A_453] : memref<4x32x129xf32, #tpu.memory_space<vmem>> -> memref<1x32x129xf32, #tpu.memory_space<vmem>>
      %scatter3A_455 = tpu.memref_squeeze %scatter3A_454 : memref<1x32x129xf32, #tpu.memory_space<vmem>> -> memref<32x129xf32, #tpu.memory_space<vmem>>
      tpu.vector_store_idx %scatter3A_455[%add3A_163, %broadcast_in_dim3A_431], %mul3A_447 : memref<32x129xf32, #tpu.memory_space<vmem>>[vector<16xi32>, vector<16xi32>], vector<16xf32>,
      %broadcast_in_dim3A_456 = arith.constant 7 : i32
      %broadcast_in_dim3A_457 = vector.broadcast %broadcast_in_dim3A_456 : i32 to vector<16xi32>
      %get3A_458 = arith.constant 7 : i32
      %get3A_459 = arith.index_cast %select_n3A_261 : i32 to index
      %get3A_460 = arith.index_cast %get3A_458 : i32 to index
      %get3A_461 = arith.constant 0 : index
      %get3A_462 = tpu.vector_load %arg7[%get3A_459, %get3A_460, %get3A_461] {strides = array<i32>} : memref<4x128x32xf32, #tpu.memory_space<vmem>>, vector<16xf32>,
      %mul3A_463 = arith.constant 5.65685415 : f32
      %mul3A_464 = vector.broadcast %mul3A_463 : f32 to vector<16xf32>
      %mul3A_465 = arith.mulf %get3A_462, %mul3A_464 : vector<16xf32>
      %get3A_466 = arith.constant 7 : i32
      %get3A_467 = arith.index_cast %select_n3A_261 : i32 to index
      %get3A_468 = arith.index_cast %get3A_466 : i32 to index
      %get3A_469 = arith.constant 16 : index
      %get3A_470 = tpu.vector_load %arg7[%get3A_467, %get3A_468, %get3A_469] {strides = array<i32>} : memref<4x128x32xf32, #tpu.memory_space<vmem>>, vector<16xf32>,
      %mul3A_471 = arith.constant 5.65685415 : f32
      %mul3A_472 = vector.broadcast %mul3A_471 : f32 to vector<16xf32>
      %mul3A_473 = arith.mulf %get3A_470, %mul3A_472 : vector<16xf32>
      %scatter3A_474 = arith.constant 0 : i32
      %scatter3A_475 = arith.constant 0 : i32
      %scatter3A_476 = tpu.memref_slice %arg8[%select_n3A_261, %scatter3A_474, %scatter3A_475] : memref<4x32x129xf32, #tpu.memory_space<vmem>> -> memref<1x32x129xf32, #tpu.memory_space<vmem>>
      %scatter3A_477 = tpu.memref_squeeze %scatter3A_476 : memref<1x32x129xf32, #tpu.memory_space<vmem>> -> memref<32x129xf32, #tpu.memory_space<vmem>>
      tpu.vector_store_idx %scatter3A_477[%iota3A, %broadcast_in_dim3A_457], %mul3A_465 : memref<32x129xf32, #tpu.memory_space<vmem>>[vector<16xi32>, vector<16xi32>], vector<16xf32>,
      %scatter3A_478 = arith.constant 0 : i32
      %scatter3A_479 = arith.constant 0 : i32
      %scatter3A_480 = tpu.memref_slice %arg8[%select_n3A_261, %scatter3A_478, %scatter3A_479] : memref<4x32x129xf32, #tpu.memory_space<vmem>> -> memref<1x32x129xf32, #tpu.memory_space<vmem>>
      %scatter3A_481 = tpu.memref_squeeze %scatter3A_480 : memref<1x32x129xf32, #tpu.memory_space<vmem>> -> memref<32x129xf32, #tpu.memory_space<vmem>>
      tpu.vector_store_idx %scatter3A_481[%add3A_163, %broadcast_in_dim3A_457], %mul3A_473 : memref<32x129xf32, #tpu.memory_space<vmem>>[vector<16xi32>, vector<16xi32>], vector<16xf32>,
      %broadcast_in_dim3A_482 = arith.constant 8 : i32
      %broadcast_in_dim3A_483 = vector.broadcast %broadcast_in_dim3A_482 : i32 to vector<16xi32>
      %get3A_484 = arith.constant 8 : i32
      %get3A_485 = arith.index_cast %select_n3A_261 : i32 to index
      %get3A_486 = arith.index_cast %get3A_484 : i32 to index
      %get3A_487 = arith.constant 0 : index
      %get3A_488 = tpu.vector_load %arg7[%get3A_485, %get3A_486, %get3A_487] {strides = array<i32>} : memref<4x128x32xf32, #tpu.memory_space<vmem>>, vector<16xf32>,
      %mul3A_489 = arith.constant 5.65685415 : f32
      %mul3A_490 = vector.broadcast %mul3A_489 : f32 to vector<16xf32>
      %mul3A_491 = arith.mulf %get3A_488, %mul3A_490 : vector<16xf32>
      %get3A_492 = arith.constant 8 : i32
      %get3A_493 = arith.index_cast %select_n3A_261 : i32 to index
      %get3A_494 = arith.index_cast %get3A_492 : i32 to index
      %get3A_495 = arith.constant 16 : index
      %get3A_496 = tpu.vector_load %arg7[%get3A_493, %get3A_494, %get3A_495] {strides = array<i32>} : memref<4x128x32xf32, #tpu.memory_space<vmem>>, vector<16xf32>,
      %mul3A_497 = arith.constant 5.65685415 : f32
      %mul3A_498 = vector.broadcast %mul3A_497 : f32 to vector<16xf32>
      %mul3A_499 = arith.mulf %get3A_496, %mul3A_498 : vector<16xf32>
      %scatter3A_500 = arith.constant 0 : i32
      %scatter3A_501 = arith.constant 0 : i32
      %scatter3A_502 = tpu.memref_slice %arg8[%select_n3A_261, %scatter3A_500, %scatter3A_501] : memref<4x32x129xf32, #tpu.memory_space<vmem>> -> memref<1x32x129xf32, #tpu.memory_space<vmem>>
      %scatter3A_503 = tpu.memref_squeeze %scatter3A_502 : memref<1x32x129xf32, #tpu.memory_space<vmem>> -> memref<32x129xf32, #tpu.memory_space<vmem>>
      tpu.vector_store_idx %scatter3A_503[%iota3A, %broadcast_in_dim3A_483], %mul3A_491 : memref<32x129xf32, #tpu.memory_space<vmem>>[vector<16xi32>, vector<16xi32>], vector<16xf32>,
      %scatter3A_504 = arith.constant 0 : i32
      %scatter3A_505 = arith.constant 0 : i32
      %scatter3A_506 = tpu.memref_slice %arg8[%select_n3A_261, %scatter3A_504, %scatter3A_505] : memref<4x32x129xf32, #tpu.memory_space<vmem>> -> memref<1x32x129xf32, #tpu.memory_space<vmem>>
      %scatter3A_507 = tpu.memref_squeeze %scatter3A_506 : memref<1x32x129xf32, #tpu.memory_space<vmem>> -> memref<32x129xf32, #tpu.memory_space<vmem>>
      tpu.vector_store_idx %scatter3A_507[%add3A_163, %broadcast_in_dim3A_483], %mul3A_499 : memref<32x129xf32, #tpu.memory_space<vmem>>[vector<16xi32>, vector<16xi32>], vector<16xf32>,
      %broadcast_in_dim3A_508 = arith.constant 9 : i32
      %broadcast_in_dim3A_509 = vector.broadcast %broadcast_in_dim3A_508 : i32 to vector<16xi32>
      %get3A_510 = arith.constant 9 : i32
      %get3A_511 = arith.index_cast %select_n3A_261 : i32 to index
      %get3A_512 = arith.index_cast %get3A_510 : i32 to index
      %get3A_513 = arith.constant 0 : index
      %get3A_514 = tpu.vector_load %arg7[%get3A_511, %get3A_512, %get3A_513] {strides = array<i32>} : memref<4x128x32xf32, #tpu.memory_space<vmem>>, vector<16xf32>,
      %mul3A_515 = arith.constant 5.65685415 : f32
      %mul3A_516 = vector.broadcast %mul3A_515 : f32 to vector<16xf32>
      %mul3A_517 = arith.mulf %get3A_514, %mul3A_516 : vector<16xf32>
      %get3A_518 = arith.constant 9 : i32
      %get3A_519 = arith.index_cast %select_n3A_261 : i32 to index
      %get3A_520 = arith.index_cast %get3A_518 : i32 to index
      %get3A_521 = arith.constant 16 : index
      %get3A_522 = tpu.vector_load %arg7[%get3A_519, %get3A_520, %get3A_521] {strides = array<i32>} : memref<4x128x32xf32, #tpu.memory_space<vmem>>, vector<16xf32>,
      %mul3A_523 = arith.constant 5.65685415 : f32
      %mul3A_524 = vector.broadcast %mul3A_523 : f32 to vector<16xf32>
      %mul3A_525 = arith.mulf %get3A_522, %mul3A_524 : vector<16xf32>
      %scatter3A_526 = arith.constant 0 : i32
      %scatter3A_527 = arith.constant 0 : i32
      %scatter3A_528 = tpu.memref_slice %arg8[%select_n3A_261, %scatter3A_526, %scatter3A_527] : memref<4x32x129xf32, #tpu.memory_space<vmem>> -> memref<1x32x129xf32, #tpu.memory_space<vmem>>
      %scatter3A_529 = tpu.memref_squeeze %scatter3A_528 : memref<1x32x129xf32, #tpu.memory_space<vmem>> -> memref<32x129xf32, #tpu.memory_space<vmem>>
      tpu.vector_store_idx %scatter3A_529[%iota3A, %broadcast_in_dim3A_509], %mul3A_517 : memref<32x129xf32, #tpu.memory_space<vmem>>[vector<16xi32>, vector<16xi32>], vector<16xf32>,
      %scatter3A_530 = arith.constant 0 : i32
      %scatter3A_531 = arith.constant 0 : i32
      %scatter3A_532 = tpu.memref_slice %arg8[%select_n3A_261, %scatter3A_530, %scatter3A_531] : memref<4x32x129xf32, #tpu.memory_space<vmem>> -> memref<1x32x129xf32, #tpu.memory_space<vmem>>
      %scatter3A_533 = tpu.memref_squeeze %scatter3A_532 : memref<1x32x129xf32, #tpu.memory_space<vmem>> -> memref<32x129xf32, #tpu.memory_space<vmem>>
      tpu.vector_store_idx %scatter3A_533[%add3A_163, %broadcast_in_dim3A_509], %mul3A_525 : memref<32x129xf32, #tpu.memory_space<vmem>>[vector<16xi32>, vector<16xi32>], vector<16xf32>,
      %broadcast_in_dim3A_534 = arith.constant 10 : i32
      %broadcast_in_dim3A_535 = vector.broadcast %broadcast_in_dim3A_534 : i32 to vector<16xi32>
      %get3A_536 = arith.constant 10 : i32
      %get3A_537 = arith.index_cast %select_n3A_261 : i32 to index
      %get3A_538 = arith.index_cast %get3A_536 : i32 to index
      %get3A_539 = arith.constant 0 : index
      %get3A_540 = tpu.vector_load %arg7[%get3A_537, %get3A_538, %get3A_539] {strides = array<i32>} : memref<4x128x32xf32, #tpu.memory_space<vmem>>, vector<16xf32>,
      %mul3A_541 = arith.constant 5.65685415 : f32
      %mul3A_542 = vector.broadcast %mul3A_541 : f32 to vector<16xf32>
      %mul3A_543 = arith.mulf %get3A_540, %mul3A_542 : vector<16xf32>
      %get3A_544 = arith.constant 10 : i32
      %get3A_545 = arith.index_cast %select_n3A_261 : i32 to index
      %get3A_546 = arith.index_cast %get3A_544 : i32 to index
      %get3A_547 = arith.constant 16 : index
      %get3A_548 = tpu.vector_load %arg7[%get3A_545, %get3A_546, %get3A_547] {strides = array<i32>} : memref<4x128x32xf32, #tpu.memory_space<vmem>>, vector<16xf32>,
      %mul3A_549 = arith.constant 5.65685415 : f32
      %mul3A_550 = vector.broadcast %mul3A_549 : f32 to vector<16xf32>
      %mul3A_551 = arith.mulf %get3A_548, %mul3A_550 : vector<16xf32>
      %scatter3A_552 = arith.constant 0 : i32
      %scatter3A_553 = arith.constant 0 : i32
      %scatter3A_554 = tpu.memref_slice %arg8[%select_n3A_261, %scatter3A_552, %scatter3A_553] : memref<4x32x129xf32, #tpu.memory_space<vmem>> -> memref<1x32x129xf32, #tpu.memory_space<vmem>>
      %scatter3A_555 = tpu.memref_squeeze %scatter3A_554 : memref<1x32x129xf32, #tpu.memory_space<vmem>> -> memref<32x129xf32, #tpu.memory_space<vmem>>
      tpu.vector_store_idx %scatter3A_555[%iota3A, %broadcast_in_dim3A_535], %mul3A_543 : memref<32x129xf32, #tpu.memory_space<vmem>>[vector<16xi32>, vector<16xi32>], vector<16xf32>,
      %scatter3A_556 = arith.constant 0 : i32
      %scatter3A_557 = arith.constant 0 : i32
      %scatter3A_558 = tpu.memref_slice %arg8[%select_n3A_261, %scatter3A_556, %scatter3A_557] : memref<4x32x129xf32, #tpu.memory_space<vmem>> -> memref<1x32x129xf32, #tpu.memory_space<vmem>>
      %scatter3A_559 = tpu.memref_squeeze %scatter3A_558 : memref<1x32x129xf32, #tpu.memory_space<vmem>> -> memref<32x129xf32, #tpu.memory_space<vmem>>
      tpu.vector_store_idx %scatter3A_559[%add3A_163, %broadcast_in_dim3A_535], %mul3A_551 : memref<32x129xf32, #tpu.memory_space<vmem>>[vector<16xi32>, vector<16xi32>], vector<16xf32>,
      %broadcast_in_dim3A_560 = arith.constant 11 : i32
      %broadcast_in_dim3A_561 = vector.broadcast %broadcast_in_dim3A_560 : i32 to vector<16xi32>
      %get3A_562 = arith.constant 11 : i32
      %get3A_563 = arith.index_cast %select_n3A_261 : i32 to index
      %get3A_564 = arith.index_cast %get3A_562 : i32 to index
      %get3A_565 = arith.constant 0 : index
      %get3A_566 = tpu.vector_load %arg7[%get3A_563, %get3A_564, %get3A_565] {strides = array<i32>} : memref<4x128x32xf32, #tpu.memory_space<vmem>>, vector<16xf32>,
      %mul3A_567 = arith.constant 5.65685415 : f32
      %mul3A_568 = vector.broadcast %mul3A_567 : f32 to vector<16xf32>
      %mul3A_569 = arith.mulf %get3A_566, %mul3A_568 : vector<16xf32>
      %get3A_570 = arith.constant 11 : i32
      %get3A_571 = arith.index_cast %select_n3A_261 : i32 to index
      %get3A_572 = arith.index_cast %get3A_570 : i32 to index
      %get3A_573 = arith.constant 16 : index
      %get3A_574 = tpu.vector_load %arg7[%get3A_571, %get3A_572, %get3A_573] {strides = array<i32>} : memref<4x128x32xf32, #tpu.memory_space<vmem>>, vector<16xf32>,
      %mul3A_575 = arith.constant 5.65685415 : f32
      %mul3A_576 = vector.broadcast %mul3A_575 : f32 to vector<16xf32>
      %mul3A_577 = arith.mulf %get3A_574, %mul3A_576 : vector<16xf32>
      %scatter3A_578 = arith.constant 0 : i32
      %scatter3A_579 = arith.constant 0 : i32
      %scatter3A_580 = tpu.memref_slice %arg8[%select_n3A_261, %scatter3A_578, %scatter3A_579] : memref<4x32x129xf32, #tpu.memory_space<vmem>> -> memref<1x32x129xf32, #tpu.memory_space<vmem>>
      %scatter3A_581 = tpu.memref_squeeze %scatter3A_580 : memref<1x32x129xf32, #tpu.memory_space<vmem>> -> memref<32x129xf32, #tpu.memory_space<vmem>>
      tpu.vector_store_idx %scatter3A_581[%iota3A, %broadcast_in_dim3A_561], %mul3A_569 : memref<32x129xf32, #tpu.memory_space<vmem>>[vector<16xi32>, vector<16xi32>], vector<16xf32>,
      %scatter3A_582 = arith.constant 0 : i32
      %scatter3A_583 = arith.constant 0 : i32
      %scatter3A_584 = tpu.memref_slice %arg8[%select_n3A_261, %scatter3A_582, %scatter3A_583] : memref<4x32x129xf32, #tpu.memory_space<vmem>> -> memref<1x32x129xf32, #tpu.memory_space<vmem>>
      %scatter3A_585 = tpu.memref_squeeze %scatter3A_584 : memref<1x32x129xf32, #tpu.memory_space<vmem>> -> memref<32x129xf32, #tpu.memory_space<vmem>>
      tpu.vector_store_idx %scatter3A_585[%add3A_163, %broadcast_in_dim3A_561], %mul3A_577 : memref<32x129xf32, #tpu.memory_space<vmem>>[vector<16xi32>, vector<16xi32>], vector<16xf32>,
      %broadcast_in_dim3A_586 = arith.constant 12 : i32
      %broadcast_in_dim3A_587 = vector.broadcast %broadcast_in_dim3A_586 : i32 to vector<16xi32>
      %get3A_588 = arith.constant 12 : i32
      %get3A_589 = arith.index_cast %select_n3A_261 : i32 to index
      %get3A_590 = arith.index_cast %get3A_588 : i32 to index
      %get3A_591 = arith.constant 0 : index
      %get3A_592 = tpu.vector_load %arg7[%get3A_589, %get3A_590, %get3A_591] {strides = array<i32>} : memref<4x128x32xf32, #tpu.memory_space<vmem>>, vector<16xf32>,
      %mul3A_593 = arith.constant 5.65685415 : f32
      %mul3A_594 = vector.broadcast %mul3A_593 : f32 to vector<16xf32>
      %mul3A_595 = arith.mulf %get3A_592, %mul3A_594 : vector<16xf32>
      %get3A_596 = arith.constant 12 : i32
      %get3A_597 = arith.index_cast %select_n3A_261 : i32 to index
      %get3A_598 = arith.index_cast %get3A_596 : i32 to index
      %get3A_599 = arith.constant 16 : index
      %get3A_600 = tpu.vector_load %arg7[%get3A_597, %get3A_598, %get3A_599] {strides = array<i32>} : memref<4x128x32xf32, #tpu.memory_space<vmem>>, vector<16xf32>,
      %mul3A_601 = arith.constant 5.65685415 : f32
      %mul3A_602 = vector.broadcast %mul3A_601 : f32 to vector<16xf32>
      %mul3A_603 = arith.mulf %get3A_600, %mul3A_602 : vector<16xf32>
      %scatter3A_604 = arith.constant 0 : i32
      %scatter3A_605 = arith.constant 0 : i32
      %scatter3A_606 = tpu.memref_slice %arg8[%select_n3A_261, %scatter3A_604, %scatter3A_605] : memref<4x32x129xf32, #tpu.memory_space<vmem>> -> memref<1x32x129xf32, #tpu.memory_space<vmem>>
      %scatter3A_607 = tpu.memref_squeeze %scatter3A_606 : memref<1x32x129xf32, #tpu.memory_space<vmem>> -> memref<32x129xf32, #tpu.memory_space<vmem>>
      tpu.vector_store_idx %scatter3A_607[%iota3A, %broadcast_in_dim3A_587], %mul3A_595 : memref<32x129xf32, #tpu.memory_space<vmem>>[vector<16xi32>, vector<16xi32>], vector<16xf32>,
      %scatter3A_608 = arith.constant 0 : i32
      %scatter3A_609 = arith.constant 0 : i32
      %scatter3A_610 = tpu.memref_slice %arg8[%select_n3A_261, %scatter3A_608, %scatter3A_609] : memref<4x32x129xf32, #tpu.memory_space<vmem>> -> memref<1x32x129xf32, #tpu.memory_space<vmem>>
      %scatter3A_611 = tpu.memref_squeeze %scatter3A_610 : memref<1x32x129xf32, #tpu.memory_space<vmem>> -> memref<32x129xf32, #tpu.memory_space<vmem>>
      tpu.vector_store_idx %scatter3A_611[%add3A_163, %broadcast_in_dim3A_587], %mul3A_603 : memref<32x129xf32, #tpu.memory_space<vmem>>[vector<16xi32>, vector<16xi32>], vector<16xf32>,
      %broadcast_in_dim3A_612 = arith.constant 13 : i32
      %broadcast_in_dim3A_613 = vector.broadcast %broadcast_in_dim3A_612 : i32 to vector<16xi32>
      %get3A_614 = arith.constant 13 : i32
      %get3A_615 = arith.index_cast %select_n3A_261 : i32 to index
      %get3A_616 = arith.index_cast %get3A_614 : i32 to index
      %get3A_617 = arith.constant 0 : index
      %get3A_618 = tpu.vector_load %arg7[%get3A_615, %get3A_616, %get3A_617] {strides = array<i32>} : memref<4x128x32xf32, #tpu.memory_space<vmem>>, vector<16xf32>,
      %mul3A_619 = arith.constant 5.65685415 : f32
      %mul3A_620 = vector.broadcast %mul3A_619 : f32 to vector<16xf32>
      %mul3A_621 = arith.mulf %get3A_618, %mul3A_620 : vector<16xf32>
      %get3A_622 = arith.constant 13 : i32
      %get3A_623 = arith.index_cast %select_n3A_261 : i32 to index
      %get3A_624 = arith.index_cast %get3A_622 : i32 to index
      %get3A_625 = arith.constant 16 : index
      %get3A_626 = tpu.vector_load %arg7[%get3A_623, %get3A_624, %get3A_625] {strides = array<i32>} : memref<4x128x32xf32, #tpu.memory_space<vmem>>, vector<16xf32>,
      %mul3A_627 = arith.constant 5.65685415 : f32
      %mul3A_628 = vector.broadcast %mul3A_627 : f32 to vector<16xf32>
      %mul3A_629 = arith.mulf %get3A_626, %mul3A_628 : vector<16xf32>
      %scatter3A_630 = arith.constant 0 : i32
      %scatter3A_631 = arith.constant 0 : i32
      %scatter3A_632 = tpu.memref_slice %arg8[%select_n3A_261, %scatter3A_630, %scatter3A_631] : memref<4x32x129xf32, #tpu.memory_space<vmem>> -> memref<1x32x129xf32, #tpu.memory_space<vmem>>
      %scatter3A_633 = tpu.memref_squeeze %scatter3A_632 : memref<1x32x129xf32, #tpu.memory_space<vmem>> -> memref<32x129xf32, #tpu.memory_space<vmem>>
      tpu.vector_store_idx %scatter3A_633[%iota3A, %broadcast_in_dim3A_613], %mul3A_621 : memref<32x129xf32, #tpu.memory_space<vmem>>[vector<16xi32>, vector<16xi32>], vector<16xf32>,
      %scatter3A_634 = arith.constant 0 : i32
      %scatter3A_635 = arith.constant 0 : i32
      %scatter3A_636 = tpu.memref_slice %arg8[%select_n3A_261, %scatter3A_634, %scatter3A_635] : memref<4x32x129xf32, #tpu.memory_space<vmem>> -> memref<1x32x129xf32, #tpu.memory_space<vmem>>
      %scatter3A_637 = tpu.memref_squeeze %scatter3A_636 : memref<1x32x129xf32, #tpu.memory_space<vmem>> -> memref<32x129xf32, #tpu.memory_space<vmem>>
      tpu.vector_store_idx %scatter3A_637[%add3A_163, %broadcast_in_dim3A_613], %mul3A_629 : memref<32x129xf32, #tpu.memory_space<vmem>>[vector<16xi32>, vector<16xi32>], vector<16xf32>,
      %broadcast_in_dim3A_638 = arith.constant 14 : i32
      %broadcast_in_dim3A_639 = vector.broadcast %broadcast_in_dim3A_638 : i32 to vector<16xi32>
      %get3A_640 = arith.constant 14 : i32
      %get3A_641 = arith.index_cast %select_n3A_261 : i32 to index
      %get3A_642 = arith.index_cast %get3A_640 : i32 to index
      %get3A_643 = arith.constant 0 : index
      %get3A_644 = tpu.vector_load %arg7[%get3A_641, %get3A_642, %get3A_643] {strides = array<i32>} : memref<4x128x32xf32, #tpu.memory_space<vmem>>, vector<16xf32>,
      %mul3A_645 = arith.constant 5.65685415 : f32
      %mul3A_646 = vector.broadcast %mul3A_645 : f32 to vector<16xf32>
      %mul3A_647 = arith.mulf %get3A_644, %mul3A_646 : vector<16xf32>
      %get3A_648 = arith.constant 14 : i32
      %get3A_649 = arith.index_cast %select_n3A_261 : i32 to index
      %get3A_650 = arith.index_cast %get3A_648 : i32 to index
      %get3A_651 = arith.constant 16 : index
      %get3A_652 = tpu.vector_load %arg7[%get3A_649, %get3A_650, %get3A_651] {strides = array<i32>} : memref<4x128x32xf32, #tpu.memory_space<vmem>>, vector<16xf32>,
      %mul3A_653 = arith.constant 5.65685415 : f32
      %mul3A_654 = vector.broadcast %mul3A_653 : f32 to vector<16xf32>
      %mul3A_655 = arith.mulf %get3A_652, %mul3A_654 : vector<16xf32>
      %scatter3A_656 = arith.constant 0 : i32
      %scatter3A_657 = arith.constant 0 : i32
      %scatter3A_658 = tpu.memref_slice %arg8[%select_n3A_261, %scatter3A_656, %scatter3A_657] : memref<4x32x129xf32, #tpu.memory_space<vmem>> -> memref<1x32x129xf32, #tpu.memory_space<vmem>>
      %scatter3A_659 = tpu.memref_squeeze %scatter3A_658 : memref<1x32x129xf32, #tpu.memory_space<vmem>> -> memref<32x129xf32, #tpu.memory_space<vmem>>
      tpu.vector_store_idx %scatter3A_659[%iota3A, %broadcast_in_dim3A_639], %mul3A_647 : memref<32x129xf32, #tpu.memory_space<vmem>>[vector<16xi32>, vector<16xi32>], vector<16xf32>,
      %scatter3A_660 = arith.constant 0 : i32
      %scatter3A_661 = arith.constant 0 : i32
      %scatter3A_662 = tpu.memref_slice %arg8[%select_n3A_261, %scatter3A_660, %scatter3A_661] : memref<4x32x129xf32, #tpu.memory_space<vmem>> -> memref<1x32x129xf32, #tpu.memory_space<vmem>>
      %scatter3A_663 = tpu.memref_squeeze %scatter3A_662 : memref<1x32x129xf32, #tpu.memory_space<vmem>> -> memref<32x129xf32, #tpu.memory_space<vmem>>
      tpu.vector_store_idx %scatter3A_663[%add3A_163, %broadcast_in_dim3A_639], %mul3A_655 : memref<32x129xf32, #tpu.memory_space<vmem>>[vector<16xi32>, vector<16xi32>], vector<16xf32>,
      %broadcast_in_dim3A_664 = arith.constant 15 : i32
      %broadcast_in_dim3A_665 = vector.broadcast %broadcast_in_dim3A_664 : i32 to vector<16xi32>
      %get3A_666 = arith.constant 15 : i32
      %get3A_667 = arith.index_cast %select_n3A_261 : i32 to index
      %get3A_668 = arith.index_cast %get3A_666 : i32 to index
      %get3A_669 = arith.constant 0 : index
      %get3A_670 = tpu.vector_load %arg7[%get3A_667, %get3A_668, %get3A_669] {strides = array<i32>} : memref<4x128x32xf32, #tpu.memory_space<vmem>>, vector<16xf32>,
      %mul3A_671 = arith.constant 5.65685415 : f32
      %mul3A_672 = vector.broadcast %mul3A_671 : f32 to vector<16xf32>
      %mul3A_673 = arith.mulf %get3A_670, %mul3A_672 : vector<16xf32>
      %get3A_674 = arith.constant 15 : i32
      %get3A_675 = arith.index_cast %select_n3A_261 : i32 to index
      %get3A_676 = arith.index_cast %get3A_674 : i32 to index
      %get3A_677 = arith.constant 16 : index
      %get3A_678 = tpu.vector_load %arg7[%get3A_675, %get3A_676, %get3A_677] {strides = array<i32>} : memref<4x128x32xf32, #tpu.memory_space<vmem>>, vector<16xf32>,
      %mul3A_679 = arith.constant 5.65685415 : f32
      %mul3A_680 = vector.broadcast %mul3A_679 : f32 to vector<16xf32>
      %mul3A_681 = arith.mulf %get3A_678, %mul3A_680 : vector<16xf32>
      %scatter3A_682 = arith.constant 0 : i32
      %scatter3A_683 = arith.constant 0 : i32
      %scatter3A_684 = tpu.memref_slice %arg8[%select_n3A_261, %scatter3A_682, %scatter3A_683] : memref<4x32x129xf32, #tpu.memory_space<vmem>> -> memref<1x32x129xf32, #tpu.memory_space<vmem>>
      %scatter3A_685 = tpu.memref_squeeze %scatter3A_684 : memref<1x32x129xf32, #tpu.memory_space<vmem>> -> memref<32x129xf32, #tpu.memory_space<vmem>>
      tpu.vector_store_idx %scatter3A_685[%iota3A, %broadcast_in_dim3A_665], %mul3A_673 : memref<32x129xf32, #tpu.memory_space<vmem>>[vector<16xi32>, vector<16xi32>], vector<16xf32>,
      %scatter3A_686 = arith.constant 0 : i32
      %scatter3A_687 = arith.constant 0 : i32
      %scatter3A_688 = tpu.memref_slice %arg8[%select_n3A_261, %scatter3A_686, %scatter3A_687] : memref<4x32x129xf32, #tpu.memory_space<vmem>> -> memref<1x32x129xf32, #tpu.memory_space<vmem>>
      %scatter3A_689 = tpu.memref_squeeze %scatter3A_688 : memref<1x32x129xf32, #tpu.memory_space<vmem>> -> memref<32x129xf32, #tpu.memory_space<vmem>>
      tpu.vector_store_idx %scatter3A_689[%add3A_163, %broadcast_in_dim3A_665], %mul3A_681 : memref<32x129xf32, #tpu.memory_space<vmem>>[vector<16xi32>, vector<16xi32>], vector<16xf32>,
      %broadcast_in_dim3A_690 = arith.constant 16 : i32
      %broadcast_in_dim3A_691 = vector.broadcast %broadcast_in_dim3A_690 : i32 to vector<16xi32>
      %get3A_692 = arith.constant 16 : i32
      %get3A_693 = arith.index_cast %select_n3A_261 : i32 to index
      %get3A_694 = arith.index_cast %get3A_692 : i32 to index
      %get3A_695 = arith.constant 0 : index
      %get3A_696 = tpu.vector_load %arg7[%get3A_693, %get3A_694, %get3A_695] {strides = array<i32>} : memref<4x128x32xf32, #tpu.memory_space<vmem>>, vector<16xf32>,
      %mul3A_697 = arith.constant 5.65685415 : f32
      %mul3A_698 = vector.broadcast %mul3A_697 : f32 to vector<16xf32>
      %mul3A_699 = arith.mulf %get3A_696, %mul3A_698 : vector<16xf32>
      %get3A_700 = arith.constant 16 : i32
      %get3A_701 = arith.index_cast %select_n3A_261 : i32 to index
      %get3A_702 = arith.index_cast %get3A_700 : i32 to index
      %get3A_703 = arith.constant 16 : index
      %get3A_704 = tpu.vector_load %arg7[%get3A_701, %get3A_702, %get3A_703] {strides = array<i32>} : memref<4x128x32xf32, #tpu.memory_space<vmem>>, vector<16xf32>,
      %mul3A_705 = arith.constant 5.65685415 : f32
      %mul3A_706 = vector.broadcast %mul3A_705 : f32 to vector<16xf32>
      %mul3A_707 = arith.mulf %get3A_704, %mul3A_706 : vector<16xf32>
      %scatter3A_708 = arith.constant 0 : i32
      %scatter3A_709 = arith.constant 0 : i32
      %scatter3A_710 = tpu.memref_slice %arg8[%select_n3A_261, %scatter3A_708, %scatter3A_709] : memref<4x32x129xf32, #tpu.memory_space<vmem>> -> memref<1x32x129xf32, #tpu.memory_space<vmem>>
      %scatter3A_711 = tpu.memref_squeeze %scatter3A_710 : memref<1x32x129xf32, #tpu.memory_space<vmem>> -> memref<32x129xf32, #tpu.memory_space<vmem>>
      tpu.vector_store_idx %scatter3A_711[%iota3A, %broadcast_in_dim3A_691], %mul3A_699 : memref<32x129xf32, #tpu.memory_space<vmem>>[vector<16xi32>, vector<16xi32>], vector<16xf32>,
      %scatter3A_712 = arith.constant 0 : i32
      %scatter3A_713 = arith.constant 0 : i32
      %scatter3A_714 = tpu.memref_slice %arg8[%select_n3A_261, %scatter3A_712, %scatter3A_713] : memref<4x32x129xf32, #tpu.memory_space<vmem>> -> memref<1x32x129xf32, #tpu.memory_space<vmem>>
      %scatter3A_715 = tpu.memref_squeeze %scatter3A_714 : memref<1x32x129xf32, #tpu.memory_space<vmem>> -> memref<32x129xf32, #tpu.memory_space<vmem>>
      tpu.vector_store_idx %scatter3A_715[%add3A_163, %broadcast_in_dim3A_691], %mul3A_707 : memref<32x129xf32, #tpu.memory_space<vmem>>[vector<16xi32>, vector<16xi32>], vector<16xf32>,
      %broadcast_in_dim3A_716 = arith.constant 17 : i32
      %broadcast_in_dim3A_717 = vector.broadcast %broadcast_in_dim3A_716 : i32 to vector<16xi32>
      %get3A_718 = arith.constant 17 : i32
      %get3A_719 = arith.index_cast %select_n3A_261 : i32 to index
      %get3A_720 = arith.index_cast %get3A_718 : i32 to index
      %get3A_721 = arith.constant 0 : index
      %get3A_722 = tpu.vector_load %arg7[%get3A_719, %get3A_720, %get3A_721] {strides = array<i32>} : memref<4x128x32xf32, #tpu.memory_space<vmem>>, vector<16xf32>,
      %mul3A_723 = arith.constant 5.65685415 : f32
      %mul3A_724 = vector.broadcast %mul3A_723 : f32 to vector<16xf32>
      %mul3A_725 = arith.mulf %get3A_722, %mul3A_724 : vector<16xf32>
      %get3A_726 = arith.constant 17 : i32
      %get3A_727 = arith.index_cast %select_n3A_261 : i32 to index
      %get3A_728 = arith.index_cast %get3A_726 : i32 to index
      %get3A_729 = arith.constant 16 : index
      %get3A_730 = tpu.vector_load %arg7[%get3A_727, %get3A_728, %get3A_729] {strides = array<i32>} : memref<4x128x32xf32, #tpu.memory_space<vmem>>, vector<16xf32>,
      %mul3A_731 = arith.constant 5.65685415 : f32
      %mul3A_732 = vector.broadcast %mul3A_731 : f32 to vector<16xf32>
      %mul3A_733 = arith.mulf %get3A_730, %mul3A_732 : vector<16xf32>
      %scatter3A_734 = arith.constant 0 : i32
      %scatter3A_735 = arith.constant 0 : i32
      %scatter3A_736 = tpu.memref_slice %arg8[%select_n3A_261, %scatter3A_734, %scatter3A_735] : memref<4x32x129xf32, #tpu.memory_space<vmem>> -> memref<1x32x129xf32, #tpu.memory_space<vmem>>
      %scatter3A_737 = tpu.memref_squeeze %scatter3A_736 : memref<1x32x129xf32, #tpu.memory_space<vmem>> -> memref<32x129xf32, #tpu.memory_space<vmem>>
      tpu.vector_store_idx %scatter3A_737[%iota3A, %broadcast_in_dim3A_717], %mul3A_725 : memref<32x129xf32, #tpu.memory_space<vmem>>[vector<16xi32>, vector<16xi32>], vector<16xf32>,
      %scatter3A_738 = arith.constant 0 : i32
      %scatter3A_739 = arith.constant 0 : i32
      %scatter3A_740 = tpu.memref_slice %arg8[%select_n3A_261, %scatter3A_738, %scatter3A_739] : memref<4x32x129xf32, #tpu.memory_space<vmem>> -> memref<1x32x129xf32, #tpu.memory_space<vmem>>
      %scatter3A_741 = tpu.memref_squeeze %scatter3A_740 : memref<1x32x129xf32, #tpu.memory_space<vmem>> -> memref<32x129xf32, #tpu.memory_space<vmem>>
      tpu.vector_store_idx %scatter3A_741[%add3A_163, %broadcast_in_dim3A_717], %mul3A_733 : memref<32x129xf32, #tpu.memory_space<vmem>>[vector<16xi32>, vector<16xi32>], vector<16xf32>,
      %broadcast_in_dim3A_742 = arith.constant 18 : i32
      %broadcast_in_dim3A_743 = vector.broadcast %broadcast_in_dim3A_742 : i32 to vector<16xi32>
      %get3A_744 = arith.constant 18 : i32
      %get3A_745 = arith.index_cast %select_n3A_261 : i32 to index
      %get3A_746 = arith.index_cast %get3A_744 : i32 to index
      %get3A_747 = arith.constant 0 : index
      %get3A_748 = tpu.vector_load %arg7[%get3A_745, %get3A_746, %get3A_747] {strides = array<i32>} : memref<4x128x32xf32, #tpu.memory_space<vmem>>, vector<16xf32>,
      %mul3A_749 = arith.constant 5.65685415 : f32
      %mul3A_750 = vector.broadcast %mul3A_749 : f32 to vector<16xf32>
      %mul3A_751 = arith.mulf %get3A_748, %mul3A_750 : vector<16xf32>
      %get3A_752 = arith.constant 18 : i32
      %get3A_753 = arith.index_cast %select_n3A_261 : i32 to index
      %get3A_754 = arith.index_cast %get3A_752 : i32 to index
      %get3A_755 = arith.constant 16 : index
      %get3A_756 = tpu.vector_load %arg7[%get3A_753, %get3A_754, %get3A_755] {strides = array<i32>} : memref<4x128x32xf32, #tpu.memory_space<vmem>>, vector<16xf32>,
      %mul3A_757 = arith.constant 5.65685415 : f32
      %mul3A_758 = vector.broadcast %mul3A_757 : f32 to vector<16xf32>
      %mul3A_759 = arith.mulf %get3A_756, %mul3A_758 : vector<16xf32>
      %scatter3A_760 = arith.constant 0 : i32
      %scatter3A_761 = arith.constant 0 : i32
      %scatter3A_762 = tpu.memref_slice %arg8[%select_n3A_261, %scatter3A_760, %scatter3A_761] : memref<4x32x129xf32, #tpu.memory_space<vmem>> -> memref<1x32x129xf32, #tpu.memory_space<vmem>>
      %scatter3A_763 = tpu.memref_squeeze %scatter3A_762 : memref<1x32x129xf32, #tpu.memory_space<vmem>> -> memref<32x129xf32, #tpu.memory_space<vmem>>
      tpu.vector_store_idx %scatter3A_763[%iota3A, %broadcast_in_dim3A_743], %mul3A_751 : memref<32x129xf32, #tpu.memory_space<vmem>>[vector<16xi32>, vector<16xi32>], vector<16xf32>,
      %scatter3A_764 = arith.constant 0 : i32
      %scatter3A_765 = arith.constant 0 : i32
      %scatter3A_766 = tpu.memref_slice %arg8[%select_n3A_261, %scatter3A_764, %scatter3A_765] : memref<4x32x129xf32, #tpu.memory_space<vmem>> -> memref<1x32x129xf32, #tpu.memory_space<vmem>>
      %scatter3A_767 = tpu.memref_squeeze %scatter3A_766 : memref<1x32x129xf32, #tpu.memory_space<vmem>> -> memref<32x129xf32, #tpu.memory_space<vmem>>
      tpu.vector_store_idx %scatter3A_767[%add3A_163, %broadcast_in_dim3A_743], %mul3A_759 : memref<32x129xf32, #tpu.memory_space<vmem>>[vector<16xi32>, vector<16xi32>], vector<16xf32>,
      %broadcast_in_dim3A_768 = arith.constant 19 : i32
      %broadcast_in_dim3A_769 = vector.broadcast %broadcast_in_dim3A_768 : i32 to vector<16xi32>
      %get3A_770 = arith.constant 19 : i32
      %get3A_771 = arith.index_cast %select_n3A_261 : i32 to index
      %get3A_772 = arith.index_cast %get3A_770 : i32 to index
      %get3A_773 = arith.constant 0 : index
      %get3A_774 = tpu.vector_load %arg7[%get3A_771, %get3A_772, %get3A_773] {strides = array<i32>} : memref<4x128x32xf32, #tpu.memory_space<vmem>>, vector<16xf32>,
      %mul3A_775 = arith.constant 5.65685415 : f32
      %mul3A_776 = vector.broadcast %mul3A_775 : f32 to vector<16xf32>
      %mul3A_777 = arith.mulf %get3A_774, %mul3A_776 : vector<16xf32>
      %get3A_778 = arith.constant 19 : i32
      %get3A_779 = arith.index_cast %select_n3A_261 : i32 to index
      %get3A_780 = arith.index_cast %get3A_778 : i32 to index
      %get3A_781 = arith.constant 16 : index
      %get3A_782 = tpu.vector_load %arg7[%get3A_779, %get3A_780, %get3A_781] {strides = array<i32>} : memref<4x128x32xf32, #tpu.memory_space<vmem>>, vector<16xf32>,
      %mul3A_783 = arith.constant 5.65685415 : f32
      %mul3A_784 = vector.broadcast %mul3A_783 : f32 to vector<16xf32>
      %mul3A_785 = arith.mulf %get3A_782, %mul3A_784 : vector<16xf32>
      %scatter3A_786 = arith.constant 0 : i32
      %scatter3A_787 = arith.constant 0 : i32
      %scatter3A_788 = tpu.memref_slice %arg8[%select_n3A_261, %scatter3A_786, %scatter3A_787] : memref<4x32x129xf32, #tpu.memory_space<vmem>> -> memref<1x32x129xf32, #tpu.memory_space<vmem>>
      %scatter3A_789 = tpu.memref_squeeze %scatter3A_788 : memref<1x32x129xf32, #tpu.memory_space<vmem>> -> memref<32x129xf32, #tpu.memory_space<vmem>>
      tpu.vector_store_idx %scatter3A_789[%iota3A, %broadcast_in_dim3A_769], %mul3A_777 : memref<32x129xf32, #tpu.memory_space<vmem>>[vector<16xi32>, vector<16xi32>], vector<16xf32>,
      %scatter3A_790 = arith.constant 0 : i32
      %scatter3A_791 = arith.constant 0 : i32
      %scatter3A_792 = tpu.memref_slice %arg8[%select_n3A_261, %scatter3A_790, %scatter3A_791] : memref<4x32x129xf32, #tpu.memory_space<vmem>> -> memref<1x32x129xf32, #tpu.memory_space<vmem>>
      %scatter3A_793 = tpu.memref_squeeze %scatter3A_792 : memref<1x32x129xf32, #tpu.memory_space<vmem>> -> memref<32x129xf32, #tpu.memory_space<vmem>>
      tpu.vector_store_idx %scatter3A_793[%add3A_163, %broadcast_in_dim3A_769], %mul3A_785 : memref<32x129xf32, #tpu.memory_space<vmem>>[vector<16xi32>, vector<16xi32>], vector<16xf32>,
      %broadcast_in_dim3A_794 = arith.constant 20 : i32
      %broadcast_in_dim3A_795 = vector.broadcast %broadcast_in_dim3A_794 : i32 to vector<16xi32>
      %get3A_796 = arith.constant 20 : i32
      %get3A_797 = arith.index_cast %select_n3A_261 : i32 to index
      %get3A_798 = arith.index_cast %get3A_796 : i32 to index
      %get3A_799 = arith.constant 0 : index
      %get3A_800 = tpu.vector_load %arg7[%get3A_797, %get3A_798, %get3A_799] {strides = array<i32>} : memref<4x128x32xf32, #tpu.memory_space<vmem>>, vector<16xf32>,
      %mul3A_801 = arith.constant 5.65685415 : f32
      %mul3A_802 = vector.broadcast %mul3A_801 : f32 to vector<16xf32>
      %mul3A_803 = arith.mulf %get3A_800, %mul3A_802 : vector<16xf32>
      %get3A_804 = arith.constant 20 : i32
      %get3A_805 = arith.index_cast %select_n3A_261 : i32 to index
      %get3A_806 = arith.index_cast %get3A_804 : i32 to index
      %get3A_807 = arith.constant 16 : index
      %get3A_808 = tpu.vector_load %arg7[%get3A_805, %get3A_806, %get3A_807] {strides = array<i32>} : memref<4x128x32xf32, #tpu.memory_space<vmem>>, vector<16xf32>,
      %mul3A_809 = arith.constant 5.65685415 : f32
      %mul3A_810 = vector.broadcast %mul3A_809 : f32 to vector<16xf32>
      %mul3A_811 = arith.mulf %get3A_808, %mul3A_810 : vector<16xf32>
      %scatter3A_812 = arith.constant 0 : i32
      %scatter3A_813 = arith.constant 0 : i32
      %scatter3A_814 = tpu.memref_slice %arg8[%select_n3A_261, %scatter3A_812, %scatter3A_813] : memref<4x32x129xf32, #tpu.memory_space<vmem>> -> memref<1x32x129xf32, #tpu.memory_space<vmem>>
      %scatter3A_815 = tpu.memref_squeeze %scatter3A_814 : memref<1x32x129xf32, #tpu.memory_space<vmem>> -> memref<32x129xf32, #tpu.memory_space<vmem>>
      tpu.vector_store_idx %scatter3A_815[%iota3A, %broadcast_in_dim3A_795], %mul3A_803 : memref<32x129xf32, #tpu.memory_space<vmem>>[vector<16xi32>, vector<16xi32>], vector<16xf32>,
      %scatter3A_816 = arith.constant 0 : i32
      %scatter3A_817 = arith.constant 0 : i32
      %scatter3A_818 = tpu.memref_slice %arg8[%select_n3A_261, %scatter3A_816, %scatter3A_817] : memref<4x32x129xf32, #tpu.memory_space<vmem>> -> memref<1x32x129xf32, #tpu.memory_space<vmem>>
      %scatter3A_819 = tpu.memref_squeeze %scatter3A_818 : memref<1x32x129xf32, #tpu.memory_space<vmem>> -> memref<32x129xf32, #tpu.memory_space<vmem>>
      tpu.vector_store_idx %scatter3A_819[%add3A_163, %broadcast_in_dim3A_795], %mul3A_811 : memref<32x129xf32, #tpu.memory_space<vmem>>[vector<16xi32>, vector<16xi32>], vector<16xf32>,
      %broadcast_in_dim3A_820 = arith.constant 21 : i32
      %broadcast_in_dim3A_821 = vector.broadcast %broadcast_in_dim3A_820 : i32 to vector<16xi32>
      %get3A_822 = arith.constant 21 : i32
      %get3A_823 = arith.index_cast %select_n3A_261 : i32 to index
      %get3A_824 = arith.index_cast %get3A_822 : i32 to index
      %get3A_825 = arith.constant 0 : index
      %get3A_826 = tpu.vector_load %arg7[%get3A_823, %get3A_824, %get3A_825] {strides = array<i32>} : memref<4x128x32xf32, #tpu.memory_space<vmem>>, vector<16xf32>,
      %mul3A_827 = arith.constant 5.65685415 : f32
      %mul3A_828 = vector.broadcast %mul3A_827 : f32 to vector<16xf32>
      %mul3A_829 = arith.mulf %get3A_826, %mul3A_828 : vector<16xf32>
      %get3A_830 = arith.constant 21 : i32
      %get3A_831 = arith.index_cast %select_n3A_261 : i32 to index
      %get3A_832 = arith.index_cast %get3A_830 : i32 to index
      %get3A_833 = arith.constant 16 : index
      %get3A_834 = tpu.vector_load %arg7[%get3A_831, %get3A_832, %get3A_833] {strides = array<i32>} : memref<4x128x32xf32, #tpu.memory_space<vmem>>, vector<16xf32>,
      %mul3A_835 = arith.constant 5.65685415 : f32
      %mul3A_836 = vector.broadcast %mul3A_835 : f32 to vector<16xf32>
      %mul3A_837 = arith.mulf %get3A_834, %mul3A_836 : vector<16xf32>
      %scatter3A_838 = arith.constant 0 : i32
      %scatter3A_839 = arith.constant 0 : i32
      %scatter3A_840 = tpu.memref_slice %arg8[%select_n3A_261, %scatter3A_838, %scatter3A_839] : memref<4x32x129xf32, #tpu.memory_space<vmem>> -> memref<1x32x129xf32, #tpu.memory_space<vmem>>
      %scatter3A_841 = tpu.memref_squeeze %scatter3A_840 : memref<1x32x129xf32, #tpu.memory_space<vmem>> -> memref<32x129xf32, #tpu.memory_space<vmem>>
      tpu.vector_store_idx %scatter3A_841[%iota3A, %broadcast_in_dim3A_821], %mul3A_829 : memref<32x129xf32, #tpu.memory_space<vmem>>[vector<16xi32>, vector<16xi32>], vector<16xf32>,
      %scatter3A_842 = arith.constant 0 : i32
      %scatter3A_843 = arith.constant 0 : i32
      %scatter3A_844 = tpu.memref_slice %arg8[%select_n3A_261, %scatter3A_842, %scatter3A_843] : memref<4x32x129xf32, #tpu.memory_space<vmem>> -> memref<1x32x129xf32, #tpu.memory_space<vmem>>
      %scatter3A_845 = tpu.memref_squeeze %scatter3A_844 : memref<1x32x129xf32, #tpu.memory_space<vmem>> -> memref<32x129xf32, #tpu.memory_space<vmem>>
      tpu.vector_store_idx %scatter3A_845[%add3A_163, %broadcast_in_dim3A_821], %mul3A_837 : memref<32x129xf32, #tpu.memory_space<vmem>>[vector<16xi32>, vector<16xi32>], vector<16xf32>,
      %broadcast_in_dim3A_846 = arith.constant 22 : i32
      %broadcast_in_dim3A_847 = vector.broadcast %broadcast_in_dim3A_846 : i32 to vector<16xi32>
      %get3A_848 = arith.constant 22 : i32
      %get3A_849 = arith.index_cast %select_n3A_261 : i32 to index
      %get3A_850 = arith.index_cast %get3A_848 : i32 to index
      %get3A_851 = arith.constant 0 : index
      %get3A_852 = tpu.vector_load %arg7[%get3A_849, %get3A_850, %get3A_851] {strides = array<i32>} : memref<4x128x32xf32, #tpu.memory_space<vmem>>, vector<16xf32>,
      %mul3A_853 = arith.constant 5.65685415 : f32
      %mul3A_854 = vector.broadcast %mul3A_853 : f32 to vector<16xf32>
      %mul3A_855 = arith.mulf %get3A_852, %mul3A_854 : vector<16xf32>
      %get3A_856 = arith.constant 22 : i32
      %get3A_857 = arith.index_cast %select_n3A_261 : i32 to index
      %get3A_858 = arith.index_cast %get3A_856 : i32 to index
      %get3A_859 = arith.constant 16 : index
      %get3A_860 = tpu.vector_load %arg7[%get3A_857, %get3A_858, %get3A_859] {strides = array<i32>} : memref<4x128x32xf32, #tpu.memory_space<vmem>>, vector<16xf32>,
      %mul3A_861 = arith.constant 5.65685415 : f32
      %mul3A_862 = vector.broadcast %mul3A_861 : f32 to vector<16xf32>
      %mul3A_863 = arith.mulf %get3A_860, %mul3A_862 : vector<16xf32>
      %scatter3A_864 = arith.constant 0 : i32
      %scatter3A_865 = arith.constant 0 : i32
      %scatter3A_866 = tpu.memref_slice %arg8[%select_n3A_261, %scatter3A_864, %scatter3A_865] : memref<4x32x129xf32, #tpu.memory_space<vmem>> -> memref<1x32x129xf32, #tpu.memory_space<vmem>>
      %scatter3A_867 = tpu.memref_squeeze %scatter3A_866 : memref<1x32x129xf32, #tpu.memory_space<vmem>> -> memref<32x129xf32, #tpu.memory_space<vmem>>
      tpu.vector_store_idx %scatter3A_867[%iota3A, %broadcast_in_dim3A_847], %mul3A_855 : memref<32x129xf32, #tpu.memory_space<vmem>>[vector<16xi32>, vector<16xi32>], vector<16xf32>,
      %scatter3A_868 = arith.constant 0 : i32
      %scatter3A_869 = arith.constant 0 : i32
      %scatter3A_870 = tpu.memref_slice %arg8[%select_n3A_261, %scatter3A_868, %scatter3A_869] : memref<4x32x129xf32, #tpu.memory_space<vmem>> -> memref<1x32x129xf32, #tpu.memory_space<vmem>>
      %scatter3A_871 = tpu.memref_squeeze %scatter3A_870 : memref<1x32x129xf32, #tpu.memory_space<vmem>> -> memref<32x129xf32, #tpu.memory_space<vmem>>
      tpu.vector_store_idx %scatter3A_871[%add3A_163, %broadcast_in_dim3A_847], %mul3A_863 : memref<32x129xf32, #tpu.memory_space<vmem>>[vector<16xi32>, vector<16xi32>], vector<16xf32>,
      %broadcast_in_dim3A_872 = arith.constant 23 : i32
      %broadcast_in_dim3A_873 = vector.broadcast %broadcast_in_dim3A_872 : i32 to vector<16xi32>
      %get3A_874 = arith.constant 23 : i32
      %get3A_875 = arith.index_cast %select_n3A_261 : i32 to index
      %get3A_876 = arith.index_cast %get3A_874 : i32 to index
      %get3A_877 = arith.constant 0 : index
      %get3A_878 = tpu.vector_load %arg7[%get3A_875, %get3A_876, %get3A_877] {strides = array<i32>} : memref<4x128x32xf32, #tpu.memory_space<vmem>>, vector<16xf32>,
      %mul3A_879 = arith.constant 5.65685415 : f32
      %mul3A_880 = vector.broadcast %mul3A_879 : f32 to vector<16xf32>
      %mul3A_881 = arith.mulf %get3A_878, %mul3A_880 : vector<16xf32>
      %get3A_882 = arith.constant 23 : i32
      %get3A_883 = arith.index_cast %select_n3A_261 : i32 to index
      %get3A_884 = arith.index_cast %get3A_882 : i32 to index
      %get3A_885 = arith.constant 16 : index
      %get3A_886 = tpu.vector_load %arg7[%get3A_883, %get3A_884, %get3A_885] {strides = array<i32>} : memref<4x128x32xf32, #tpu.memory_space<vmem>>, vector<16xf32>,
      %mul3A_887 = arith.constant 5.65685415 : f32
      %mul3A_888 = vector.broadcast %mul3A_887 : f32 to vector<16xf32>
      %mul3A_889 = arith.mulf %get3A_886, %mul3A_888 : vector<16xf32>
      %scatter3A_890 = arith.constant 0 : i32
      %scatter3A_891 = arith.constant 0 : i32
      %scatter3A_892 = tpu.memref_slice %arg8[%select_n3A_261, %scatter3A_890, %scatter3A_891] : memref<4x32x129xf32, #tpu.memory_space<vmem>> -> memref<1x32x129xf32, #tpu.memory_space<vmem>>
      %scatter3A_893 = tpu.memref_squeeze %scatter3A_892 : memref<1x32x129xf32, #tpu.memory_space<vmem>> -> memref<32x129xf32, #tpu.memory_space<vmem>>
      tpu.vector_store_idx %scatter3A_893[%iota3A, %broadcast_in_dim3A_873], %mul3A_881 : memref<32x129xf32, #tpu.memory_space<vmem>>[vector<16xi32>, vector<16xi32>], vector<16xf32>,
      %scatter3A_894 = arith.constant 0 : i32
      %scatter3A_895 = arith.constant 0 : i32
      %scatter3A_896 = tpu.memref_slice %arg8[%select_n3A_261, %scatter3A_894, %scatter3A_895] : memref<4x32x129xf32, #tpu.memory_space<vmem>> -> memref<1x32x129xf32, #tpu.memory_space<vmem>>
      %scatter3A_897 = tpu.memref_squeeze %scatter3A_896 : memref<1x32x129xf32, #tpu.memory_space<vmem>> -> memref<32x129xf32, #tpu.memory_space<vmem>>
      tpu.vector_store_idx %scatter3A_897[%add3A_163, %broadcast_in_dim3A_873], %mul3A_889 : memref<32x129xf32, #tpu.memory_space<vmem>>[vector<16xi32>, vector<16xi32>], vector<16xf32>,
      %broadcast_in_dim3A_898 = arith.constant 24 : i32
      %broadcast_in_dim3A_899 = vector.broadcast %broadcast_in_dim3A_898 : i32 to vector<16xi32>
      %get3A_900 = arith.constant 24 : i32
      %get3A_901 = arith.index_cast %select_n3A_261 : i32 to index
      %get3A_902 = arith.index_cast %get3A_900 : i32 to index
      %get3A_903 = arith.constant 0 : index
      %get3A_904 = tpu.vector_load %arg7[%get3A_901, %get3A_902, %get3A_903] {strides = array<i32>} : memref<4x128x32xf32, #tpu.memory_space<vmem>>, vector<16xf32>,
      %mul3A_905 = arith.constant 5.65685415 : f32
      %mul3A_906 = vector.broadcast %mul3A_905 : f32 to vector<16xf32>
      %mul3A_907 = arith.mulf %get3A_904, %mul3A_906 : vector<16xf32>
      %get3A_908 = arith.constant 24 : i32
      %get3A_909 = arith.index_cast %select_n3A_261 : i32 to index
      %get3A_910 = arith.index_cast %get3A_908 : i32 to index
      %get3A_911 = arith.constant 16 : index
      %get3A_912 = tpu.vector_load %arg7[%get3A_909, %get3A_910, %get3A_911] {strides = array<i32>} : memref<4x128x32xf32, #tpu.memory_space<vmem>>, vector<16xf32>,
      %mul3A_913 = arith.constant 5.65685415 : f32
      %mul3A_914 = vector.broadcast %mul3A_913 : f32 to vector<16xf32>
      %mul3A_915 = arith.mulf %get3A_912, %mul3A_914 : vector<16xf32>
      %scatter3A_916 = arith.constant 0 : i32
      %scatter3A_917 = arith.constant 0 : i32
      %scatter3A_918 = tpu.memref_slice %arg8[%select_n3A_261, %scatter3A_916, %scatter3A_917] : memref<4x32x129xf32, #tpu.memory_space<vmem>> -> memref<1x32x129xf32, #tpu.memory_space<vmem>>
      %scatter3A_919 = tpu.memref_squeeze %scatter3A_918 : memref<1x32x129xf32, #tpu.memory_space<vmem>> -> memref<32x129xf32, #tpu.memory_space<vmem>>
      tpu.vector_store_idx %scatter3A_919[%iota3A, %broadcast_in_dim3A_899], %mul3A_907 : memref<32x129xf32, #tpu.memory_space<vmem>>[vector<16xi32>, vector<16xi32>], vector<16xf32>,
      %scatter3A_920 = arith.constant 0 : i32
      %scatter3A_921 = arith.constant 0 : i32
      %scatter3A_922 = tpu.memref_slice %arg8[%select_n3A_261, %scatter3A_920, %scatter3A_921] : memref<4x32x129xf32, #tpu.memory_space<vmem>> -> memref<1x32x129xf32, #tpu.memory_space<vmem>>
      %scatter3A_923 = tpu.memref_squeeze %scatter3A_922 : memref<1x32x129xf32, #tpu.memory_space<vmem>> -> memref<32x129xf32, #tpu.memory_space<vmem>>
      tpu.vector_store_idx %scatter3A_923[%add3A_163, %broadcast_in_dim3A_899], %mul3A_915 : memref<32x129xf32, #tpu.memory_space<vmem>>[vector<16xi32>, vector<16xi32>], vector<16xf32>,
      %broadcast_in_dim3A_924 = arith.constant 25 : i32
      %broadcast_in_dim3A_925 = vector.broadcast %broadcast_in_dim3A_924 : i32 to vector<16xi32>
      %get3A_926 = arith.constant 25 : i32
      %get3A_927 = arith.index_cast %select_n3A_261 : i32 to index
      %get3A_928 = arith.index_cast %get3A_926 : i32 to index
      %get3A_929 = arith.constant 0 : index
      %get3A_930 = tpu.vector_load %arg7[%get3A_927, %get3A_928, %get3A_929] {strides = array<i32>} : memref<4x128x32xf32, #tpu.memory_space<vmem>>, vector<16xf32>,
      %mul3A_931 = arith.constant 5.65685415 : f32
      %mul3A_932 = vector.broadcast %mul3A_931 : f32 to vector<16xf32>
      %mul3A_933 = arith.mulf %get3A_930, %mul3A_932 : vector<16xf32>
      %get3A_934 = arith.constant 25 : i32
      %get3A_935 = arith.index_cast %select_n3A_261 : i32 to index
      %get3A_936 = arith.index_cast %get3A_934 : i32 to index
      %get3A_937 = arith.constant 16 : index
      %get3A_938 = tpu.vector_load %arg7[%get3A_935, %get3A_936, %get3A_937] {strides = array<i32>} : memref<4x128x32xf32, #tpu.memory_space<vmem>>, vector<16xf32>,
      %mul3A_939 = arith.constant 5.65685415 : f32
      %mul3A_940 = vector.broadcast %mul3A_939 : f32 to vector<16xf32>
      %mul3A_941 = arith.mulf %get3A_938, %mul3A_940 : vector<16xf32>
      %scatter3A_942 = arith.constant 0 : i32
      %scatter3A_943 = arith.constant 0 : i32
      %scatter3A_944 = tpu.memref_slice %arg8[%select_n3A_261, %scatter3A_942, %scatter3A_943] : memref<4x32x129xf32, #tpu.memory_space<vmem>> -> memref<1x32x129xf32, #tpu.memory_space<vmem>>
      %scatter3A_945 = tpu.memref_squeeze %scatter3A_944 : memref<1x32x129xf32, #tpu.memory_space<vmem>> -> memref<32x129xf32, #tpu.memory_space<vmem>>
      tpu.vector_store_idx %scatter3A_945[%iota3A, %broadcast_in_dim3A_925], %mul3A_933 : memref<32x129xf32, #tpu.memory_space<vmem>>[vector<16xi32>, vector<16xi32>], vector<16xf32>,
      %scatter3A_946 = arith.constant 0 : i32
      %scatter3A_947 = arith.constant 0 : i32
      %scatter3A_948 = tpu.memref_slice %arg8[%select_n3A_261, %scatter3A_946, %scatter3A_947] : memref<4x32x129xf32, #tpu.memory_space<vmem>> -> memref<1x32x129xf32, #tpu.memory_space<vmem>>
      %scatter3A_949 = tpu.memref_squeeze %scatter3A_948 : memref<1x32x129xf32, #tpu.memory_space<vmem>> -> memref<32x129xf32, #tpu.memory_space<vmem>>
      tpu.vector_store_idx %scatter3A_949[%add3A_163, %broadcast_in_dim3A_925], %mul3A_941 : memref<32x129xf32, #tpu.memory_space<vmem>>[vector<16xi32>, vector<16xi32>], vector<16xf32>,
      %broadcast_in_dim3A_950 = arith.constant 26 : i32
      %broadcast_in_dim3A_951 = vector.broadcast %broadcast_in_dim3A_950 : i32 to vector<16xi32>
      %get3A_952 = arith.constant 26 : i32
      %get3A_953 = arith.index_cast %select_n3A_261 : i32 to index
      %get3A_954 = arith.index_cast %get3A_952 : i32 to index
      %get3A_955 = arith.constant 0 : index
      %get3A_956 = tpu.vector_load %arg7[%get3A_953, %get3A_954, %get3A_955] {strides = array<i32>} : memref<4x128x32xf32, #tpu.memory_space<vmem>>, vector<16xf32>,
      %mul3A_957 = arith.constant 5.65685415 : f32
      %mul3A_958 = vector.broadcast %mul3A_957 : f32 to vector<16xf32>
      %mul3A_959 = arith.mulf %get3A_956, %mul3A_958 : vector<16xf32>
      %get3A_960 = arith.constant 26 : i32
      %get3A_961 = arith.index_cast %select_n3A_261 : i32 to index
      %get3A_962 = arith.index_cast %get3A_960 : i32 to index
      %get3A_963 = arith.constant 16 : index
      %get3A_964 = tpu.vector_load %arg7[%get3A_961, %get3A_962, %get3A_963] {strides = array<i32>} : memref<4x128x32xf32, #tpu.memory_space<vmem>>, vector<16xf32>,
      %mul3A_965 = arith.constant 5.65685415 : f32
      %mul3A_966 = vector.broadcast %mul3A_965 : f32 to vector<16xf32>
      %mul3A_967 = arith.mulf %get3A_964, %mul3A_966 : vector<16xf32>
      %scatter3A_968 = arith.constant 0 : i32
      %scatter3A_969 = arith.constant 0 : i32
      %scatter3A_970 = tpu.memref_slice %arg8[%select_n3A_261, %scatter3A_968, %scatter3A_969] : memref<4x32x129xf32, #tpu.memory_space<vmem>> -> memref<1x32x129xf32, #tpu.memory_space<vmem>>
      %scatter3A_971 = tpu.memref_squeeze %scatter3A_970 : memref<1x32x129xf32, #tpu.memory_space<vmem>> -> memref<32x129xf32, #tpu.memory_space<vmem>>
      tpu.vector_store_idx %scatter3A_971[%iota3A, %broadcast_in_dim3A_951], %mul3A_959 : memref<32x129xf32, #tpu.memory_space<vmem>>[vector<16xi32>, vector<16xi32>], vector<16xf32>,
      %scatter3A_972 = arith.constant 0 : i32
      %scatter3A_973 = arith.constant 0 : i32
      %scatter3A_974 = tpu.memref_slice %arg8[%select_n3A_261, %scatter3A_972, %scatter3A_973] : memref<4x32x129xf32, #tpu.memory_space<vmem>> -> memref<1x32x129xf32, #tpu.memory_space<vmem>>
      %scatter3A_975 = tpu.memref_squeeze %scatter3A_974 : memref<1x32x129xf32, #tpu.memory_space<vmem>> -> memref<32x129xf32, #tpu.memory_space<vmem>>
      tpu.vector_store_idx %scatter3A_975[%add3A_163, %broadcast_in_dim3A_951], %mul3A_967 : memref<32x129xf32, #tpu.memory_space<vmem>>[vector<16xi32>, vector<16xi32>], vector<16xf32>,
      %broadcast_in_dim3A_976 = arith.constant 27 : i32
      %broadcast_in_dim3A_977 = vector.broadcast %broadcast_in_dim3A_976 : i32 to vector<16xi32>
      %get3A_978 = arith.constant 27 : i32
      %get3A_979 = arith.index_cast %select_n3A_261 : i32 to index
      %get3A_980 = arith.index_cast %get3A_978 : i32 to index
      %get3A_981 = arith.constant 0 : index
      %get3A_982 = tpu.vector_load %arg7[%get3A_979, %get3A_980, %get3A_981] {strides = array<i32>} : memref<4x128x32xf32, #tpu.memory_space<vmem>>, vector<16xf32>,
      %mul3A_983 = arith.constant 5.65685415 : f32
      %mul3A_984 = vector.broadcast %mul3A_983 : f32 to vector<16xf32>
      %mul3A_985 = arith.mulf %get3A_982, %mul3A_984 : vector<16xf32>
      %get3A_986 = arith.constant 27 : i32
      %get3A_987 = arith.index_cast %select_n3A_261 : i32 to index
      %get3A_988 = arith.index_cast %get3A_986 : i32 to index
      %get3A_989 = arith.constant 16 : index
      %get3A_990 = tpu.vector_load %arg7[%get3A_987, %get3A_988, %get3A_989] {strides = array<i32>} : memref<4x128x32xf32, #tpu.memory_space<vmem>>, vector<16xf32>,
      %mul3A_991 = arith.constant 5.65685415 : f32
      %mul3A_992 = vector.broadcast %mul3A_991 : f32 to vector<16xf32>
      %mul3A_993 = arith.mulf %get3A_990, %mul3A_992 : vector<16xf32>
      %scatter3A_994 = arith.constant 0 : i32
      %scatter3A_995 = arith.constant 0 : i32
      %scatter3A_996 = tpu.memref_slice %arg8[%select_n3A_261, %scatter3A_994, %scatter3A_995] : memref<4x32x129xf32, #tpu.memory_space<vmem>> -> memref<1x32x129xf32, #tpu.memory_space<vmem>>
      %scatter3A_997 = tpu.memref_squeeze %scatter3A_996 : memref<1x32x129xf32, #tpu.memory_space<vmem>> -> memref<32x129xf32, #tpu.memory_space<vmem>>
      tpu.vector_store_idx %scatter3A_997[%iota3A, %broadcast_in_dim3A_977], %mul3A_985 : memref<32x129xf32, #tpu.memory_space<vmem>>[vector<16xi32>, vector<16xi32>], vector<16xf32>,
      %scatter3A_998 = arith.constant 0 : i32
      %scatter3A_999 = arith.constant 0 : i32
      %scatter3A_1000 = tpu.memref_slice %arg8[%select_n3A_261, %scatter3A_998, %scatter3A_999] : memref<4x32x129xf32, #tpu.memory_space<vmem>> -> memref<1x32x129xf32, #tpu.memory_space<vmem>>
      %scatter3A_1001 = tpu.memref_squeeze %scatter3A_1000 : memref<1x32x129xf32, #tpu.memory_space<vmem>> -> memref<32x129xf32, #tpu.memory_space<vmem>>
      tpu.vector_store_idx %scatter3A_1001[%add3A_163, %broadcast_in_dim3A_977], %mul3A_993 : memref<32x129xf32, #tpu.memory_space<vmem>>[vector<16xi32>, vector<16xi32>], vector<16xf32>,
      %broadcast_in_dim3A_1002 = arith.constant 28 : i32
      %broadcast_in_dim3A_1003 = vector.broadcast %broadcast_in_dim3A_1002 : i32 to vector<16xi32>
      %get3A_1004 = arith.constant 28 : i32
      %get3A_1005 = arith.index_cast %select_n3A_261 : i32 to index
      %get3A_1006 = arith.index_cast %get3A_1004 : i32 to index
      %get3A_1007 = arith.constant 0 : index
      %get3A_1008 = tpu.vector_load %arg7[%get3A_1005, %get3A_1006, %get3A_1007] {strides = array<i32>} : memref<4x128x32xf32, #tpu.memory_space<vmem>>, vector<16xf32>,
      %mul3A_1009 = arith.constant 5.65685415 : f32
      %mul3A_1010 = vector.broadcast %mul3A_1009 : f32 to vector<16xf32>
      %mul3A_1011 = arith.mulf %get3A_1008, %mul3A_1010 : vector<16xf32>
      %get3A_1012 = arith.constant 28 : i32
      %get3A_1013 = arith.index_cast %select_n3A_261 : i32 to index
      %get3A_1014 = arith.index_cast %get3A_1012 : i32 to index
      %get3A_1015 = arith.constant 16 : index
      %get3A_1016 = tpu.vector_load %arg7[%get3A_1013, %get3A_1014, %get3A_1015] {strides = array<i32>} : memref<4x128x32xf32, #tpu.memory_space<vmem>>, vector<16xf32>,
      %mul3A_1017 = arith.constant 5.65685415 : f32
      %mul3A_1018 = vector.broadcast %mul3A_1017 : f32 to vector<16xf32>
      %mul3A_1019 = arith.mulf %get3A_1016, %mul3A_1018 : vector<16xf32>
      %scatter3A_1020 = arith.constant 0 : i32
      %scatter3A_1021 = arith.constant 0 : i32
      %scatter3A_1022 = tpu.memref_slice %arg8[%select_n3A_261, %scatter3A_1020, %scatter3A_1021] : memref<4x32x129xf32, #tpu.memory_space<vmem>> -> memref<1x32x129xf32, #tpu.memory_space<vmem>>
      %scatter3A_1023 = tpu.memref_squeeze %scatter3A_1022 : memref<1x32x129xf32, #tpu.memory_space<vmem>> -> memref<32x129xf32, #tpu.memory_space<vmem>>
      tpu.vector_store_idx %scatter3A_1023[%iota3A, %broadcast_in_dim3A_1003], %mul3A_1011 : memref<32x129xf32, #tpu.memory_space<vmem>>[vector<16xi32>, vector<16xi32>], vector<16xf32>,
      %scatter3A_1024 = arith.constant 0 : i32
      %scatter3A_1025 = arith.constant 0 : i32
      %scatter3A_1026 = tpu.memref_slice %arg8[%select_n3A_261, %scatter3A_1024, %scatter3A_1025] : memref<4x32x129xf32, #tpu.memory_space<vmem>> -> memref<1x32x129xf32, #tpu.memory_space<vmem>>
      %scatter3A_1027 = tpu.memref_squeeze %scatter3A_1026 : memref<1x32x129xf32, #tpu.memory_space<vmem>> -> memref<32x129xf32, #tpu.memory_space<vmem>>
      tpu.vector_store_idx %scatter3A_1027[%add3A_163, %broadcast_in_dim3A_1003], %mul3A_1019 : memref<32x129xf32, #tpu.memory_space<vmem>>[vector<16xi32>, vector<16xi32>], vector<16xf32>,
      %broadcast_in_dim3A_1028 = arith.constant 29 : i32
      %broadcast_in_dim3A_1029 = vector.broadcast %broadcast_in_dim3A_1028 : i32 to vector<16xi32>
      %get3A_1030 = arith.constant 29 : i32
      %get3A_1031 = arith.index_cast %select_n3A_261 : i32 to index
      %get3A_1032 = arith.index_cast %get3A_1030 : i32 to index
      %get3A_1033 = arith.constant 0 : index
      %get3A_1034 = tpu.vector_load %arg7[%get3A_1031, %get3A_1032, %get3A_1033] {strides = array<i32>} : memref<4x128x32xf32, #tpu.memory_space<vmem>>, vector<16xf32>,
      %mul3A_1035 = arith.constant 5.65685415 : f32
      %mul3A_1036 = vector.broadcast %mul3A_1035 : f32 to vector<16xf32>
      %mul3A_1037 = arith.mulf %get3A_1034, %mul3A_1036 : vector<16xf32>
      %get3A_1038 = arith.constant 29 : i32
      %get3A_1039 = arith.index_cast %select_n3A_261 : i32 to index
      %get3A_1040 = arith.index_cast %get3A_1038 : i32 to index
      %get3A_1041 = arith.constant 16 : index
      %get3A_1042 = tpu.vector_load %arg7[%get3A_1039, %get3A_1040, %get3A_1041] {strides = array<i32>} : memref<4x128x32xf32, #tpu.memory_space<vmem>>, vector<16xf32>,
      %mul3A_1043 = arith.constant 5.65685415 : f32
      %mul3A_1044 = vector.broadcast %mul3A_1043 : f32 to vector<16xf32>
      %mul3A_1045 = arith.mulf %get3A_1042, %mul3A_1044 : vector<16xf32>
      %scatter3A_1046 = arith.constant 0 : i32
      %scatter3A_1047 = arith.constant 0 : i32
      %scatter3A_1048 = tpu.memref_slice %arg8[%select_n3A_261, %scatter3A_1046, %scatter3A_1047] : memref<4x32x129xf32, #tpu.memory_space<vmem>> -> memref<1x32x129xf32, #tpu.memory_space<vmem>>
      %scatter3A_1049 = tpu.memref_squeeze %scatter3A_1048 : memref<1x32x129xf32, #tpu.memory_space<vmem>> -> memref<32x129xf32, #tpu.memory_space<vmem>>
      tpu.vector_store_idx %scatter3A_1049[%iota3A, %broadcast_in_dim3A_1029], %mul3A_1037 : memref<32x129xf32, #tpu.memory_space<vmem>>[vector<16xi32>, vector<16xi32>], vector<16xf32>,
      %scatter3A_1050 = arith.constant 0 : i32
      %scatter3A_1051 = arith.constant 0 : i32
      %scatter3A_1052 = tpu.memref_slice %arg8[%select_n3A_261, %scatter3A_1050, %scatter3A_1051] : memref<4x32x129xf32, #tpu.memory_space<vmem>> -> memref<1x32x129xf32, #tpu.memory_space<vmem>>
      %scatter3A_1053 = tpu.memref_squeeze %scatter3A_1052 : memref<1x32x129xf32, #tpu.memory_space<vmem>> -> memref<32x129xf32, #tpu.memory_space<vmem>>
      tpu.vector_store_idx %scatter3A_1053[%add3A_163, %broadcast_in_dim3A_1029], %mul3A_1045 : memref<32x129xf32, #tpu.memory_space<vmem>>[vector<16xi32>, vector<16xi32>], vector<16xf32>,
      %broadcast_in_dim3A_1054 = arith.constant 30 : i32
      %broadcast_in_dim3A_1055 = vector.broadcast %broadcast_in_dim3A_1054 : i32 to vector<16xi32>
      %get3A_1056 = arith.constant 30 : i32
      %get3A_1057 = arith.index_cast %select_n3A_261 : i32 to index
      %get3A_1058 = arith.index_cast %get3A_1056 : i32 to index
      %get3A_1059 = arith.constant 0 : index
      %get3A_1060 = tpu.vector_load %arg7[%get3A_1057, %get3A_1058, %get3A_1059] {strides = array<i32>} : memref<4x128x32xf32, #tpu.memory_space<vmem>>, vector<16xf32>,
      %mul3A_1061 = arith.constant 5.65685415 : f32
      %mul3A_1062 = vector.broadcast %mul3A_1061 : f32 to vector<16xf32>
      %mul3A_1063 = arith.mulf %get3A_1060, %mul3A_1062 : vector<16xf32>
      %get3A_1064 = arith.constant 30 : i32
      %get3A_1065 = arith.index_cast %select_n3A_261 : i32 to index
      %get3A_1066 = arith.index_cast %get3A_1064 : i32 to index
      %get3A_1067 = arith.constant 16 : index
      %get3A_1068 = tpu.vector_load %arg7[%get3A_1065, %get3A_1066, %get3A_1067] {strides = array<i32>} : memref<4x128x32xf32, #tpu.memory_space<vmem>>, vector<16xf32>,
      %mul3A_1069 = arith.constant 5.65685415 : f32
      %mul3A_1070 = vector.broadcast %mul3A_1069 : f32 to vector<16xf32>
      %mul3A_1071 = arith.mulf %get3A_1068, %mul3A_1070 : vector<16xf32>
      %scatter3A_1072 = arith.constant 0 : i32
      %scatter3A_1073 = arith.constant 0 : i32
      %scatter3A_1074 = tpu.memref_slice %arg8[%select_n3A_261, %scatter3A_1072, %scatter3A_1073] : memref<4x32x129xf32, #tpu.memory_space<vmem>> -> memref<1x32x129xf32, #tpu.memory_space<vmem>>
      %scatter3A_1075 = tpu.memref_squeeze %scatter3A_1074 : memref<1x32x129xf32, #tpu.memory_space<vmem>> -> memref<32x129xf32, #tpu.memory_space<vmem>>
      tpu.vector_store_idx %scatter3A_1075[%iota3A, %broadcast_in_dim3A_1055], %mul3A_1063 : memref<32x129xf32, #tpu.memory_space<vmem>>[vector<16xi32>, vector<16xi32>], vector<16xf32>,
      %scatter3A_1076 = arith.constant 0 : i32
      %scatter3A_1077 = arith.constant 0 : i32
      %scatter3A_1078 = tpu.memref_slice %arg8[%select_n3A_261, %scatter3A_1076, %scatter3A_1077] : memref<4x32x129xf32, #tpu.memory_space<vmem>> -> memref<1x32x129xf32, #tpu.memory_space<vmem>>
      %scatter3A_1079 = tpu.memref_squeeze %scatter3A_1078 : memref<1x32x129xf32, #tpu.memory_space<vmem>> -> memref<32x129xf32, #tpu.memory_space<vmem>>
      tpu.vector_store_idx %scatter3A_1079[%add3A_163, %broadcast_in_dim3A_1055], %mul3A_1071 : memref<32x129xf32, #tpu.memory_space<vmem>>[vector<16xi32>, vector<16xi32>], vector<16xf32>,
      %broadcast_in_dim3A_1080 = arith.constant 31 : i32
      %broadcast_in_dim3A_1081 = vector.broadcast %broadcast_in_dim3A_1080 : i32 to vector<16xi32>
      %get3A_1082 = arith.constant 31 : i32
      %get3A_1083 = arith.index_cast %select_n3A_261 : i32 to index
      %get3A_1084 = arith.index_cast %get3A_1082 : i32 to index
      %get3A_1085 = arith.constant 0 : index
      %get3A_1086 = tpu.vector_load %arg7[%get3A_1083, %get3A_1084, %get3A_1085] {strides = array<i32>} : memref<4x128x32xf32, #tpu.memory_space<vmem>>, vector<16xf32>,
      %mul3A_1087 = arith.constant 5.65685415 : f32
      %mul3A_1088 = vector.broadcast %mul3A_1087 : f32 to vector<16xf32>
      %mul3A_1089 = arith.mulf %get3A_1086, %mul3A_1088 : vector<16xf32>
      %get3A_1090 = arith.constant 31 : i32
      %get3A_1091 = arith.index_cast %select_n3A_261 : i32 to index
      %get3A_1092 = arith.index_cast %get3A_1090 : i32 to index
      %get3A_1093 = arith.constant 16 : index
      %get3A_1094 = tpu.vector_load %arg7[%get3A_1091, %get3A_1092, %get3A_1093] {strides = array<i32>} : memref<4x128x32xf32, #tpu.memory_space<vmem>>, vector<16xf32>,
      %mul3A_1095 = arith.constant 5.65685415 : f32
      %mul3A_1096 = vector.broadcast %mul3A_1095 : f32 to vector<16xf32>
      %mul3A_1097 = arith.mulf %get3A_1094, %mul3A_1096 : vector<16xf32>
      %scatter3A_1098 = arith.constant 0 : i32
      %scatter3A_1099 = arith.constant 0 : i32
      %scatter3A_1100 = tpu.memref_slice %arg8[%select_n3A_261, %scatter3A_1098, %scatter3A_1099] : memref<4x32x129xf32, #tpu.memory_space<vmem>> -> memref<1x32x129xf32, #tpu.memory_space<vmem>>
      %scatter3A_1101 = tpu.memref_squeeze %scatter3A_1100 : memref<1x32x129xf32, #tpu.memory_space<vmem>> -> memref<32x129xf32, #tpu.memory_space<vmem>>
      tpu.vector_store_idx %scatter3A_1101[%iota3A, %broadcast_in_dim3A_1081], %mul3A_1089 : memref<32x129xf32, #tpu.memory_space<vmem>>[vector<16xi32>, vector<16xi32>], vector<16xf32>,
      %scatter3A_1102 = arith.constant 0 : i32
      %scatter3A_1103 = arith.constant 0 : i32
      %scatter3A_1104 = tpu.memref_slice %arg8[%select_n3A_261, %scatter3A_1102, %scatter3A_1103] : memref<4x32x129xf32, #tpu.memory_space<vmem>> -> memref<1x32x129xf32, #tpu.memory_space<vmem>>
      %scatter3A_1105 = tpu.memref_squeeze %scatter3A_1104 : memref<1x32x129xf32, #tpu.memory_space<vmem>> -> memref<32x129xf32, #tpu.memory_space<vmem>>
      tpu.vector_store_idx %scatter3A_1105[%add3A_163, %broadcast_in_dim3A_1081], %mul3A_1097 : memref<32x129xf32, #tpu.memory_space<vmem>>[vector<16xi32>, vector<16xi32>], vector<16xf32>,
      %broadcast_in_dim3A_1106 = arith.constant 32 : i32
      %broadcast_in_dim3A_1107 = vector.broadcast %broadcast_in_dim3A_1106 : i32 to vector<16xi32>
      %get3A_1108 = arith.constant 32 : i32
      %get3A_1109 = arith.index_cast %select_n3A_261 : i32 to index
      %get3A_1110 = arith.index_cast %get3A_1108 : i32 to index
      %get3A_1111 = arith.constant 0 : index
      %get3A_1112 = tpu.vector_load %arg7[%get3A_1109, %get3A_1110, %get3A_1111] {strides = array<i32>} : memref<4x128x32xf32, #tpu.memory_space<vmem>>, vector<16xf32>,
      %mul3A_1113 = arith.constant 5.65685415 : f32
      %mul3A_1114 = vector.broadcast %mul3A_1113 : f32 to vector<16xf32>
      %mul3A_1115 = arith.mulf %get3A_1112, %mul3A_1114 : vector<16xf32>
      %get3A_1116 = arith.constant 32 : i32
      %get3A_1117 = arith.index_cast %select_n3A_261 : i32 to index
      %get3A_1118 = arith.index_cast %get3A_1116 : i32 to index
      %get3A_1119 = arith.constant 16 : index
      %get3A_1120 = tpu.vector_load %arg7[%get3A_1117, %get3A_1118, %get3A_1119] {strides = array<i32>} : memref<4x128x32xf32, #tpu.memory_space<vmem>>, vector<16xf32>,
      %mul3A_1121 = arith.constant 5.65685415 : f32
      %mul3A_1122 = vector.broadcast %mul3A_1121 : f32 to vector<16xf32>
      %mul3A_1123 = arith.mulf %get3A_1120, %mul3A_1122 : vector<16xf32>
      %scatter3A_1124 = arith.constant 0 : i32
      %scatter3A_1125 = arith.constant 0 : i32
      %scatter3A_1126 = tpu.memref_slice %arg8[%select_n3A_261, %scatter3A_1124, %scatter3A_1125] : memref<4x32x129xf32, #tpu.memory_space<vmem>> -> memref<1x32x129xf32, #tpu.memory_space<vmem>>
      %scatter3A_1127 = tpu.memref_squeeze %scatter3A_1126 : memref<1x32x129xf32, #tpu.memory_space<vmem>> -> memref<32x129xf32, #tpu.memory_space<vmem>>
      tpu.vector_store_idx %scatter3A_1127[%iota3A, %broadcast_in_dim3A_1107], %mul3A_1115 : memref<32x129xf32, #tpu.memory_space<vmem>>[vector<16xi32>, vector<16xi32>], vector<16xf32>,
      %scatter3A_1128 = arith.constant 0 : i32
      %scatter3A_1129 = arith.constant 0 : i32
      %scatter3A_1130 = tpu.memref_slice %arg8[%select_n3A_261, %scatter3A_1128, %scatter3A_1129] : memref<4x32x129xf32, #tpu.memory_space<vmem>> -> memref<1x32x129xf32, #tpu.memory_space<vmem>>
      %scatter3A_1131 = tpu.memref_squeeze %scatter3A_1130 : memref<1x32x129xf32, #tpu.memory_space<vmem>> -> memref<32x129xf32, #tpu.memory_space<vmem>>
      tpu.vector_store_idx %scatter3A_1131[%add3A_163, %broadcast_in_dim3A_1107], %mul3A_1123 : memref<32x129xf32, #tpu.memory_space<vmem>>[vector<16xi32>, vector<16xi32>], vector<16xf32>,
      %broadcast_in_dim3A_1132 = arith.constant 33 : i32
      %broadcast_in_dim3A_1133 = vector.broadcast %broadcast_in_dim3A_1132 : i32 to vector<16xi32>
      %get3A_1134 = arith.constant 33 : i32
      %get3A_1135 = arith.index_cast %select_n3A_261 : i32 to index
      %get3A_1136 = arith.index_cast %get3A_1134 : i32 to index
      %get3A_1137 = arith.constant 0 : index
      %get3A_1138 = tpu.vector_load %arg7[%get3A_1135, %get3A_1136, %get3A_1137] {strides = array<i32>} : memref<4x128x32xf32, #tpu.memory_space<vmem>>, vector<16xf32>,
      %mul3A_1139 = arith.constant 5.65685415 : f32
      %mul3A_1140 = vector.broadcast %mul3A_1139 : f32 to vector<16xf32>
      %mul3A_1141 = arith.mulf %get3A_1138, %mul3A_1140 : vector<16xf32>
      %get3A_1142 = arith.constant 33 : i32
      %get3A_1143 = arith.index_cast %select_n3A_261 : i32 to index
      %get3A_1144 = arith.index_cast %get3A_1142 : i32 to index
      %get3A_1145 = arith.constant 16 : index
      %get3A_1146 = tpu.vector_load %arg7[%get3A_1143, %get3A_1144, %get3A_1145] {strides = array<i32>} : memref<4x128x32xf32, #tpu.memory_space<vmem>>, vector<16xf32>,
      %mul3A_1147 = arith.constant 5.65685415 : f32
      %mul3A_1148 = vector.broadcast %mul3A_1147 : f32 to vector<16xf32>
      %mul3A_1149 = arith.mulf %get3A_1146, %mul3A_1148 : vector<16xf32>
      %scatter3A_1150 = arith.constant 0 : i32
      %scatter3A_1151 = arith.constant 0 : i32
      %scatter3A_1152 = tpu.memref_slice %arg8[%select_n3A_261, %scatter3A_1150, %scatter3A_1151] : memref<4x32x129xf32, #tpu.memory_space<vmem>> -> memref<1x32x129xf32, #tpu.memory_space<vmem>>
      %scatter3A_1153 = tpu.memref_squeeze %scatter3A_1152 : memref<1x32x129xf32, #tpu.memory_space<vmem>> -> memref<32x129xf32, #tpu.memory_space<vmem>>
      tpu.vector_store_idx %scatter3A_1153[%iota3A, %broadcast_in_dim3A_1133], %mul3A_1141 : memref<32x129xf32, #tpu.memory_space<vmem>>[vector<16xi32>, vector<16xi32>], vector<16xf32>,
      %scatter3A_1154 = arith.constant 0 : i32
      %scatter3A_1155 = arith.constant 0 : i32
      %scatter3A_1156 = tpu.memref_slice %arg8[%select_n3A_261, %scatter3A_1154, %scatter3A_1155] : memref<4x32x129xf32, #tpu.memory_space<vmem>> -> memref<1x32x129xf32, #tpu.memory_space<vmem>>
      %scatter3A_1157 = tpu.memref_squeeze %scatter3A_1156 : memref<1x32x129xf32, #tpu.memory_space<vmem>> -> memref<32x129xf32, #tpu.memory_space<vmem>>
      tpu.vector_store_idx %scatter3A_1157[%add3A_163, %broadcast_in_dim3A_1133], %mul3A_1149 : memref<32x129xf32, #tpu.memory_space<vmem>>[vector<16xi32>, vector<16xi32>], vector<16xf32>,
      %broadcast_in_dim3A_1158 = arith.constant 34 : i32
      %broadcast_in_dim3A_1159 = vector.broadcast %broadcast_in_dim3A_1158 : i32 to vector<16xi32>
      %get3A_1160 = arith.constant 34 : i32
      %get3A_1161 = arith.index_cast %select_n3A_261 : i32 to index
      %get3A_1162 = arith.index_cast %get3A_1160 : i32 to index
      %get3A_1163 = arith.constant 0 : index
      %get3A_1164 = tpu.vector_load %arg7[%get3A_1161, %get3A_1162, %get3A_1163] {strides = array<i32>} : memref<4x128x32xf32, #tpu.memory_space<vmem>>, vector<16xf32>,
      %mul3A_1165 = arith.constant 5.65685415 : f32
      %mul3A_1166 = vector.broadcast %mul3A_1165 : f32 to vector<16xf32>
      %mul3A_1167 = arith.mulf %get3A_1164, %mul3A_1166 : vector<16xf32>
      %get3A_1168 = arith.constant 34 : i32
      %get3A_1169 = arith.index_cast %select_n3A_261 : i32 to index
      %get3A_1170 = arith.index_cast %get3A_1168 : i32 to index
      %get3A_1171 = arith.constant 16 : index
      %get3A_1172 = tpu.vector_load %arg7[%get3A_1169, %get3A_1170, %get3A_1171] {strides = array<i32>} : memref<4x128x32xf32, #tpu.memory_space<vmem>>, vector<16xf32>,
      %mul3A_1173 = arith.constant 5.65685415 : f32
      %mul3A_1174 = vector.broadcast %mul3A_1173 : f32 to vector<16xf32>
      %mul3A_1175 = arith.mulf %get3A_1172, %mul3A_1174 : vector<16xf32>
      %scatter3A_1176 = arith.constant 0 : i32
      %scatter3A_1177 = arith.constant 0 : i32
      %scatter3A_1178 = tpu.memref_slice %arg8[%select_n3A_261, %scatter3A_1176, %scatter3A_1177] : memref<4x32x129xf32, #tpu.memory_space<vmem>> -> memref<1x32x129xf32, #tpu.memory_space<vmem>>
      %scatter3A_1179 = tpu.memref_squeeze %scatter3A_1178 : memref<1x32x129xf32, #tpu.memory_space<vmem>> -> memref<32x129xf32, #tpu.memory_space<vmem>>
      tpu.vector_store_idx %scatter3A_1179[%iota3A, %broadcast_in_dim3A_1159], %mul3A_1167 : memref<32x129xf32, #tpu.memory_space<vmem>>[vector<16xi32>, vector<16xi32>], vector<16xf32>,
      %scatter3A_1180 = arith.constant 0 : i32
      %scatter3A_1181 = arith.constant 0 : i32
      %scatter3A_1182 = tpu.memref_slice %arg8[%select_n3A_261, %scatter3A_1180, %scatter3A_1181] : memref<4x32x129xf32, #tpu.memory_space<vmem>> -> memref<1x32x129xf32, #tpu.memory_space<vmem>>
      %scatter3A_1183 = tpu.memref_squeeze %scatter3A_1182 : memref<1x32x129xf32, #tpu.memory_space<vmem>> -> memref<32x129xf32, #tpu.memory_space<vmem>>
      tpu.vector_store_idx %scatter3A_1183[%add3A_163, %broadcast_in_dim3A_1159], %mul3A_1175 : memref<32x129xf32, #tpu.memory_space<vmem>>[vector<16xi32>, vector<16xi32>], vector<16xf32>,
      %broadcast_in_dim3A_1184 = arith.constant 35 : i32
      %broadcast_in_dim3A_1185 = vector.broadcast %broadcast_in_dim3A_1184 : i32 to vector<16xi32>
      %get3A_1186 = arith.constant 35 : i32
      %get3A_1187 = arith.index_cast %select_n3A_261 : i32 to index
      %get3A_1188 = arith.index_cast %get3A_1186 : i32 to index
      %get3A_1189 = arith.constant 0 : index
      %get3A_1190 = tpu.vector_load %arg7[%get3A_1187, %get3A_1188, %get3A_1189] {strides = array<i32>} : memref<4x128x32xf32, #tpu.memory_space<vmem>>, vector<16xf32>,
      %mul3A_1191 = arith.constant 5.65685415 : f32
      %mul3A_1192 = vector.broadcast %mul3A_1191 : f32 to vector<16xf32>
      %mul3A_1193 = arith.mulf %get3A_1190, %mul3A_1192 : vector<16xf32>
      %get3A_1194 = arith.constant 35 : i32
      %get3A_1195 = arith.index_cast %select_n3A_261 : i32 to index
      %get3A_1196 = arith.index_cast %get3A_1194 : i32 to index
      %get3A_1197 = arith.constant 16 : index
      %get3A_1198 = tpu.vector_load %arg7[%get3A_1195, %get3A_1196, %get3A_1197] {strides = array<i32>} : memref<4x128x32xf32, #tpu.memory_space<vmem>>, vector<16xf32>,
      %mul3A_1199 = arith.constant 5.65685415 : f32
      %mul3A_1200 = vector.broadcast %mul3A_1199 : f32 to vector<16xf32>
      %mul3A_1201 = arith.mulf %get3A_1198, %mul3A_1200 : vector<16xf32>
      %scatter3A_1202 = arith.constant 0 : i32
      %scatter3A_1203 = arith.constant 0 : i32
      %scatter3A_1204 = tpu.memref_slice %arg8[%select_n3A_261, %scatter3A_1202, %scatter3A_1203] : memref<4x32x129xf32, #tpu.memory_space<vmem>> -> memref<1x32x129xf32, #tpu.memory_space<vmem>>
      %scatter3A_1205 = tpu.memref_squeeze %scatter3A_1204 : memref<1x32x129xf32, #tpu.memory_space<vmem>> -> memref<32x129xf32, #tpu.memory_space<vmem>>
      tpu.vector_store_idx %scatter3A_1205[%iota3A, %broadcast_in_dim3A_1185], %mul3A_1193 : memref<32x129xf32, #tpu.memory_space<vmem>>[vector<16xi32>, vector<16xi32>], vector<16xf32>,
      %scatter3A_1206 = arith.constant 0 : i32
      %scatter3A_1207 = arith.constant 0 : i32
      %scatter3A_1208 = tpu.memref_slice %arg8[%select_n3A_261, %scatter3A_1206, %scatter3A_1207] : memref<4x32x129xf32, #tpu.memory_space<vmem>> -> memref<1x32x129xf32, #tpu.memory_space<vmem>>
      %scatter3A_1209 = tpu.memref_squeeze %scatter3A_1208 : memref<1x32x129xf32, #tpu.memory_space<vmem>> -> memref<32x129xf32, #tpu.memory_space<vmem>>
      tpu.vector_store_idx %scatter3A_1209[%add3A_163, %broadcast_in_dim3A_1185], %mul3A_1201 : memref<32x129xf32, #tpu.memory_space<vmem>>[vector<16xi32>, vector<16xi32>], vector<16xf32>,
      %broadcast_in_dim3A_1210 = arith.constant 36 : i32
      %broadcast_in_dim3A_1211 = vector.broadcast %broadcast_in_dim3A_1210 : i32 to vector<16xi32>
      %get3A_1212 = arith.constant 36 : i32
      %get3A_1213 = arith.index_cast %select_n3A_261 : i32 to index
      %get3A_1214 = arith.index_cast %get3A_1212 : i32 to index
      %get3A_1215 = arith.constant 0 : index
      %get3A_1216 = tpu.vector_load %arg7[%get3A_1213, %get3A_1214, %get3A_1215] {strides = array<i32>} : memref<4x128x32xf32, #tpu.memory_space<vmem>>, vector<16xf32>,
      %mul3A_1217 = arith.constant 5.65685415 : f32
      %mul3A_1218 = vector.broadcast %mul3A_1217 : f32 to vector<16xf32>
      %mul3A_1219 = arith.mulf %get3A_1216, %mul3A_1218 : vector<16xf32>
      %get3A_1220 = arith.constant 36 : i32
      %get3A_1221 = arith.index_cast %select_n3A_261 : i32 to index
      %get3A_1222 = arith.index_cast %get3A_1220 : i32 to index
      %get3A_1223 = arith.constant 16 : index
      %get3A_1224 = tpu.vector_load %arg7[%get3A_1221, %get3A_1222, %get3A_1223] {strides = array<i32>} : memref<4x128x32xf32, #tpu.memory_space<vmem>>, vector<16xf32>,
      %mul3A_1225 = arith.constant 5.65685415 : f32
      %mul3A_1226 = vector.broadcast %mul3A_1225 : f32 to vector<16xf32>
      %mul3A_1227 = arith.mulf %get3A_1224, %mul3A_1226 : vector<16xf32>
      %scatter3A_1228 = arith.constant 0 : i32
      %scatter3A_1229 = arith.constant 0 : i32
      %scatter3A_1230 = tpu.memref_slice %arg8[%select_n3A_261, %scatter3A_1228, %scatter3A_1229] : memref<4x32x129xf32, #tpu.memory_space<vmem>> -> memref<1x32x129xf32, #tpu.memory_space<vmem>>
      %scatter3A_1231 = tpu.memref_squeeze %scatter3A_1230 : memref<1x32x129xf32, #tpu.memory_space<vmem>> -> memref<32x129xf32, #tpu.memory_space<vmem>>
      tpu.vector_store_idx %scatter3A_1231[%iota3A, %broadcast_in_dim3A_1211], %mul3A_1219 : memref<32x129xf32, #tpu.memory_space<vmem>>[vector<16xi32>, vector<16xi32>], vector<16xf32>,
      %scatter3A_1232 = arith.constant 0 : i32
      %scatter3A_1233 = arith.constant 0 : i32
      %scatter3A_1234 = tpu.memref_slice %arg8[%select_n3A_261, %scatter3A_1232, %scatter3A_1233] : memref<4x32x129xf32, #tpu.memory_space<vmem>> -> memref<1x32x129xf32, #tpu.memory_space<vmem>>
      %scatter3A_1235 = tpu.memref_squeeze %scatter3A_1234 : memref<1x32x129xf32, #tpu.memory_space<vmem>> -> memref<32x129xf32, #tpu.memory_space<vmem>>
      tpu.vector_store_idx %scatter3A_1235[%add3A_163, %broadcast_in_dim3A_1211], %mul3A_1227 : memref<32x129xf32, #tpu.memory_space<vmem>>[vector<16xi32>, vector<16xi32>], vector<16xf32>,
      %broadcast_in_dim3A_1236 = arith.constant 37 : i32
      %broadcast_in_dim3A_1237 = vector.broadcast %broadcast_in_dim3A_1236 : i32 to vector<16xi32>
      %get3A_1238 = arith.constant 37 : i32
      %get3A_1239 = arith.index_cast %select_n3A_261 : i32 to index
      %get3A_1240 = arith.index_cast %get3A_1238 : i32 to index
      %get3A_1241 = arith.constant 0 : index
      %get3A_1242 = tpu.vector_load %arg7[%get3A_1239, %get3A_1240, %get3A_1241] {strides = array<i32>} : memref<4x128x32xf32, #tpu.memory_space<vmem>>, vector<16xf32>,
      %mul3A_1243 = arith.constant 5.65685415 : f32
      %mul3A_1244 = vector.broadcast %mul3A_1243 : f32 to vector<16xf32>
      %mul3A_1245 = arith.mulf %get3A_1242, %mul3A_1244 : vector<16xf32>
      %get3A_1246 = arith.constant 37 : i32
      %get3A_1247 = arith.index_cast %select_n3A_261 : i32 to index
      %get3A_1248 = arith.index_cast %get3A_1246 : i32 to index
      %get3A_1249 = arith.constant 16 : index
      %get3A_1250 = tpu.vector_load %arg7[%get3A_1247, %get3A_1248, %get3A_1249] {strides = array<i32>} : memref<4x128x32xf32, #tpu.memory_space<vmem>>, vector<16xf32>,
      %mul3A_1251 = arith.constant 5.65685415 : f32
      %mul3A_1252 = vector.broadcast %mul3A_1251 : f32 to vector<16xf32>
      %mul3A_1253 = arith.mulf %get3A_1250, %mul3A_1252 : vector<16xf32>
      %scatter3A_1254 = arith.constant 0 : i32
      %scatter3A_1255 = arith.constant 0 : i32
      %scatter3A_1256 = tpu.memref_slice %arg8[%select_n3A_261, %scatter3A_1254, %scatter3A_1255] : memref<4x32x129xf32, #tpu.memory_space<vmem>> -> memref<1x32x129xf32, #tpu.memory_space<vmem>>
      %scatter3A_1257 = tpu.memref_squeeze %scatter3A_1256 : memref<1x32x129xf32, #tpu.memory_space<vmem>> -> memref<32x129xf32, #tpu.memory_space<vmem>>
      tpu.vector_store_idx %scatter3A_1257[%iota3A, %broadcast_in_dim3A_1237], %mul3A_1245 : memref<32x129xf32, #tpu.memory_space<vmem>>[vector<16xi32>, vector<16xi32>], vector<16xf32>,
      %scatter3A_1258 = arith.constant 0 : i32
      %scatter3A_1259 = arith.constant 0 : i32
      %scatter3A_1260 = tpu.memref_slice %arg8[%select_n3A_261, %scatter3A_1258, %scatter3A_1259] : memref<4x32x129xf32, #tpu.memory_space<vmem>> -> memref<1x32x129xf32, #tpu.memory_space<vmem>>
      %scatter3A_1261 = tpu.memref_squeeze %scatter3A_1260 : memref<1x32x129xf32, #tpu.memory_space<vmem>> -> memref<32x129xf32, #tpu.memory_space<vmem>>
      tpu.vector_store_idx %scatter3A_1261[%add3A_163, %broadcast_in_dim3A_1237], %mul3A_1253 : memref<32x129xf32, #tpu.memory_space<vmem>>[vector<16xi32>, vector<16xi32>], vector<16xf32>,
      %broadcast_in_dim3A_1262 = arith.constant 38 : i32
      %broadcast_in_dim3A_1263 = vector.broadcast %broadcast_in_dim3A_1262 : i32 to vector<16xi32>
      %get3A_1264 = arith.constant 38 : i32
      %get3A_1265 = arith.index_cast %select_n3A_261 : i32 to index
      %get3A_1266 = arith.index_cast %get3A_1264 : i32 to index
      %get3A_1267 = arith.constant 0 : index
      %get3A_1268 = tpu.vector_load %arg7[%get3A_1265, %get3A_1266, %get3A_1267] {strides = array<i32>} : memref<4x128x32xf32, #tpu.memory_space<vmem>>, vector<16xf32>,
      %mul3A_1269 = arith.constant 5.65685415 : f32
      %mul3A_1270 = vector.broadcast %mul3A_1269 : f32 to vector<16xf32>
      %mul3A_1271 = arith.mulf %get3A_1268, %mul3A_1270 : vector<16xf32>
      %get3A_1272 = arith.constant 38 : i32
      %get3A_1273 = arith.index_cast %select_n3A_261 : i32 to index
      %get3A_1274 = arith.index_cast %get3A_1272 : i32 to index
      %get3A_1275 = arith.constant 16 : index
      %get3A_1276 = tpu.vector_load %arg7[%get3A_1273, %get3A_1274, %get3A_1275] {strides = array<i32>} : memref<4x128x32xf32, #tpu.memory_space<vmem>>, vector<16xf32>,
      %mul3A_1277 = arith.constant 5.65685415 : f32
      %mul3A_1278 = vector.broadcast %mul3A_1277 : f32 to vector<16xf32>
      %mul3A_1279 = arith.mulf %get3A_1276, %mul3A_1278 : vector<16xf32>
      %scatter3A_1280 = arith.constant 0 : i32
      %scatter3A_1281 = arith.constant 0 : i32
      %scatter3A_1282 = tpu.memref_slice %arg8[%select_n3A_261, %scatter3A_1280, %scatter3A_1281] : memref<4x32x129xf32, #tpu.memory_space<vmem>> -> memref<1x32x129xf32, #tpu.memory_space<vmem>>
      %scatter3A_1283 = tpu.memref_squeeze %scatter3A_1282 : memref<1x32x129xf32, #tpu.memory_space<vmem>> -> memref<32x129xf32, #tpu.memory_space<vmem>>
      tpu.vector_store_idx %scatter3A_1283[%iota3A, %broadcast_in_dim3A_1263], %mul3A_1271 : memref<32x129xf32, #tpu.memory_space<vmem>>[vector<16xi32>, vector<16xi32>], vector<16xf32>,
      %scatter3A_1284 = arith.constant 0 : i32
      %scatter3A_1285 = arith.constant 0 : i32
      %scatter3A_1286 = tpu.memref_slice %arg8[%select_n3A_261, %scatter3A_1284, %scatter3A_1285] : memref<4x32x129xf32, #tpu.memory_space<vmem>> -> memref<1x32x129xf32, #tpu.memory_space<vmem>>
      %scatter3A_1287 = tpu.memref_squeeze %scatter3A_1286 : memref<1x32x129xf32, #tpu.memory_space<vmem>> -> memref<32x129xf32, #tpu.memory_space<vmem>>
      tpu.vector_store_idx %scatter3A_1287[%add3A_163, %broadcast_in_dim3A_1263], %mul3A_1279 : memref<32x129xf32, #tpu.memory_space<vmem>>[vector<16xi32>, vector<16xi32>], vector<16xf32>,
      %broadcast_in_dim3A_1288 = arith.constant 39 : i32
      %broadcast_in_dim3A_1289 = vector.broadcast %broadcast_in_dim3A_1288 : i32 to vector<16xi32>
      %get3A_1290 = arith.constant 39 : i32
      %get3A_1291 = arith.index_cast %select_n3A_261 : i32 to index
      %get3A_1292 = arith.index_cast %get3A_1290 : i32 to index
      %get3A_1293 = arith.constant 0 : index
      %get3A_1294 = tpu.vector_load %arg7[%get3A_1291, %get3A_1292, %get3A_1293] {strides = array<i32>} : memref<4x128x32xf32, #tpu.memory_space<vmem>>, vector<16xf32>,
      %mul3A_1295 = arith.constant 5.65685415 : f32
      %mul3A_1296 = vector.broadcast %mul3A_1295 : f32 to vector<16xf32>
      %mul3A_1297 = arith.mulf %get3A_1294, %mul3A_1296 : vector<16xf32>
      %get3A_1298 = arith.constant 39 : i32
      %get3A_1299 = arith.index_cast %select_n3A_261 : i32 to index
      %get3A_1300 = arith.index_cast %get3A_1298 : i32 to index
      %get3A_1301 = arith.constant 16 : index
      %get3A_1302 = tpu.vector_load %arg7[%get3A_1299, %get3A_1300, %get3A_1301] {strides = array<i32>} : memref<4x128x32xf32, #tpu.memory_space<vmem>>, vector<16xf32>,
      %mul3A_1303 = arith.constant 5.65685415 : f32
      %mul3A_1304 = vector.broadcast %mul3A_1303 : f32 to vector<16xf32>
      %mul3A_1305 = arith.mulf %get3A_1302, %mul3A_1304 : vector<16xf32>
      %scatter3A_1306 = arith.constant 0 : i32
      %scatter3A_1307 = arith.constant 0 : i32
      %scatter3A_1308 = tpu.memref_slice %arg8[%select_n3A_261, %scatter3A_1306, %scatter3A_1307] : memref<4x32x129xf32, #tpu.memory_space<vmem>> -> memref<1x32x129xf32, #tpu.memory_space<vmem>>
      %scatter3A_1309 = tpu.memref_squeeze %scatter3A_1308 : memref<1x32x129xf32, #tpu.memory_space<vmem>> -> memref<32x129xf32, #tpu.memory_space<vmem>>
      tpu.vector_store_idx %scatter3A_1309[%iota3A, %broadcast_in_dim3A_1289], %mul3A_1297 : memref<32x129xf32, #tpu.memory_space<vmem>>[vector<16xi32>, vector<16xi32>], vector<16xf32>,
      %scatter3A_1310 = arith.constant 0 : i32
      %scatter3A_1311 = arith.constant 0 : i32
      %scatter3A_1312 = tpu.memref_slice %arg8[%select_n3A_261, %scatter3A_1310, %scatter3A_1311] : memref<4x32x129xf32, #tpu.memory_space<vmem>> -> memref<1x32x129xf32, #tpu.memory_space<vmem>>
      %scatter3A_1313 = tpu.memref_squeeze %scatter3A_1312 : memref<1x32x129xf32, #tpu.memory_space<vmem>> -> memref<32x129xf32, #tpu.memory_space<vmem>>
      tpu.vector_store_idx %scatter3A_1313[%add3A_163, %broadcast_in_dim3A_1289], %mul3A_1305 : memref<32x129xf32, #tpu.memory_space<vmem>>[vector<16xi32>, vector<16xi32>], vector<16xf32>,
      %broadcast_in_dim3A_1314 = arith.constant 40 : i32
      %broadcast_in_dim3A_1315 = vector.broadcast %broadcast_in_dim3A_1314 : i32 to vector<16xi32>
      %get3A_1316 = arith.constant 40 : i32
      %get3A_1317 = arith.index_cast %select_n3A_261 : i32 to index
      %get3A_1318 = arith.index_cast %get3A_1316 : i32 to index
      %get3A_1319 = arith.constant 0 : index
      %get3A_1320 = tpu.vector_load %arg7[%get3A_1317, %get3A_1318, %get3A_1319] {strides = array<i32>} : memref<4x128x32xf32, #tpu.memory_space<vmem>>, vector<16xf32>,
      %mul3A_1321 = arith.constant 5.65685415 : f32
      %mul3A_1322 = vector.broadcast %mul3A_1321 : f32 to vector<16xf32>
      %mul3A_1323 = arith.mulf %get3A_1320, %mul3A_1322 : vector<16xf32>
      %get3A_1324 = arith.constant 40 : i32
      %get3A_1325 = arith.index_cast %select_n3A_261 : i32 to index
      %get3A_1326 = arith.index_cast %get3A_1324 : i32 to index
      %get3A_1327 = arith.constant 16 : index
      %get3A_1328 = tpu.vector_load %arg7[%get3A_1325, %get3A_1326, %get3A_1327] {strides = array<i32>} : memref<4x128x32xf32, #tpu.memory_space<vmem>>, vector<16xf32>,
      %mul3A_1329 = arith.constant 5.65685415 : f32
      %mul3A_1330 = vector.broadcast %mul3A_1329 : f32 to vector<16xf32>
      %mul3A_1331 = arith.mulf %get3A_1328, %mul3A_1330 : vector<16xf32>
      %scatter3A_1332 = arith.constant 0 : i32
      %scatter3A_1333 = arith.constant 0 : i32
      %scatter3A_1334 = tpu.memref_slice %arg8[%select_n3A_261, %scatter3A_1332, %scatter3A_1333] : memref<4x32x129xf32, #tpu.memory_space<vmem>> -> memref<1x32x129xf32, #tpu.memory_space<vmem>>
      %scatter3A_1335 = tpu.memref_squeeze %scatter3A_1334 : memref<1x32x129xf32, #tpu.memory_space<vmem>> -> memref<32x129xf32, #tpu.memory_space<vmem>>
      tpu.vector_store_idx %scatter3A_1335[%iota3A, %broadcast_in_dim3A_1315], %mul3A_1323 : memref<32x129xf32, #tpu.memory_space<vmem>>[vector<16xi32>, vector<16xi32>], vector<16xf32>,
      %scatter3A_1336 = arith.constant 0 : i32
      %scatter3A_1337 = arith.constant 0 : i32
      %scatter3A_1338 = tpu.memref_slice %arg8[%select_n3A_261, %scatter3A_1336, %scatter3A_1337] : memref<4x32x129xf32, #tpu.memory_space<vmem>> -> memref<1x32x129xf32, #tpu.memory_space<vmem>>
      %scatter3A_1339 = tpu.memref_squeeze %scatter3A_1338 : memref<1x32x129xf32, #tpu.memory_space<vmem>> -> memref<32x129xf32, #tpu.memory_space<vmem>>
      tpu.vector_store_idx %scatter3A_1339[%add3A_163, %broadcast_in_dim3A_1315], %mul3A_1331 : memref<32x129xf32, #tpu.memory_space<vmem>>[vector<16xi32>, vector<16xi32>], vector<16xf32>,
      %broadcast_in_dim3A_1340 = arith.constant 41 : i32
      %broadcast_in_dim3A_1341 = vector.broadcast %broadcast_in_dim3A_1340 : i32 to vector<16xi32>
      %get3A_1342 = arith.constant 41 : i32
      %get3A_1343 = arith.index_cast %select_n3A_261 : i32 to index
      %get3A_1344 = arith.index_cast %get3A_1342 : i32 to index
      %get3A_1345 = arith.constant 0 : index
      %get3A_1346 = tpu.vector_load %arg7[%get3A_1343, %get3A_1344, %get3A_1345] {strides = array<i32>} : memref<4x128x32xf32, #tpu.memory_space<vmem>>, vector<16xf32>,
      %mul3A_1347 = arith.constant 5.65685415 : f32
      %mul3A_1348 = vector.broadcast %mul3A_1347 : f32 to vector<16xf32>
      %mul3A_1349 = arith.mulf %get3A_1346, %mul3A_1348 : vector<16xf32>
      %get3A_1350 = arith.constant 41 : i32
      %get3A_1351 = arith.index_cast %select_n3A_261 : i32 to index
      %get3A_1352 = arith.index_cast %get3A_1350 : i32 to index
      %get3A_1353 = arith.constant 16 : index
      %get3A_1354 = tpu.vector_load %arg7[%get3A_1351, %get3A_1352, %get3A_1353] {strides = array<i32>} : memref<4x128x32xf32, #tpu.memory_space<vmem>>, vector<16xf32>,
      %mul3A_1355 = arith.constant 5.65685415 : f32
      %mul3A_1356 = vector.broadcast %mul3A_1355 : f32 to vector<16xf32>
      %mul3A_1357 = arith.mulf %get3A_1354, %mul3A_1356 : vector<16xf32>
      %scatter3A_1358 = arith.constant 0 : i32
      %scatter3A_1359 = arith.constant 0 : i32
      %scatter3A_1360 = tpu.memref_slice %arg8[%select_n3A_261, %scatter3A_1358, %scatter3A_1359] : memref<4x32x129xf32, #tpu.memory_space<vmem>> -> memref<1x32x129xf32, #tpu.memory_space<vmem>>
      %scatter3A_1361 = tpu.memref_squeeze %scatter3A_1360 : memref<1x32x129xf32, #tpu.memory_space<vmem>> -> memref<32x129xf32, #tpu.memory_space<vmem>>
      tpu.vector_store_idx %scatter3A_1361[%iota3A, %broadcast_in_dim3A_1341], %mul3A_1349 : memref<32x129xf32, #tpu.memory_space<vmem>>[vector<16xi32>, vector<16xi32>], vector<16xf32>,
      %scatter3A_1362 = arith.constant 0 : i32
      %scatter3A_1363 = arith.constant 0 : i32
      %scatter3A_1364 = tpu.memref_slice %arg8[%select_n3A_261, %scatter3A_1362, %scatter3A_1363] : memref<4x32x129xf32, #tpu.memory_space<vmem>> -> memref<1x32x129xf32, #tpu.memory_space<vmem>>
      %scatter3A_1365 = tpu.memref_squeeze %scatter3A_1364 : memref<1x32x129xf32, #tpu.memory_space<vmem>> -> memref<32x129xf32, #tpu.memory_space<vmem>>
      tpu.vector_store_idx %scatter3A_1365[%add3A_163, %broadcast_in_dim3A_1341], %mul3A_1357 : memref<32x129xf32, #tpu.memory_space<vmem>>[vector<16xi32>, vector<16xi32>], vector<16xf32>,
      %broadcast_in_dim3A_1366 = arith.constant 42 : i32
      %broadcast_in_dim3A_1367 = vector.broadcast %broadcast_in_dim3A_1366 : i32 to vector<16xi32>
      %get3A_1368 = arith.constant 42 : i32
      %get3A_1369 = arith.index_cast %select_n3A_261 : i32 to index
      %get3A_1370 = arith.index_cast %get3A_1368 : i32 to index
      %get3A_1371 = arith.constant 0 : index
      %get3A_1372 = tpu.vector_load %arg7[%get3A_1369, %get3A_1370, %get3A_1371] {strides = array<i32>} : memref<4x128x32xf32, #tpu.memory_space<vmem>>, vector<16xf32>,
      %mul3A_1373 = arith.constant 5.65685415 : f32
      %mul3A_1374 = vector.broadcast %mul3A_1373 : f32 to vector<16xf32>
      %mul3A_1375 = arith.mulf %get3A_1372, %mul3A_1374 : vector<16xf32>
      %get3A_1376 = arith.constant 42 : i32
      %get3A_1377 = arith.index_cast %select_n3A_261 : i32 to index
      %get3A_1378 = arith.index_cast %get3A_1376 : i32 to index
      %get3A_1379 = arith.constant 16 : index
      %get3A_1380 = tpu.vector_load %arg7[%get3A_1377, %get3A_1378, %get3A_1379] {strides = array<i32>} : memref<4x128x32xf32, #tpu.memory_space<vmem>>, vector<16xf32>,
      %mul3A_1381 = arith.constant 5.65685415 : f32
      %mul3A_1382 = vector.broadcast %mul3A_1381 : f32 to vector<16xf32>
      %mul3A_1383 = arith.mulf %get3A_1380, %mul3A_1382 : vector<16xf32>
      %scatter3A_1384 = arith.constant 0 : i32
      %scatter3A_1385 = arith.constant 0 : i32
      %scatter3A_1386 = tpu.memref_slice %arg8[%select_n3A_261, %scatter3A_1384, %scatter3A_1385] : memref<4x32x129xf32, #tpu.memory_space<vmem>> -> memref<1x32x129xf32, #tpu.memory_space<vmem>>
      %scatter3A_1387 = tpu.memref_squeeze %scatter3A_1386 : memref<1x32x129xf32, #tpu.memory_space<vmem>> -> memref<32x129xf32, #tpu.memory_space<vmem>>
      tpu.vector_store_idx %scatter3A_1387[%iota3A, %broadcast_in_dim3A_1367], %mul3A_1375 : memref<32x129xf32, #tpu.memory_space<vmem>>[vector<16xi32>, vector<16xi32>], vector<16xf32>,
      %scatter3A_1388 = arith.constant 0 : i32
      %scatter3A_1389 = arith.constant 0 : i32
      %scatter3A_1390 = tpu.memref_slice %arg8[%select_n3A_261, %scatter3A_1388, %scatter3A_1389] : memref<4x32x129xf32, #tpu.memory_space<vmem>> -> memref<1x32x129xf32, #tpu.memory_space<vmem>>
      %scatter3A_1391 = tpu.memref_squeeze %scatter3A_1390 : memref<1x32x129xf32, #tpu.memory_space<vmem>> -> memref<32x129xf32, #tpu.memory_space<vmem>>
      tpu.vector_store_idx %scatter3A_1391[%add3A_163, %broadcast_in_dim3A_1367], %mul3A_1383 : memref<32x129xf32, #tpu.memory_space<vmem>>[vector<16xi32>, vector<16xi32>], vector<16xf32>,
      %broadcast_in_dim3A_1392 = arith.constant 43 : i32
      %broadcast_in_dim3A_1393 = vector.broadcast %broadcast_in_dim3A_1392 : i32 to vector<16xi32>
      %get3A_1394 = arith.constant 43 : i32
      %get3A_1395 = arith.index_cast %select_n3A_261 : i32 to index
      %get3A_1396 = arith.index_cast %get3A_1394 : i32 to index
      %get3A_1397 = arith.constant 0 : index
      %get3A_1398 = tpu.vector_load %arg7[%get3A_1395, %get3A_1396, %get3A_1397] {strides = array<i32>} : memref<4x128x32xf32, #tpu.memory_space<vmem>>, vector<16xf32>,
      %mul3A_1399 = arith.constant 5.65685415 : f32
      %mul3A_1400 = vector.broadcast %mul3A_1399 : f32 to vector<16xf32>
      %mul3A_1401 = arith.mulf %get3A_1398, %mul3A_1400 : vector<16xf32>
      %get3A_1402 = arith.constant 43 : i32
      %get3A_1403 = arith.index_cast %select_n3A_261 : i32 to index
      %get3A_1404 = arith.index_cast %get3A_1402 : i32 to index
      %get3A_1405 = arith.constant 16 : index
      %get3A_1406 = tpu.vector_load %arg7[%get3A_1403, %get3A_1404, %get3A_1405] {strides = array<i32>} : memref<4x128x32xf32, #tpu.memory_space<vmem>>, vector<16xf32>,
      %mul3A_1407 = arith.constant 5.65685415 : f32
      %mul3A_1408 = vector.broadcast %mul3A_1407 : f32 to vector<16xf32>
      %mul3A_1409 = arith.mulf %get3A_1406, %mul3A_1408 : vector<16xf32>
      %scatter3A_1410 = arith.constant 0 : i32
      %scatter3A_1411 = arith.constant 0 : i32
      %scatter3A_1412 = tpu.memref_slice %arg8[%select_n3A_261, %scatter3A_1410, %scatter3A_1411] : memref<4x32x129xf32, #tpu.memory_space<vmem>> -> memref<1x32x129xf32, #tpu.memory_space<vmem>>
      %scatter3A_1413 = tpu.memref_squeeze %scatter3A_1412 : memref<1x32x129xf32, #tpu.memory_space<vmem>> -> memref<32x129xf32, #tpu.memory_space<vmem>>
      tpu.vector_store_idx %scatter3A_1413[%iota3A, %broadcast_in_dim3A_1393], %mul3A_1401 : memref<32x129xf32, #tpu.memory_space<vmem>>[vector<16xi32>, vector<16xi32>], vector<16xf32>,
      %scatter3A_1414 = arith.constant 0 : i32
      %scatter3A_1415 = arith.constant 0 : i32
      %scatter3A_1416 = tpu.memref_slice %arg8[%select_n3A_261, %scatter3A_1414, %scatter3A_1415] : memref<4x32x129xf32, #tpu.memory_space<vmem>> -> memref<1x32x129xf32, #tpu.memory_space<vmem>>
      %scatter3A_1417 = tpu.memref_squeeze %scatter3A_1416 : memref<1x32x129xf32, #tpu.memory_space<vmem>> -> memref<32x129xf32, #tpu.memory_space<vmem>>
      tpu.vector_store_idx %scatter3A_1417[%add3A_163, %broadcast_in_dim3A_1393], %mul3A_1409 : memref<32x129xf32, #tpu.memory_space<vmem>>[vector<16xi32>, vector<16xi32>], vector<16xf32>,
      %broadcast_in_dim3A_1418 = arith.constant 44 : i32
      %broadcast_in_dim3A_1419 = vector.broadcast %broadcast_in_dim3A_1418 : i32 to vector<16xi32>
      %get3A_1420 = arith.constant 44 : i32
      %get3A_1421 = arith.index_cast %select_n3A_261 : i32 to index
      %get3A_1422 = arith.index_cast %get3A_1420 : i32 to index
      %get3A_1423 = arith.constant 0 : index
      %get3A_1424 = tpu.vector_load %arg7[%get3A_1421, %get3A_1422, %get3A_1423] {strides = array<i32>} : memref<4x128x32xf32, #tpu.memory_space<vmem>>, vector<16xf32>,
      %mul3A_1425 = arith.constant 5.65685415 : f32
      %mul3A_1426 = vector.broadcast %mul3A_1425 : f32 to vector<16xf32>
      %mul3A_1427 = arith.mulf %get3A_1424, %mul3A_1426 : vector<16xf32>
      %get3A_1428 = arith.constant 44 : i32
      %get3A_1429 = arith.index_cast %select_n3A_261 : i32 to index
      %get3A_1430 = arith.index_cast %get3A_1428 : i32 to index
      %get3A_1431 = arith.constant 16 : index
      %get3A_1432 = tpu.vector_load %arg7[%get3A_1429, %get3A_1430, %get3A_1431] {strides = array<i32>} : memref<4x128x32xf32, #tpu.memory_space<vmem>>, vector<16xf32>,
      %mul3A_1433 = arith.constant 5.65685415 : f32
      %mul3A_1434 = vector.broadcast %mul3A_1433 : f32 to vector<16xf32>
      %mul3A_1435 = arith.mulf %get3A_1432, %mul3A_1434 : vector<16xf32>
      %scatter3A_1436 = arith.constant 0 : i32
      %scatter3A_1437 = arith.constant 0 : i32
      %scatter3A_1438 = tpu.memref_slice %arg8[%select_n3A_261, %scatter3A_1436, %scatter3A_1437] : memref<4x32x129xf32, #tpu.memory_space<vmem>> -> memref<1x32x129xf32, #tpu.memory_space<vmem>>
      %scatter3A_1439 = tpu.memref_squeeze %scatter3A_1438 : memref<1x32x129xf32, #tpu.memory_space<vmem>> -> memref<32x129xf32, #tpu.memory_space<vmem>>
      tpu.vector_store_idx %scatter3A_1439[%iota3A, %broadcast_in_dim3A_1419], %mul3A_1427 : memref<32x129xf32, #tpu.memory_space<vmem>>[vector<16xi32>, vector<16xi32>], vector<16xf32>,
      %scatter3A_1440 = arith.constant 0 : i32
      %scatter3A_1441 = arith.constant 0 : i32
      %scatter3A_1442 = tpu.memref_slice %arg8[%select_n3A_261, %scatter3A_1440, %scatter3A_1441] : memref<4x32x129xf32, #tpu.memory_space<vmem>> -> memref<1x32x129xf32, #tpu.memory_space<vmem>>
      %scatter3A_1443 = tpu.memref_squeeze %scatter3A_1442 : memref<1x32x129xf32, #tpu.memory_space<vmem>> -> memref<32x129xf32, #tpu.memory_space<vmem>>
      tpu.vector_store_idx %scatter3A_1443[%add3A_163, %broadcast_in_dim3A_1419], %mul3A_1435 : memref<32x129xf32, #tpu.memory_space<vmem>>[vector<16xi32>, vector<16xi32>], vector<16xf32>,
      %broadcast_in_dim3A_1444 = arith.constant 45 : i32
      %broadcast_in_dim3A_1445 = vector.broadcast %broadcast_in_dim3A_1444 : i32 to vector<16xi32>
      %get3A_1446 = arith.constant 45 : i32
      %get3A_1447 = arith.index_cast %select_n3A_261 : i32 to index
      %get3A_1448 = arith.index_cast %get3A_1446 : i32 to index
      %get3A_1449 = arith.constant 0 : index
      %get3A_1450 = tpu.vector_load %arg7[%get3A_1447, %get3A_1448, %get3A_1449] {strides = array<i32>} : memref<4x128x32xf32, #tpu.memory_space<vmem>>, vector<16xf32>,
      %mul3A_1451 = arith.constant 5.65685415 : f32
      %mul3A_1452 = vector.broadcast %mul3A_1451 : f32 to vector<16xf32>
      %mul3A_1453 = arith.mulf %get3A_1450, %mul3A_1452 : vector<16xf32>
      %get3A_1454 = arith.constant 45 : i32
      %get3A_1455 = arith.index_cast %select_n3A_261 : i32 to index
      %get3A_1456 = arith.index_cast %get3A_1454 : i32 to index
      %get3A_1457 = arith.constant 16 : index
      %get3A_1458 = tpu.vector_load %arg7[%get3A_1455, %get3A_1456, %get3A_1457] {strides = array<i32>} : memref<4x128x32xf32, #tpu.memory_space<vmem>>, vector<16xf32>,
      %mul3A_1459 = arith.constant 5.65685415 : f32
      %mul3A_1460 = vector.broadcast %mul3A_1459 : f32 to vector<16xf32>
      %mul3A_1461 = arith.mulf %get3A_1458, %mul3A_1460 : vector<16xf32>
      %scatter3A_1462 = arith.constant 0 : i32
      %scatter3A_1463 = arith.constant 0 : i32
      %scatter3A_1464 = tpu.memref_slice %arg8[%select_n3A_261, %scatter3A_1462, %scatter3A_1463] : memref<4x32x129xf32, #tpu.memory_space<vmem>> -> memref<1x32x129xf32, #tpu.memory_space<vmem>>
      %scatter3A_1465 = tpu.memref_squeeze %scatter3A_1464 : memref<1x32x129xf32, #tpu.memory_space<vmem>> -> memref<32x129xf32, #tpu.memory_space<vmem>>
      tpu.vector_store_idx %scatter3A_1465[%iota3A, %broadcast_in_dim3A_1445], %mul3A_1453 : memref<32x129xf32, #tpu.memory_space<vmem>>[vector<16xi32>, vector<16xi32>], vector<16xf32>,
      %scatter3A_1466 = arith.constant 0 : i32
      %scatter3A_1467 = arith.constant 0 : i32
      %scatter3A_1468 = tpu.memref_slice %arg8[%select_n3A_261, %scatter3A_1466, %scatter3A_1467] : memref<4x32x129xf32, #tpu.memory_space<vmem>> -> memref<1x32x129xf32, #tpu.memory_space<vmem>>
      %scatter3A_1469 = tpu.memref_squeeze %scatter3A_1468 : memref<1x32x129xf32, #tpu.memory_space<vmem>> -> memref<32x129xf32, #tpu.memory_space<vmem>>
      tpu.vector_store_idx %scatter3A_1469[%add3A_163, %broadcast_in_dim3A_1445], %mul3A_1461 : memref<32x129xf32, #tpu.memory_space<vmem>>[vector<16xi32>, vector<16xi32>], vector<16xf32>,
      %broadcast_in_dim3A_1470 = arith.constant 46 : i32
      %broadcast_in_dim3A_1471 = vector.broadcast %broadcast_in_dim3A_1470 : i32 to vector<16xi32>
      %get3A_1472 = arith.constant 46 : i32
      %get3A_1473 = arith.index_cast %select_n3A_261 : i32 to index
      %get3A_1474 = arith.index_cast %get3A_1472 : i32 to index
      %get3A_1475 = arith.constant 0 : index
      %get3A_1476 = tpu.vector_load %arg7[%get3A_1473, %get3A_1474, %get3A_1475] {strides = array<i32>} : memref<4x128x32xf32, #tpu.memory_space<vmem>>, vector<16xf32>,
      %mul3A_1477 = arith.constant 5.65685415 : f32
      %mul3A_1478 = vector.broadcast %mul3A_1477 : f32 to vector<16xf32>
      %mul3A_1479 = arith.mulf %get3A_1476, %mul3A_1478 : vector<16xf32>
      %get3A_1480 = arith.constant 46 : i32
      %get3A_1481 = arith.index_cast %select_n3A_261 : i32 to index
      %get3A_1482 = arith.index_cast %get3A_1480 : i32 to index
      %get3A_1483 = arith.constant 16 : index
      %get3A_1484 = tpu.vector_load %arg7[%get3A_1481, %get3A_1482, %get3A_1483] {strides = array<i32>} : memref<4x128x32xf32, #tpu.memory_space<vmem>>, vector<16xf32>,
      %mul3A_1485 = arith.constant 5.65685415 : f32
      %mul3A_1486 = vector.broadcast %mul3A_1485 : f32 to vector<16xf32>
      %mul3A_1487 = arith.mulf %get3A_1484, %mul3A_1486 : vector<16xf32>
      %scatter3A_1488 = arith.constant 0 : i32
      %scatter3A_1489 = arith.constant 0 : i32
      %scatter3A_1490 = tpu.memref_slice %arg8[%select_n3A_261, %scatter3A_1488, %scatter3A_1489] : memref<4x32x129xf32, #tpu.memory_space<vmem>> -> memref<1x32x129xf32, #tpu.memory_space<vmem>>
      %scatter3A_1491 = tpu.memref_squeeze %scatter3A_1490 : memref<1x32x129xf32, #tpu.memory_space<vmem>> -> memref<32x129xf32, #tpu.memory_space<vmem>>
      tpu.vector_store_idx %scatter3A_1491[%iota3A, %broadcast_in_dim3A_1471], %mul3A_1479 : memref<32x129xf32, #tpu.memory_space<vmem>>[vector<16xi32>, vector<16xi32>], vector<16xf32>,
      %scatter3A_1492 = arith.constant 0 : i32
      %scatter3A_1493 = arith.constant 0 : i32
      %scatter3A_1494 = tpu.memref_slice %arg8[%select_n3A_261, %scatter3A_1492, %scatter3A_1493] : memref<4x32x129xf32, #tpu.memory_space<vmem>> -> memref<1x32x129xf32, #tpu.memory_space<vmem>>
      %scatter3A_1495 = tpu.memref_squeeze %scatter3A_1494 : memref<1x32x129xf32, #tpu.memory_space<vmem>> -> memref<32x129xf32, #tpu.memory_space<vmem>>
      tpu.vector_store_idx %scatter3A_1495[%add3A_163, %broadcast_in_dim3A_1471], %mul3A_1487 : memref<32x129xf32, #tpu.memory_space<vmem>>[vector<16xi32>, vector<16xi32>], vector<16xf32>,
      %broadcast_in_dim3A_1496 = arith.constant 47 : i32
      %broadcast_in_dim3A_1497 = vector.broadcast %broadcast_in_dim3A_1496 : i32 to vector<16xi32>
      %get3A_1498 = arith.constant 47 : i32
      %get3A_1499 = arith.index_cast %select_n3A_261 : i32 to index
      %get3A_1500 = arith.index_cast %get3A_1498 : i32 to index
      %get3A_1501 = arith.constant 0 : index
      %get3A_1502 = tpu.vector_load %arg7[%get3A_1499, %get3A_1500, %get3A_1501] {strides = array<i32>} : memref<4x128x32xf32, #tpu.memory_space<vmem>>, vector<16xf32>,
      %mul3A_1503 = arith.constant 5.65685415 : f32
      %mul3A_1504 = vector.broadcast %mul3A_1503 : f32 to vector<16xf32>
      %mul3A_1505 = arith.mulf %get3A_1502, %mul3A_1504 : vector<16xf32>
      %get3A_1506 = arith.constant 47 : i32
      %get3A_1507 = arith.index_cast %select_n3A_261 : i32 to index
      %get3A_1508 = arith.index_cast %get3A_1506 : i32 to index
      %get3A_1509 = arith.constant 16 : index
      %get3A_1510 = tpu.vector_load %arg7[%get3A_1507, %get3A_1508, %get3A_1509] {strides = array<i32>} : memref<4x128x32xf32, #tpu.memory_space<vmem>>, vector<16xf32>,
      %mul3A_1511 = arith.constant 5.65685415 : f32
      %mul3A_1512 = vector.broadcast %mul3A_1511 : f32 to vector<16xf32>
      %mul3A_1513 = arith.mulf %get3A_1510, %mul3A_1512 : vector<16xf32>
      %scatter3A_1514 = arith.constant 0 : i32
      %scatter3A_1515 = arith.constant 0 : i32
      %scatter3A_1516 = tpu.memref_slice %arg8[%select_n3A_261, %scatter3A_1514, %scatter3A_1515] : memref<4x32x129xf32, #tpu.memory_space<vmem>> -> memref<1x32x129xf32, #tpu.memory_space<vmem>>
      %scatter3A_1517 = tpu.memref_squeeze %scatter3A_1516 : memref<1x32x129xf32, #tpu.memory_space<vmem>> -> memref<32x129xf32, #tpu.memory_space<vmem>>
      tpu.vector_store_idx %scatter3A_1517[%iota3A, %broadcast_in_dim3A_1497], %mul3A_1505 : memref<32x129xf32, #tpu.memory_space<vmem>>[vector<16xi32>, vector<16xi32>], vector<16xf32>,
      %scatter3A_1518 = arith.constant 0 : i32
      %scatter3A_1519 = arith.constant 0 : i32
      %scatter3A_1520 = tpu.memref_slice %arg8[%select_n3A_261, %scatter3A_1518, %scatter3A_1519] : memref<4x32x129xf32, #tpu.memory_space<vmem>> -> memref<1x32x129xf32, #tpu.memory_space<vmem>>
      %scatter3A_1521 = tpu.memref_squeeze %scatter3A_1520 : memref<1x32x129xf32, #tpu.memory_space<vmem>> -> memref<32x129xf32, #tpu.memory_space<vmem>>
      tpu.vector_store_idx %scatter3A_1521[%add3A_163, %broadcast_in_dim3A_1497], %mul3A_1513 : memref<32x129xf32, #tpu.memory_space<vmem>>[vector<16xi32>, vector<16xi32>], vector<16xf32>,
      %broadcast_in_dim3A_1522 = arith.constant 48 : i32
      %broadcast_in_dim3A_1523 = vector.broadcast %broadcast_in_dim3A_1522 : i32 to vector<16xi32>
      %get3A_1524 = arith.constant 48 : i32
      %get3A_1525 = arith.index_cast %select_n3A_261 : i32 to index
      %get3A_1526 = arith.index_cast %get3A_1524 : i32 to index
      %get3A_1527 = arith.constant 0 : index
      %get3A_1528 = tpu.vector_load %arg7[%get3A_1525, %get3A_1526, %get3A_1527] {strides = array<i32>} : memref<4x128x32xf32, #tpu.memory_space<vmem>>, vector<16xf32>,
      %mul3A_1529 = arith.constant 5.65685415 : f32
      %mul3A_1530 = vector.broadcast %mul3A_1529 : f32 to vector<16xf32>
      %mul3A_1531 = arith.mulf %get3A_1528, %mul3A_1530 : vector<16xf32>
      %get3A_1532 = arith.constant 48 : i32
      %get3A_1533 = arith.index_cast %select_n3A_261 : i32 to index
      %get3A_1534 = arith.index_cast %get3A_1532 : i32 to index
      %get3A_1535 = arith.constant 16 : index
      %get3A_1536 = tpu.vector_load %arg7[%get3A_1533, %get3A_1534, %get3A_1535] {strides = array<i32>} : memref<4x128x32xf32, #tpu.memory_space<vmem>>, vector<16xf32>,
      %mul3A_1537 = arith.constant 5.65685415 : f32
      %mul3A_1538 = vector.broadcast %mul3A_1537 : f32 to vector<16xf32>
      %mul3A_1539 = arith.mulf %get3A_1536, %mul3A_1538 : vector<16xf32>
      %scatter3A_1540 = arith.constant 0 : i32
      %scatter3A_1541 = arith.constant 0 : i32
      %scatter3A_1542 = tpu.memref_slice %arg8[%select_n3A_261, %scatter3A_1540, %scatter3A_1541] : memref<4x32x129xf32, #tpu.memory_space<vmem>> -> memref<1x32x129xf32, #tpu.memory_space<vmem>>
      %scatter3A_1543 = tpu.memref_squeeze %scatter3A_1542 : memref<1x32x129xf32, #tpu.memory_space<vmem>> -> memref<32x129xf32, #tpu.memory_space<vmem>>
      tpu.vector_store_idx %scatter3A_1543[%iota3A, %broadcast_in_dim3A_1523], %mul3A_1531 : memref<32x129xf32, #tpu.memory_space<vmem>>[vector<16xi32>, vector<16xi32>], vector<16xf32>,
      %scatter3A_1544 = arith.constant 0 : i32
      %scatter3A_1545 = arith.constant 0 : i32
      %scatter3A_1546 = tpu.memref_slice %arg8[%select_n3A_261, %scatter3A_1544, %scatter3A_1545] : memref<4x32x129xf32, #tpu.memory_space<vmem>> -> memref<1x32x129xf32, #tpu.memory_space<vmem>>
      %scatter3A_1547 = tpu.memref_squeeze %scatter3A_1546 : memref<1x32x129xf32, #tpu.memory_space<vmem>> -> memref<32x129xf32, #tpu.memory_space<vmem>>
      tpu.vector_store_idx %scatter3A_1547[%add3A_163, %broadcast_in_dim3A_1523], %mul3A_1539 : memref<32x129xf32, #tpu.memory_space<vmem>>[vector<16xi32>, vector<16xi32>], vector<16xf32>,
      %broadcast_in_dim3A_1548 = arith.constant 49 : i32
      %broadcast_in_dim3A_1549 = vector.broadcast %broadcast_in_dim3A_1548 : i32 to vector<16xi32>
      %get3A_1550 = arith.constant 49 : i32
      %get3A_1551 = arith.index_cast %select_n3A_261 : i32 to index
      %get3A_1552 = arith.index_cast %get3A_1550 : i32 to index
      %get3A_1553 = arith.constant 0 : index
      %get3A_1554 = tpu.vector_load %arg7[%get3A_1551, %get3A_1552, %get3A_1553] {strides = array<i32>} : memref<4x128x32xf32, #tpu.memory_space<vmem>>, vector<16xf32>,
      %mul3A_1555 = arith.constant 5.65685415 : f32
      %mul3A_1556 = vector.broadcast %mul3A_1555 : f32 to vector<16xf32>
      %mul3A_1557 = arith.mulf %get3A_1554, %mul3A_1556 : vector<16xf32>
      %get3A_1558 = arith.constant 49 : i32
      %get3A_1559 = arith.index_cast %select_n3A_261 : i32 to index
      %get3A_1560 = arith.index_cast %get3A_1558 : i32 to index
      %get3A_1561 = arith.constant 16 : index
      %get3A_1562 = tpu.vector_load %arg7[%get3A_1559, %get3A_1560, %get3A_1561] {strides = array<i32>} : memref<4x128x32xf32, #tpu.memory_space<vmem>>, vector<16xf32>,
      %mul3A_1563 = arith.constant 5.65685415 : f32
      %mul3A_1564 = vector.broadcast %mul3A_1563 : f32 to vector<16xf32>
      %mul3A_1565 = arith.mulf %get3A_1562, %mul3A_1564 : vector<16xf32>
      %scatter3A_1566 = arith.constant 0 : i32
      %scatter3A_1567 = arith.constant 0 : i32
      %scatter3A_1568 = tpu.memref_slice %arg8[%select_n3A_261, %scatter3A_1566, %scatter3A_1567] : memref<4x32x129xf32, #tpu.memory_space<vmem>> -> memref<1x32x129xf32, #tpu.memory_space<vmem>>
      %scatter3A_1569 = tpu.memref_squeeze %scatter3A_1568 : memref<1x32x129xf32, #tpu.memory_space<vmem>> -> memref<32x129xf32, #tpu.memory_space<vmem>>
      tpu.vector_store_idx %scatter3A_1569[%iota3A, %broadcast_in_dim3A_1549], %mul3A_1557 : memref<32x129xf32, #tpu.memory_space<vmem>>[vector<16xi32>, vector<16xi32>], vector<16xf32>,
      %scatter3A_1570 = arith.constant 0 : i32
      %scatter3A_1571 = arith.constant 0 : i32
      %scatter3A_1572 = tpu.memref_slice %arg8[%select_n3A_261, %scatter3A_1570, %scatter3A_1571] : memref<4x32x129xf32, #tpu.memory_space<vmem>> -> memref<1x32x129xf32, #tpu.memory_space<vmem>>
      %scatter3A_1573 = tpu.memref_squeeze %scatter3A_1572 : memref<1x32x129xf32, #tpu.memory_space<vmem>> -> memref<32x129xf32, #tpu.memory_space<vmem>>
      tpu.vector_store_idx %scatter3A_1573[%add3A_163, %broadcast_in_dim3A_1549], %mul3A_1565 : memref<32x129xf32, #tpu.memory_space<vmem>>[vector<16xi32>, vector<16xi32>], vector<16xf32>,
      %broadcast_in_dim3A_1574 = arith.constant 50 : i32
      %broadcast_in_dim3A_1575 = vector.broadcast %broadcast_in_dim3A_1574 : i32 to vector<16xi32>
      %get3A_1576 = arith.constant 50 : i32
      %get3A_1577 = arith.index_cast %select_n3A_261 : i32 to index
      %get3A_1578 = arith.index_cast %get3A_1576 : i32 to index
      %get3A_1579 = arith.constant 0 : index
      %get3A_1580 = tpu.vector_load %arg7[%get3A_1577, %get3A_1578, %get3A_1579] {strides = array<i32>} : memref<4x128x32xf32, #tpu.memory_space<vmem>>, vector<16xf32>,
      %mul3A_1581 = arith.constant 5.65685415 : f32
      %mul3A_1582 = vector.broadcast %mul3A_1581 : f32 to vector<16xf32>
      %mul3A_1583 = arith.mulf %get3A_1580, %mul3A_1582 : vector<16xf32>
      %get3A_1584 = arith.constant 50 : i32
      %get3A_1585 = arith.index_cast %select_n3A_261 : i32 to index
      %get3A_1586 = arith.index_cast %get3A_1584 : i32 to index
      %get3A_1587 = arith.constant 16 : index
      %get3A_1588 = tpu.vector_load %arg7[%get3A_1585, %get3A_1586, %get3A_1587] {strides = array<i32>} : memref<4x128x32xf32, #tpu.memory_space<vmem>>, vector<16xf32>,
      %mul3A_1589 = arith.constant 5.65685415 : f32
      %mul3A_1590 = vector.broadcast %mul3A_1589 : f32 to vector<16xf32>
      %mul3A_1591 = arith.mulf %get3A_1588, %mul3A_1590 : vector<16xf32>
      %scatter3A_1592 = arith.constant 0 : i32
      %scatter3A_1593 = arith.constant 0 : i32
      %scatter3A_1594 = tpu.memref_slice %arg8[%select_n3A_261, %scatter3A_1592, %scatter3A_1593] : memref<4x32x129xf32, #tpu.memory_space<vmem>> -> memref<1x32x129xf32, #tpu.memory_space<vmem>>
      %scatter3A_1595 = tpu.memref_squeeze %scatter3A_1594 : memref<1x32x129xf32, #tpu.memory_space<vmem>> -> memref<32x129xf32, #tpu.memory_space<vmem>>
      tpu.vector_store_idx %scatter3A_1595[%iota3A, %broadcast_in_dim3A_1575], %mul3A_1583 : memref<32x129xf32, #tpu.memory_space<vmem>>[vector<16xi32>, vector<16xi32>], vector<16xf32>,
      %scatter3A_1596 = arith.constant 0 : i32
      %scatter3A_1597 = arith.constant 0 : i32
      %scatter3A_1598 = tpu.memref_slice %arg8[%select_n3A_261, %scatter3A_1596, %scatter3A_1597] : memref<4x32x129xf32, #tpu.memory_space<vmem>> -> memref<1x32x129xf32, #tpu.memory_space<vmem>>
      %scatter3A_1599 = tpu.memref_squeeze %scatter3A_1598 : memref<1x32x129xf32, #tpu.memory_space<vmem>> -> memref<32x129xf32, #tpu.memory_space<vmem>>
      tpu.vector_store_idx %scatter3A_1599[%add3A_163, %broadcast_in_dim3A_1575], %mul3A_1591 : memref<32x129xf32, #tpu.memory_space<vmem>>[vector<16xi32>, vector<16xi32>], vector<16xf32>,
      %broadcast_in_dim3A_1600 = arith.constant 51 : i32
      %broadcast_in_dim3A_1601 = vector.broadcast %broadcast_in_dim3A_1600 : i32 to vector<16xi32>
      %get3A_1602 = arith.constant 51 : i32
      %get3A_1603 = arith.index_cast %select_n3A_261 : i32 to index
      %get3A_1604 = arith.index_cast %get3A_1602 : i32 to index
      %get3A_1605 = arith.constant 0 : index
      %get3A_1606 = tpu.vector_load %arg7[%get3A_1603, %get3A_1604, %get3A_1605] {strides = array<i32>} : memref<4x128x32xf32, #tpu.memory_space<vmem>>, vector<16xf32>,
      %mul3A_1607 = arith.constant 5.65685415 : f32
      %mul3A_1608 = vector.broadcast %mul3A_1607 : f32 to vector<16xf32>
      %mul3A_1609 = arith.mulf %get3A_1606, %mul3A_1608 : vector<16xf32>
      %get3A_1610 = arith.constant 51 : i32
      %get3A_1611 = arith.index_cast %select_n3A_261 : i32 to index
      %get3A_1612 = arith.index_cast %get3A_1610 : i32 to index
      %get3A_1613 = arith.constant 16 : index
      %get3A_1614 = tpu.vector_load %arg7[%get3A_1611, %get3A_1612, %get3A_1613] {strides = array<i32>} : memref<4x128x32xf32, #tpu.memory_space<vmem>>, vector<16xf32>,
      %mul3A_1615 = arith.constant 5.65685415 : f32
      %mul3A_1616 = vector.broadcast %mul3A_1615 : f32 to vector<16xf32>
      %mul3A_1617 = arith.mulf %get3A_1614, %mul3A_1616 : vector<16xf32>
      %scatter3A_1618 = arith.constant 0 : i32
      %scatter3A_1619 = arith.constant 0 : i32
      %scatter3A_1620 = tpu.memref_slice %arg8[%select_n3A_261, %scatter3A_1618, %scatter3A_1619] : memref<4x32x129xf32, #tpu.memory_space<vmem>> -> memref<1x32x129xf32, #tpu.memory_space<vmem>>
      %scatter3A_1621 = tpu.memref_squeeze %scatter3A_1620 : memref<1x32x129xf32, #tpu.memory_space<vmem>> -> memref<32x129xf32, #tpu.memory_space<vmem>>
      tpu.vector_store_idx %scatter3A_1621[%iota3A, %broadcast_in_dim3A_1601], %mul3A_1609 : memref<32x129xf32, #tpu.memory_space<vmem>>[vector<16xi32>, vector<16xi32>], vector<16xf32>,
      %scatter3A_1622 = arith.constant 0 : i32
      %scatter3A_1623 = arith.constant 0 : i32
      %scatter3A_1624 = tpu.memref_slice %arg8[%select_n3A_261, %scatter3A_1622, %scatter3A_1623] : memref<4x32x129xf32, #tpu.memory_space<vmem>> -> memref<1x32x129xf32, #tpu.memory_space<vmem>>
      %scatter3A_1625 = tpu.memref_squeeze %scatter3A_1624 : memref<1x32x129xf32, #tpu.memory_space<vmem>> -> memref<32x129xf32, #tpu.memory_space<vmem>>
      tpu.vector_store_idx %scatter3A_1625[%add3A_163, %broadcast_in_dim3A_1601], %mul3A_1617 : memref<32x129xf32, #tpu.memory_space<vmem>>[vector<16xi32>, vector<16xi32>], vector<16xf32>,
      %broadcast_in_dim3A_1626 = arith.constant 52 : i32
      %broadcast_in_dim3A_1627 = vector.broadcast %broadcast_in_dim3A_1626 : i32 to vector<16xi32>
      %get3A_1628 = arith.constant 52 : i32
      %get3A_1629 = arith.index_cast %select_n3A_261 : i32 to index
      %get3A_1630 = arith.index_cast %get3A_1628 : i32 to index
      %get3A_1631 = arith.constant 0 : index
      %get3A_1632 = tpu.vector_load %arg7[%get3A_1629, %get3A_1630, %get3A_1631] {strides = array<i32>} : memref<4x128x32xf32, #tpu.memory_space<vmem>>, vector<16xf32>,
      %mul3A_1633 = arith.constant 5.65685415 : f32
      %mul3A_1634 = vector.broadcast %mul3A_1633 : f32 to vector<16xf32>
      %mul3A_1635 = arith.mulf %get3A_1632, %mul3A_1634 : vector<16xf32>
      %get3A_1636 = arith.constant 52 : i32
      %get3A_1637 = arith.index_cast %select_n3A_261 : i32 to index
      %get3A_1638 = arith.index_cast %get3A_1636 : i32 to index
      %get3A_1639 = arith.constant 16 : index
      %get3A_1640 = tpu.vector_load %arg7[%get3A_1637, %get3A_1638, %get3A_1639] {strides = array<i32>} : memref<4x128x32xf32, #tpu.memory_space<vmem>>, vector<16xf32>,
      %mul3A_1641 = arith.constant 5.65685415 : f32
      %mul3A_1642 = vector.broadcast %mul3A_1641 : f32 to vector<16xf32>
      %mul3A_1643 = arith.mulf %get3A_1640, %mul3A_1642 : vector<16xf32>
      %scatter3A_1644 = arith.constant 0 : i32
      %scatter3A_1645 = arith.constant 0 : i32
      %scatter3A_1646 = tpu.memref_slice %arg8[%select_n3A_261, %scatter3A_1644, %scatter3A_1645] : memref<4x32x129xf32, #tpu.memory_space<vmem>> -> memref<1x32x129xf32, #tpu.memory_space<vmem>>
      %scatter3A_1647 = tpu.memref_squeeze %scatter3A_1646 : memref<1x32x129xf32, #tpu.memory_space<vmem>> -> memref<32x129xf32, #tpu.memory_space<vmem>>
      tpu.vector_store_idx %scatter3A_1647[%iota3A, %broadcast_in_dim3A_1627], %mul3A_1635 : memref<32x129xf32, #tpu.memory_space<vmem>>[vector<16xi32>, vector<16xi32>], vector<16xf32>,
      %scatter3A_1648 = arith.constant 0 : i32
      %scatter3A_1649 = arith.constant 0 : i32
      %scatter3A_1650 = tpu.memref_slice %arg8[%select_n3A_261, %scatter3A_1648, %scatter3A_1649] : memref<4x32x129xf32, #tpu.memory_space<vmem>> -> memref<1x32x129xf32, #tpu.memory_space<vmem>>
      %scatter3A_1651 = tpu.memref_squeeze %scatter3A_1650 : memref<1x32x129xf32, #tpu.memory_space<vmem>> -> memref<32x129xf32, #tpu.memory_space<vmem>>
      tpu.vector_store_idx %scatter3A_1651[%add3A_163, %broadcast_in_dim3A_1627], %mul3A_1643 : memref<32x129xf32, #tpu.memory_space<vmem>>[vector<16xi32>, vector<16xi32>], vector<16xf32>,
      %broadcast_in_dim3A_1652 = arith.constant 53 : i32
      %broadcast_in_dim3A_1653 = vector.broadcast %broadcast_in_dim3A_1652 : i32 to vector<16xi32>
      %get3A_1654 = arith.constant 53 : i32
      %get3A_1655 = arith.index_cast %select_n3A_261 : i32 to index
      %get3A_1656 = arith.index_cast %get3A_1654 : i32 to index
      %get3A_1657 = arith.constant 0 : index
      %get3A_1658 = tpu.vector_load %arg7[%get3A_1655, %get3A_1656, %get3A_1657] {strides = array<i32>} : memref<4x128x32xf32, #tpu.memory_space<vmem>>, vector<16xf32>,
      %mul3A_1659 = arith.constant 5.65685415 : f32
      %mul3A_1660 = vector.broadcast %mul3A_1659 : f32 to vector<16xf32>
      %mul3A_1661 = arith.mulf %get3A_1658, %mul3A_1660 : vector<16xf32>
      %get3A_1662 = arith.constant 53 : i32
      %get3A_1663 = arith.index_cast %select_n3A_261 : i32 to index
      %get3A_1664 = arith.index_cast %get3A_1662 : i32 to index
      %get3A_1665 = arith.constant 16 : index
      %get3A_1666 = tpu.vector_load %arg7[%get3A_1663, %get3A_1664, %get3A_1665] {strides = array<i32>} : memref<4x128x32xf32, #tpu.memory_space<vmem>>, vector<16xf32>,
      %mul3A_1667 = arith.constant 5.65685415 : f32
      %mul3A_1668 = vector.broadcast %mul3A_1667 : f32 to vector<16xf32>
      %mul3A_1669 = arith.mulf %get3A_1666, %mul3A_1668 : vector<16xf32>
      %scatter3A_1670 = arith.constant 0 : i32
      %scatter3A_1671 = arith.constant 0 : i32
      %scatter3A_1672 = tpu.memref_slice %arg8[%select_n3A_261, %scatter3A_1670, %scatter3A_1671] : memref<4x32x129xf32, #tpu.memory_space<vmem>> -> memref<1x32x129xf32, #tpu.memory_space<vmem>>
      %scatter3A_1673 = tpu.memref_squeeze %scatter3A_1672 : memref<1x32x129xf32, #tpu.memory_space<vmem>> -> memref<32x129xf32, #tpu.memory_space<vmem>>
      tpu.vector_store_idx %scatter3A_1673[%iota3A, %broadcast_in_dim3A_1653], %mul3A_1661 : memref<32x129xf32, #tpu.memory_space<vmem>>[vector<16xi32>, vector<16xi32>], vector<16xf32>,
      %scatter3A_1674 = arith.constant 0 : i32
      %scatter3A_1675 = arith.constant 0 : i32
      %scatter3A_1676 = tpu.memref_slice %arg8[%select_n3A_261, %scatter3A_1674, %scatter3A_1675] : memref<4x32x129xf32, #tpu.memory_space<vmem>> -> memref<1x32x129xf32, #tpu.memory_space<vmem>>
      %scatter3A_1677 = tpu.memref_squeeze %scatter3A_1676 : memref<1x32x129xf32, #tpu.memory_space<vmem>> -> memref<32x129xf32, #tpu.memory_space<vmem>>
      tpu.vector_store_idx %scatter3A_1677[%add3A_163, %broadcast_in_dim3A_1653], %mul3A_1669 : memref<32x129xf32, #tpu.memory_space<vmem>>[vector<16xi32>, vector<16xi32>], vector<16xf32>,
      %broadcast_in_dim3A_1678 = arith.constant 54 : i32
      %broadcast_in_dim3A_1679 = vector.broadcast %broadcast_in_dim3A_1678 : i32 to vector<16xi32>
      %get3A_1680 = arith.constant 54 : i32
      %get3A_1681 = arith.index_cast %select_n3A_261 : i32 to index
      %get3A_1682 = arith.index_cast %get3A_1680 : i32 to index
      %get3A_1683 = arith.constant 0 : index
      %get3A_1684 = tpu.vector_load %arg7[%get3A_1681, %get3A_1682, %get3A_1683] {strides = array<i32>} : memref<4x128x32xf32, #tpu.memory_space<vmem>>, vector<16xf32>,
      %mul3A_1685 = arith.constant 5.65685415 : f32
      %mul3A_1686 = vector.broadcast %mul3A_1685 : f32 to vector<16xf32>
      %mul3A_1687 = arith.mulf %get3A_1684, %mul3A_1686 : vector<16xf32>
      %get3A_1688 = arith.constant 54 : i32
      %get3A_1689 = arith.index_cast %select_n3A_261 : i32 to index
      %get3A_1690 = arith.index_cast %get3A_1688 : i32 to index
      %get3A_1691 = arith.constant 16 : index
      %get3A_1692 = tpu.vector_load %arg7[%get3A_1689, %get3A_1690, %get3A_1691] {strides = array<i32>} : memref<4x128x32xf32, #tpu.memory_space<vmem>>, vector<16xf32>,
      %mul3A_1693 = arith.constant 5.65685415 : f32
      %mul3A_1694 = vector.broadcast %mul3A_1693 : f32 to vector<16xf32>
      %mul3A_1695 = arith.mulf %get3A_1692, %mul3A_1694 : vector<16xf32>
      %scatter3A_1696 = arith.constant 0 : i32
      %scatter3A_1697 = arith.constant 0 : i32
      %scatter3A_1698 = tpu.memref_slice %arg8[%select_n3A_261, %scatter3A_1696, %scatter3A_1697] : memref<4x32x129xf32, #tpu.memory_space<vmem>> -> memref<1x32x129xf32, #tpu.memory_space<vmem>>
      %scatter3A_1699 = tpu.memref_squeeze %scatter3A_1698 : memref<1x32x129xf32, #tpu.memory_space<vmem>> -> memref<32x129xf32, #tpu.memory_space<vmem>>
      tpu.vector_store_idx %scatter3A_1699[%iota3A, %broadcast_in_dim3A_1679], %mul3A_1687 : memref<32x129xf32, #tpu.memory_space<vmem>>[vector<16xi32>, vector<16xi32>], vector<16xf32>,
      %scatter3A_1700 = arith.constant 0 : i32
      %scatter3A_1701 = arith.constant 0 : i32
      %scatter3A_1702 = tpu.memref_slice %arg8[%select_n3A_261, %scatter3A_1700, %scatter3A_1701] : memref<4x32x129xf32, #tpu.memory_space<vmem>> -> memref<1x32x129xf32, #tpu.memory_space<vmem>>
      %scatter3A_1703 = tpu.memref_squeeze %scatter3A_1702 : memref<1x32x129xf32, #tpu.memory_space<vmem>> -> memref<32x129xf32, #tpu.memory_space<vmem>>
      tpu.vector_store_idx %scatter3A_1703[%add3A_163, %broadcast_in_dim3A_1679], %mul3A_1695 : memref<32x129xf32, #tpu.memory_space<vmem>>[vector<16xi32>, vector<16xi32>], vector<16xf32>,
      %broadcast_in_dim3A_1704 = arith.constant 55 : i32
      %broadcast_in_dim3A_1705 = vector.broadcast %broadcast_in_dim3A_1704 : i32 to vector<16xi32>
      %get3A_1706 = arith.constant 55 : i32
      %get3A_1707 = arith.index_cast %select_n3A_261 : i32 to index
      %get3A_1708 = arith.index_cast %get3A_1706 : i32 to index
      %get3A_1709 = arith.constant 0 : index
      %get3A_1710 = tpu.vector_load %arg7[%get3A_1707, %get3A_1708, %get3A_1709] {strides = array<i32>} : memref<4x128x32xf32, #tpu.memory_space<vmem>>, vector<16xf32>,
      %mul3A_1711 = arith.constant 5.65685415 : f32
      %mul3A_1712 = vector.broadcast %mul3A_1711 : f32 to vector<16xf32>
      %mul3A_1713 = arith.mulf %get3A_1710, %mul3A_1712 : vector<16xf32>
      %get3A_1714 = arith.constant 55 : i32
      %get3A_1715 = arith.index_cast %select_n3A_261 : i32 to index
      %get3A_1716 = arith.index_cast %get3A_1714 : i32 to index
      %get3A_1717 = arith.constant 16 : index
      %get3A_1718 = tpu.vector_load %arg7[%get3A_1715, %get3A_1716, %get3A_1717] {strides = array<i32>} : memref<4x128x32xf32, #tpu.memory_space<vmem>>, vector<16xf32>,
      %mul3A_1719 = arith.constant 5.65685415 : f32
      %mul3A_1720 = vector.broadcast %mul3A_1719 : f32 to vector<16xf32>
      %mul3A_1721 = arith.mulf %get3A_1718, %mul3A_1720 : vector<16xf32>
      %scatter3A_1722 = arith.constant 0 : i32
      %scatter3A_1723 = arith.constant 0 : i32
      %scatter3A_1724 = tpu.memref_slice %arg8[%select_n3A_261, %scatter3A_1722, %scatter3A_1723] : memref<4x32x129xf32, #tpu.memory_space<vmem>> -> memref<1x32x129xf32, #tpu.memory_space<vmem>>
      %scatter3A_1725 = tpu.memref_squeeze %scatter3A_1724 : memref<1x32x129xf32, #tpu.memory_space<vmem>> -> memref<32x129xf32, #tpu.memory_space<vmem>>
      tpu.vector_store_idx %scatter3A_1725[%iota3A, %broadcast_in_dim3A_1705], %mul3A_1713 : memref<32x129xf32, #tpu.memory_space<vmem>>[vector<16xi32>, vector<16xi32>], vector<16xf32>,
      %scatter3A_1726 = arith.constant 0 : i32
      %scatter3A_1727 = arith.constant 0 : i32
      %scatter3A_1728 = tpu.memref_slice %arg8[%select_n3A_261, %scatter3A_1726, %scatter3A_1727] : memref<4x32x129xf32, #tpu.memory_space<vmem>> -> memref<1x32x129xf32, #tpu.memory_space<vmem>>
      %scatter3A_1729 = tpu.memref_squeeze %scatter3A_1728 : memref<1x32x129xf32, #tpu.memory_space<vmem>> -> memref<32x129xf32, #tpu.memory_space<vmem>>
      tpu.vector_store_idx %scatter3A_1729[%add3A_163, %broadcast_in_dim3A_1705], %mul3A_1721 : memref<32x129xf32, #tpu.memory_space<vmem>>[vector<16xi32>, vector<16xi32>], vector<16xf32>,
      %broadcast_in_dim3A_1730 = arith.constant 56 : i32
      %broadcast_in_dim3A_1731 = vector.broadcast %broadcast_in_dim3A_1730 : i32 to vector<16xi32>
      %get3A_1732 = arith.constant 56 : i32
      %get3A_1733 = arith.index_cast %select_n3A_261 : i32 to index
      %get3A_1734 = arith.index_cast %get3A_1732 : i32 to index
      %get3A_1735 = arith.constant 0 : index
      %get3A_1736 = tpu.vector_load %arg7[%get3A_1733, %get3A_1734, %get3A_1735] {strides = array<i32>} : memref<4x128x32xf32, #tpu.memory_space<vmem>>, vector<16xf32>,
      %mul3A_1737 = arith.constant 5.65685415 : f32
      %mul3A_1738 = vector.broadcast %mul3A_1737 : f32 to vector<16xf32>
      %mul3A_1739 = arith.mulf %get3A_1736, %mul3A_1738 : vector<16xf32>
      %get3A_1740 = arith.constant 56 : i32
      %get3A_1741 = arith.index_cast %select_n3A_261 : i32 to index
      %get3A_1742 = arith.index_cast %get3A_1740 : i32 to index
      %get3A_1743 = arith.constant 16 : index
      %get3A_1744 = tpu.vector_load %arg7[%get3A_1741, %get3A_1742, %get3A_1743] {strides = array<i32>} : memref<4x128x32xf32, #tpu.memory_space<vmem>>, vector<16xf32>,
      %mul3A_1745 = arith.constant 5.65685415 : f32
      %mul3A_1746 = vector.broadcast %mul3A_1745 : f32 to vector<16xf32>
      %mul3A_1747 = arith.mulf %get3A_1744, %mul3A_1746 : vector<16xf32>
      %scatter3A_1748 = arith.constant 0 : i32
      %scatter3A_1749 = arith.constant 0 : i32
      %scatter3A_1750 = tpu.memref_slice %arg8[%select_n3A_261, %scatter3A_1748, %scatter3A_1749] : memref<4x32x129xf32, #tpu.memory_space<vmem>> -> memref<1x32x129xf32, #tpu.memory_space<vmem>>
      %scatter3A_1751 = tpu.memref_squeeze %scatter3A_1750 : memref<1x32x129xf32, #tpu.memory_space<vmem>> -> memref<32x129xf32, #tpu.memory_space<vmem>>
      tpu.vector_store_idx %scatter3A_1751[%iota3A, %broadcast_in_dim3A_1731], %mul3A_1739 : memref<32x129xf32, #tpu.memory_space<vmem>>[vector<16xi32>, vector<16xi32>], vector<16xf32>,
      %scatter3A_1752 = arith.constant 0 : i32
      %scatter3A_1753 = arith.constant 0 : i32
      %scatter3A_1754 = tpu.memref_slice %arg8[%select_n3A_261, %scatter3A_1752, %scatter3A_1753] : memref<4x32x129xf32, #tpu.memory_space<vmem>> -> memref<1x32x129xf32, #tpu.memory_space<vmem>>
      %scatter3A_1755 = tpu.memref_squeeze %scatter3A_1754 : memref<1x32x129xf32, #tpu.memory_space<vmem>> -> memref<32x129xf32, #tpu.memory_space<vmem>>
      tpu.vector_store_idx %scatter3A_1755[%add3A_163, %broadcast_in_dim3A_1731], %mul3A_1747 : memref<32x129xf32, #tpu.memory_space<vmem>>[vector<16xi32>, vector<16xi32>], vector<16xf32>,
      %broadcast_in_dim3A_1756 = arith.constant 57 : i32
      %broadcast_in_dim3A_1757 = vector.broadcast %broadcast_in_dim3A_1756 : i32 to vector<16xi32>
      %get3A_1758 = arith.constant 57 : i32
      %get3A_1759 = arith.index_cast %select_n3A_261 : i32 to index
      %get3A_1760 = arith.index_cast %get3A_1758 : i32 to index
      %get3A_1761 = arith.constant 0 : index
      %get3A_1762 = tpu.vector_load %arg7[%get3A_1759, %get3A_1760, %get3A_1761] {strides = array<i32>} : memref<4x128x32xf32, #tpu.memory_space<vmem>>, vector<16xf32>,
      %mul3A_1763 = arith.constant 5.65685415 : f32
      %mul3A_1764 = vector.broadcast %mul3A_1763 : f32 to vector<16xf32>
      %mul3A_1765 = arith.mulf %get3A_1762, %mul3A_1764 : vector<16xf32>
      %get3A_1766 = arith.constant 57 : i32
      %get3A_1767 = arith.index_cast %select_n3A_261 : i32 to index
      %get3A_1768 = arith.index_cast %get3A_1766 : i32 to index
      %get3A_1769 = arith.constant 16 : index
      %get3A_1770 = tpu.vector_load %arg7[%get3A_1767, %get3A_1768, %get3A_1769] {strides = array<i32>} : memref<4x128x32xf32, #tpu.memory_space<vmem>>, vector<16xf32>,
      %mul3A_1771 = arith.constant 5.65685415 : f32
      %mul3A_1772 = vector.broadcast %mul3A_1771 : f32 to vector<16xf32>
      %mul3A_1773 = arith.mulf %get3A_1770, %mul3A_1772 : vector<16xf32>
      %scatter3A_1774 = arith.constant 0 : i32
      %scatter3A_1775 = arith.constant 0 : i32
      %scatter3A_1776 = tpu.memref_slice %arg8[%select_n3A_261, %scatter3A_1774, %scatter3A_1775] : memref<4x32x129xf32, #tpu.memory_space<vmem>> -> memref<1x32x129xf32, #tpu.memory_space<vmem>>
      %scatter3A_1777 = tpu.memref_squeeze %scatter3A_1776 : memref<1x32x129xf32, #tpu.memory_space<vmem>> -> memref<32x129xf32, #tpu.memory_space<vmem>>
      tpu.vector_store_idx %scatter3A_1777[%iota3A, %broadcast_in_dim3A_1757], %mul3A_1765 : memref<32x129xf32, #tpu.memory_space<vmem>>[vector<16xi32>, vector<16xi32>], vector<16xf32>,
      %scatter3A_1778 = arith.constant 0 : i32
      %scatter3A_1779 = arith.constant 0 : i32
      %scatter3A_1780 = tpu.memref_slice %arg8[%select_n3A_261, %scatter3A_1778, %scatter3A_1779] : memref<4x32x129xf32, #tpu.memory_space<vmem>> -> memref<1x32x129xf32, #tpu.memory_space<vmem>>
      %scatter3A_1781 = tpu.memref_squeeze %scatter3A_1780 : memref<1x32x129xf32, #tpu.memory_space<vmem>> -> memref<32x129xf32, #tpu.memory_space<vmem>>
      tpu.vector_store_idx %scatter3A_1781[%add3A_163, %broadcast_in_dim3A_1757], %mul3A_1773 : memref<32x129xf32, #tpu.memory_space<vmem>>[vector<16xi32>, vector<16xi32>], vector<16xf32>,
      %broadcast_in_dim3A_1782 = arith.constant 58 : i32
      %broadcast_in_dim3A_1783 = vector.broadcast %broadcast_in_dim3A_1782 : i32 to vector<16xi32>
      %get3A_1784 = arith.constant 58 : i32
      %get3A_1785 = arith.index_cast %select_n3A_261 : i32 to index
      %get3A_1786 = arith.index_cast %get3A_1784 : i32 to index
      %get3A_1787 = arith.constant 0 : index
      %get3A_1788 = tpu.vector_load %arg7[%get3A_1785, %get3A_1786, %get3A_1787] {strides = array<i32>} : memref<4x128x32xf32, #tpu.memory_space<vmem>>, vector<16xf32>,
      %mul3A_1789 = arith.constant 5.65685415 : f32
      %mul3A_1790 = vector.broadcast %mul3A_1789 : f32 to vector<16xf32>
      %mul3A_1791 = arith.mulf %get3A_1788, %mul3A_1790 : vector<16xf32>
      %get3A_1792 = arith.constant 58 : i32
      %get3A_1793 = arith.index_cast %select_n3A_261 : i32 to index
      %get3A_1794 = arith.index_cast %get3A_1792 : i32 to index
      %get3A_1795 = arith.constant 16 : index
      %get3A_1796 = tpu.vector_load %arg7[%get3A_1793, %get3A_1794, %get3A_1795] {strides = array<i32>} : memref<4x128x32xf32, #tpu.memory_space<vmem>>, vector<16xf32>,
      %mul3A_1797 = arith.constant 5.65685415 : f32
      %mul3A_1798 = vector.broadcast %mul3A_1797 : f32 to vector<16xf32>
      %mul3A_1799 = arith.mulf %get3A_1796, %mul3A_1798 : vector<16xf32>
      %scatter3A_1800 = arith.constant 0 : i32
      %scatter3A_1801 = arith.constant 0 : i32
      %scatter3A_1802 = tpu.memref_slice %arg8[%select_n3A_261, %scatter3A_1800, %scatter3A_1801] : memref<4x32x129xf32, #tpu.memory_space<vmem>> -> memref<1x32x129xf32, #tpu.memory_space<vmem>>
      %scatter3A_1803 = tpu.memref_squeeze %scatter3A_1802 : memref<1x32x129xf32, #tpu.memory_space<vmem>> -> memref<32x129xf32, #tpu.memory_space<vmem>>
      tpu.vector_store_idx %scatter3A_1803[%iota3A, %broadcast_in_dim3A_1783], %mul3A_1791 : memref<32x129xf32, #tpu.memory_space<vmem>>[vector<16xi32>, vector<16xi32>], vector<16xf32>,
      %scatter3A_1804 = arith.constant 0 : i32
      %scatter3A_1805 = arith.constant 0 : i32
      %scatter3A_1806 = tpu.memref_slice %arg8[%select_n3A_261, %scatter3A_1804, %scatter3A_1805] : memref<4x32x129xf32, #tpu.memory_space<vmem>> -> memref<1x32x129xf32, #tpu.memory_space<vmem>>
      %scatter3A_1807 = tpu.memref_squeeze %scatter3A_1806 : memref<1x32x129xf32, #tpu.memory_space<vmem>> -> memref<32x129xf32, #tpu.memory_space<vmem>>
      tpu.vector_store_idx %scatter3A_1807[%add3A_163, %broadcast_in_dim3A_1783], %mul3A_1799 : memref<32x129xf32, #tpu.memory_space<vmem>>[vector<16xi32>, vector<16xi32>], vector<16xf32>,
      %broadcast_in_dim3A_1808 = arith.constant 59 : i32
      %broadcast_in_dim3A_1809 = vector.broadcast %broadcast_in_dim3A_1808 : i32 to vector<16xi32>
      %get3A_1810 = arith.constant 59 : i32
      %get3A_1811 = arith.index_cast %select_n3A_261 : i32 to index
      %get3A_1812 = arith.index_cast %get3A_1810 : i32 to index
      %get3A_1813 = arith.constant 0 : index
      %get3A_1814 = tpu.vector_load %arg7[%get3A_1811, %get3A_1812, %get3A_1813] {strides = array<i32>} : memref<4x128x32xf32, #tpu.memory_space<vmem>>, vector<16xf32>,
      %mul3A_1815 = arith.constant 5.65685415 : f32
      %mul3A_1816 = vector.broadcast %mul3A_1815 : f32 to vector<16xf32>
      %mul3A_1817 = arith.mulf %get3A_1814, %mul3A_1816 : vector<16xf32>
      %get3A_1818 = arith.constant 59 : i32
      %get3A_1819 = arith.index_cast %select_n3A_261 : i32 to index
      %get3A_1820 = arith.index_cast %get3A_1818 : i32 to index
      %get3A_1821 = arith.constant 16 : index
      %get3A_1822 = tpu.vector_load %arg7[%get3A_1819, %get3A_1820, %get3A_1821] {strides = array<i32>} : memref<4x128x32xf32, #tpu.memory_space<vmem>>, vector<16xf32>,
      %mul3A_1823 = arith.constant 5.65685415 : f32
      %mul3A_1824 = vector.broadcast %mul3A_1823 : f32 to vector<16xf32>
      %mul3A_1825 = arith.mulf %get3A_1822, %mul3A_1824 : vector<16xf32>
      %scatter3A_1826 = arith.constant 0 : i32
      %scatter3A_1827 = arith.constant 0 : i32
      %scatter3A_1828 = tpu.memref_slice %arg8[%select_n3A_261, %scatter3A_1826, %scatter3A_1827] : memref<4x32x129xf32, #tpu.memory_space<vmem>> -> memref<1x32x129xf32, #tpu.memory_space<vmem>>
      %scatter3A_1829 = tpu.memref_squeeze %scatter3A_1828 : memref<1x32x129xf32, #tpu.memory_space<vmem>> -> memref<32x129xf32, #tpu.memory_space<vmem>>
      tpu.vector_store_idx %scatter3A_1829[%iota3A, %broadcast_in_dim3A_1809], %mul3A_1817 : memref<32x129xf32, #tpu.memory_space<vmem>>[vector<16xi32>, vector<16xi32>], vector<16xf32>,
      %scatter3A_1830 = arith.constant 0 : i32
      %scatter3A_1831 = arith.constant 0 : i32
      %scatter3A_1832 = tpu.memref_slice %arg8[%select_n3A_261, %scatter3A_1830, %scatter3A_1831] : memref<4x32x129xf32, #tpu.memory_space<vmem>> -> memref<1x32x129xf32, #tpu.memory_space<vmem>>
      %scatter3A_1833 = tpu.memref_squeeze %scatter3A_1832 : memref<1x32x129xf32, #tpu.memory_space<vmem>> -> memref<32x129xf32, #tpu.memory_space<vmem>>
      tpu.vector_store_idx %scatter3A_1833[%add3A_163, %broadcast_in_dim3A_1809], %mul3A_1825 : memref<32x129xf32, #tpu.memory_space<vmem>>[vector<16xi32>, vector<16xi32>], vector<16xf32>,
      %broadcast_in_dim3A_1834 = arith.constant 60 : i32
      %broadcast_in_dim3A_1835 = vector.broadcast %broadcast_in_dim3A_1834 : i32 to vector<16xi32>
      %get3A_1836 = arith.constant 60 : i32
      %get3A_1837 = arith.index_cast %select_n3A_261 : i32 to index
      %get3A_1838 = arith.index_cast %get3A_1836 : i32 to index
      %get3A_1839 = arith.constant 0 : index
      %get3A_1840 = tpu.vector_load %arg7[%get3A_1837, %get3A_1838, %get3A_1839] {strides = array<i32>} : memref<4x128x32xf32, #tpu.memory_space<vmem>>, vector<16xf32>,
      %mul3A_1841 = arith.constant 5.65685415 : f32
      %mul3A_1842 = vector.broadcast %mul3A_1841 : f32 to vector<16xf32>
      %mul3A_1843 = arith.mulf %get3A_1840, %mul3A_1842 : vector<16xf32>
      %get3A_1844 = arith.constant 60 : i32
      %get3A_1845 = arith.index_cast %select_n3A_261 : i32 to index
      %get3A_1846 = arith.index_cast %get3A_1844 : i32 to index
      %get3A_1847 = arith.constant 16 : index
      %get3A_1848 = tpu.vector_load %arg7[%get3A_1845, %get3A_1846, %get3A_1847] {strides = array<i32>} : memref<4x128x32xf32, #tpu.memory_space<vmem>>, vector<16xf32>,
      %mul3A_1849 = arith.constant 5.65685415 : f32
      %mul3A_1850 = vector.broadcast %mul3A_1849 : f32 to vector<16xf32>
      %mul3A_1851 = arith.mulf %get3A_1848, %mul3A_1850 : vector<16xf32>
      %scatter3A_1852 = arith.constant 0 : i32
      %scatter3A_1853 = arith.constant 0 : i32
      %scatter3A_1854 = tpu.memref_slice %arg8[%select_n3A_261, %scatter3A_1852, %scatter3A_1853] : memref<4x32x129xf32, #tpu.memory_space<vmem>> -> memref<1x32x129xf32, #tpu.memory_space<vmem>>
      %scatter3A_1855 = tpu.memref_squeeze %scatter3A_1854 : memref<1x32x129xf32, #tpu.memory_space<vmem>> -> memref<32x129xf32, #tpu.memory_space<vmem>>
      tpu.vector_store_idx %scatter3A_1855[%iota3A, %broadcast_in_dim3A_1835], %mul3A_1843 : memref<32x129xf32, #tpu.memory_space<vmem>>[vector<16xi32>, vector<16xi32>], vector<16xf32>,
      %scatter3A_1856 = arith.constant 0 : i32
      %scatter3A_1857 = arith.constant 0 : i32
      %scatter3A_1858 = tpu.memref_slice %arg8[%select_n3A_261, %scatter3A_1856, %scatter3A_1857] : memref<4x32x129xf32, #tpu.memory_space<vmem>> -> memref<1x32x129xf32, #tpu.memory_space<vmem>>
      %scatter3A_1859 = tpu.memref_squeeze %scatter3A_1858 : memref<1x32x129xf32, #tpu.memory_space<vmem>> -> memref<32x129xf32, #tpu.memory_space<vmem>>
      tpu.vector_store_idx %scatter3A_1859[%add3A_163, %broadcast_in_dim3A_1835], %mul3A_1851 : memref<32x129xf32, #tpu.memory_space<vmem>>[vector<16xi32>, vector<16xi32>], vector<16xf32>,
      %broadcast_in_dim3A_1860 = arith.constant 61 : i32
      %broadcast_in_dim3A_1861 = vector.broadcast %broadcast_in_dim3A_1860 : i32 to vector<16xi32>
      %get3A_1862 = arith.constant 61 : i32
      %get3A_1863 = arith.index_cast %select_n3A_261 : i32 to index
      %get3A_1864 = arith.index_cast %get3A_1862 : i32 to index
      %get3A_1865 = arith.constant 0 : index
      %get3A_1866 = tpu.vector_load %arg7[%get3A_1863, %get3A_1864, %get3A_1865] {strides = array<i32>} : memref<4x128x32xf32, #tpu.memory_space<vmem>>, vector<16xf32>,
      %mul3A_1867 = arith.constant 5.65685415 : f32
      %mul3A_1868 = vector.broadcast %mul3A_1867 : f32 to vector<16xf32>
      %mul3A_1869 = arith.mulf %get3A_1866, %mul3A_1868 : vector<16xf32>
      %get3A_1870 = arith.constant 61 : i32
      %get3A_1871 = arith.index_cast %select_n3A_261 : i32 to index
      %get3A_1872 = arith.index_cast %get3A_1870 : i32 to index
      %get3A_1873 = arith.constant 16 : index
      %get3A_1874 = tpu.vector_load %arg7[%get3A_1871, %get3A_1872, %get3A_1873] {strides = array<i32>} : memref<4x128x32xf32, #tpu.memory_space<vmem>>, vector<16xf32>,
      %mul3A_1875 = arith.constant 5.65685415 : f32
      %mul3A_1876 = vector.broadcast %mul3A_1875 : f32 to vector<16xf32>
      %mul3A_1877 = arith.mulf %get3A_1874, %mul3A_1876 : vector<16xf32>
      %scatter3A_1878 = arith.constant 0 : i32
      %scatter3A_1879 = arith.constant 0 : i32
      %scatter3A_1880 = tpu.memref_slice %arg8[%select_n3A_261, %scatter3A_1878, %scatter3A_1879] : memref<4x32x129xf32, #tpu.memory_space<vmem>> -> memref<1x32x129xf32, #tpu.memory_space<vmem>>
      %scatter3A_1881 = tpu.memref_squeeze %scatter3A_1880 : memref<1x32x129xf32, #tpu.memory_space<vmem>> -> memref<32x129xf32, #tpu.memory_space<vmem>>
      tpu.vector_store_idx %scatter3A_1881[%iota3A, %broadcast_in_dim3A_1861], %mul3A_1869 : memref<32x129xf32, #tpu.memory_space<vmem>>[vector<16xi32>, vector<16xi32>], vector<16xf32>,
      %scatter3A_1882 = arith.constant 0 : i32
      %scatter3A_1883 = arith.constant 0 : i32
      %scatter3A_1884 = tpu.memref_slice %arg8[%select_n3A_261, %scatter3A_1882, %scatter3A_1883] : memref<4x32x129xf32, #tpu.memory_space<vmem>> -> memref<1x32x129xf32, #tpu.memory_space<vmem>>
      %scatter3A_1885 = tpu.memref_squeeze %scatter3A_1884 : memref<1x32x129xf32, #tpu.memory_space<vmem>> -> memref<32x129xf32, #tpu.memory_space<vmem>>
      tpu.vector_store_idx %scatter3A_1885[%add3A_163, %broadcast_in_dim3A_1861], %mul3A_1877 : memref<32x129xf32, #tpu.memory_space<vmem>>[vector<16xi32>, vector<16xi32>], vector<16xf32>,
      %broadcast_in_dim3A_1886 = arith.constant 62 : i32
      %broadcast_in_dim3A_1887 = vector.broadcast %broadcast_in_dim3A_1886 : i32 to vector<16xi32>
      %get3A_1888 = arith.constant 62 : i32
      %get3A_1889 = arith.index_cast %select_n3A_261 : i32 to index
      %get3A_1890 = arith.index_cast %get3A_1888 : i32 to index
      %get3A_1891 = arith.constant 0 : index
      %get3A_1892 = tpu.vector_load %arg7[%get3A_1889, %get3A_1890, %get3A_1891] {strides = array<i32>} : memref<4x128x32xf32, #tpu.memory_space<vmem>>, vector<16xf32>,
      %mul3A_1893 = arith.constant 5.65685415 : f32
      %mul3A_1894 = vector.broadcast %mul3A_1893 : f32 to vector<16xf32>
      %mul3A_1895 = arith.mulf %get3A_1892, %mul3A_1894 : vector<16xf32>
      %get3A_1896 = arith.constant 62 : i32
      %get3A_1897 = arith.index_cast %select_n3A_261 : i32 to index
      %get3A_1898 = arith.index_cast %get3A_1896 : i32 to index
      %get3A_1899 = arith.constant 16 : index
      %get3A_1900 = tpu.vector_load %arg7[%get3A_1897, %get3A_1898, %get3A_1899] {strides = array<i32>} : memref<4x128x32xf32, #tpu.memory_space<vmem>>, vector<16xf32>,
      %mul3A_1901 = arith.constant 5.65685415 : f32
      %mul3A_1902 = vector.broadcast %mul3A_1901 : f32 to vector<16xf32>
      %mul3A_1903 = arith.mulf %get3A_1900, %mul3A_1902 : vector<16xf32>
      %scatter3A_1904 = arith.constant 0 : i32
      %scatter3A_1905 = arith.constant 0 : i32
      %scatter3A_1906 = tpu.memref_slice %arg8[%select_n3A_261, %scatter3A_1904, %scatter3A_1905] : memref<4x32x129xf32, #tpu.memory_space<vmem>> -> memref<1x32x129xf32, #tpu.memory_space<vmem>>
      %scatter3A_1907 = tpu.memref_squeeze %scatter3A_1906 : memref<1x32x129xf32, #tpu.memory_space<vmem>> -> memref<32x129xf32, #tpu.memory_space<vmem>>
      tpu.vector_store_idx %scatter3A_1907[%iota3A, %broadcast_in_dim3A_1887], %mul3A_1895 : memref<32x129xf32, #tpu.memory_space<vmem>>[vector<16xi32>, vector<16xi32>], vector<16xf32>,
      %scatter3A_1908 = arith.constant 0 : i32
      %scatter3A_1909 = arith.constant 0 : i32
      %scatter3A_1910 = tpu.memref_slice %arg8[%select_n3A_261, %scatter3A_1908, %scatter3A_1909] : memref<4x32x129xf32, #tpu.memory_space<vmem>> -> memref<1x32x129xf32, #tpu.memory_space<vmem>>
      %scatter3A_1911 = tpu.memref_squeeze %scatter3A_1910 : memref<1x32x129xf32, #tpu.memory_space<vmem>> -> memref<32x129xf32, #tpu.memory_space<vmem>>
      tpu.vector_store_idx %scatter3A_1911[%add3A_163, %broadcast_in_dim3A_1887], %mul3A_1903 : memref<32x129xf32, #tpu.memory_space<vmem>>[vector<16xi32>, vector<16xi32>], vector<16xf32>,
      %broadcast_in_dim3A_1912 = arith.constant 63 : i32
      %broadcast_in_dim3A_1913 = vector.broadcast %broadcast_in_dim3A_1912 : i32 to vector<16xi32>
      %get3A_1914 = arith.constant 63 : i32
      %get3A_1915 = arith.index_cast %select_n3A_261 : i32 to index
      %get3A_1916 = arith.index_cast %get3A_1914 : i32 to index
      %get3A_1917 = arith.constant 0 : index
      %get3A_1918 = tpu.vector_load %arg7[%get3A_1915, %get3A_1916, %get3A_1917] {strides = array<i32>} : memref<4x128x32xf32, #tpu.memory_space<vmem>>, vector<16xf32>,
      %mul3A_1919 = arith.constant 5.65685415 : f32
      %mul3A_1920 = vector.broadcast %mul3A_1919 : f32 to vector<16xf32>
      %mul3A_1921 = arith.mulf %get3A_1918, %mul3A_1920 : vector<16xf32>
      %get3A_1922 = arith.constant 63 : i32
      %get3A_1923 = arith.index_cast %select_n3A_261 : i32 to index
      %get3A_1924 = arith.index_cast %get3A_1922 : i32 to index
      %get3A_1925 = arith.constant 16 : index
      %get3A_1926 = tpu.vector_load %arg7[%get3A_1923, %get3A_1924, %get3A_1925] {strides = array<i32>} : memref<4x128x32xf32, #tpu.memory_space<vmem>>, vector<16xf32>,
      %mul3A_1927 = arith.constant 5.65685415 : f32
      %mul3A_1928 = vector.broadcast %mul3A_1927 : f32 to vector<16xf32>
      %mul3A_1929 = arith.mulf %get3A_1926, %mul3A_1928 : vector<16xf32>
      %scatter3A_1930 = arith.constant 0 : i32
      %scatter3A_1931 = arith.constant 0 : i32
      %scatter3A_1932 = tpu.memref_slice %arg8[%select_n3A_261, %scatter3A_1930, %scatter3A_1931] : memref<4x32x129xf32, #tpu.memory_space<vmem>> -> memref<1x32x129xf32, #tpu.memory_space<vmem>>
      %scatter3A_1933 = tpu.memref_squeeze %scatter3A_1932 : memref<1x32x129xf32, #tpu.memory_space<vmem>> -> memref<32x129xf32, #tpu.memory_space<vmem>>
      tpu.vector_store_idx %scatter3A_1933[%iota3A, %broadcast_in_dim3A_1913], %mul3A_1921 : memref<32x129xf32, #tpu.memory_space<vmem>>[vector<16xi32>, vector<16xi32>], vector<16xf32>,
      %scatter3A_1934 = arith.constant 0 : i32
      %scatter3A_1935 = arith.constant 0 : i32
      %scatter3A_1936 = tpu.memref_slice %arg8[%select_n3A_261, %scatter3A_1934, %scatter3A_1935] : memref<4x32x129xf32, #tpu.memory_space<vmem>> -> memref<1x32x129xf32, #tpu.memory_space<vmem>>
      %scatter3A_1937 = tpu.memref_squeeze %scatter3A_1936 : memref<1x32x129xf32, #tpu.memory_space<vmem>> -> memref<32x129xf32, #tpu.memory_space<vmem>>
      tpu.vector_store_idx %scatter3A_1937[%add3A_163, %broadcast_in_dim3A_1913], %mul3A_1929 : memref<32x129xf32, #tpu.memory_space<vmem>>[vector<16xi32>, vector<16xi32>], vector<16xf32>,
      %broadcast_in_dim3A_1938 = arith.constant 64 : i32
      %broadcast_in_dim3A_1939 = vector.broadcast %broadcast_in_dim3A_1938 : i32 to vector<16xi32>
      %get3A_1940 = arith.constant 64 : i32
      %get3A_1941 = arith.index_cast %select_n3A_261 : i32 to index
      %get3A_1942 = arith.index_cast %get3A_1940 : i32 to index
      %get3A_1943 = arith.constant 0 : index
      %get3A_1944 = tpu.vector_load %arg7[%get3A_1941, %get3A_1942, %get3A_1943] {strides = array<i32>} : memref<4x128x32xf32, #tpu.memory_space<vmem>>, vector<16xf32>,
      %mul3A_1945 = arith.constant 5.65685415 : f32
      %mul3A_1946 = vector.broadcast %mul3A_1945 : f32 to vector<16xf32>
      %mul3A_1947 = arith.mulf %get3A_1944, %mul3A_1946 : vector<16xf32>
      %get3A_1948 = arith.constant 64 : i32
      %get3A_1949 = arith.index_cast %select_n3A_261 : i32 to index
      %get3A_1950 = arith.index_cast %get3A_1948 : i32 to index
      %get3A_1951 = arith.constant 16 : index
      %get3A_1952 = tpu.vector_load %arg7[%get3A_1949, %get3A_1950, %get3A_1951] {strides = array<i32>} : memref<4x128x32xf32, #tpu.memory_space<vmem>>, vector<16xf32>,
      %mul3A_1953 = arith.constant 5.65685415 : f32
      %mul3A_1954 = vector.broadcast %mul3A_1953 : f32 to vector<16xf32>
      %mul3A_1955 = arith.mulf %get3A_1952, %mul3A_1954 : vector<16xf32>
      %scatter3A_1956 = arith.constant 0 : i32
      %scatter3A_1957 = arith.constant 0 : i32
      %scatter3A_1958 = tpu.memref_slice %arg8[%select_n3A_261, %scatter3A_1956, %scatter3A_1957] : memref<4x32x129xf32, #tpu.memory_space<vmem>> -> memref<1x32x129xf32, #tpu.memory_space<vmem>>
      %scatter3A_1959 = tpu.memref_squeeze %scatter3A_1958 : memref<1x32x129xf32, #tpu.memory_space<vmem>> -> memref<32x129xf32, #tpu.memory_space<vmem>>
      tpu.vector_store_idx %scatter3A_1959[%iota3A, %broadcast_in_dim3A_1939], %mul3A_1947 : memref<32x129xf32, #tpu.memory_space<vmem>>[vector<16xi32>, vector<16xi32>], vector<16xf32>,
      %scatter3A_1960 = arith.constant 0 : i32
      %scatter3A_1961 = arith.constant 0 : i32
      %scatter3A_1962 = tpu.memref_slice %arg8[%select_n3A_261, %scatter3A_1960, %scatter3A_1961] : memref<4x32x129xf32, #tpu.memory_space<vmem>> -> memref<1x32x129xf32, #tpu.memory_space<vmem>>
      %scatter3A_1963 = tpu.memref_squeeze %scatter3A_1962 : memref<1x32x129xf32, #tpu.memory_space<vmem>> -> memref<32x129xf32, #tpu.memory_space<vmem>>
      tpu.vector_store_idx %scatter3A_1963[%add3A_163, %broadcast_in_dim3A_1939], %mul3A_1955 : memref<32x129xf32, #tpu.memory_space<vmem>>[vector<16xi32>, vector<16xi32>], vector<16xf32>,
      %broadcast_in_dim3A_1964 = arith.constant 65 : i32
      %broadcast_in_dim3A_1965 = vector.broadcast %broadcast_in_dim3A_1964 : i32 to vector<16xi32>
      %get3A_1966 = arith.constant 65 : i32
      %get3A_1967 = arith.index_cast %select_n3A_261 : i32 to index
      %get3A_1968 = arith.index_cast %get3A_1966 : i32 to index
      %get3A_1969 = arith.constant 0 : index
      %get3A_1970 = tpu.vector_load %arg7[%get3A_1967, %get3A_1968, %get3A_1969] {strides = array<i32>} : memref<4x128x32xf32, #tpu.memory_space<vmem>>, vector<16xf32>,
      %mul3A_1971 = arith.constant 5.65685415 : f32
      %mul3A_1972 = vector.broadcast %mul3A_1971 : f32 to vector<16xf32>
      %mul3A_1973 = arith.mulf %get3A_1970, %mul3A_1972 : vector<16xf32>
      %get3A_1974 = arith.constant 65 : i32
      %get3A_1975 = arith.index_cast %select_n3A_261 : i32 to index
      %get3A_1976 = arith.index_cast %get3A_1974 : i32 to index
      %get3A_1977 = arith.constant 16 : index
      %get3A_1978 = tpu.vector_load %arg7[%get3A_1975, %get3A_1976, %get3A_1977] {strides = array<i32>} : memref<4x128x32xf32, #tpu.memory_space<vmem>>, vector<16xf32>,
      %mul3A_1979 = arith.constant 5.65685415 : f32
      %mul3A_1980 = vector.broadcast %mul3A_1979 : f32 to vector<16xf32>
      %mul3A_1981 = arith.mulf %get3A_1978, %mul3A_1980 : vector<16xf32>
      %scatter3A_1982 = arith.constant 0 : i32
      %scatter3A_1983 = arith.constant 0 : i32
      %scatter3A_1984 = tpu.memref_slice %arg8[%select_n3A_261, %scatter3A_1982, %scatter3A_1983] : memref<4x32x129xf32, #tpu.memory_space<vmem>> -> memref<1x32x129xf32, #tpu.memory_space<vmem>>
      %scatter3A_1985 = tpu.memref_squeeze %scatter3A_1984 : memref<1x32x129xf32, #tpu.memory_space<vmem>> -> memref<32x129xf32, #tpu.memory_space<vmem>>
      tpu.vector_store_idx %scatter3A_1985[%iota3A, %broadcast_in_dim3A_1965], %mul3A_1973 : memref<32x129xf32, #tpu.memory_space<vmem>>[vector<16xi32>, vector<16xi32>], vector<16xf32>,
      %scatter3A_1986 = arith.constant 0 : i32
      %scatter3A_1987 = arith.constant 0 : i32
      %scatter3A_1988 = tpu.memref_slice %arg8[%select_n3A_261, %scatter3A_1986, %scatter3A_1987] : memref<4x32x129xf32, #tpu.memory_space<vmem>> -> memref<1x32x129xf32, #tpu.memory_space<vmem>>
      %scatter3A_1989 = tpu.memref_squeeze %scatter3A_1988 : memref<1x32x129xf32, #tpu.memory_space<vmem>> -> memref<32x129xf32, #tpu.memory_space<vmem>>
      tpu.vector_store_idx %scatter3A_1989[%add3A_163, %broadcast_in_dim3A_1965], %mul3A_1981 : memref<32x129xf32, #tpu.memory_space<vmem>>[vector<16xi32>, vector<16xi32>], vector<16xf32>,
      %broadcast_in_dim3A_1990 = arith.constant 66 : i32
      %broadcast_in_dim3A_1991 = vector.broadcast %broadcast_in_dim3A_1990 : i32 to vector<16xi32>
      %get3A_1992 = arith.constant 66 : i32
      %get3A_1993 = arith.index_cast %select_n3A_261 : i32 to index
      %get3A_1994 = arith.index_cast %get3A_1992 : i32 to index
      %get3A_1995 = arith.constant 0 : index
      %get3A_1996 = tpu.vector_load %arg7[%get3A_1993, %get3A_1994, %get3A_1995] {strides = array<i32>} : memref<4x128x32xf32, #tpu.memory_space<vmem>>, vector<16xf32>,
      %mul3A_1997 = arith.constant 5.65685415 : f32
      %mul3A_1998 = vector.broadcast %mul3A_1997 : f32 to vector<16xf32>
      %mul3A_1999 = arith.mulf %get3A_1996, %mul3A_1998 : vector<16xf32>
      %get3A_2000 = arith.constant 66 : i32
      %get3A_2001 = arith.index_cast %select_n3A_261 : i32 to index
      %get3A_2002 = arith.index_cast %get3A_2000 : i32 to index
      %get3A_2003 = arith.constant 16 : index
      %get3A_2004 = tpu.vector_load %arg7[%get3A_2001, %get3A_2002, %get3A_2003] {strides = array<i32>} : memref<4x128x32xf32, #tpu.memory_space<vmem>>, vector<16xf32>,
      %mul3A_2005 = arith.constant 5.65685415 : f32
      %mul3A_2006 = vector.broadcast %mul3A_2005 : f32 to vector<16xf32>
      %mul3A_2007 = arith.mulf %get3A_2004, %mul3A_2006 : vector<16xf32>
      %scatter3A_2008 = arith.constant 0 : i32
      %scatter3A_2009 = arith.constant 0 : i32
      %scatter3A_2010 = tpu.memref_slice %arg8[%select_n3A_261, %scatter3A_2008, %scatter3A_2009] : memref<4x32x129xf32, #tpu.memory_space<vmem>> -> memref<1x32x129xf32, #tpu.memory_space<vmem>>
      %scatter3A_2011 = tpu.memref_squeeze %scatter3A_2010 : memref<1x32x129xf32, #tpu.memory_space<vmem>> -> memref<32x129xf32, #tpu.memory_space<vmem>>
      tpu.vector_store_idx %scatter3A_2011[%iota3A, %broadcast_in_dim3A_1991], %mul3A_1999 : memref<32x129xf32, #tpu.memory_space<vmem>>[vector<16xi32>, vector<16xi32>], vector<16xf32>,
      %scatter3A_2012 = arith.constant 0 : i32
      %scatter3A_2013 = arith.constant 0 : i32
      %scatter3A_2014 = tpu.memref_slice %arg8[%select_n3A_261, %scatter3A_2012, %scatter3A_2013] : memref<4x32x129xf32, #tpu.memory_space<vmem>> -> memref<1x32x129xf32, #tpu.memory_space<vmem>>
      %scatter3A_2015 = tpu.memref_squeeze %scatter3A_2014 : memref<1x32x129xf32, #tpu.memory_space<vmem>> -> memref<32x129xf32, #tpu.memory_space<vmem>>
      tpu.vector_store_idx %scatter3A_2015[%add3A_163, %broadcast_in_dim3A_1991], %mul3A_2007 : memref<32x129xf32, #tpu.memory_space<vmem>>[vector<16xi32>, vector<16xi32>], vector<16xf32>,
      %broadcast_in_dim3A_2016 = arith.constant 67 : i32
      %broadcast_in_dim3A_2017 = vector.broadcast %broadcast_in_dim3A_2016 : i32 to vector<16xi32>
      %get3A_2018 = arith.constant 67 : i32
      %get3A_2019 = arith.index_cast %select_n3A_261 : i32 to index
      %get3A_2020 = arith.index_cast %get3A_2018 : i32 to index
      %get3A_2021 = arith.constant 0 : index
      %get3A_2022 = tpu.vector_load %arg7[%get3A_2019, %get3A_2020, %get3A_2021] {strides = array<i32>} : memref<4x128x32xf32, #tpu.memory_space<vmem>>, vector<16xf32>,
      %mul3A_2023 = arith.constant 5.65685415 : f32
      %mul3A_2024 = vector.broadcast %mul3A_2023 : f32 to vector<16xf32>
      %mul3A_2025 = arith.mulf %get3A_2022, %mul3A_2024 : vector<16xf32>
      %get3A_2026 = arith.constant 67 : i32
      %get3A_2027 = arith.index_cast %select_n3A_261 : i32 to index
      %get3A_2028 = arith.index_cast %get3A_2026 : i32 to index
      %get3A_2029 = arith.constant 16 : index
      %get3A_2030 = tpu.vector_load %arg7[%get3A_2027, %get3A_2028, %get3A_2029] {strides = array<i32>} : memref<4x128x32xf32, #tpu.memory_space<vmem>>, vector<16xf32>,
      %mul3A_2031 = arith.constant 5.65685415 : f32
      %mul3A_2032 = vector.broadcast %mul3A_2031 : f32 to vector<16xf32>
      %mul3A_2033 = arith.mulf %get3A_2030, %mul3A_2032 : vector<16xf32>
      %scatter3A_2034 = arith.constant 0 : i32
      %scatter3A_2035 = arith.constant 0 : i32
      %scatter3A_2036 = tpu.memref_slice %arg8[%select_n3A_261, %scatter3A_2034, %scatter3A_2035] : memref<4x32x129xf32, #tpu.memory_space<vmem>> -> memref<1x32x129xf32, #tpu.memory_space<vmem>>
      %scatter3A_2037 = tpu.memref_squeeze %scatter3A_2036 : memref<1x32x129xf32, #tpu.memory_space<vmem>> -> memref<32x129xf32, #tpu.memory_space<vmem>>
      tpu.vector_store_idx %scatter3A_2037[%iota3A, %broadcast_in_dim3A_2017], %mul3A_2025 : memref<32x129xf32, #tpu.memory_space<vmem>>[vector<16xi32>, vector<16xi32>], vector<16xf32>,
      %scatter3A_2038 = arith.constant 0 : i32
      %scatter3A_2039 = arith.constant 0 : i32
      %scatter3A_2040 = tpu.memref_slice %arg8[%select_n3A_261, %scatter3A_2038, %scatter3A_2039] : memref<4x32x129xf32, #tpu.memory_space<vmem>> -> memref<1x32x129xf32, #tpu.memory_space<vmem>>
      %scatter3A_2041 = tpu.memref_squeeze %scatter3A_2040 : memref<1x32x129xf32, #tpu.memory_space<vmem>> -> memref<32x129xf32, #tpu.memory_space<vmem>>
      tpu.vector_store_idx %scatter3A_2041[%add3A_163, %broadcast_in_dim3A_2017], %mul3A_2033 : memref<32x129xf32, #tpu.memory_space<vmem>>[vector<16xi32>, vector<16xi32>], vector<16xf32>,
      %broadcast_in_dim3A_2042 = arith.constant 68 : i32
      %broadcast_in_dim3A_2043 = vector.broadcast %broadcast_in_dim3A_2042 : i32 to vector<16xi32>
      %get3A_2044 = arith.constant 68 : i32
      %get3A_2045 = arith.index_cast %select_n3A_261 : i32 to index
      %get3A_2046 = arith.index_cast %get3A_2044 : i32 to index
      %get3A_2047 = arith.constant 0 : index
      %get3A_2048 = tpu.vector_load %arg7[%get3A_2045, %get3A_2046, %get3A_2047] {strides = array<i32>} : memref<4x128x32xf32, #tpu.memory_space<vmem>>, vector<16xf32>,
      %mul3A_2049 = arith.constant 5.65685415 : f32
      %mul3A_2050 = vector.broadcast %mul3A_2049 : f32 to vector<16xf32>
      %mul3A_2051 = arith.mulf %get3A_2048, %mul3A_2050 : vector<16xf32>
      %get3A_2052 = arith.constant 68 : i32
      %get3A_2053 = arith.index_cast %select_n3A_261 : i32 to index
      %get3A_2054 = arith.index_cast %get3A_2052 : i32 to index
      %get3A_2055 = arith.constant 16 : index
      %get3A_2056 = tpu.vector_load %arg7[%get3A_2053, %get3A_2054, %get3A_2055] {strides = array<i32>} : memref<4x128x32xf32, #tpu.memory_space<vmem>>, vector<16xf32>,
      %mul3A_2057 = arith.constant 5.65685415 : f32
      %mul3A_2058 = vector.broadcast %mul3A_2057 : f32 to vector<16xf32>
      %mul3A_2059 = arith.mulf %get3A_2056, %mul3A_2058 : vector<16xf32>
      %scatter3A_2060 = arith.constant 0 : i32
      %scatter3A_2061 = arith.constant 0 : i32
      %scatter3A_2062 = tpu.memref_slice %arg8[%select_n3A_261, %scatter3A_2060, %scatter3A_2061] : memref<4x32x129xf32, #tpu.memory_space<vmem>> -> memref<1x32x129xf32, #tpu.memory_space<vmem>>
      %scatter3A_2063 = tpu.memref_squeeze %scatter3A_2062 : memref<1x32x129xf32, #tpu.memory_space<vmem>> -> memref<32x129xf32, #tpu.memory_space<vmem>>
      tpu.vector_store_idx %scatter3A_2063[%iota3A, %broadcast_in_dim3A_2043], %mul3A_2051 : memref<32x129xf32, #tpu.memory_space<vmem>>[vector<16xi32>, vector<16xi32>], vector<16xf32>,
      %scatter3A_2064 = arith.constant 0 : i32
      %scatter3A_2065 = arith.constant 0 : i32
      %scatter3A_2066 = tpu.memref_slice %arg8[%select_n3A_261, %scatter3A_2064, %scatter3A_2065] : memref<4x32x129xf32, #tpu.memory_space<vmem>> -> memref<1x32x129xf32, #tpu.memory_space<vmem>>
      %scatter3A_2067 = tpu.memref_squeeze %scatter3A_2066 : memref<1x32x129xf32, #tpu.memory_space<vmem>> -> memref<32x129xf32, #tpu.memory_space<vmem>>
      tpu.vector_store_idx %scatter3A_2067[%add3A_163, %broadcast_in_dim3A_2043], %mul3A_2059 : memref<32x129xf32, #tpu.memory_space<vmem>>[vector<16xi32>, vector<16xi32>], vector<16xf32>,
      %broadcast_in_dim3A_2068 = arith.constant 69 : i32
      %broadcast_in_dim3A_2069 = vector.broadcast %broadcast_in_dim3A_2068 : i32 to vector<16xi32>
      %get3A_2070 = arith.constant 69 : i32
      %get3A_2071 = arith.index_cast %select_n3A_261 : i32 to index
      %get3A_2072 = arith.index_cast %get3A_2070 : i32 to index
      %get3A_2073 = arith.constant 0 : index
      %get3A_2074 = tpu.vector_load %arg7[%get3A_2071, %get3A_2072, %get3A_2073] {strides = array<i32>} : memref<4x128x32xf32, #tpu.memory_space<vmem>>, vector<16xf32>,
      %mul3A_2075 = arith.constant 5.65685415 : f32
      %mul3A_2076 = vector.broadcast %mul3A_2075 : f32 to vector<16xf32>
      %mul3A_2077 = arith.mulf %get3A_2074, %mul3A_2076 : vector<16xf32>
      %get3A_2078 = arith.constant 69 : i32
      %get3A_2079 = arith.index_cast %select_n3A_261 : i32 to index
      %get3A_2080 = arith.index_cast %get3A_2078 : i32 to index
      %get3A_2081 = arith.constant 16 : index
      %get3A_2082 = tpu.vector_load %arg7[%get3A_2079, %get3A_2080, %get3A_2081] {strides = array<i32>} : memref<4x128x32xf32, #tpu.memory_space<vmem>>, vector<16xf32>,
      %mul3A_2083 = arith.constant 5.65685415 : f32
      %mul3A_2084 = vector.broadcast %mul3A_2083 : f32 to vector<16xf32>
      %mul3A_2085 = arith.mulf %get3A_2082, %mul3A_2084 : vector<16xf32>
      %scatter3A_2086 = arith.constant 0 : i32
      %scatter3A_2087 = arith.constant 0 : i32
      %scatter3A_2088 = tpu.memref_slice %arg8[%select_n3A_261, %scatter3A_2086, %scatter3A_2087] : memref<4x32x129xf32, #tpu.memory_space<vmem>> -> memref<1x32x129xf32, #tpu.memory_space<vmem>>
      %scatter3A_2089 = tpu.memref_squeeze %scatter3A_2088 : memref<1x32x129xf32, #tpu.memory_space<vmem>> -> memref<32x129xf32, #tpu.memory_space<vmem>>
      tpu.vector_store_idx %scatter3A_2089[%iota3A, %broadcast_in_dim3A_2069], %mul3A_2077 : memref<32x129xf32, #tpu.memory_space<vmem>>[vector<16xi32>, vector<16xi32>], vector<16xf32>,
      %scatter3A_2090 = arith.constant 0 : i32
      %scatter3A_2091 = arith.constant 0 : i32
      %scatter3A_2092 = tpu.memref_slice %arg8[%select_n3A_261, %scatter3A_2090, %scatter3A_2091] : memref<4x32x129xf32, #tpu.memory_space<vmem>> -> memref<1x32x129xf32, #tpu.memory_space<vmem>>
      %scatter3A_2093 = tpu.memref_squeeze %scatter3A_2092 : memref<1x32x129xf32, #tpu.memory_space<vmem>> -> memref<32x129xf32, #tpu.memory_space<vmem>>
      tpu.vector_store_idx %scatter3A_2093[%add3A_163, %broadcast_in_dim3A_2069], %mul3A_2085 : memref<32x129xf32, #tpu.memory_space<vmem>>[vector<16xi32>, vector<16xi32>], vector<16xf32>,
      %broadcast_in_dim3A_2094 = arith.constant 70 : i32
      %broadcast_in_dim3A_2095 = vector.broadcast %broadcast_in_dim3A_2094 : i32 to vector<16xi32>
      %get3A_2096 = arith.constant 70 : i32
      %get3A_2097 = arith.index_cast %select_n3A_261 : i32 to index
      %get3A_2098 = arith.index_cast %get3A_2096 : i32 to index
      %get3A_2099 = arith.constant 0 : index
      %get3A_2100 = tpu.vector_load %arg7[%get3A_2097, %get3A_2098, %get3A_2099] {strides = array<i32>} : memref<4x128x32xf32, #tpu.memory_space<vmem>>, vector<16xf32>,
      %mul3A_2101 = arith.constant 5.65685415 : f32
      %mul3A_2102 = vector.broadcast %mul3A_2101 : f32 to vector<16xf32>
      %mul3A_2103 = arith.mulf %get3A_2100, %mul3A_2102 : vector<16xf32>
      %get3A_2104 = arith.constant 70 : i32
      %get3A_2105 = arith.index_cast %select_n3A_261 : i32 to index
      %get3A_2106 = arith.index_cast %get3A_2104 : i32 to index
      %get3A_2107 = arith.constant 16 : index
      %get3A_2108 = tpu.vector_load %arg7[%get3A_2105, %get3A_2106, %get3A_2107] {strides = array<i32>} : memref<4x128x32xf32, #tpu.memory_space<vmem>>, vector<16xf32>,
      %mul3A_2109 = arith.constant 5.65685415 : f32
      %mul3A_2110 = vector.broadcast %mul3A_2109 : f32 to vector<16xf32>
      %mul3A_2111 = arith.mulf %get3A_2108, %mul3A_2110 : vector<16xf32>
      %scatter3A_2112 = arith.constant 0 : i32
      %scatter3A_2113 = arith.constant 0 : i32
      %scatter3A_2114 = tpu.memref_slice %arg8[%select_n3A_261, %scatter3A_2112, %scatter3A_2113] : memref<4x32x129xf32, #tpu.memory_space<vmem>> -> memref<1x32x129xf32, #tpu.memory_space<vmem>>
      %scatter3A_2115 = tpu.memref_squeeze %scatter3A_2114 : memref<1x32x129xf32, #tpu.memory_space<vmem>> -> memref<32x129xf32, #tpu.memory_space<vmem>>
      tpu.vector_store_idx %scatter3A_2115[%iota3A, %broadcast_in_dim3A_2095], %mul3A_2103 : memref<32x129xf32, #tpu.memory_space<vmem>>[vector<16xi32>, vector<16xi32>], vector<16xf32>,
      %scatter3A_2116 = arith.constant 0 : i32
      %scatter3A_2117 = arith.constant 0 : i32
      %scatter3A_2118 = tpu.memref_slice %arg8[%select_n3A_261, %scatter3A_2116, %scatter3A_2117] : memref<4x32x129xf32, #tpu.memory_space<vmem>> -> memref<1x32x129xf32, #tpu.memory_space<vmem>>
      %scatter3A_2119 = tpu.memref_squeeze %scatter3A_2118 : memref<1x32x129xf32, #tpu.memory_space<vmem>> -> memref<32x129xf32, #tpu.memory_space<vmem>>
      tpu.vector_store_idx %scatter3A_2119[%add3A_163, %broadcast_in_dim3A_2095], %mul3A_2111 : memref<32x129xf32, #tpu.memory_space<vmem>>[vector<16xi32>, vector<16xi32>], vector<16xf32>,
      %broadcast_in_dim3A_2120 = arith.constant 71 : i32
      %broadcast_in_dim3A_2121 = vector.broadcast %broadcast_in_dim3A_2120 : i32 to vector<16xi32>
      %get3A_2122 = arith.constant 71 : i32
      %get3A_2123 = arith.index_cast %select_n3A_261 : i32 to index
      %get3A_2124 = arith.index_cast %get3A_2122 : i32 to index
      %get3A_2125 = arith.constant 0 : index
      %get3A_2126 = tpu.vector_load %arg7[%get3A_2123, %get3A_2124, %get3A_2125] {strides = array<i32>} : memref<4x128x32xf32, #tpu.memory_space<vmem>>, vector<16xf32>,
      %mul3A_2127 = arith.constant 5.65685415 : f32
      %mul3A_2128 = vector.broadcast %mul3A_2127 : f32 to vector<16xf32>
      %mul3A_2129 = arith.mulf %get3A_2126, %mul3A_2128 : vector<16xf32>
      %get3A_2130 = arith.constant 71 : i32
      %get3A_2131 = arith.index_cast %select_n3A_261 : i32 to index
      %get3A_2132 = arith.index_cast %get3A_2130 : i32 to index
      %get3A_2133 = arith.constant 16 : index
      %get3A_2134 = tpu.vector_load %arg7[%get3A_2131, %get3A_2132, %get3A_2133] {strides = array<i32>} : memref<4x128x32xf32, #tpu.memory_space<vmem>>, vector<16xf32>,
      %mul3A_2135 = arith.constant 5.65685415 : f32
      %mul3A_2136 = vector.broadcast %mul3A_2135 : f32 to vector<16xf32>
      %mul3A_2137 = arith.mulf %get3A_2134, %mul3A_2136 : vector<16xf32>
      %scatter3A_2138 = arith.constant 0 : i32
      %scatter3A_2139 = arith.constant 0 : i32
      %scatter3A_2140 = tpu.memref_slice %arg8[%select_n3A_261, %scatter3A_2138, %scatter3A_2139] : memref<4x32x129xf32, #tpu.memory_space<vmem>> -> memref<1x32x129xf32, #tpu.memory_space<vmem>>
      %scatter3A_2141 = tpu.memref_squeeze %scatter3A_2140 : memref<1x32x129xf32, #tpu.memory_space<vmem>> -> memref<32x129xf32, #tpu.memory_space<vmem>>
      tpu.vector_store_idx %scatter3A_2141[%iota3A, %broadcast_in_dim3A_2121], %mul3A_2129 : memref<32x129xf32, #tpu.memory_space<vmem>>[vector<16xi32>, vector<16xi32>], vector<16xf32>,
      %scatter3A_2142 = arith.constant 0 : i32
      %scatter3A_2143 = arith.constant 0 : i32
      %scatter3A_2144 = tpu.memref_slice %arg8[%select_n3A_261, %scatter3A_2142, %scatter3A_2143] : memref<4x32x129xf32, #tpu.memory_space<vmem>> -> memref<1x32x129xf32, #tpu.memory_space<vmem>>
      %scatter3A_2145 = tpu.memref_squeeze %scatter3A_2144 : memref<1x32x129xf32, #tpu.memory_space<vmem>> -> memref<32x129xf32, #tpu.memory_space<vmem>>
      tpu.vector_store_idx %scatter3A_2145[%add3A_163, %broadcast_in_dim3A_2121], %mul3A_2137 : memref<32x129xf32, #tpu.memory_space<vmem>>[vector<16xi32>, vector<16xi32>], vector<16xf32>,
      %broadcast_in_dim3A_2146 = arith.constant 72 : i32
      %broadcast_in_dim3A_2147 = vector.broadcast %broadcast_in_dim3A_2146 : i32 to vector<16xi32>
      %get3A_2148 = arith.constant 72 : i32
      %get3A_2149 = arith.index_cast %select_n3A_261 : i32 to index
      %get3A_2150 = arith.index_cast %get3A_2148 : i32 to index
      %get3A_2151 = arith.constant 0 : index
      %get3A_2152 = tpu.vector_load %arg7[%get3A_2149, %get3A_2150, %get3A_2151] {strides = array<i32>} : memref<4x128x32xf32, #tpu.memory_space<vmem>>, vector<16xf32>,
      %mul3A_2153 = arith.constant 5.65685415 : f32
      %mul3A_2154 = vector.broadcast %mul3A_2153 : f32 to vector<16xf32>
      %mul3A_2155 = arith.mulf %get3A_2152, %mul3A_2154 : vector<16xf32>
      %get3A_2156 = arith.constant 72 : i32
      %get3A_2157 = arith.index_cast %select_n3A_261 : i32 to index
      %get3A_2158 = arith.index_cast %get3A_2156 : i32 to index
      %get3A_2159 = arith.constant 16 : index
      %get3A_2160 = tpu.vector_load %arg7[%get3A_2157, %get3A_2158, %get3A_2159] {strides = array<i32>} : memref<4x128x32xf32, #tpu.memory_space<vmem>>, vector<16xf32>,
      %mul3A_2161 = arith.constant 5.65685415 : f32
      %mul3A_2162 = vector.broadcast %mul3A_2161 : f32 to vector<16xf32>
      %mul3A_2163 = arith.mulf %get3A_2160, %mul3A_2162 : vector<16xf32>
      %scatter3A_2164 = arith.constant 0 : i32
      %scatter3A_2165 = arith.constant 0 : i32
      %scatter3A_2166 = tpu.memref_slice %arg8[%select_n3A_261, %scatter3A_2164, %scatter3A_2165] : memref<4x32x129xf32, #tpu.memory_space<vmem>> -> memref<1x32x129xf32, #tpu.memory_space<vmem>>
      %scatter3A_2167 = tpu.memref_squeeze %scatter3A_2166 : memref<1x32x129xf32, #tpu.memory_space<vmem>> -> memref<32x129xf32, #tpu.memory_space<vmem>>
      tpu.vector_store_idx %scatter3A_2167[%iota3A, %broadcast_in_dim3A_2147], %mul3A_2155 : memref<32x129xf32, #tpu.memory_space<vmem>>[vector<16xi32>, vector<16xi32>], vector<16xf32>,
      %scatter3A_2168 = arith.constant 0 : i32
      %scatter3A_2169 = arith.constant 0 : i32
      %scatter3A_2170 = tpu.memref_slice %arg8[%select_n3A_261, %scatter3A_2168, %scatter3A_2169] : memref<4x32x129xf32, #tpu.memory_space<vmem>> -> memref<1x32x129xf32, #tpu.memory_space<vmem>>
      %scatter3A_2171 = tpu.memref_squeeze %scatter3A_2170 : memref<1x32x129xf32, #tpu.memory_space<vmem>> -> memref<32x129xf32, #tpu.memory_space<vmem>>
      tpu.vector_store_idx %scatter3A_2171[%add3A_163, %broadcast_in_dim3A_2147], %mul3A_2163 : memref<32x129xf32, #tpu.memory_space<vmem>>[vector<16xi32>, vector<16xi32>], vector<16xf32>,
      %broadcast_in_dim3A_2172 = arith.constant 73 : i32
      %broadcast_in_dim3A_2173 = vector.broadcast %broadcast_in_dim3A_2172 : i32 to vector<16xi32>
      %get3A_2174 = arith.constant 73 : i32
      %get3A_2175 = arith.index_cast %select_n3A_261 : i32 to index
      %get3A_2176 = arith.index_cast %get3A_2174 : i32 to index
      %get3A_2177 = arith.constant 0 : index
      %get3A_2178 = tpu.vector_load %arg7[%get3A_2175, %get3A_2176, %get3A_2177] {strides = array<i32>} : memref<4x128x32xf32, #tpu.memory_space<vmem>>, vector<16xf32>,
      %mul3A_2179 = arith.constant 5.65685415 : f32
      %mul3A_2180 = vector.broadcast %mul3A_2179 : f32 to vector<16xf32>
      %mul3A_2181 = arith.mulf %get3A_2178, %mul3A_2180 : vector<16xf32>
      %get3A_2182 = arith.constant 73 : i32
      %get3A_2183 = arith.index_cast %select_n3A_261 : i32 to index
      %get3A_2184 = arith.index_cast %get3A_2182 : i32 to index
      %get3A_2185 = arith.constant 16 : index
      %get3A_2186 = tpu.vector_load %arg7[%get3A_2183, %get3A_2184, %get3A_2185] {strides = array<i32>} : memref<4x128x32xf32, #tpu.memory_space<vmem>>, vector<16xf32>,
      %mul3A_2187 = arith.constant 5.65685415 : f32
      %mul3A_2188 = vector.broadcast %mul3A_2187 : f32 to vector<16xf32>
      %mul3A_2189 = arith.mulf %get3A_2186, %mul3A_2188 : vector<16xf32>
      %scatter3A_2190 = arith.constant 0 : i32
      %scatter3A_2191 = arith.constant 0 : i32
      %scatter3A_2192 = tpu.memref_slice %arg8[%select_n3A_261, %scatter3A_2190, %scatter3A_2191] : memref<4x32x129xf32, #tpu.memory_space<vmem>> -> memref<1x32x129xf32, #tpu.memory_space<vmem>>
      %scatter3A_2193 = tpu.memref_squeeze %scatter3A_2192 : memref<1x32x129xf32, #tpu.memory_space<vmem>> -> memref<32x129xf32, #tpu.memory_space<vmem>>
      tpu.vector_store_idx %scatter3A_2193[%iota3A, %broadcast_in_dim3A_2173], %mul3A_2181 : memref<32x129xf32, #tpu.memory_space<vmem>>[vector<16xi32>, vector<16xi32>], vector<16xf32>,
      %scatter3A_2194 = arith.constant 0 : i32
      %scatter3A_2195 = arith.constant 0 : i32
      %scatter3A_2196 = tpu.memref_slice %arg8[%select_n3A_261, %scatter3A_2194, %scatter3A_2195] : memref<4x32x129xf32, #tpu.memory_space<vmem>> -> memref<1x32x129xf32, #tpu.memory_space<vmem>>
      %scatter3A_2197 = tpu.memref_squeeze %scatter3A_2196 : memref<1x32x129xf32, #tpu.memory_space<vmem>> -> memref<32x129xf32, #tpu.memory_space<vmem>>
      tpu.vector_store_idx %scatter3A_2197[%add3A_163, %broadcast_in_dim3A_2173], %mul3A_2189 : memref<32x129xf32, #tpu.memory_space<vmem>>[vector<16xi32>, vector<16xi32>], vector<16xf32>,
      %broadcast_in_dim3A_2198 = arith.constant 74 : i32
      %broadcast_in_dim3A_2199 = vector.broadcast %broadcast_in_dim3A_2198 : i32 to vector<16xi32>
      %get3A_2200 = arith.constant 74 : i32
      %get3A_2201 = arith.index_cast %select_n3A_261 : i32 to index
      %get3A_2202 = arith.index_cast %get3A_2200 : i32 to index
      %get3A_2203 = arith.constant 0 : index
      %get3A_2204 = tpu.vector_load %arg7[%get3A_2201, %get3A_2202, %get3A_2203] {strides = array<i32>} : memref<4x128x32xf32, #tpu.memory_space<vmem>>, vector<16xf32>,
      %mul3A_2205 = arith.constant 5.65685415 : f32
      %mul3A_2206 = vector.broadcast %mul3A_2205 : f32 to vector<16xf32>
      %mul3A_2207 = arith.mulf %get3A_2204, %mul3A_2206 : vector<16xf32>
      %get3A_2208 = arith.constant 74 : i32
      %get3A_2209 = arith.index_cast %select_n3A_261 : i32 to index
      %get3A_2210 = arith.index_cast %get3A_2208 : i32 to index
      %get3A_2211 = arith.constant 16 : index
      %get3A_2212 = tpu.vector_load %arg7[%get3A_2209, %get3A_2210, %get3A_2211] {strides = array<i32>} : memref<4x128x32xf32, #tpu.memory_space<vmem>>, vector<16xf32>,
      %mul3A_2213 = arith.constant 5.65685415 : f32
      %mul3A_2214 = vector.broadcast %mul3A_2213 : f32 to vector<16xf32>
      %mul3A_2215 = arith.mulf %get3A_2212, %mul3A_2214 : vector<16xf32>
      %scatter3A_2216 = arith.constant 0 : i32
      %scatter3A_2217 = arith.constant 0 : i32
      %scatter3A_2218 = tpu.memref_slice %arg8[%select_n3A_261, %scatter3A_2216, %scatter3A_2217] : memref<4x32x129xf32, #tpu.memory_space<vmem>> -> memref<1x32x129xf32, #tpu.memory_space<vmem>>
      %scatter3A_2219 = tpu.memref_squeeze %scatter3A_2218 : memref<1x32x129xf32, #tpu.memory_space<vmem>> -> memref<32x129xf32, #tpu.memory_space<vmem>>
      tpu.vector_store_idx %scatter3A_2219[%iota3A, %broadcast_in_dim3A_2199], %mul3A_2207 : memref<32x129xf32, #tpu.memory_space<vmem>>[vector<16xi32>, vector<16xi32>], vector<16xf32>,
      %scatter3A_2220 = arith.constant 0 : i32
      %scatter3A_2221 = arith.constant 0 : i32
      %scatter3A_2222 = tpu.memref_slice %arg8[%select_n3A_261, %scatter3A_2220, %scatter3A_2221] : memref<4x32x129xf32, #tpu.memory_space<vmem>> -> memref<1x32x129xf32, #tpu.memory_space<vmem>>
      %scatter3A_2223 = tpu.memref_squeeze %scatter3A_2222 : memref<1x32x129xf32, #tpu.memory_space<vmem>> -> memref<32x129xf32, #tpu.memory_space<vmem>>
      tpu.vector_store_idx %scatter3A_2223[%add3A_163, %broadcast_in_dim3A_2199], %mul3A_2215 : memref<32x129xf32, #tpu.memory_space<vmem>>[vector<16xi32>, vector<16xi32>], vector<16xf32>,
      %broadcast_in_dim3A_2224 = arith.constant 75 : i32
      %broadcast_in_dim3A_2225 = vector.broadcast %broadcast_in_dim3A_2224 : i32 to vector<16xi32>
      %get3A_2226 = arith.constant 75 : i32
      %get3A_2227 = arith.index_cast %select_n3A_261 : i32 to index
      %get3A_2228 = arith.index_cast %get3A_2226 : i32 to index
      %get3A_2229 = arith.constant 0 : index
      %get3A_2230 = tpu.vector_load %arg7[%get3A_2227, %get3A_2228, %get3A_2229] {strides = array<i32>} : memref<4x128x32xf32, #tpu.memory_space<vmem>>, vector<16xf32>,
      %mul3A_2231 = arith.constant 5.65685415 : f32
      %mul3A_2232 = vector.broadcast %mul3A_2231 : f32 to vector<16xf32>
      %mul3A_2233 = arith.mulf %get3A_2230, %mul3A_2232 : vector<16xf32>
      %get3A_2234 = arith.constant 75 : i32
      %get3A_2235 = arith.index_cast %select_n3A_261 : i32 to index
      %get3A_2236 = arith.index_cast %get3A_2234 : i32 to index
      %get3A_2237 = arith.constant 16 : index
      %get3A_2238 = tpu.vector_load %arg7[%get3A_2235, %get3A_2236, %get3A_2237] {strides = array<i32>} : memref<4x128x32xf32, #tpu.memory_space<vmem>>, vector<16xf32>,
      %mul3A_2239 = arith.constant 5.65685415 : f32
      %mul3A_2240 = vector.broadcast %mul3A_2239 : f32 to vector<16xf32>
      %mul3A_2241 = arith.mulf %get3A_2238, %mul3A_2240 : vector<16xf32>
      %scatter3A_2242 = arith.constant 0 : i32
      %scatter3A_2243 = arith.constant 0 : i32
      %scatter3A_2244 = tpu.memref_slice %arg8[%select_n3A_261, %scatter3A_2242, %scatter3A_2243] : memref<4x32x129xf32, #tpu.memory_space<vmem>> -> memref<1x32x129xf32, #tpu.memory_space<vmem>>
      %scatter3A_2245 = tpu.memref_squeeze %scatter3A_2244 : memref<1x32x129xf32, #tpu.memory_space<vmem>> -> memref<32x129xf32, #tpu.memory_space<vmem>>
      tpu.vector_store_idx %scatter3A_2245[%iota3A, %broadcast_in_dim3A_2225], %mul3A_2233 : memref<32x129xf32, #tpu.memory_space<vmem>>[vector<16xi32>, vector<16xi32>], vector<16xf32>,
      %scatter3A_2246 = arith.constant 0 : i32
      %scatter3A_2247 = arith.constant 0 : i32
      %scatter3A_2248 = tpu.memref_slice %arg8[%select_n3A_261, %scatter3A_2246, %scatter3A_2247] : memref<4x32x129xf32, #tpu.memory_space<vmem>> -> memref<1x32x129xf32, #tpu.memory_space<vmem>>
      %scatter3A_2249 = tpu.memref_squeeze %scatter3A_2248 : memref<1x32x129xf32, #tpu.memory_space<vmem>> -> memref<32x129xf32, #tpu.memory_space<vmem>>
      tpu.vector_store_idx %scatter3A_2249[%add3A_163, %broadcast_in_dim3A_2225], %mul3A_2241 : memref<32x129xf32, #tpu.memory_space<vmem>>[vector<16xi32>, vector<16xi32>], vector<16xf32>,
      %broadcast_in_dim3A_2250 = arith.constant 76 : i32
      %broadcast_in_dim3A_2251 = vector.broadcast %broadcast_in_dim3A_2250 : i32 to vector<16xi32>
      %get3A_2252 = arith.constant 76 : i32
      %get3A_2253 = arith.index_cast %select_n3A_261 : i32 to index
      %get3A_2254 = arith.index_cast %get3A_2252 : i32 to index
      %get3A_2255 = arith.constant 0 : index
      %get3A_2256 = tpu.vector_load %arg7[%get3A_2253, %get3A_2254, %get3A_2255] {strides = array<i32>} : memref<4x128x32xf32, #tpu.memory_space<vmem>>, vector<16xf32>,
      %mul3A_2257 = arith.constant 5.65685415 : f32
      %mul3A_2258 = vector.broadcast %mul3A_2257 : f32 to vector<16xf32>
      %mul3A_2259 = arith.mulf %get3A_2256, %mul3A_2258 : vector<16xf32>
      %get3A_2260 = arith.constant 76 : i32
      %get3A_2261 = arith.index_cast %select_n3A_261 : i32 to index
      %get3A_2262 = arith.index_cast %get3A_2260 : i32 to index
      %get3A_2263 = arith.constant 16 : index
      %get3A_2264 = tpu.vector_load %arg7[%get3A_2261, %get3A_2262, %get3A_2263] {strides = array<i32>} : memref<4x128x32xf32, #tpu.memory_space<vmem>>, vector<16xf32>,
      %mul3A_2265 = arith.constant 5.65685415 : f32
      %mul3A_2266 = vector.broadcast %mul3A_2265 : f32 to vector<16xf32>
      %mul3A_2267 = arith.mulf %get3A_2264, %mul3A_2266 : vector<16xf32>
      %scatter3A_2268 = arith.constant 0 : i32
      %scatter3A_2269 = arith.constant 0 : i32
      %scatter3A_2270 = tpu.memref_slice %arg8[%select_n3A_261, %scatter3A_2268, %scatter3A_2269] : memref<4x32x129xf32, #tpu.memory_space<vmem>> -> memref<1x32x129xf32, #tpu.memory_space<vmem>>
      %scatter3A_2271 = tpu.memref_squeeze %scatter3A_2270 : memref<1x32x129xf32, #tpu.memory_space<vmem>> -> memref<32x129xf32, #tpu.memory_space<vmem>>
      tpu.vector_store_idx %scatter3A_2271[%iota3A, %broadcast_in_dim3A_2251], %mul3A_2259 : memref<32x129xf32, #tpu.memory_space<vmem>>[vector<16xi32>, vector<16xi32>], vector<16xf32>,
      %scatter3A_2272 = arith.constant 0 : i32
      %scatter3A_2273 = arith.constant 0 : i32
      %scatter3A_2274 = tpu.memref_slice %arg8[%select_n3A_261, %scatter3A_2272, %scatter3A_2273] : memref<4x32x129xf32, #tpu.memory_space<vmem>> -> memref<1x32x129xf32, #tpu.memory_space<vmem>>
      %scatter3A_2275 = tpu.memref_squeeze %scatter3A_2274 : memref<1x32x129xf32, #tpu.memory_space<vmem>> -> memref<32x129xf32, #tpu.memory_space<vmem>>
      tpu.vector_store_idx %scatter3A_2275[%add3A_163, %broadcast_in_dim3A_2251], %mul3A_2267 : memref<32x129xf32, #tpu.memory_space<vmem>>[vector<16xi32>, vector<16xi32>], vector<16xf32>,
      %broadcast_in_dim3A_2276 = arith.constant 77 : i32
      %broadcast_in_dim3A_2277 = vector.broadcast %broadcast_in_dim3A_2276 : i32 to vector<16xi32>
      %get3A_2278 = arith.constant 77 : i32
      %get3A_2279 = arith.index_cast %select_n3A_261 : i32 to index
      %get3A_2280 = arith.index_cast %get3A_2278 : i32 to index
      %get3A_2281 = arith.constant 0 : index
      %get3A_2282 = tpu.vector_load %arg7[%get3A_2279, %get3A_2280, %get3A_2281] {strides = array<i32>} : memref<4x128x32xf32, #tpu.memory_space<vmem>>, vector<16xf32>,
      %mul3A_2283 = arith.constant 5.65685415 : f32
      %mul3A_2284 = vector.broadcast %mul3A_2283 : f32 to vector<16xf32>
      %mul3A_2285 = arith.mulf %get3A_2282, %mul3A_2284 : vector<16xf32>
      %get3A_2286 = arith.constant 77 : i32
      %get3A_2287 = arith.index_cast %select_n3A_261 : i32 to index
      %get3A_2288 = arith.index_cast %get3A_2286 : i32 to index
      %get3A_2289 = arith.constant 16 : index
      %get3A_2290 = tpu.vector_load %arg7[%get3A_2287, %get3A_2288, %get3A_2289] {strides = array<i32>} : memref<4x128x32xf32, #tpu.memory_space<vmem>>, vector<16xf32>,
      %mul3A_2291 = arith.constant 5.65685415 : f32
      %mul3A_2292 = vector.broadcast %mul3A_2291 : f32 to vector<16xf32>
      %mul3A_2293 = arith.mulf %get3A_2290, %mul3A_2292 : vector<16xf32>
      %scatter3A_2294 = arith.constant 0 : i32
      %scatter3A_2295 = arith.constant 0 : i32
      %scatter3A_2296 = tpu.memref_slice %arg8[%select_n3A_261, %scatter3A_2294, %scatter3A_2295] : memref<4x32x129xf32, #tpu.memory_space<vmem>> -> memref<1x32x129xf32, #tpu.memory_space<vmem>>
      %scatter3A_2297 = tpu.memref_squeeze %scatter3A_2296 : memref<1x32x129xf32, #tpu.memory_space<vmem>> -> memref<32x129xf32, #tpu.memory_space<vmem>>
      tpu.vector_store_idx %scatter3A_2297[%iota3A, %broadcast_in_dim3A_2277], %mul3A_2285 : memref<32x129xf32, #tpu.memory_space<vmem>>[vector<16xi32>, vector<16xi32>], vector<16xf32>,
      %scatter3A_2298 = arith.constant 0 : i32
      %scatter3A_2299 = arith.constant 0 : i32
      %scatter3A_2300 = tpu.memref_slice %arg8[%select_n3A_261, %scatter3A_2298, %scatter3A_2299] : memref<4x32x129xf32, #tpu.memory_space<vmem>> -> memref<1x32x129xf32, #tpu.memory_space<vmem>>
      %scatter3A_2301 = tpu.memref_squeeze %scatter3A_2300 : memref<1x32x129xf32, #tpu.memory_space<vmem>> -> memref<32x129xf32, #tpu.memory_space<vmem>>
      tpu.vector_store_idx %scatter3A_2301[%add3A_163, %broadcast_in_dim3A_2277], %mul3A_2293 : memref<32x129xf32, #tpu.memory_space<vmem>>[vector<16xi32>, vector<16xi32>], vector<16xf32>,
      %broadcast_in_dim3A_2302 = arith.constant 78 : i32
      %broadcast_in_dim3A_2303 = vector.broadcast %broadcast_in_dim3A_2302 : i32 to vector<16xi32>
      %get3A_2304 = arith.constant 78 : i32
      %get3A_2305 = arith.index_cast %select_n3A_261 : i32 to index
      %get3A_2306 = arith.index_cast %get3A_2304 : i32 to index
      %get3A_2307 = arith.constant 0 : index
      %get3A_2308 = tpu.vector_load %arg7[%get3A_2305, %get3A_2306, %get3A_2307] {strides = array<i32>} : memref<4x128x32xf32, #tpu.memory_space<vmem>>, vector<16xf32>,
      %mul3A_2309 = arith.constant 5.65685415 : f32
      %mul3A_2310 = vector.broadcast %mul3A_2309 : f32 to vector<16xf32>
      %mul3A_2311 = arith.mulf %get3A_2308, %mul3A_2310 : vector<16xf32>
      %get3A_2312 = arith.constant 78 : i32
      %get3A_2313 = arith.index_cast %select_n3A_261 : i32 to index
      %get3A_2314 = arith.index_cast %get3A_2312 : i32 to index
      %get3A_2315 = arith.constant 16 : index
      %get3A_2316 = tpu.vector_load %arg7[%get3A_2313, %get3A_2314, %get3A_2315] {strides = array<i32>} : memref<4x128x32xf32, #tpu.memory_space<vmem>>, vector<16xf32>,
      %mul3A_2317 = arith.constant 5.65685415 : f32
      %mul3A_2318 = vector.broadcast %mul3A_2317 : f32 to vector<16xf32>
      %mul3A_2319 = arith.mulf %get3A_2316, %mul3A_2318 : vector<16xf32>
      %scatter3A_2320 = arith.constant 0 : i32
      %scatter3A_2321 = arith.constant 0 : i32
      %scatter3A_2322 = tpu.memref_slice %arg8[%select_n3A_261, %scatter3A_2320, %scatter3A_2321] : memref<4x32x129xf32, #tpu.memory_space<vmem>> -> memref<1x32x129xf32, #tpu.memory_space<vmem>>
      %scatter3A_2323 = tpu.memref_squeeze %scatter3A_2322 : memref<1x32x129xf32, #tpu.memory_space<vmem>> -> memref<32x129xf32, #tpu.memory_space<vmem>>
      tpu.vector_store_idx %scatter3A_2323[%iota3A, %broadcast_in_dim3A_2303], %mul3A_2311 : memref<32x129xf32, #tpu.memory_space<vmem>>[vector<16xi32>, vector<16xi32>], vector<16xf32>,
      %scatter3A_2324 = arith.constant 0 : i32
      %scatter3A_2325 = arith.constant 0 : i32
      %scatter3A_2326 = tpu.memref_slice %arg8[%select_n3A_261, %scatter3A_2324, %scatter3A_2325] : memref<4x32x129xf32, #tpu.memory_space<vmem>> -> memref<1x32x129xf32, #tpu.memory_space<vmem>>
      %scatter3A_2327 = tpu.memref_squeeze %scatter3A_2326 : memref<1x32x129xf32, #tpu.memory_space<vmem>> -> memref<32x129xf32, #tpu.memory_space<vmem>>
      tpu.vector_store_idx %scatter3A_2327[%add3A_163, %broadcast_in_dim3A_2303], %mul3A_2319 : memref<32x129xf32, #tpu.memory_space<vmem>>[vector<16xi32>, vector<16xi32>], vector<16xf32>,
      %broadcast_in_dim3A_2328 = arith.constant 79 : i32
      %broadcast_in_dim3A_2329 = vector.broadcast %broadcast_in_dim3A_2328 : i32 to vector<16xi32>
      %get3A_2330 = arith.constant 79 : i32
      %get3A_2331 = arith.index_cast %select_n3A_261 : i32 to index
      %get3A_2332 = arith.index_cast %get3A_2330 : i32 to index
      %get3A_2333 = arith.constant 0 : index
      %get3A_2334 = tpu.vector_load %arg7[%get3A_2331, %get3A_2332, %get3A_2333] {strides = array<i32>} : memref<4x128x32xf32, #tpu.memory_space<vmem>>, vector<16xf32>,
      %mul3A_2335 = arith.constant 5.65685415 : f32
      %mul3A_2336 = vector.broadcast %mul3A_2335 : f32 to vector<16xf32>
      %mul3A_2337 = arith.mulf %get3A_2334, %mul3A_2336 : vector<16xf32>
      %get3A_2338 = arith.constant 79 : i32
      %get3A_2339 = arith.index_cast %select_n3A_261 : i32 to index
      %get3A_2340 = arith.index_cast %get3A_2338 : i32 to index
      %get3A_2341 = arith.constant 16 : index
      %get3A_2342 = tpu.vector_load %arg7[%get3A_2339, %get3A_2340, %get3A_2341] {strides = array<i32>} : memref<4x128x32xf32, #tpu.memory_space<vmem>>, vector<16xf32>,
      %mul3A_2343 = arith.constant 5.65685415 : f32
      %mul3A_2344 = vector.broadcast %mul3A_2343 : f32 to vector<16xf32>
      %mul3A_2345 = arith.mulf %get3A_2342, %mul3A_2344 : vector<16xf32>
      %scatter3A_2346 = arith.constant 0 : i32
      %scatter3A_2347 = arith.constant 0 : i32
      %scatter3A_2348 = tpu.memref_slice %arg8[%select_n3A_261, %scatter3A_2346, %scatter3A_2347] : memref<4x32x129xf32, #tpu.memory_space<vmem>> -> memref<1x32x129xf32, #tpu.memory_space<vmem>>
      %scatter3A_2349 = tpu.memref_squeeze %scatter3A_2348 : memref<1x32x129xf32, #tpu.memory_space<vmem>> -> memref<32x129xf32, #tpu.memory_space<vmem>>
      tpu.vector_store_idx %scatter3A_2349[%iota3A, %broadcast_in_dim3A_2329], %mul3A_2337 : memref<32x129xf32, #tpu.memory_space<vmem>>[vector<16xi32>, vector<16xi32>], vector<16xf32>,
      %scatter3A_2350 = arith.constant 0 : i32
      %scatter3A_2351 = arith.constant 0 : i32
      %scatter3A_2352 = tpu.memref_slice %arg8[%select_n3A_261, %scatter3A_2350, %scatter3A_2351] : memref<4x32x129xf32, #tpu.memory_space<vmem>> -> memref<1x32x129xf32, #tpu.memory_space<vmem>>
      %scatter3A_2353 = tpu.memref_squeeze %scatter3A_2352 : memref<1x32x129xf32, #tpu.memory_space<vmem>> -> memref<32x129xf32, #tpu.memory_space<vmem>>
      tpu.vector_store_idx %scatter3A_2353[%add3A_163, %broadcast_in_dim3A_2329], %mul3A_2345 : memref<32x129xf32, #tpu.memory_space<vmem>>[vector<16xi32>, vector<16xi32>], vector<16xf32>,
      %broadcast_in_dim3A_2354 = arith.constant 80 : i32
      %broadcast_in_dim3A_2355 = vector.broadcast %broadcast_in_dim3A_2354 : i32 to vector<16xi32>
      %get3A_2356 = arith.constant 80 : i32
      %get3A_2357 = arith.index_cast %select_n3A_261 : i32 to index
      %get3A_2358 = arith.index_cast %get3A_2356 : i32 to index
      %get3A_2359 = arith.constant 0 : index
      %get3A_2360 = tpu.vector_load %arg7[%get3A_2357, %get3A_2358, %get3A_2359] {strides = array<i32>} : memref<4x128x32xf32, #tpu.memory_space<vmem>>, vector<16xf32>,
      %mul3A_2361 = arith.constant 5.65685415 : f32
      %mul3A_2362 = vector.broadcast %mul3A_2361 : f32 to vector<16xf32>
      %mul3A_2363 = arith.mulf %get3A_2360, %mul3A_2362 : vector<16xf32>
      %get3A_2364 = arith.constant 80 : i32
      %get3A_2365 = arith.index_cast %select_n3A_261 : i32 to index
      %get3A_2366 = arith.index_cast %get3A_2364 : i32 to index
      %get3A_2367 = arith.constant 16 : index
      %get3A_2368 = tpu.vector_load %arg7[%get3A_2365, %get3A_2366, %get3A_2367] {strides = array<i32>} : memref<4x128x32xf32, #tpu.memory_space<vmem>>, vector<16xf32>,
      %mul3A_2369 = arith.constant 5.65685415 : f32
      %mul3A_2370 = vector.broadcast %mul3A_2369 : f32 to vector<16xf32>
      %mul3A_2371 = arith.mulf %get3A_2368, %mul3A_2370 : vector<16xf32>
      %scatter3A_2372 = arith.constant 0 : i32
      %scatter3A_2373 = arith.constant 0 : i32
      %scatter3A_2374 = tpu.memref_slice %arg8[%select_n3A_261, %scatter3A_2372, %scatter3A_2373] : memref<4x32x129xf32, #tpu.memory_space<vmem>> -> memref<1x32x129xf32, #tpu.memory_space<vmem>>
      %scatter3A_2375 = tpu.memref_squeeze %scatter3A_2374 : memref<1x32x129xf32, #tpu.memory_space<vmem>> -> memref<32x129xf32, #tpu.memory_space<vmem>>
      tpu.vector_store_idx %scatter3A_2375[%iota3A, %broadcast_in_dim3A_2355], %mul3A_2363 : memref<32x129xf32, #tpu.memory_space<vmem>>[vector<16xi32>, vector<16xi32>], vector<16xf32>,
      %scatter3A_2376 = arith.constant 0 : i32
      %scatter3A_2377 = arith.constant 0 : i32
      %scatter3A_2378 = tpu.memref_slice %arg8[%select_n3A_261, %scatter3A_2376, %scatter3A_2377] : memref<4x32x129xf32, #tpu.memory_space<vmem>> -> memref<1x32x129xf32, #tpu.memory_space<vmem>>
      %scatter3A_2379 = tpu.memref_squeeze %scatter3A_2378 : memref<1x32x129xf32, #tpu.memory_space<vmem>> -> memref<32x129xf32, #tpu.memory_space<vmem>>
      tpu.vector_store_idx %scatter3A_2379[%add3A_163, %broadcast_in_dim3A_2355], %mul3A_2371 : memref<32x129xf32, #tpu.memory_space<vmem>>[vector<16xi32>, vector<16xi32>], vector<16xf32>,
      %broadcast_in_dim3A_2380 = arith.constant 81 : i32
      %broadcast_in_dim3A_2381 = vector.broadcast %broadcast_in_dim3A_2380 : i32 to vector<16xi32>
      %get3A_2382 = arith.constant 81 : i32
      %get3A_2383 = arith.index_cast %select_n3A_261 : i32 to index
      %get3A_2384 = arith.index_cast %get3A_2382 : i32 to index
      %get3A_2385 = arith.constant 0 : index
      %get3A_2386 = tpu.vector_load %arg7[%get3A_2383, %get3A_2384, %get3A_2385] {strides = array<i32>} : memref<4x128x32xf32, #tpu.memory_space<vmem>>, vector<16xf32>,
      %mul3A_2387 = arith.constant 5.65685415 : f32
      %mul3A_2388 = vector.broadcast %mul3A_2387 : f32 to vector<16xf32>
      %mul3A_2389 = arith.mulf %get3A_2386, %mul3A_2388 : vector<16xf32>
      %get3A_2390 = arith.constant 81 : i32
      %get3A_2391 = arith.index_cast %select_n3A_261 : i32 to index
      %get3A_2392 = arith.index_cast %get3A_2390 : i32 to index
      %get3A_2393 = arith.constant 16 : index
      %get3A_2394 = tpu.vector_load %arg7[%get3A_2391, %get3A_2392, %get3A_2393] {strides = array<i32>} : memref<4x128x32xf32, #tpu.memory_space<vmem>>, vector<16xf32>,
      %mul3A_2395 = arith.constant 5.65685415 : f32
      %mul3A_2396 = vector.broadcast %mul3A_2395 : f32 to vector<16xf32>
      %mul3A_2397 = arith.mulf %get3A_2394, %mul3A_2396 : vector<16xf32>
      %scatter3A_2398 = arith.constant 0 : i32
      %scatter3A_2399 = arith.constant 0 : i32
      %scatter3A_2400 = tpu.memref_slice %arg8[%select_n3A_261, %scatter3A_2398, %scatter3A_2399] : memref<4x32x129xf32, #tpu.memory_space<vmem>> -> memref<1x32x129xf32, #tpu.memory_space<vmem>>
      %scatter3A_2401 = tpu.memref_squeeze %scatter3A_2400 : memref<1x32x129xf32, #tpu.memory_space<vmem>> -> memref<32x129xf32, #tpu.memory_space<vmem>>
      tpu.vector_store_idx %scatter3A_2401[%iota3A, %broadcast_in_dim3A_2381], %mul3A_2389 : memref<32x129xf32, #tpu.memory_space<vmem>>[vector<16xi32>, vector<16xi32>], vector<16xf32>,
      %scatter3A_2402 = arith.constant 0 : i32
      %scatter3A_2403 = arith.constant 0 : i32
      %scatter3A_2404 = tpu.memref_slice %arg8[%select_n3A_261, %scatter3A_2402, %scatter3A_2403] : memref<4x32x129xf32, #tpu.memory_space<vmem>> -> memref<1x32x129xf32, #tpu.memory_space<vmem>>
      %scatter3A_2405 = tpu.memref_squeeze %scatter3A_2404 : memref<1x32x129xf32, #tpu.memory_space<vmem>> -> memref<32x129xf32, #tpu.memory_space<vmem>>
      tpu.vector_store_idx %scatter3A_2405[%add3A_163, %broadcast_in_dim3A_2381], %mul3A_2397 : memref<32x129xf32, #tpu.memory_space<vmem>>[vector<16xi32>, vector<16xi32>], vector<16xf32>,
      %broadcast_in_dim3A_2406 = arith.constant 82 : i32
      %broadcast_in_dim3A_2407 = vector.broadcast %broadcast_in_dim3A_2406 : i32 to vector<16xi32>
      %get3A_2408 = arith.constant 82 : i32
      %get3A_2409 = arith.index_cast %select_n3A_261 : i32 to index
      %get3A_2410 = arith.index_cast %get3A_2408 : i32 to index
      %get3A_2411 = arith.constant 0 : index
      %get3A_2412 = tpu.vector_load %arg7[%get3A_2409, %get3A_2410, %get3A_2411] {strides = array<i32>} : memref<4x128x32xf32, #tpu.memory_space<vmem>>, vector<16xf32>,
      %mul3A_2413 = arith.constant 5.65685415 : f32
      %mul3A_2414 = vector.broadcast %mul3A_2413 : f32 to vector<16xf32>
      %mul3A_2415 = arith.mulf %get3A_2412, %mul3A_2414 : vector<16xf32>
      %get3A_2416 = arith.constant 82 : i32
      %get3A_2417 = arith.index_cast %select_n3A_261 : i32 to index
      %get3A_2418 = arith.index_cast %get3A_2416 : i32 to index
      %get3A_2419 = arith.constant 16 : index
      %get3A_2420 = tpu.vector_load %arg7[%get3A_2417, %get3A_2418, %get3A_2419] {strides = array<i32>} : memref<4x128x32xf32, #tpu.memory_space<vmem>>, vector<16xf32>,
      %mul3A_2421 = arith.constant 5.65685415 : f32
      %mul3A_2422 = vector.broadcast %mul3A_2421 : f32 to vector<16xf32>
      %mul3A_2423 = arith.mulf %get3A_2420, %mul3A_2422 : vector<16xf32>
      %scatter3A_2424 = arith.constant 0 : i32
      %scatter3A_2425 = arith.constant 0 : i32
      %scatter3A_2426 = tpu.memref_slice %arg8[%select_n3A_261, %scatter3A_2424, %scatter3A_2425] : memref<4x32x129xf32, #tpu.memory_space<vmem>> -> memref<1x32x129xf32, #tpu.memory_space<vmem>>
      %scatter3A_2427 = tpu.memref_squeeze %scatter3A_2426 : memref<1x32x129xf32, #tpu.memory_space<vmem>> -> memref<32x129xf32, #tpu.memory_space<vmem>>
      tpu.vector_store_idx %scatter3A_2427[%iota3A, %broadcast_in_dim3A_2407], %mul3A_2415 : memref<32x129xf32, #tpu.memory_space<vmem>>[vector<16xi32>, vector<16xi32>], vector<16xf32>,
      %scatter3A_2428 = arith.constant 0 : i32
      %scatter3A_2429 = arith.constant 0 : i32
      %scatter3A_2430 = tpu.memref_slice %arg8[%select_n3A_261, %scatter3A_2428, %scatter3A_2429] : memref<4x32x129xf32, #tpu.memory_space<vmem>> -> memref<1x32x129xf32, #tpu.memory_space<vmem>>
      %scatter3A_2431 = tpu.memref_squeeze %scatter3A_2430 : memref<1x32x129xf32, #tpu.memory_space<vmem>> -> memref<32x129xf32, #tpu.memory_space<vmem>>
      tpu.vector_store_idx %scatter3A_2431[%add3A_163, %broadcast_in_dim3A_2407], %mul3A_2423 : memref<32x129xf32, #tpu.memory_space<vmem>>[vector<16xi32>, vector<16xi32>], vector<16xf32>,
      %broadcast_in_dim3A_2432 = arith.constant 83 : i32
      %broadcast_in_dim3A_2433 = vector.broadcast %broadcast_in_dim3A_2432 : i32 to vector<16xi32>
      %get3A_2434 = arith.constant 83 : i32
      %get3A_2435 = arith.index_cast %select_n3A_261 : i32 to index
      %get3A_2436 = arith.index_cast %get3A_2434 : i32 to index
      %get3A_2437 = arith.constant 0 : index
      %get3A_2438 = tpu.vector_load %arg7[%get3A_2435, %get3A_2436, %get3A_2437] {strides = array<i32>} : memref<4x128x32xf32, #tpu.memory_space<vmem>>, vector<16xf32>,
      %mul3A_2439 = arith.constant 5.65685415 : f32
      %mul3A_2440 = vector.broadcast %mul3A_2439 : f32 to vector<16xf32>
      %mul3A_2441 = arith.mulf %get3A_2438, %mul3A_2440 : vector<16xf32>
      %get3A_2442 = arith.constant 83 : i32
      %get3A_2443 = arith.index_cast %select_n3A_261 : i32 to index
      %get3A_2444 = arith.index_cast %get3A_2442 : i32 to index
      %get3A_2445 = arith.constant 16 : index
      %get3A_2446 = tpu.vector_load %arg7[%get3A_2443, %get3A_2444, %get3A_2445] {strides = array<i32>} : memref<4x128x32xf32, #tpu.memory_space<vmem>>, vector<16xf32>,
      %mul3A_2447 = arith.constant 5.65685415 : f32
      %mul3A_2448 = vector.broadcast %mul3A_2447 : f32 to vector<16xf32>
      %mul3A_2449 = arith.mulf %get3A_2446, %mul3A_2448 : vector<16xf32>
      %scatter3A_2450 = arith.constant 0 : i32
      %scatter3A_2451 = arith.constant 0 : i32
      %scatter3A_2452 = tpu.memref_slice %arg8[%select_n3A_261, %scatter3A_2450, %scatter3A_2451] : memref<4x32x129xf32, #tpu.memory_space<vmem>> -> memref<1x32x129xf32, #tpu.memory_space<vmem>>
      %scatter3A_2453 = tpu.memref_squeeze %scatter3A_2452 : memref<1x32x129xf32, #tpu.memory_space<vmem>> -> memref<32x129xf32, #tpu.memory_space<vmem>>
      tpu.vector_store_idx %scatter3A_2453[%iota3A, %broadcast_in_dim3A_2433], %mul3A_2441 : memref<32x129xf32, #tpu.memory_space<vmem>>[vector<16xi32>, vector<16xi32>], vector<16xf32>,
      %scatter3A_2454 = arith.constant 0 : i32
      %scatter3A_2455 = arith.constant 0 : i32
      %scatter3A_2456 = tpu.memref_slice %arg8[%select_n3A_261, %scatter3A_2454, %scatter3A_2455] : memref<4x32x129xf32, #tpu.memory_space<vmem>> -> memref<1x32x129xf32, #tpu.memory_space<vmem>>
      %scatter3A_2457 = tpu.memref_squeeze %scatter3A_2456 : memref<1x32x129xf32, #tpu.memory_space<vmem>> -> memref<32x129xf32, #tpu.memory_space<vmem>>
      tpu.vector_store_idx %scatter3A_2457[%add3A_163, %broadcast_in_dim3A_2433], %mul3A_2449 : memref<32x129xf32, #tpu.memory_space<vmem>>[vector<16xi32>, vector<16xi32>], vector<16xf32>,
      %broadcast_in_dim3A_2458 = arith.constant 84 : i32
      %broadcast_in_dim3A_2459 = vector.broadcast %broadcast_in_dim3A_2458 : i32 to vector<16xi32>
      %get3A_2460 = arith.constant 84 : i32
      %get3A_2461 = arith.index_cast %select_n3A_261 : i32 to index
      %get3A_2462 = arith.index_cast %get3A_2460 : i32 to index
      %get3A_2463 = arith.constant 0 : index
      %get3A_2464 = tpu.vector_load %arg7[%get3A_2461, %get3A_2462, %get3A_2463] {strides = array<i32>} : memref<4x128x32xf32, #tpu.memory_space<vmem>>, vector<16xf32>,
      %mul3A_2465 = arith.constant 5.65685415 : f32
      %mul3A_2466 = vector.broadcast %mul3A_2465 : f32 to vector<16xf32>
      %mul3A_2467 = arith.mulf %get3A_2464, %mul3A_2466 : vector<16xf32>
      %get3A_2468 = arith.constant 84 : i32
      %get3A_2469 = arith.index_cast %select_n3A_261 : i32 to index
      %get3A_2470 = arith.index_cast %get3A_2468 : i32 to index
      %get3A_2471 = arith.constant 16 : index
      %get3A_2472 = tpu.vector_load %arg7[%get3A_2469, %get3A_2470, %get3A_2471] {strides = array<i32>} : memref<4x128x32xf32, #tpu.memory_space<vmem>>, vector<16xf32>,
      %mul3A_2473 = arith.constant 5.65685415 : f32
      %mul3A_2474 = vector.broadcast %mul3A_2473 : f32 to vector<16xf32>
      %mul3A_2475 = arith.mulf %get3A_2472, %mul3A_2474 : vector<16xf32>
      %scatter3A_2476 = arith.constant 0 : i32
      %scatter3A_2477 = arith.constant 0 : i32
      %scatter3A_2478 = tpu.memref_slice %arg8[%select_n3A_261, %scatter3A_2476, %scatter3A_2477] : memref<4x32x129xf32, #tpu.memory_space<vmem>> -> memref<1x32x129xf32, #tpu.memory_space<vmem>>
      %scatter3A_2479 = tpu.memref_squeeze %scatter3A_2478 : memref<1x32x129xf32, #tpu.memory_space<vmem>> -> memref<32x129xf32, #tpu.memory_space<vmem>>
      tpu.vector_store_idx %scatter3A_2479[%iota3A, %broadcast_in_dim3A_2459], %mul3A_2467 : memref<32x129xf32, #tpu.memory_space<vmem>>[vector<16xi32>, vector<16xi32>], vector<16xf32>,
      %scatter3A_2480 = arith.constant 0 : i32
      %scatter3A_2481 = arith.constant 0 : i32
      %scatter3A_2482 = tpu.memref_slice %arg8[%select_n3A_261, %scatter3A_2480, %scatter3A_2481] : memref<4x32x129xf32, #tpu.memory_space<vmem>> -> memref<1x32x129xf32, #tpu.memory_space<vmem>>
      %scatter3A_2483 = tpu.memref_squeeze %scatter3A_2482 : memref<1x32x129xf32, #tpu.memory_space<vmem>> -> memref<32x129xf32, #tpu.memory_space<vmem>>
      tpu.vector_store_idx %scatter3A_2483[%add3A_163, %broadcast_in_dim3A_2459], %mul3A_2475 : memref<32x129xf32, #tpu.memory_space<vmem>>[vector<16xi32>, vector<16xi32>], vector<16xf32>,
      %broadcast_in_dim3A_2484 = arith.constant 85 : i32
      %broadcast_in_dim3A_2485 = vector.broadcast %broadcast_in_dim3A_2484 : i32 to vector<16xi32>
      %get3A_2486 = arith.constant 85 : i32
      %get3A_2487 = arith.index_cast %select_n3A_261 : i32 to index
      %get3A_2488 = arith.index_cast %get3A_2486 : i32 to index
      %get3A_2489 = arith.constant 0 : index
      %get3A_2490 = tpu.vector_load %arg7[%get3A_2487, %get3A_2488, %get3A_2489] {strides = array<i32>} : memref<4x128x32xf32, #tpu.memory_space<vmem>>, vector<16xf32>,
      %mul3A_2491 = arith.constant 5.65685415 : f32
      %mul3A_2492 = vector.broadcast %mul3A_2491 : f32 to vector<16xf32>
      %mul3A_2493 = arith.mulf %get3A_2490, %mul3A_2492 : vector<16xf32>
      %get3A_2494 = arith.constant 85 : i32
      %get3A_2495 = arith.index_cast %select_n3A_261 : i32 to index
      %get3A_2496 = arith.index_cast %get3A_2494 : i32 to index
      %get3A_2497 = arith.constant 16 : index
      %get3A_2498 = tpu.vector_load %arg7[%get3A_2495, %get3A_2496, %get3A_2497] {strides = array<i32>} : memref<4x128x32xf32, #tpu.memory_space<vmem>>, vector<16xf32>,
      %mul3A_2499 = arith.constant 5.65685415 : f32
      %mul3A_2500 = vector.broadcast %mul3A_2499 : f32 to vector<16xf32>
      %mul3A_2501 = arith.mulf %get3A_2498, %mul3A_2500 : vector<16xf32>
      %scatter3A_2502 = arith.constant 0 : i32
      %scatter3A_2503 = arith.constant 0 : i32
      %scatter3A_2504 = tpu.memref_slice %arg8[%select_n3A_261, %scatter3A_2502, %scatter3A_2503] : memref<4x32x129xf32, #tpu.memory_space<vmem>> -> memref<1x32x129xf32, #tpu.memory_space<vmem>>
      %scatter3A_2505 = tpu.memref_squeeze %scatter3A_2504 : memref<1x32x129xf32, #tpu.memory_space<vmem>> -> memref<32x129xf32, #tpu.memory_space<vmem>>
      tpu.vector_store_idx %scatter3A_2505[%iota3A, %broadcast_in_dim3A_2485], %mul3A_2493 : memref<32x129xf32, #tpu.memory_space<vmem>>[vector<16xi32>, vector<16xi32>], vector<16xf32>,
      %scatter3A_2506 = arith.constant 0 : i32
      %scatter3A_2507 = arith.constant 0 : i32
      %scatter3A_2508 = tpu.memref_slice %arg8[%select_n3A_261, %scatter3A_2506, %scatter3A_2507] : memref<4x32x129xf32, #tpu.memory_space<vmem>> -> memref<1x32x129xf32, #tpu.memory_space<vmem>>
      %scatter3A_2509 = tpu.memref_squeeze %scatter3A_2508 : memref<1x32x129xf32, #tpu.memory_space<vmem>> -> memref<32x129xf32, #tpu.memory_space<vmem>>
      tpu.vector_store_idx %scatter3A_2509[%add3A_163, %broadcast_in_dim3A_2485], %mul3A_2501 : memref<32x129xf32, #tpu.memory_space<vmem>>[vector<16xi32>, vector<16xi32>], vector<16xf32>,
      %broadcast_in_dim3A_2510 = arith.constant 86 : i32
      %broadcast_in_dim3A_2511 = vector.broadcast %broadcast_in_dim3A_2510 : i32 to vector<16xi32>
      %get3A_2512 = arith.constant 86 : i32
      %get3A_2513 = arith.index_cast %select_n3A_261 : i32 to index
      %get3A_2514 = arith.index_cast %get3A_2512 : i32 to index
      %get3A_2515 = arith.constant 0 : index
      %get3A_2516 = tpu.vector_load %arg7[%get3A_2513, %get3A_2514, %get3A_2515] {strides = array<i32>} : memref<4x128x32xf32, #tpu.memory_space<vmem>>, vector<16xf32>,
      %mul3A_2517 = arith.constant 5.65685415 : f32
      %mul3A_2518 = vector.broadcast %mul3A_2517 : f32 to vector<16xf32>
      %mul3A_2519 = arith.mulf %get3A_2516, %mul3A_2518 : vector<16xf32>
      %get3A_2520 = arith.constant 86 : i32
      %get3A_2521 = arith.index_cast %select_n3A_261 : i32 to index
      %get3A_2522 = arith.index_cast %get3A_2520 : i32 to index
      %get3A_2523 = arith.constant 16 : index
      %get3A_2524 = tpu.vector_load %arg7[%get3A_2521, %get3A_2522, %get3A_2523] {strides = array<i32>} : memref<4x128x32xf32, #tpu.memory_space<vmem>>, vector<16xf32>,
      %mul3A_2525 = arith.constant 5.65685415 : f32
      %mul3A_2526 = vector.broadcast %mul3A_2525 : f32 to vector<16xf32>
      %mul3A_2527 = arith.mulf %get3A_2524, %mul3A_2526 : vector<16xf32>
      %scatter3A_2528 = arith.constant 0 : i32
      %scatter3A_2529 = arith.constant 0 : i32
      %scatter3A_2530 = tpu.memref_slice %arg8[%select_n3A_261, %scatter3A_2528, %scatter3A_2529] : memref<4x32x129xf32, #tpu.memory_space<vmem>> -> memref<1x32x129xf32, #tpu.memory_space<vmem>>
      %scatter3A_2531 = tpu.memref_squeeze %scatter3A_2530 : memref<1x32x129xf32, #tpu.memory_space<vmem>> -> memref<32x129xf32, #tpu.memory_space<vmem>>
      tpu.vector_store_idx %scatter3A_2531[%iota3A, %broadcast_in_dim3A_2511], %mul3A_2519 : memref<32x129xf32, #tpu.memory_space<vmem>>[vector<16xi32>, vector<16xi32>], vector<16xf32>,
      %scatter3A_2532 = arith.constant 0 : i32
      %scatter3A_2533 = arith.constant 0 : i32
      %scatter3A_2534 = tpu.memref_slice %arg8[%select_n3A_261, %scatter3A_2532, %scatter3A_2533] : memref<4x32x129xf32, #tpu.memory_space<vmem>> -> memref<1x32x129xf32, #tpu.memory_space<vmem>>
      %scatter3A_2535 = tpu.memref_squeeze %scatter3A_2534 : memref<1x32x129xf32, #tpu.memory_space<vmem>> -> memref<32x129xf32, #tpu.memory_space<vmem>>
      tpu.vector_store_idx %scatter3A_2535[%add3A_163, %broadcast_in_dim3A_2511], %mul3A_2527 : memref<32x129xf32, #tpu.memory_space<vmem>>[vector<16xi32>, vector<16xi32>], vector<16xf32>,
      %broadcast_in_dim3A_2536 = arith.constant 87 : i32
      %broadcast_in_dim3A_2537 = vector.broadcast %broadcast_in_dim3A_2536 : i32 to vector<16xi32>
      %get3A_2538 = arith.constant 87 : i32
      %get3A_2539 = arith.index_cast %select_n3A_261 : i32 to index
      %get3A_2540 = arith.index_cast %get3A_2538 : i32 to index
      %get3A_2541 = arith.constant 0 : index
      %get3A_2542 = tpu.vector_load %arg7[%get3A_2539, %get3A_2540, %get3A_2541] {strides = array<i32>} : memref<4x128x32xf32, #tpu.memory_space<vmem>>, vector<16xf32>,
      %mul3A_2543 = arith.constant 5.65685415 : f32
      %mul3A_2544 = vector.broadcast %mul3A_2543 : f32 to vector<16xf32>
      %mul3A_2545 = arith.mulf %get3A_2542, %mul3A_2544 : vector<16xf32>
      %get3A_2546 = arith.constant 87 : i32
      %get3A_2547 = arith.index_cast %select_n3A_261 : i32 to index
      %get3A_2548 = arith.index_cast %get3A_2546 : i32 to index
      %get3A_2549 = arith.constant 16 : index
      %get3A_2550 = tpu.vector_load %arg7[%get3A_2547, %get3A_2548, %get3A_2549] {strides = array<i32>} : memref<4x128x32xf32, #tpu.memory_space<vmem>>, vector<16xf32>,
      %mul3A_2551 = arith.constant 5.65685415 : f32
      %mul3A_2552 = vector.broadcast %mul3A_2551 : f32 to vector<16xf32>
      %mul3A_2553 = arith.mulf %get3A_2550, %mul3A_2552 : vector<16xf32>
      %scatter3A_2554 = arith.constant 0 : i32
      %scatter3A_2555 = arith.constant 0 : i32
      %scatter3A_2556 = tpu.memref_slice %arg8[%select_n3A_261, %scatter3A_2554, %scatter3A_2555] : memref<4x32x129xf32, #tpu.memory_space<vmem>> -> memref<1x32x129xf32, #tpu.memory_space<vmem>>
      %scatter3A_2557 = tpu.memref_squeeze %scatter3A_2556 : memref<1x32x129xf32, #tpu.memory_space<vmem>> -> memref<32x129xf32, #tpu.memory_space<vmem>>
      tpu.vector_store_idx %scatter3A_2557[%iota3A, %broadcast_in_dim3A_2537], %mul3A_2545 : memref<32x129xf32, #tpu.memory_space<vmem>>[vector<16xi32>, vector<16xi32>], vector<16xf32>,
      %scatter3A_2558 = arith.constant 0 : i32
      %scatter3A_2559 = arith.constant 0 : i32
      %scatter3A_2560 = tpu.memref_slice %arg8[%select_n3A_261, %scatter3A_2558, %scatter3A_2559] : memref<4x32x129xf32, #tpu.memory_space<vmem>> -> memref<1x32x129xf32, #tpu.memory_space<vmem>>
      %scatter3A_2561 = tpu.memref_squeeze %scatter3A_2560 : memref<1x32x129xf32, #tpu.memory_space<vmem>> -> memref<32x129xf32, #tpu.memory_space<vmem>>
      tpu.vector_store_idx %scatter3A_2561[%add3A_163, %broadcast_in_dim3A_2537], %mul3A_2553 : memref<32x129xf32, #tpu.memory_space<vmem>>[vector<16xi32>, vector<16xi32>], vector<16xf32>,
      %broadcast_in_dim3A_2562 = arith.constant 88 : i32
      %broadcast_in_dim3A_2563 = vector.broadcast %broadcast_in_dim3A_2562 : i32 to vector<16xi32>
      %get3A_2564 = arith.constant 88 : i32
      %get3A_2565 = arith.index_cast %select_n3A_261 : i32 to index
      %get3A_2566 = arith.index_cast %get3A_2564 : i32 to index
      %get3A_2567 = arith.constant 0 : index
      %get3A_2568 = tpu.vector_load %arg7[%get3A_2565, %get3A_2566, %get3A_2567] {strides = array<i32>} : memref<4x128x32xf32, #tpu.memory_space<vmem>>, vector<16xf32>,
      %mul3A_2569 = arith.constant 5.65685415 : f32
      %mul3A_2570 = vector.broadcast %mul3A_2569 : f32 to vector<16xf32>
      %mul3A_2571 = arith.mulf %get3A_2568, %mul3A_2570 : vector<16xf32>
      %get3A_2572 = arith.constant 88 : i32
      %get3A_2573 = arith.index_cast %select_n3A_261 : i32 to index
      %get3A_2574 = arith.index_cast %get3A_2572 : i32 to index
      %get3A_2575 = arith.constant 16 : index
      %get3A_2576 = tpu.vector_load %arg7[%get3A_2573, %get3A_2574, %get3A_2575] {strides = array<i32>} : memref<4x128x32xf32, #tpu.memory_space<vmem>>, vector<16xf32>,
      %mul3A_2577 = arith.constant 5.65685415 : f32
      %mul3A_2578 = vector.broadcast %mul3A_2577 : f32 to vector<16xf32>
      %mul3A_2579 = arith.mulf %get3A_2576, %mul3A_2578 : vector<16xf32>
      %scatter3A_2580 = arith.constant 0 : i32
      %scatter3A_2581 = arith.constant 0 : i32
      %scatter3A_2582 = tpu.memref_slice %arg8[%select_n3A_261, %scatter3A_2580, %scatter3A_2581] : memref<4x32x129xf32, #tpu.memory_space<vmem>> -> memref<1x32x129xf32, #tpu.memory_space<vmem>>
      %scatter3A_2583 = tpu.memref_squeeze %scatter3A_2582 : memref<1x32x129xf32, #tpu.memory_space<vmem>> -> memref<32x129xf32, #tpu.memory_space<vmem>>
      tpu.vector_store_idx %scatter3A_2583[%iota3A, %broadcast_in_dim3A_2563], %mul3A_2571 : memref<32x129xf32, #tpu.memory_space<vmem>>[vector<16xi32>, vector<16xi32>], vector<16xf32>,
      %scatter3A_2584 = arith.constant 0 : i32
      %scatter3A_2585 = arith.constant 0 : i32
      %scatter3A_2586 = tpu.memref_slice %arg8[%select_n3A_261, %scatter3A_2584, %scatter3A_2585] : memref<4x32x129xf32, #tpu.memory_space<vmem>> -> memref<1x32x129xf32, #tpu.memory_space<vmem>>
      %scatter3A_2587 = tpu.memref_squeeze %scatter3A_2586 : memref<1x32x129xf32, #tpu.memory_space<vmem>> -> memref<32x129xf32, #tpu.memory_space<vmem>>
      tpu.vector_store_idx %scatter3A_2587[%add3A_163, %broadcast_in_dim3A_2563], %mul3A_2579 : memref<32x129xf32, #tpu.memory_space<vmem>>[vector<16xi32>, vector<16xi32>], vector<16xf32>,
      %broadcast_in_dim3A_2588 = arith.constant 89 : i32
      %broadcast_in_dim3A_2589 = vector.broadcast %broadcast_in_dim3A_2588 : i32 to vector<16xi32>
      %get3A_2590 = arith.constant 89 : i32
      %get3A_2591 = arith.index_cast %select_n3A_261 : i32 to index
      %get3A_2592 = arith.index_cast %get3A_2590 : i32 to index
      %get3A_2593 = arith.constant 0 : index
      %get3A_2594 = tpu.vector_load %arg7[%get3A_2591, %get3A_2592, %get3A_2593] {strides = array<i32>} : memref<4x128x32xf32, #tpu.memory_space<vmem>>, vector<16xf32>,
      %mul3A_2595 = arith.constant 5.65685415 : f32
      %mul3A_2596 = vector.broadcast %mul3A_2595 : f32 to vector<16xf32>
      %mul3A_2597 = arith.mulf %get3A_2594, %mul3A_2596 : vector<16xf32>
      %get3A_2598 = arith.constant 89 : i32
      %get3A_2599 = arith.index_cast %select_n3A_261 : i32 to index
      %get3A_2600 = arith.index_cast %get3A_2598 : i32 to index
      %get3A_2601 = arith.constant 16 : index
      %get3A_2602 = tpu.vector_load %arg7[%get3A_2599, %get3A_2600, %get3A_2601] {strides = array<i32>} : memref<4x128x32xf32, #tpu.memory_space<vmem>>, vector<16xf32>,
      %mul3A_2603 = arith.constant 5.65685415 : f32
      %mul3A_2604 = vector.broadcast %mul3A_2603 : f32 to vector<16xf32>
      %mul3A_2605 = arith.mulf %get3A_2602, %mul3A_2604 : vector<16xf32>
      %scatter3A_2606 = arith.constant 0 : i32
      %scatter3A_2607 = arith.constant 0 : i32
      %scatter3A_2608 = tpu.memref_slice %arg8[%select_n3A_261, %scatter3A_2606, %scatter3A_2607] : memref<4x32x129xf32, #tpu.memory_space<vmem>> -> memref<1x32x129xf32, #tpu.memory_space<vmem>>
      %scatter3A_2609 = tpu.memref_squeeze %scatter3A_2608 : memref<1x32x129xf32, #tpu.memory_space<vmem>> -> memref<32x129xf32, #tpu.memory_space<vmem>>
      tpu.vector_store_idx %scatter3A_2609[%iota3A, %broadcast_in_dim3A_2589], %mul3A_2597 : memref<32x129xf32, #tpu.memory_space<vmem>>[vector<16xi32>, vector<16xi32>], vector<16xf32>,
      %scatter3A_2610 = arith.constant 0 : i32
      %scatter3A_2611 = arith.constant 0 : i32
      %scatter3A_2612 = tpu.memref_slice %arg8[%select_n3A_261, %scatter3A_2610, %scatter3A_2611] : memref<4x32x129xf32, #tpu.memory_space<vmem>> -> memref<1x32x129xf32, #tpu.memory_space<vmem>>
      %scatter3A_2613 = tpu.memref_squeeze %scatter3A_2612 : memref<1x32x129xf32, #tpu.memory_space<vmem>> -> memref<32x129xf32, #tpu.memory_space<vmem>>
      tpu.vector_store_idx %scatter3A_2613[%add3A_163, %broadcast_in_dim3A_2589], %mul3A_2605 : memref<32x129xf32, #tpu.memory_space<vmem>>[vector<16xi32>, vector<16xi32>], vector<16xf32>,
      %broadcast_in_dim3A_2614 = arith.constant 90 : i32
      %broadcast_in_dim3A_2615 = vector.broadcast %broadcast_in_dim3A_2614 : i32 to vector<16xi32>
      %get3A_2616 = arith.constant 90 : i32
      %get3A_2617 = arith.index_cast %select_n3A_261 : i32 to index
      %get3A_2618 = arith.index_cast %get3A_2616 : i32 to index
      %get3A_2619 = arith.constant 0 : index
      %get3A_2620 = tpu.vector_load %arg7[%get3A_2617, %get3A_2618, %get3A_2619] {strides = array<i32>} : memref<4x128x32xf32, #tpu.memory_space<vmem>>, vector<16xf32>,
      %mul3A_2621 = arith.constant 5.65685415 : f32
      %mul3A_2622 = vector.broadcast %mul3A_2621 : f32 to vector<16xf32>
      %mul3A_2623 = arith.mulf %get3A_2620, %mul3A_2622 : vector<16xf32>
      %get3A_2624 = arith.constant 90 : i32
      %get3A_2625 = arith.index_cast %select_n3A_261 : i32 to index
      %get3A_2626 = arith.index_cast %get3A_2624 : i32 to index
      %get3A_2627 = arith.constant 16 : index
      %get3A_2628 = tpu.vector_load %arg7[%get3A_2625, %get3A_2626, %get3A_2627] {strides = array<i32>} : memref<4x128x32xf32, #tpu.memory_space<vmem>>, vector<16xf32>,
      %mul3A_2629 = arith.constant 5.65685415 : f32
      %mul3A_2630 = vector.broadcast %mul3A_2629 : f32 to vector<16xf32>
      %mul3A_2631 = arith.mulf %get3A_2628, %mul3A_2630 : vector<16xf32>
      %scatter3A_2632 = arith.constant 0 : i32
      %scatter3A_2633 = arith.constant 0 : i32
      %scatter3A_2634 = tpu.memref_slice %arg8[%select_n3A_261, %scatter3A_2632, %scatter3A_2633] : memref<4x32x129xf32, #tpu.memory_space<vmem>> -> memref<1x32x129xf32, #tpu.memory_space<vmem>>
      %scatter3A_2635 = tpu.memref_squeeze %scatter3A_2634 : memref<1x32x129xf32, #tpu.memory_space<vmem>> -> memref<32x129xf32, #tpu.memory_space<vmem>>
      tpu.vector_store_idx %scatter3A_2635[%iota3A, %broadcast_in_dim3A_2615], %mul3A_2623 : memref<32x129xf32, #tpu.memory_space<vmem>>[vector<16xi32>, vector<16xi32>], vector<16xf32>,
      %scatter3A_2636 = arith.constant 0 : i32
      %scatter3A_2637 = arith.constant 0 : i32
      %scatter3A_2638 = tpu.memref_slice %arg8[%select_n3A_261, %scatter3A_2636, %scatter3A_2637] : memref<4x32x129xf32, #tpu.memory_space<vmem>> -> memref<1x32x129xf32, #tpu.memory_space<vmem>>
      %scatter3A_2639 = tpu.memref_squeeze %scatter3A_2638 : memref<1x32x129xf32, #tpu.memory_space<vmem>> -> memref<32x129xf32, #tpu.memory_space<vmem>>
      tpu.vector_store_idx %scatter3A_2639[%add3A_163, %broadcast_in_dim3A_2615], %mul3A_2631 : memref<32x129xf32, #tpu.memory_space<vmem>>[vector<16xi32>, vector<16xi32>], vector<16xf32>,
      %broadcast_in_dim3A_2640 = arith.constant 91 : i32
      %broadcast_in_dim3A_2641 = vector.broadcast %broadcast_in_dim3A_2640 : i32 to vector<16xi32>
      %get3A_2642 = arith.constant 91 : i32
      %get3A_2643 = arith.index_cast %select_n3A_261 : i32 to index
      %get3A_2644 = arith.index_cast %get3A_2642 : i32 to index
      %get3A_2645 = arith.constant 0 : index
      %get3A_2646 = tpu.vector_load %arg7[%get3A_2643, %get3A_2644, %get3A_2645] {strides = array<i32>} : memref<4x128x32xf32, #tpu.memory_space<vmem>>, vector<16xf32>,
      %mul3A_2647 = arith.constant 5.65685415 : f32
      %mul3A_2648 = vector.broadcast %mul3A_2647 : f32 to vector<16xf32>
      %mul3A_2649 = arith.mulf %get3A_2646, %mul3A_2648 : vector<16xf32>
      %get3A_2650 = arith.constant 91 : i32
      %get3A_2651 = arith.index_cast %select_n3A_261 : i32 to index
      %get3A_2652 = arith.index_cast %get3A_2650 : i32 to index
      %get3A_2653 = arith.constant 16 : index
      %get3A_2654 = tpu.vector_load %arg7[%get3A_2651, %get3A_2652, %get3A_2653] {strides = array<i32>} : memref<4x128x32xf32, #tpu.memory_space<vmem>>, vector<16xf32>,
      %mul3A_2655 = arith.constant 5.65685415 : f32
      %mul3A_2656 = vector.broadcast %mul3A_2655 : f32 to vector<16xf32>
      %mul3A_2657 = arith.mulf %get3A_2654, %mul3A_2656 : vector<16xf32>
      %scatter3A_2658 = arith.constant 0 : i32
      %scatter3A_2659 = arith.constant 0 : i32
      %scatter3A_2660 = tpu.memref_slice %arg8[%select_n3A_261, %scatter3A_2658, %scatter3A_2659] : memref<4x32x129xf32, #tpu.memory_space<vmem>> -> memref<1x32x129xf32, #tpu.memory_space<vmem>>
      %scatter3A_2661 = tpu.memref_squeeze %scatter3A_2660 : memref<1x32x129xf32, #tpu.memory_space<vmem>> -> memref<32x129xf32, #tpu.memory_space<vmem>>
      tpu.vector_store_idx %scatter3A_2661[%iota3A, %broadcast_in_dim3A_2641], %mul3A_2649 : memref<32x129xf32, #tpu.memory_space<vmem>>[vector<16xi32>, vector<16xi32>], vector<16xf32>,
      %scatter3A_2662 = arith.constant 0 : i32
      %scatter3A_2663 = arith.constant 0 : i32
      %scatter3A_2664 = tpu.memref_slice %arg8[%select_n3A_261, %scatter3A_2662, %scatter3A_2663] : memref<4x32x129xf32, #tpu.memory_space<vmem>> -> memref<1x32x129xf32, #tpu.memory_space<vmem>>
      %scatter3A_2665 = tpu.memref_squeeze %scatter3A_2664 : memref<1x32x129xf32, #tpu.memory_space<vmem>> -> memref<32x129xf32, #tpu.memory_space<vmem>>
      tpu.vector_store_idx %scatter3A_2665[%add3A_163, %broadcast_in_dim3A_2641], %mul3A_2657 : memref<32x129xf32, #tpu.memory_space<vmem>>[vector<16xi32>, vector<16xi32>], vector<16xf32>,
      %broadcast_in_dim3A_2666 = arith.constant 92 : i32
      %broadcast_in_dim3A_2667 = vector.broadcast %broadcast_in_dim3A_2666 : i32 to vector<16xi32>
      %get3A_2668 = arith.constant 92 : i32
      %get3A_2669 = arith.index_cast %select_n3A_261 : i32 to index
      %get3A_2670 = arith.index_cast %get3A_2668 : i32 to index
      %get3A_2671 = arith.constant 0 : index
      %get3A_2672 = tpu.vector_load %arg7[%get3A_2669, %get3A_2670, %get3A_2671] {strides = array<i32>} : memref<4x128x32xf32, #tpu.memory_space<vmem>>, vector<16xf32>,
      %mul3A_2673 = arith.constant 5.65685415 : f32
      %mul3A_2674 = vector.broadcast %mul3A_2673 : f32 to vector<16xf32>
      %mul3A_2675 = arith.mulf %get3A_2672, %mul3A_2674 : vector<16xf32>
      %get3A_2676 = arith.constant 92 : i32
      %get3A_2677 = arith.index_cast %select_n3A_261 : i32 to index
      %get3A_2678 = arith.index_cast %get3A_2676 : i32 to index
      %get3A_2679 = arith.constant 16 : index
      %get3A_2680 = tpu.vector_load %arg7[%get3A_2677, %get3A_2678, %get3A_2679] {strides = array<i32>} : memref<4x128x32xf32, #tpu.memory_space<vmem>>, vector<16xf32>,
      %mul3A_2681 = arith.constant 5.65685415 : f32
      %mul3A_2682 = vector.broadcast %mul3A_2681 : f32 to vector<16xf32>
      %mul3A_2683 = arith.mulf %get3A_2680, %mul3A_2682 : vector<16xf32>
      %scatter3A_2684 = arith.constant 0 : i32
      %scatter3A_2685 = arith.constant 0 : i32
      %scatter3A_2686 = tpu.memref_slice %arg8[%select_n3A_261, %scatter3A_2684, %scatter3A_2685] : memref<4x32x129xf32, #tpu.memory_space<vmem>> -> memref<1x32x129xf32, #tpu.memory_space<vmem>>
      %scatter3A_2687 = tpu.memref_squeeze %scatter3A_2686 : memref<1x32x129xf32, #tpu.memory_space<vmem>> -> memref<32x129xf32, #tpu.memory_space<vmem>>
      tpu.vector_store_idx %scatter3A_2687[%iota3A, %broadcast_in_dim3A_2667], %mul3A_2675 : memref<32x129xf32, #tpu.memory_space<vmem>>[vector<16xi32>, vector<16xi32>], vector<16xf32>,
      %scatter3A_2688 = arith.constant 0 : i32
      %scatter3A_2689 = arith.constant 0 : i32
      %scatter3A_2690 = tpu.memref_slice %arg8[%select_n3A_261, %scatter3A_2688, %scatter3A_2689] : memref<4x32x129xf32, #tpu.memory_space<vmem>> -> memref<1x32x129xf32, #tpu.memory_space<vmem>>
      %scatter3A_2691 = tpu.memref_squeeze %scatter3A_2690 : memref<1x32x129xf32, #tpu.memory_space<vmem>> -> memref<32x129xf32, #tpu.memory_space<vmem>>
      tpu.vector_store_idx %scatter3A_2691[%add3A_163, %broadcast_in_dim3A_2667], %mul3A_2683 : memref<32x129xf32, #tpu.memory_space<vmem>>[vector<16xi32>, vector<16xi32>], vector<16xf32>,
      %broadcast_in_dim3A_2692 = arith.constant 93 : i32
      %broadcast_in_dim3A_2693 = vector.broadcast %broadcast_in_dim3A_2692 : i32 to vector<16xi32>
      %get3A_2694 = arith.constant 93 : i32
      %get3A_2695 = arith.index_cast %select_n3A_261 : i32 to index
      %get3A_2696 = arith.index_cast %get3A_2694 : i32 to index
      %get3A_2697 = arith.constant 0 : index
      %get3A_2698 = tpu.vector_load %arg7[%get3A_2695, %get3A_2696, %get3A_2697] {strides = array<i32>} : memref<4x128x32xf32, #tpu.memory_space<vmem>>, vector<16xf32>,
      %mul3A_2699 = arith.constant 5.65685415 : f32
      %mul3A_2700 = vector.broadcast %mul3A_2699 : f32 to vector<16xf32>
      %mul3A_2701 = arith.mulf %get3A_2698, %mul3A_2700 : vector<16xf32>
      %get3A_2702 = arith.constant 93 : i32
      %get3A_2703 = arith.index_cast %select_n3A_261 : i32 to index
      %get3A_2704 = arith.index_cast %get3A_2702 : i32 to index
      %get3A_2705 = arith.constant 16 : index
      %get3A_2706 = tpu.vector_load %arg7[%get3A_2703, %get3A_2704, %get3A_2705] {strides = array<i32>} : memref<4x128x32xf32, #tpu.memory_space<vmem>>, vector<16xf32>,
      %mul3A_2707 = arith.constant 5.65685415 : f32
      %mul3A_2708 = vector.broadcast %mul3A_2707 : f32 to vector<16xf32>
      %mul3A_2709 = arith.mulf %get3A_2706, %mul3A_2708 : vector<16xf32>
      %scatter3A_2710 = arith.constant 0 : i32
      %scatter3A_2711 = arith.constant 0 : i32
      %scatter3A_2712 = tpu.memref_slice %arg8[%select_n3A_261, %scatter3A_2710, %scatter3A_2711] : memref<4x32x129xf32, #tpu.memory_space<vmem>> -> memref<1x32x129xf32, #tpu.memory_space<vmem>>
      %scatter3A_2713 = tpu.memref_squeeze %scatter3A_2712 : memref<1x32x129xf32, #tpu.memory_space<vmem>> -> memref<32x129xf32, #tpu.memory_space<vmem>>
      tpu.vector_store_idx %scatter3A_2713[%iota3A, %broadcast_in_dim3A_2693], %mul3A_2701 : memref<32x129xf32, #tpu.memory_space<vmem>>[vector<16xi32>, vector<16xi32>], vector<16xf32>,
      %scatter3A_2714 = arith.constant 0 : i32
      %scatter3A_2715 = arith.constant 0 : i32
      %scatter3A_2716 = tpu.memref_slice %arg8[%select_n3A_261, %scatter3A_2714, %scatter3A_2715] : memref<4x32x129xf32, #tpu.memory_space<vmem>> -> memref<1x32x129xf32, #tpu.memory_space<vmem>>
      %scatter3A_2717 = tpu.memref_squeeze %scatter3A_2716 : memref<1x32x129xf32, #tpu.memory_space<vmem>> -> memref<32x129xf32, #tpu.memory_space<vmem>>
      tpu.vector_store_idx %scatter3A_2717[%add3A_163, %broadcast_in_dim3A_2693], %mul3A_2709 : memref<32x129xf32, #tpu.memory_space<vmem>>[vector<16xi32>, vector<16xi32>], vector<16xf32>,
      %broadcast_in_dim3A_2718 = arith.constant 94 : i32
      %broadcast_in_dim3A_2719 = vector.broadcast %broadcast_in_dim3A_2718 : i32 to vector<16xi32>
      %get3A_2720 = arith.constant 94 : i32
      %get3A_2721 = arith.index_cast %select_n3A_261 : i32 to index
      %get3A_2722 = arith.index_cast %get3A_2720 : i32 to index
      %get3A_2723 = arith.constant 0 : index
      %get3A_2724 = tpu.vector_load %arg7[%get3A_2721, %get3A_2722, %get3A_2723] {strides = array<i32>} : memref<4x128x32xf32, #tpu.memory_space<vmem>>, vector<16xf32>,
      %mul3A_2725 = arith.constant 5.65685415 : f32
      %mul3A_2726 = vector.broadcast %mul3A_2725 : f32 to vector<16xf32>
      %mul3A_2727 = arith.mulf %get3A_2724, %mul3A_2726 : vector<16xf32>
      %get3A_2728 = arith.constant 94 : i32
      %get3A_2729 = arith.index_cast %select_n3A_261 : i32 to index
      %get3A_2730 = arith.index_cast %get3A_2728 : i32 to index
      %get3A_2731 = arith.constant 16 : index
      %get3A_2732 = tpu.vector_load %arg7[%get3A_2729, %get3A_2730, %get3A_2731] {strides = array<i32>} : memref<4x128x32xf32, #tpu.memory_space<vmem>>, vector<16xf32>,
      %mul3A_2733 = arith.constant 5.65685415 : f32
      %mul3A_2734 = vector.broadcast %mul3A_2733 : f32 to vector<16xf32>
      %mul3A_2735 = arith.mulf %get3A_2732, %mul3A_2734 : vector<16xf32>
      %scatter3A_2736 = arith.constant 0 : i32
      %scatter3A_2737 = arith.constant 0 : i32
      %scatter3A_2738 = tpu.memref_slice %arg8[%select_n3A_261, %scatter3A_2736, %scatter3A_2737] : memref<4x32x129xf32, #tpu.memory_space<vmem>> -> memref<1x32x129xf32, #tpu.memory_space<vmem>>
      %scatter3A_2739 = tpu.memref_squeeze %scatter3A_2738 : memref<1x32x129xf32, #tpu.memory_space<vmem>> -> memref<32x129xf32, #tpu.memory_space<vmem>>
      tpu.vector_store_idx %scatter3A_2739[%iota3A, %broadcast_in_dim3A_2719], %mul3A_2727 : memref<32x129xf32, #tpu.memory_space<vmem>>[vector<16xi32>, vector<16xi32>], vector<16xf32>,
      %scatter3A_2740 = arith.constant 0 : i32
      %scatter3A_2741 = arith.constant 0 : i32
      %scatter3A_2742 = tpu.memref_slice %arg8[%select_n3A_261, %scatter3A_2740, %scatter3A_2741] : memref<4x32x129xf32, #tpu.memory_space<vmem>> -> memref<1x32x129xf32, #tpu.memory_space<vmem>>
      %scatter3A_2743 = tpu.memref_squeeze %scatter3A_2742 : memref<1x32x129xf32, #tpu.memory_space<vmem>> -> memref<32x129xf32, #tpu.memory_space<vmem>>
      tpu.vector_store_idx %scatter3A_2743[%add3A_163, %broadcast_in_dim3A_2719], %mul3A_2735 : memref<32x129xf32, #tpu.memory_space<vmem>>[vector<16xi32>, vector<16xi32>], vector<16xf32>,
      %broadcast_in_dim3A_2744 = arith.constant 95 : i32
      %broadcast_in_dim3A_2745 = vector.broadcast %broadcast_in_dim3A_2744 : i32 to vector<16xi32>
      %get3A_2746 = arith.constant 95 : i32
      %get3A_2747 = arith.index_cast %select_n3A_261 : i32 to index
      %get3A_2748 = arith.index_cast %get3A_2746 : i32 to index
      %get3A_2749 = arith.constant 0 : index
      %get3A_2750 = tpu.vector_load %arg7[%get3A_2747, %get3A_2748, %get3A_2749] {strides = array<i32>} : memref<4x128x32xf32, #tpu.memory_space<vmem>>, vector<16xf32>,
      %mul3A_2751 = arith.constant 5.65685415 : f32
      %mul3A_2752 = vector.broadcast %mul3A_2751 : f32 to vector<16xf32>
      %mul3A_2753 = arith.mulf %get3A_2750, %mul3A_2752 : vector<16xf32>
      %get3A_2754 = arith.constant 95 : i32
      %get3A_2755 = arith.index_cast %select_n3A_261 : i32 to index
      %get3A_2756 = arith.index_cast %get3A_2754 : i32 to index
      %get3A_2757 = arith.constant 16 : index
      %get3A_2758 = tpu.vector_load %arg7[%get3A_2755, %get3A_2756, %get3A_2757] {strides = array<i32>} : memref<4x128x32xf32, #tpu.memory_space<vmem>>, vector<16xf32>,
      %mul3A_2759 = arith.constant 5.65685415 : f32
      %mul3A_2760 = vector.broadcast %mul3A_2759 : f32 to vector<16xf32>
      %mul3A_2761 = arith.mulf %get3A_2758, %mul3A_2760 : vector<16xf32>
      %scatter3A_2762 = arith.constant 0 : i32
      %scatter3A_2763 = arith.constant 0 : i32
      %scatter3A_2764 = tpu.memref_slice %arg8[%select_n3A_261, %scatter3A_2762, %scatter3A_2763] : memref<4x32x129xf32, #tpu.memory_space<vmem>> -> memref<1x32x129xf32, #tpu.memory_space<vmem>>
      %scatter3A_2765 = tpu.memref_squeeze %scatter3A_2764 : memref<1x32x129xf32, #tpu.memory_space<vmem>> -> memref<32x129xf32, #tpu.memory_space<vmem>>
      tpu.vector_store_idx %scatter3A_2765[%iota3A, %broadcast_in_dim3A_2745], %mul3A_2753 : memref<32x129xf32, #tpu.memory_space<vmem>>[vector<16xi32>, vector<16xi32>], vector<16xf32>,
      %scatter3A_2766 = arith.constant 0 : i32
      %scatter3A_2767 = arith.constant 0 : i32
      %scatter3A_2768 = tpu.memref_slice %arg8[%select_n3A_261, %scatter3A_2766, %scatter3A_2767] : memref<4x32x129xf32, #tpu.memory_space<vmem>> -> memref<1x32x129xf32, #tpu.memory_space<vmem>>
      %scatter3A_2769 = tpu.memref_squeeze %scatter3A_2768 : memref<1x32x129xf32, #tpu.memory_space<vmem>> -> memref<32x129xf32, #tpu.memory_space<vmem>>
      tpu.vector_store_idx %scatter3A_2769[%add3A_163, %broadcast_in_dim3A_2745], %mul3A_2761 : memref<32x129xf32, #tpu.memory_space<vmem>>[vector<16xi32>, vector<16xi32>], vector<16xf32>,
      %broadcast_in_dim3A_2770 = arith.constant 96 : i32
      %broadcast_in_dim3A_2771 = vector.broadcast %broadcast_in_dim3A_2770 : i32 to vector<16xi32>
      %get3A_2772 = arith.constant 96 : i32
      %get3A_2773 = arith.index_cast %select_n3A_261 : i32 to index
      %get3A_2774 = arith.index_cast %get3A_2772 : i32 to index
      %get3A_2775 = arith.constant 0 : index
      %get3A_2776 = tpu.vector_load %arg7[%get3A_2773, %get3A_2774, %get3A_2775] {strides = array<i32>} : memref<4x128x32xf32, #tpu.memory_space<vmem>>, vector<16xf32>,
      %mul3A_2777 = arith.constant 5.65685415 : f32
      %mul3A_2778 = vector.broadcast %mul3A_2777 : f32 to vector<16xf32>
      %mul3A_2779 = arith.mulf %get3A_2776, %mul3A_2778 : vector<16xf32>
      %get3A_2780 = arith.constant 96 : i32
      %get3A_2781 = arith.index_cast %select_n3A_261 : i32 to index
      %get3A_2782 = arith.index_cast %get3A_2780 : i32 to index
      %get3A_2783 = arith.constant 16 : index
      %get3A_2784 = tpu.vector_load %arg7[%get3A_2781, %get3A_2782, %get3A_2783] {strides = array<i32>} : memref<4x128x32xf32, #tpu.memory_space<vmem>>, vector<16xf32>,
      %mul3A_2785 = arith.constant 5.65685415 : f32
      %mul3A_2786 = vector.broadcast %mul3A_2785 : f32 to vector<16xf32>
      %mul3A_2787 = arith.mulf %get3A_2784, %mul3A_2786 : vector<16xf32>
      %scatter3A_2788 = arith.constant 0 : i32
      %scatter3A_2789 = arith.constant 0 : i32
      %scatter3A_2790 = tpu.memref_slice %arg8[%select_n3A_261, %scatter3A_2788, %scatter3A_2789] : memref<4x32x129xf32, #tpu.memory_space<vmem>> -> memref<1x32x129xf32, #tpu.memory_space<vmem>>
      %scatter3A_2791 = tpu.memref_squeeze %scatter3A_2790 : memref<1x32x129xf32, #tpu.memory_space<vmem>> -> memref<32x129xf32, #tpu.memory_space<vmem>>
      tpu.vector_store_idx %scatter3A_2791[%iota3A, %broadcast_in_dim3A_2771], %mul3A_2779 : memref<32x129xf32, #tpu.memory_space<vmem>>[vector<16xi32>, vector<16xi32>], vector<16xf32>,
      %scatter3A_2792 = arith.constant 0 : i32
      %scatter3A_2793 = arith.constant 0 : i32
      %scatter3A_2794 = tpu.memref_slice %arg8[%select_n3A_261, %scatter3A_2792, %scatter3A_2793] : memref<4x32x129xf32, #tpu.memory_space<vmem>> -> memref<1x32x129xf32, #tpu.memory_space<vmem>>
      %scatter3A_2795 = tpu.memref_squeeze %scatter3A_2794 : memref<1x32x129xf32, #tpu.memory_space<vmem>> -> memref<32x129xf32, #tpu.memory_space<vmem>>
      tpu.vector_store_idx %scatter3A_2795[%add3A_163, %broadcast_in_dim3A_2771], %mul3A_2787 : memref<32x129xf32, #tpu.memory_space<vmem>>[vector<16xi32>, vector<16xi32>], vector<16xf32>,
      %broadcast_in_dim3A_2796 = arith.constant 97 : i32
      %broadcast_in_dim3A_2797 = vector.broadcast %broadcast_in_dim3A_2796 : i32 to vector<16xi32>
      %get3A_2798 = arith.constant 97 : i32
      %get3A_2799 = arith.index_cast %select_n3A_261 : i32 to index
      %get3A_2800 = arith.index_cast %get3A_2798 : i32 to index
      %get3A_2801 = arith.constant 0 : index
      %get3A_2802 = tpu.vector_load %arg7[%get3A_2799, %get3A_2800, %get3A_2801] {strides = array<i32>} : memref<4x128x32xf32, #tpu.memory_space<vmem>>, vector<16xf32>,
      %mul3A_2803 = arith.constant 5.65685415 : f32
      %mul3A_2804 = vector.broadcast %mul3A_2803 : f32 to vector<16xf32>
      %mul3A_2805 = arith.mulf %get3A_2802, %mul3A_2804 : vector<16xf32>
      %get3A_2806 = arith.constant 97 : i32
      %get3A_2807 = arith.index_cast %select_n3A_261 : i32 to index
      %get3A_2808 = arith.index_cast %get3A_2806 : i32 to index
      %get3A_2809 = arith.constant 16 : index
      %get3A_2810 = tpu.vector_load %arg7[%get3A_2807, %get3A_2808, %get3A_2809] {strides = array<i32>} : memref<4x128x32xf32, #tpu.memory_space<vmem>>, vector<16xf32>,
      %mul3A_2811 = arith.constant 5.65685415 : f32
      %mul3A_2812 = vector.broadcast %mul3A_2811 : f32 to vector<16xf32>
      %mul3A_2813 = arith.mulf %get3A_2810, %mul3A_2812 : vector<16xf32>
      %scatter3A_2814 = arith.constant 0 : i32
      %scatter3A_2815 = arith.constant 0 : i32
      %scatter3A_2816 = tpu.memref_slice %arg8[%select_n3A_261, %scatter3A_2814, %scatter3A_2815] : memref<4x32x129xf32, #tpu.memory_space<vmem>> -> memref<1x32x129xf32, #tpu.memory_space<vmem>>
      %scatter3A_2817 = tpu.memref_squeeze %scatter3A_2816 : memref<1x32x129xf32, #tpu.memory_space<vmem>> -> memref<32x129xf32, #tpu.memory_space<vmem>>
      tpu.vector_store_idx %scatter3A_2817[%iota3A, %broadcast_in_dim3A_2797], %mul3A_2805 : memref<32x129xf32, #tpu.memory_space<vmem>>[vector<16xi32>, vector<16xi32>], vector<16xf32>,
      %scatter3A_2818 = arith.constant 0 : i32
      %scatter3A_2819 = arith.constant 0 : i32
      %scatter3A_2820 = tpu.memref_slice %arg8[%select_n3A_261, %scatter3A_2818, %scatter3A_2819] : memref<4x32x129xf32, #tpu.memory_space<vmem>> -> memref<1x32x129xf32, #tpu.memory_space<vmem>>
      %scatter3A_2821 = tpu.memref_squeeze %scatter3A_2820 : memref<1x32x129xf32, #tpu.memory_space<vmem>> -> memref<32x129xf32, #tpu.memory_space<vmem>>
      tpu.vector_store_idx %scatter3A_2821[%add3A_163, %broadcast_in_dim3A_2797], %mul3A_2813 : memref<32x129xf32, #tpu.memory_space<vmem>>[vector<16xi32>, vector<16xi32>], vector<16xf32>,
      %broadcast_in_dim3A_2822 = arith.constant 98 : i32
      %broadcast_in_dim3A_2823 = vector.broadcast %broadcast_in_dim3A_2822 : i32 to vector<16xi32>
      %get3A_2824 = arith.constant 98 : i32
      %get3A_2825 = arith.index_cast %select_n3A_261 : i32 to index
      %get3A_2826 = arith.index_cast %get3A_2824 : i32 to index
      %get3A_2827 = arith.constant 0 : index
      %get3A_2828 = tpu.vector_load %arg7[%get3A_2825, %get3A_2826, %get3A_2827] {strides = array<i32>} : memref<4x128x32xf32, #tpu.memory_space<vmem>>, vector<16xf32>,
      %mul3A_2829 = arith.constant 5.65685415 : f32
      %mul3A_2830 = vector.broadcast %mul3A_2829 : f32 to vector<16xf32>
      %mul3A_2831 = arith.mulf %get3A_2828, %mul3A_2830 : vector<16xf32>
      %get3A_2832 = arith.constant 98 : i32
      %get3A_2833 = arith.index_cast %select_n3A_261 : i32 to index
      %get3A_2834 = arith.index_cast %get3A_2832 : i32 to index
      %get3A_2835 = arith.constant 16 : index
      %get3A_2836 = tpu.vector_load %arg7[%get3A_2833, %get3A_2834, %get3A_2835] {strides = array<i32>} : memref<4x128x32xf32, #tpu.memory_space<vmem>>, vector<16xf32>,
      %mul3A_2837 = arith.constant 5.65685415 : f32
      %mul3A_2838 = vector.broadcast %mul3A_2837 : f32 to vector<16xf32>
      %mul3A_2839 = arith.mulf %get3A_2836, %mul3A_2838 : vector<16xf32>
      %scatter3A_2840 = arith.constant 0 : i32
      %scatter3A_2841 = arith.constant 0 : i32
      %scatter3A_2842 = tpu.memref_slice %arg8[%select_n3A_261, %scatter3A_2840, %scatter3A_2841] : memref<4x32x129xf32, #tpu.memory_space<vmem>> -> memref<1x32x129xf32, #tpu.memory_space<vmem>>
      %scatter3A_2843 = tpu.memref_squeeze %scatter3A_2842 : memref<1x32x129xf32, #tpu.memory_space<vmem>> -> memref<32x129xf32, #tpu.memory_space<vmem>>
      tpu.vector_store_idx %scatter3A_2843[%iota3A, %broadcast_in_dim3A_2823], %mul3A_2831 : memref<32x129xf32, #tpu.memory_space<vmem>>[vector<16xi32>, vector<16xi32>], vector<16xf32>,
      %scatter3A_2844 = arith.constant 0 : i32
      %scatter3A_2845 = arith.constant 0 : i32
      %scatter3A_2846 = tpu.memref_slice %arg8[%select_n3A_261, %scatter3A_2844, %scatter3A_2845] : memref<4x32x129xf32, #tpu.memory_space<vmem>> -> memref<1x32x129xf32, #tpu.memory_space<vmem>>
      %scatter3A_2847 = tpu.memref_squeeze %scatter3A_2846 : memref<1x32x129xf32, #tpu.memory_space<vmem>> -> memref<32x129xf32, #tpu.memory_space<vmem>>
      tpu.vector_store_idx %scatter3A_2847[%add3A_163, %broadcast_in_dim3A_2823], %mul3A_2839 : memref<32x129xf32, #tpu.memory_space<vmem>>[vector<16xi32>, vector<16xi32>], vector<16xf32>,
      %broadcast_in_dim3A_2848 = arith.constant 99 : i32
      %broadcast_in_dim3A_2849 = vector.broadcast %broadcast_in_dim3A_2848 : i32 to vector<16xi32>
      %get3A_2850 = arith.constant 99 : i32
      %get3A_2851 = arith.index_cast %select_n3A_261 : i32 to index
      %get3A_2852 = arith.index_cast %get3A_2850 : i32 to index
      %get3A_2853 = arith.constant 0 : index
      %get3A_2854 = tpu.vector_load %arg7[%get3A_2851, %get3A_2852, %get3A_2853] {strides = array<i32>} : memref<4x128x32xf32, #tpu.memory_space<vmem>>, vector<16xf32>,
      %mul3A_2855 = arith.constant 5.65685415 : f32
      %mul3A_2856 = vector.broadcast %mul3A_2855 : f32 to vector<16xf32>
      %mul3A_2857 = arith.mulf %get3A_2854, %mul3A_2856 : vector<16xf32>
      %get3A_2858 = arith.constant 99 : i32
      %get3A_2859 = arith.index_cast %select_n3A_261 : i32 to index
      %get3A_2860 = arith.index_cast %get3A_2858 : i32 to index
      %get3A_2861 = arith.constant 16 : index
      %get3A_2862 = tpu.vector_load %arg7[%get3A_2859, %get3A_2860, %get3A_2861] {strides = array<i32>} : memref<4x128x32xf32, #tpu.memory_space<vmem>>, vector<16xf32>,
      %mul3A_2863 = arith.constant 5.65685415 : f32
      %mul3A_2864 = vector.broadcast %mul3A_2863 : f32 to vector<16xf32>
      %mul3A_2865 = arith.mulf %get3A_2862, %mul3A_2864 : vector<16xf32>
      %scatter3A_2866 = arith.constant 0 : i32
      %scatter3A_2867 = arith.constant 0 : i32
      %scatter3A_2868 = tpu.memref_slice %arg8[%select_n3A_261, %scatter3A_2866, %scatter3A_2867] : memref<4x32x129xf32, #tpu.memory_space<vmem>> -> memref<1x32x129xf32, #tpu.memory_space<vmem>>
      %scatter3A_2869 = tpu.memref_squeeze %scatter3A_2868 : memref<1x32x129xf32, #tpu.memory_space<vmem>> -> memref<32x129xf32, #tpu.memory_space<vmem>>
      tpu.vector_store_idx %scatter3A_2869[%iota3A, %broadcast_in_dim3A_2849], %mul3A_2857 : memref<32x129xf32, #tpu.memory_space<vmem>>[vector<16xi32>, vector<16xi32>], vector<16xf32>,
      %scatter3A_2870 = arith.constant 0 : i32
      %scatter3A_2871 = arith.constant 0 : i32
      %scatter3A_2872 = tpu.memref_slice %arg8[%select_n3A_261, %scatter3A_2870, %scatter3A_2871] : memref<4x32x129xf32, #tpu.memory_space<vmem>> -> memref<1x32x129xf32, #tpu.memory_space<vmem>>
      %scatter3A_2873 = tpu.memref_squeeze %scatter3A_2872 : memref<1x32x129xf32, #tpu.memory_space<vmem>> -> memref<32x129xf32, #tpu.memory_space<vmem>>
      tpu.vector_store_idx %scatter3A_2873[%add3A_163, %broadcast_in_dim3A_2849], %mul3A_2865 : memref<32x129xf32, #tpu.memory_space<vmem>>[vector<16xi32>, vector<16xi32>], vector<16xf32>,
      %broadcast_in_dim3A_2874 = arith.constant 100 : i32
      %broadcast_in_dim3A_2875 = vector.broadcast %broadcast_in_dim3A_2874 : i32 to vector<16xi32>
      %get3A_2876 = arith.constant 100 : i32
      %get3A_2877 = arith.index_cast %select_n3A_261 : i32 to index
      %get3A_2878 = arith.index_cast %get3A_2876 : i32 to index
      %get3A_2879 = arith.constant 0 : index
      %get3A_2880 = tpu.vector_load %arg7[%get3A_2877, %get3A_2878, %get3A_2879] {strides = array<i32>} : memref<4x128x32xf32, #tpu.memory_space<vmem>>, vector<16xf32>,
      %mul3A_2881 = arith.constant 5.65685415 : f32
      %mul3A_2882 = vector.broadcast %mul3A_2881 : f32 to vector<16xf32>
      %mul3A_2883 = arith.mulf %get3A_2880, %mul3A_2882 : vector<16xf32>
      %get3A_2884 = arith.constant 100 : i32
      %get3A_2885 = arith.index_cast %select_n3A_261 : i32 to index
      %get3A_2886 = arith.index_cast %get3A_2884 : i32 to index
      %get3A_2887 = arith.constant 16 : index
      %get3A_2888 = tpu.vector_load %arg7[%get3A_2885, %get3A_2886, %get3A_2887] {strides = array<i32>} : memref<4x128x32xf32, #tpu.memory_space<vmem>>, vector<16xf32>,
      %mul3A_2889 = arith.constant 5.65685415 : f32
      %mul3A_2890 = vector.broadcast %mul3A_2889 : f32 to vector<16xf32>
      %mul3A_2891 = arith.mulf %get3A_2888, %mul3A_2890 : vector<16xf32>
      %scatter3A_2892 = arith.constant 0 : i32
      %scatter3A_2893 = arith.constant 0 : i32
      %scatter3A_2894 = tpu.memref_slice %arg8[%select_n3A_261, %scatter3A_2892, %scatter3A_2893] : memref<4x32x129xf32, #tpu.memory_space<vmem>> -> memref<1x32x129xf32, #tpu.memory_space<vmem>>
      %scatter3A_2895 = tpu.memref_squeeze %scatter3A_2894 : memref<1x32x129xf32, #tpu.memory_space<vmem>> -> memref<32x129xf32, #tpu.memory_space<vmem>>
      tpu.vector_store_idx %scatter3A_2895[%iota3A, %broadcast_in_dim3A_2875], %mul3A_2883 : memref<32x129xf32, #tpu.memory_space<vmem>>[vector<16xi32>, vector<16xi32>], vector<16xf32>,
      %scatter3A_2896 = arith.constant 0 : i32
      %scatter3A_2897 = arith.constant 0 : i32
      %scatter3A_2898 = tpu.memref_slice %arg8[%select_n3A_261, %scatter3A_2896, %scatter3A_2897] : memref<4x32x129xf32, #tpu.memory_space<vmem>> -> memref<1x32x129xf32, #tpu.memory_space<vmem>>
      %scatter3A_2899 = tpu.memref_squeeze %scatter3A_2898 : memref<1x32x129xf32, #tpu.memory_space<vmem>> -> memref<32x129xf32, #tpu.memory_space<vmem>>
      tpu.vector_store_idx %scatter3A_2899[%add3A_163, %broadcast_in_dim3A_2875], %mul3A_2891 : memref<32x129xf32, #tpu.memory_space<vmem>>[vector<16xi32>, vector<16xi32>], vector<16xf32>,
      %broadcast_in_dim3A_2900 = arith.constant 101 : i32
      %broadcast_in_dim3A_2901 = vector.broadcast %broadcast_in_dim3A_2900 : i32 to vector<16xi32>
      %get3A_2902 = arith.constant 101 : i32
      %get3A_2903 = arith.index_cast %select_n3A_261 : i32 to index
      %get3A_2904 = arith.index_cast %get3A_2902 : i32 to index
      %get3A_2905 = arith.constant 0 : index
      %get3A_2906 = tpu.vector_load %arg7[%get3A_2903, %get3A_2904, %get3A_2905] {strides = array<i32>} : memref<4x128x32xf32, #tpu.memory_space<vmem>>, vector<16xf32>,
      %mul3A_2907 = arith.constant 5.65685415 : f32
      %mul3A_2908 = vector.broadcast %mul3A_2907 : f32 to vector<16xf32>
      %mul3A_2909 = arith.mulf %get3A_2906, %mul3A_2908 : vector<16xf32>
      %get3A_2910 = arith.constant 101 : i32
      %get3A_2911 = arith.index_cast %select_n3A_261 : i32 to index
      %get3A_2912 = arith.index_cast %get3A_2910 : i32 to index
      %get3A_2913 = arith.constant 16 : index
      %get3A_2914 = tpu.vector_load %arg7[%get3A_2911, %get3A_2912, %get3A_2913] {strides = array<i32>} : memref<4x128x32xf32, #tpu.memory_space<vmem>>, vector<16xf32>,
      %mul3A_2915 = arith.constant 5.65685415 : f32
      %mul3A_2916 = vector.broadcast %mul3A_2915 : f32 to vector<16xf32>
      %mul3A_2917 = arith.mulf %get3A_2914, %mul3A_2916 : vector<16xf32>
      %scatter3A_2918 = arith.constant 0 : i32
      %scatter3A_2919 = arith.constant 0 : i32
      %scatter3A_2920 = tpu.memref_slice %arg8[%select_n3A_261, %scatter3A_2918, %scatter3A_2919] : memref<4x32x129xf32, #tpu.memory_space<vmem>> -> memref<1x32x129xf32, #tpu.memory_space<vmem>>
      %scatter3A_2921 = tpu.memref_squeeze %scatter3A_2920 : memref<1x32x129xf32, #tpu.memory_space<vmem>> -> memref<32x129xf32, #tpu.memory_space<vmem>>
      tpu.vector_store_idx %scatter3A_2921[%iota3A, %broadcast_in_dim3A_2901], %mul3A_2909 : memref<32x129xf32, #tpu.memory_space<vmem>>[vector<16xi32>, vector<16xi32>], vector<16xf32>,
      %scatter3A_2922 = arith.constant 0 : i32
      %scatter3A_2923 = arith.constant 0 : i32
      %scatter3A_2924 = tpu.memref_slice %arg8[%select_n3A_261, %scatter3A_2922, %scatter3A_2923] : memref<4x32x129xf32, #tpu.memory_space<vmem>> -> memref<1x32x129xf32, #tpu.memory_space<vmem>>
      %scatter3A_2925 = tpu.memref_squeeze %scatter3A_2924 : memref<1x32x129xf32, #tpu.memory_space<vmem>> -> memref<32x129xf32, #tpu.memory_space<vmem>>
      tpu.vector_store_idx %scatter3A_2925[%add3A_163, %broadcast_in_dim3A_2901], %mul3A_2917 : memref<32x129xf32, #tpu.memory_space<vmem>>[vector<16xi32>, vector<16xi32>], vector<16xf32>,
      %broadcast_in_dim3A_2926 = arith.constant 102 : i32
      %broadcast_in_dim3A_2927 = vector.broadcast %broadcast_in_dim3A_2926 : i32 to vector<16xi32>
      %get3A_2928 = arith.constant 102 : i32
      %get3A_2929 = arith.index_cast %select_n3A_261 : i32 to index
      %get3A_2930 = arith.index_cast %get3A_2928 : i32 to index
      %get3A_2931 = arith.constant 0 : index
      %get3A_2932 = tpu.vector_load %arg7[%get3A_2929, %get3A_2930, %get3A_2931] {strides = array<i32>} : memref<4x128x32xf32, #tpu.memory_space<vmem>>, vector<16xf32>,
      %mul3A_2933 = arith.constant 5.65685415 : f32
      %mul3A_2934 = vector.broadcast %mul3A_2933 : f32 to vector<16xf32>
      %mul3A_2935 = arith.mulf %get3A_2932, %mul3A_2934 : vector<16xf32>
      %get3A_2936 = arith.constant 102 : i32
      %get3A_2937 = arith.index_cast %select_n3A_261 : i32 to index
      %get3A_2938 = arith.index_cast %get3A_2936 : i32 to index
      %get3A_2939 = arith.constant 16 : index
      %get3A_2940 = tpu.vector_load %arg7[%get3A_2937, %get3A_2938, %get3A_2939] {strides = array<i32>} : memref<4x128x32xf32, #tpu.memory_space<vmem>>, vector<16xf32>,
      %mul3A_2941 = arith.constant 5.65685415 : f32
      %mul3A_2942 = vector.broadcast %mul3A_2941 : f32 to vector<16xf32>
      %mul3A_2943 = arith.mulf %get3A_2940, %mul3A_2942 : vector<16xf32>
      %scatter3A_2944 = arith.constant 0 : i32
      %scatter3A_2945 = arith.constant 0 : i32
      %scatter3A_2946 = tpu.memref_slice %arg8[%select_n3A_261, %scatter3A_2944, %scatter3A_2945] : memref<4x32x129xf32, #tpu.memory_space<vmem>> -> memref<1x32x129xf32, #tpu.memory_space<vmem>>
      %scatter3A_2947 = tpu.memref_squeeze %scatter3A_2946 : memref<1x32x129xf32, #tpu.memory_space<vmem>> -> memref<32x129xf32, #tpu.memory_space<vmem>>
      tpu.vector_store_idx %scatter3A_2947[%iota3A, %broadcast_in_dim3A_2927], %mul3A_2935 : memref<32x129xf32, #tpu.memory_space<vmem>>[vector<16xi32>, vector<16xi32>], vector<16xf32>,
      %scatter3A_2948 = arith.constant 0 : i32
      %scatter3A_2949 = arith.constant 0 : i32
      %scatter3A_2950 = tpu.memref_slice %arg8[%select_n3A_261, %scatter3A_2948, %scatter3A_2949] : memref<4x32x129xf32, #tpu.memory_space<vmem>> -> memref<1x32x129xf32, #tpu.memory_space<vmem>>
      %scatter3A_2951 = tpu.memref_squeeze %scatter3A_2950 : memref<1x32x129xf32, #tpu.memory_space<vmem>> -> memref<32x129xf32, #tpu.memory_space<vmem>>
      tpu.vector_store_idx %scatter3A_2951[%add3A_163, %broadcast_in_dim3A_2927], %mul3A_2943 : memref<32x129xf32, #tpu.memory_space<vmem>>[vector<16xi32>, vector<16xi32>], vector<16xf32>,
      %broadcast_in_dim3A_2952 = arith.constant 103 : i32
      %broadcast_in_dim3A_2953 = vector.broadcast %broadcast_in_dim3A_2952 : i32 to vector<16xi32>
      %get3A_2954 = arith.constant 103 : i32
      %get3A_2955 = arith.index_cast %select_n3A_261 : i32 to index
      %get3A_2956 = arith.index_cast %get3A_2954 : i32 to index
      %get3A_2957 = arith.constant 0 : index
      %get3A_2958 = tpu.vector_load %arg7[%get3A_2955, %get3A_2956, %get3A_2957] {strides = array<i32>} : memref<4x128x32xf32, #tpu.memory_space<vmem>>, vector<16xf32>,
      %mul3A_2959 = arith.constant 5.65685415 : f32
      %mul3A_2960 = vector.broadcast %mul3A_2959 : f32 to vector<16xf32>
      %mul3A_2961 = arith.mulf %get3A_2958, %mul3A_2960 : vector<16xf32>
      %get3A_2962 = arith.constant 103 : i32
      %get3A_2963 = arith.index_cast %select_n3A_261 : i32 to index
      %get3A_2964 = arith.index_cast %get3A_2962 : i32 to index
      %get3A_2965 = arith.constant 16 : index
      %get3A_2966 = tpu.vector_load %arg7[%get3A_2963, %get3A_2964, %get3A_2965] {strides = array<i32>} : memref<4x128x32xf32, #tpu.memory_space<vmem>>, vector<16xf32>,
      %mul3A_2967 = arith.constant 5.65685415 : f32
      %mul3A_2968 = vector.broadcast %mul3A_2967 : f32 to vector<16xf32>
      %mul3A_2969 = arith.mulf %get3A_2966, %mul3A_2968 : vector<16xf32>
      %scatter3A_2970 = arith.constant 0 : i32
      %scatter3A_2971 = arith.constant 0 : i32
      %scatter3A_2972 = tpu.memref_slice %arg8[%select_n3A_261, %scatter3A_2970, %scatter3A_2971] : memref<4x32x129xf32, #tpu.memory_space<vmem>> -> memref<1x32x129xf32, #tpu.memory_space<vmem>>
      %scatter3A_2973 = tpu.memref_squeeze %scatter3A_2972 : memref<1x32x129xf32, #tpu.memory_space<vmem>> -> memref<32x129xf32, #tpu.memory_space<vmem>>
      tpu.vector_store_idx %scatter3A_2973[%iota3A, %broadcast_in_dim3A_2953], %mul3A_2961 : memref<32x129xf32, #tpu.memory_space<vmem>>[vector<16xi32>, vector<16xi32>], vector<16xf32>,
      %scatter3A_2974 = arith.constant 0 : i32
      %scatter3A_2975 = arith.constant 0 : i32
      %scatter3A_2976 = tpu.memref_slice %arg8[%select_n3A_261, %scatter3A_2974, %scatter3A_2975] : memref<4x32x129xf32, #tpu.memory_space<vmem>> -> memref<1x32x129xf32, #tpu.memory_space<vmem>>
      %scatter3A_2977 = tpu.memref_squeeze %scatter3A_2976 : memref<1x32x129xf32, #tpu.memory_space<vmem>> -> memref<32x129xf32, #tpu.memory_space<vmem>>
      tpu.vector_store_idx %scatter3A_2977[%add3A_163, %broadcast_in_dim3A_2953], %mul3A_2969 : memref<32x129xf32, #tpu.memory_space<vmem>>[vector<16xi32>, vector<16xi32>], vector<16xf32>,
      %broadcast_in_dim3A_2978 = arith.constant 104 : i32
      %broadcast_in_dim3A_2979 = vector.broadcast %broadcast_in_dim3A_2978 : i32 to vector<16xi32>
      %get3A_2980 = arith.constant 104 : i32
      %get3A_2981 = arith.index_cast %select_n3A_261 : i32 to index
      %get3A_2982 = arith.index_cast %get3A_2980 : i32 to index
      %get3A_2983 = arith.constant 0 : index
      %get3A_2984 = tpu.vector_load %arg7[%get3A_2981, %get3A_2982, %get3A_2983] {strides = array<i32>} : memref<4x128x32xf32, #tpu.memory_space<vmem>>, vector<16xf32>,
      %mul3A_2985 = arith.constant 5.65685415 : f32
      %mul3A_2986 = vector.broadcast %mul3A_2985 : f32 to vector<16xf32>
      %mul3A_2987 = arith.mulf %get3A_2984, %mul3A_2986 : vector<16xf32>
      %get3A_2988 = arith.constant 104 : i32
      %get3A_2989 = arith.index_cast %select_n3A_261 : i32 to index
      %get3A_2990 = arith.index_cast %get3A_2988 : i32 to index
      %get3A_2991 = arith.constant 16 : index
      %get3A_2992 = tpu.vector_load %arg7[%get3A_2989, %get3A_2990, %get3A_2991] {strides = array<i32>} : memref<4x128x32xf32, #tpu.memory_space<vmem>>, vector<16xf32>,
      %mul3A_2993 = arith.constant 5.65685415 : f32
      %mul3A_2994 = vector.broadcast %mul3A_2993 : f32 to vector<16xf32>
      %mul3A_2995 = arith.mulf %get3A_2992, %mul3A_2994 : vector<16xf32>
      %scatter3A_2996 = arith.constant 0 : i32
      %scatter3A_2997 = arith.constant 0 : i32
      %scatter3A_2998 = tpu.memref_slice %arg8[%select_n3A_261, %scatter3A_2996, %scatter3A_2997] : memref<4x32x129xf32, #tpu.memory_space<vmem>> -> memref<1x32x129xf32, #tpu.memory_space<vmem>>
      %scatter3A_2999 = tpu.memref_squeeze %scatter3A_2998 : memref<1x32x129xf32, #tpu.memory_space<vmem>> -> memref<32x129xf32, #tpu.memory_space<vmem>>
      tpu.vector_store_idx %scatter3A_2999[%iota3A, %broadcast_in_dim3A_2979], %mul3A_2987 : memref<32x129xf32, #tpu.memory_space<vmem>>[vector<16xi32>, vector<16xi32>], vector<16xf32>,
      %scatter3A_3000 = arith.constant 0 : i32
      %scatter3A_3001 = arith.constant 0 : i32
      %scatter3A_3002 = tpu.memref_slice %arg8[%select_n3A_261, %scatter3A_3000, %scatter3A_3001] : memref<4x32x129xf32, #tpu.memory_space<vmem>> -> memref<1x32x129xf32, #tpu.memory_space<vmem>>
      %scatter3A_3003 = tpu.memref_squeeze %scatter3A_3002 : memref<1x32x129xf32, #tpu.memory_space<vmem>> -> memref<32x129xf32, #tpu.memory_space<vmem>>
      tpu.vector_store_idx %scatter3A_3003[%add3A_163, %broadcast_in_dim3A_2979], %mul3A_2995 : memref<32x129xf32, #tpu.memory_space<vmem>>[vector<16xi32>, vector<16xi32>], vector<16xf32>,
      %broadcast_in_dim3A_3004 = arith.constant 105 : i32
      %broadcast_in_dim3A_3005 = vector.broadcast %broadcast_in_dim3A_3004 : i32 to vector<16xi32>
      %get3A_3006 = arith.constant 105 : i32
      %get3A_3007 = arith.index_cast %select_n3A_261 : i32 to index
      %get3A_3008 = arith.index_cast %get3A_3006 : i32 to index
      %get3A_3009 = arith.constant 0 : index
      %get3A_3010 = tpu.vector_load %arg7[%get3A_3007, %get3A_3008, %get3A_3009] {strides = array<i32>} : memref<4x128x32xf32, #tpu.memory_space<vmem>>, vector<16xf32>,
      %mul3A_3011 = arith.constant 5.65685415 : f32
      %mul3A_3012 = vector.broadcast %mul3A_3011 : f32 to vector<16xf32>
      %mul3A_3013 = arith.mulf %get3A_3010, %mul3A_3012 : vector<16xf32>
      %get3A_3014 = arith.constant 105 : i32
      %get3A_3015 = arith.index_cast %select_n3A_261 : i32 to index
      %get3A_3016 = arith.index_cast %get3A_3014 : i32 to index
      %get3A_3017 = arith.constant 16 : index
      %get3A_3018 = tpu.vector_load %arg7[%get3A_3015, %get3A_3016, %get3A_3017] {strides = array<i32>} : memref<4x128x32xf32, #tpu.memory_space<vmem>>, vector<16xf32>,
      %mul3A_3019 = arith.constant 5.65685415 : f32
      %mul3A_3020 = vector.broadcast %mul3A_3019 : f32 to vector<16xf32>
      %mul3A_3021 = arith.mulf %get3A_3018, %mul3A_3020 : vector<16xf32>
      %scatter3A_3022 = arith.constant 0 : i32
      %scatter3A_3023 = arith.constant 0 : i32
      %scatter3A_3024 = tpu.memref_slice %arg8[%select_n3A_261, %scatter3A_3022, %scatter3A_3023] : memref<4x32x129xf32, #tpu.memory_space<vmem>> -> memref<1x32x129xf32, #tpu.memory_space<vmem>>
      %scatter3A_3025 = tpu.memref_squeeze %scatter3A_3024 : memref<1x32x129xf32, #tpu.memory_space<vmem>> -> memref<32x129xf32, #tpu.memory_space<vmem>>
      tpu.vector_store_idx %scatter3A_3025[%iota3A, %broadcast_in_dim3A_3005], %mul3A_3013 : memref<32x129xf32, #tpu.memory_space<vmem>>[vector<16xi32>, vector<16xi32>], vector<16xf32>,
      %scatter3A_3026 = arith.constant 0 : i32
      %scatter3A_3027 = arith.constant 0 : i32
      %scatter3A_3028 = tpu.memref_slice %arg8[%select_n3A_261, %scatter3A_3026, %scatter3A_3027] : memref<4x32x129xf32, #tpu.memory_space<vmem>> -> memref<1x32x129xf32, #tpu.memory_space<vmem>>
      %scatter3A_3029 = tpu.memref_squeeze %scatter3A_3028 : memref<1x32x129xf32, #tpu.memory_space<vmem>> -> memref<32x129xf32, #tpu.memory_space<vmem>>
      tpu.vector_store_idx %scatter3A_3029[%add3A_163, %broadcast_in_dim3A_3005], %mul3A_3021 : memref<32x129xf32, #tpu.memory_space<vmem>>[vector<16xi32>, vector<16xi32>], vector<16xf32>,
      %broadcast_in_dim3A_3030 = arith.constant 106 : i32
      %broadcast_in_dim3A_3031 = vector.broadcast %broadcast_in_dim3A_3030 : i32 to vector<16xi32>
      %get3A_3032 = arith.constant 106 : i32
      %get3A_3033 = arith.index_cast %select_n3A_261 : i32 to index
      %get3A_3034 = arith.index_cast %get3A_3032 : i32 to index
      %get3A_3035 = arith.constant 0 : index
      %get3A_3036 = tpu.vector_load %arg7[%get3A_3033, %get3A_3034, %get3A_3035] {strides = array<i32>} : memref<4x128x32xf32, #tpu.memory_space<vmem>>, vector<16xf32>,
      %mul3A_3037 = arith.constant 5.65685415 : f32
      %mul3A_3038 = vector.broadcast %mul3A_3037 : f32 to vector<16xf32>
      %mul3A_3039 = arith.mulf %get3A_3036, %mul3A_3038 : vector<16xf32>
      %get3A_3040 = arith.constant 106 : i32
      %get3A_3041 = arith.index_cast %select_n3A_261 : i32 to index
      %get3A_3042 = arith.index_cast %get3A_3040 : i32 to index
      %get3A_3043 = arith.constant 16 : index
      %get3A_3044 = tpu.vector_load %arg7[%get3A_3041, %get3A_3042, %get3A_3043] {strides = array<i32>} : memref<4x128x32xf32, #tpu.memory_space<vmem>>, vector<16xf32>,
      %mul3A_3045 = arith.constant 5.65685415 : f32
      %mul3A_3046 = vector.broadcast %mul3A_3045 : f32 to vector<16xf32>
      %mul3A_3047 = arith.mulf %get3A_3044, %mul3A_3046 : vector<16xf32>
      %scatter3A_3048 = arith.constant 0 : i32
      %scatter3A_3049 = arith.constant 0 : i32
      %scatter3A_3050 = tpu.memref_slice %arg8[%select_n3A_261, %scatter3A_3048, %scatter3A_3049] : memref<4x32x129xf32, #tpu.memory_space<vmem>> -> memref<1x32x129xf32, #tpu.memory_space<vmem>>
      %scatter3A_3051 = tpu.memref_squeeze %scatter3A_3050 : memref<1x32x129xf32, #tpu.memory_space<vmem>> -> memref<32x129xf32, #tpu.memory_space<vmem>>
      tpu.vector_store_idx %scatter3A_3051[%iota3A, %broadcast_in_dim3A_3031], %mul3A_3039 : memref<32x129xf32, #tpu.memory_space<vmem>>[vector<16xi32>, vector<16xi32>], vector<16xf32>,
      %scatter3A_3052 = arith.constant 0 : i32
      %scatter3A_3053 = arith.constant 0 : i32
      %scatter3A_3054 = tpu.memref_slice %arg8[%select_n3A_261, %scatter3A_3052, %scatter3A_3053] : memref<4x32x129xf32, #tpu.memory_space<vmem>> -> memref<1x32x129xf32, #tpu.memory_space<vmem>>
      %scatter3A_3055 = tpu.memref_squeeze %scatter3A_3054 : memref<1x32x129xf32, #tpu.memory_space<vmem>> -> memref<32x129xf32, #tpu.memory_space<vmem>>
      tpu.vector_store_idx %scatter3A_3055[%add3A_163, %broadcast_in_dim3A_3031], %mul3A_3047 : memref<32x129xf32, #tpu.memory_space<vmem>>[vector<16xi32>, vector<16xi32>], vector<16xf32>,
      %broadcast_in_dim3A_3056 = arith.constant 107 : i32
      %broadcast_in_dim3A_3057 = vector.broadcast %broadcast_in_dim3A_3056 : i32 to vector<16xi32>
      %get3A_3058 = arith.constant 107 : i32
      %get3A_3059 = arith.index_cast %select_n3A_261 : i32 to index
      %get3A_3060 = arith.index_cast %get3A_3058 : i32 to index
      %get3A_3061 = arith.constant 0 : index
      %get3A_3062 = tpu.vector_load %arg7[%get3A_3059, %get3A_3060, %get3A_3061] {strides = array<i32>} : memref<4x128x32xf32, #tpu.memory_space<vmem>>, vector<16xf32>,
      %mul3A_3063 = arith.constant 5.65685415 : f32
      %mul3A_3064 = vector.broadcast %mul3A_3063 : f32 to vector<16xf32>
      %mul3A_3065 = arith.mulf %get3A_3062, %mul3A_3064 : vector<16xf32>
      %get3A_3066 = arith.constant 107 : i32
      %get3A_3067 = arith.index_cast %select_n3A_261 : i32 to index
      %get3A_3068 = arith.index_cast %get3A_3066 : i32 to index
      %get3A_3069 = arith.constant 16 : index
      %get3A_3070 = tpu.vector_load %arg7[%get3A_3067, %get3A_3068, %get3A_3069] {strides = array<i32>} : memref<4x128x32xf32, #tpu.memory_space<vmem>>, vector<16xf32>,
      %mul3A_3071 = arith.constant 5.65685415 : f32
      %mul3A_3072 = vector.broadcast %mul3A_3071 : f32 to vector<16xf32>
      %mul3A_3073 = arith.mulf %get3A_3070, %mul3A_3072 : vector<16xf32>
      %scatter3A_3074 = arith.constant 0 : i32
      %scatter3A_3075 = arith.constant 0 : i32
      %scatter3A_3076 = tpu.memref_slice %arg8[%select_n3A_261, %scatter3A_3074, %scatter3A_3075] : memref<4x32x129xf32, #tpu.memory_space<vmem>> -> memref<1x32x129xf32, #tpu.memory_space<vmem>>
      %scatter3A_3077 = tpu.memref_squeeze %scatter3A_3076 : memref<1x32x129xf32, #tpu.memory_space<vmem>> -> memref<32x129xf32, #tpu.memory_space<vmem>>
      tpu.vector_store_idx %scatter3A_3077[%iota3A, %broadcast_in_dim3A_3057], %mul3A_3065 : memref<32x129xf32, #tpu.memory_space<vmem>>[vector<16xi32>, vector<16xi32>], vector<16xf32>,
      %scatter3A_3078 = arith.constant 0 : i32
      %scatter3A_3079 = arith.constant 0 : i32
      %scatter3A_3080 = tpu.memref_slice %arg8[%select_n3A_261, %scatter3A_3078, %scatter3A_3079] : memref<4x32x129xf32, #tpu.memory_space<vmem>> -> memref<1x32x129xf32, #tpu.memory_space<vmem>>
      %scatter3A_3081 = tpu.memref_squeeze %scatter3A_3080 : memref<1x32x129xf32, #tpu.memory_space<vmem>> -> memref<32x129xf32, #tpu.memory_space<vmem>>
      tpu.vector_store_idx %scatter3A_3081[%add3A_163, %broadcast_in_dim3A_3057], %mul3A_3073 : memref<32x129xf32, #tpu.memory_space<vmem>>[vector<16xi32>, vector<16xi32>], vector<16xf32>,
      %broadcast_in_dim3A_3082 = arith.constant 108 : i32
      %broadcast_in_dim3A_3083 = vector.broadcast %broadcast_in_dim3A_3082 : i32 to vector<16xi32>
      %get3A_3084 = arith.constant 108 : i32
      %get3A_3085 = arith.index_cast %select_n3A_261 : i32 to index
      %get3A_3086 = arith.index_cast %get3A_3084 : i32 to index
      %get3A_3087 = arith.constant 0 : index
      %get3A_3088 = tpu.vector_load %arg7[%get3A_3085, %get3A_3086, %get3A_3087] {strides = array<i32>} : memref<4x128x32xf32, #tpu.memory_space<vmem>>, vector<16xf32>,
      %mul3A_3089 = arith.constant 5.65685415 : f32
      %mul3A_3090 = vector.broadcast %mul3A_3089 : f32 to vector<16xf32>
      %mul3A_3091 = arith.mulf %get3A_3088, %mul3A_3090 : vector<16xf32>
      %get3A_3092 = arith.constant 108 : i32
      %get3A_3093 = arith.index_cast %select_n3A_261 : i32 to index
      %get3A_3094 = arith.index_cast %get3A_3092 : i32 to index
      %get3A_3095 = arith.constant 16 : index
      %get3A_3096 = tpu.vector_load %arg7[%get3A_3093, %get3A_3094, %get3A_3095] {strides = array<i32>} : memref<4x128x32xf32, #tpu.memory_space<vmem>>, vector<16xf32>,
      %mul3A_3097 = arith.constant 5.65685415 : f32
      %mul3A_3098 = vector.broadcast %mul3A_3097 : f32 to vector<16xf32>
      %mul3A_3099 = arith.mulf %get3A_3096, %mul3A_3098 : vector<16xf32>
      %scatter3A_3100 = arith.constant 0 : i32
      %scatter3A_3101 = arith.constant 0 : i32
      %scatter3A_3102 = tpu.memref_slice %arg8[%select_n3A_261, %scatter3A_3100, %scatter3A_3101] : memref<4x32x129xf32, #tpu.memory_space<vmem>> -> memref<1x32x129xf32, #tpu.memory_space<vmem>>
      %scatter3A_3103 = tpu.memref_squeeze %scatter3A_3102 : memref<1x32x129xf32, #tpu.memory_space<vmem>> -> memref<32x129xf32, #tpu.memory_space<vmem>>
      tpu.vector_store_idx %scatter3A_3103[%iota3A, %broadcast_in_dim3A_3083], %mul3A_3091 : memref<32x129xf32, #tpu.memory_space<vmem>>[vector<16xi32>, vector<16xi32>], vector<16xf32>,
      %scatter3A_3104 = arith.constant 0 : i32
      %scatter3A_3105 = arith.constant 0 : i32
      %scatter3A_3106 = tpu.memref_slice %arg8[%select_n3A_261, %scatter3A_3104, %scatter3A_3105] : memref<4x32x129xf32, #tpu.memory_space<vmem>> -> memref<1x32x129xf32, #tpu.memory_space<vmem>>
      %scatter3A_3107 = tpu.memref_squeeze %scatter3A_3106 : memref<1x32x129xf32, #tpu.memory_space<vmem>> -> memref<32x129xf32, #tpu.memory_space<vmem>>
      tpu.vector_store_idx %scatter3A_3107[%add3A_163, %broadcast_in_dim3A_3083], %mul3A_3099 : memref<32x129xf32, #tpu.memory_space<vmem>>[vector<16xi32>, vector<16xi32>], vector<16xf32>,
      %broadcast_in_dim3A_3108 = arith.constant 109 : i32
      %broadcast_in_dim3A_3109 = vector.broadcast %broadcast_in_dim3A_3108 : i32 to vector<16xi32>
      %get3A_3110 = arith.constant 109 : i32
      %get3A_3111 = arith.index_cast %select_n3A_261 : i32 to index
      %get3A_3112 = arith.index_cast %get3A_3110 : i32 to index
      %get3A_3113 = arith.constant 0 : index
      %get3A_3114 = tpu.vector_load %arg7[%get3A_3111, %get3A_3112, %get3A_3113] {strides = array<i32>} : memref<4x128x32xf32, #tpu.memory_space<vmem>>, vector<16xf32>,
      %mul3A_3115 = arith.constant 5.65685415 : f32
      %mul3A_3116 = vector.broadcast %mul3A_3115 : f32 to vector<16xf32>
      %mul3A_3117 = arith.mulf %get3A_3114, %mul3A_3116 : vector<16xf32>
      %get3A_3118 = arith.constant 109 : i32
      %get3A_3119 = arith.index_cast %select_n3A_261 : i32 to index
      %get3A_3120 = arith.index_cast %get3A_3118 : i32 to index
      %get3A_3121 = arith.constant 16 : index
      %get3A_3122 = tpu.vector_load %arg7[%get3A_3119, %get3A_3120, %get3A_3121] {strides = array<i32>} : memref<4x128x32xf32, #tpu.memory_space<vmem>>, vector<16xf32>,
      %mul3A_3123 = arith.constant 5.65685415 : f32
      %mul3A_3124 = vector.broadcast %mul3A_3123 : f32 to vector<16xf32>
      %mul3A_3125 = arith.mulf %get3A_3122, %mul3A_3124 : vector<16xf32>
      %scatter3A_3126 = arith.constant 0 : i32
      %scatter3A_3127 = arith.constant 0 : i32
      %scatter3A_3128 = tpu.memref_slice %arg8[%select_n3A_261, %scatter3A_3126, %scatter3A_3127] : memref<4x32x129xf32, #tpu.memory_space<vmem>> -> memref<1x32x129xf32, #tpu.memory_space<vmem>>
      %scatter3A_3129 = tpu.memref_squeeze %scatter3A_3128 : memref<1x32x129xf32, #tpu.memory_space<vmem>> -> memref<32x129xf32, #tpu.memory_space<vmem>>
      tpu.vector_store_idx %scatter3A_3129[%iota3A, %broadcast_in_dim3A_3109], %mul3A_3117 : memref<32x129xf32, #tpu.memory_space<vmem>>[vector<16xi32>, vector<16xi32>], vector<16xf32>,
      %scatter3A_3130 = arith.constant 0 : i32
      %scatter3A_3131 = arith.constant 0 : i32
      %scatter3A_3132 = tpu.memref_slice %arg8[%select_n3A_261, %scatter3A_3130, %scatter3A_3131] : memref<4x32x129xf32, #tpu.memory_space<vmem>> -> memref<1x32x129xf32, #tpu.memory_space<vmem>>
      %scatter3A_3133 = tpu.memref_squeeze %scatter3A_3132 : memref<1x32x129xf32, #tpu.memory_space<vmem>> -> memref<32x129xf32, #tpu.memory_space<vmem>>
      tpu.vector_store_idx %scatter3A_3133[%add3A_163, %broadcast_in_dim3A_3109], %mul3A_3125 : memref<32x129xf32, #tpu.memory_space<vmem>>[vector<16xi32>, vector<16xi32>], vector<16xf32>,
      %broadcast_in_dim3A_3134 = arith.constant 110 : i32
      %broadcast_in_dim3A_3135 = vector.broadcast %broadcast_in_dim3A_3134 : i32 to vector<16xi32>
      %get3A_3136 = arith.constant 110 : i32
      %get3A_3137 = arith.index_cast %select_n3A_261 : i32 to index
      %get3A_3138 = arith.index_cast %get3A_3136 : i32 to index
      %get3A_3139 = arith.constant 0 : index
      %get3A_3140 = tpu.vector_load %arg7[%get3A_3137, %get3A_3138, %get3A_3139] {strides = array<i32>} : memref<4x128x32xf32, #tpu.memory_space<vmem>>, vector<16xf32>,
      %mul3A_3141 = arith.constant 5.65685415 : f32
      %mul3A_3142 = vector.broadcast %mul3A_3141 : f32 to vector<16xf32>
      %mul3A_3143 = arith.mulf %get3A_3140, %mul3A_3142 : vector<16xf32>
      %get3A_3144 = arith.constant 110 : i32
      %get3A_3145 = arith.index_cast %select_n3A_261 : i32 to index
      %get3A_3146 = arith.index_cast %get3A_3144 : i32 to index
      %get3A_3147 = arith.constant 16 : index
      %get3A_3148 = tpu.vector_load %arg7[%get3A_3145, %get3A_3146, %get3A_3147] {strides = array<i32>} : memref<4x128x32xf32, #tpu.memory_space<vmem>>, vector<16xf32>,
      %mul3A_3149 = arith.constant 5.65685415 : f32
      %mul3A_3150 = vector.broadcast %mul3A_3149 : f32 to vector<16xf32>
      %mul3A_3151 = arith.mulf %get3A_3148, %mul3A_3150 : vector<16xf32>
      %scatter3A_3152 = arith.constant 0 : i32
      %scatter3A_3153 = arith.constant 0 : i32
      %scatter3A_3154 = tpu.memref_slice %arg8[%select_n3A_261, %scatter3A_3152, %scatter3A_3153] : memref<4x32x129xf32, #tpu.memory_space<vmem>> -> memref<1x32x129xf32, #tpu.memory_space<vmem>>
      %scatter3A_3155 = tpu.memref_squeeze %scatter3A_3154 : memref<1x32x129xf32, #tpu.memory_space<vmem>> -> memref<32x129xf32, #tpu.memory_space<vmem>>
      tpu.vector_store_idx %scatter3A_3155[%iota3A, %broadcast_in_dim3A_3135], %mul3A_3143 : memref<32x129xf32, #tpu.memory_space<vmem>>[vector<16xi32>, vector<16xi32>], vector<16xf32>,
      %scatter3A_3156 = arith.constant 0 : i32
      %scatter3A_3157 = arith.constant 0 : i32
      %scatter3A_3158 = tpu.memref_slice %arg8[%select_n3A_261, %scatter3A_3156, %scatter3A_3157] : memref<4x32x129xf32, #tpu.memory_space<vmem>> -> memref<1x32x129xf32, #tpu.memory_space<vmem>>
      %scatter3A_3159 = tpu.memref_squeeze %scatter3A_3158 : memref<1x32x129xf32, #tpu.memory_space<vmem>> -> memref<32x129xf32, #tpu.memory_space<vmem>>
      tpu.vector_store_idx %scatter3A_3159[%add3A_163, %broadcast_in_dim3A_3135], %mul3A_3151 : memref<32x129xf32, #tpu.memory_space<vmem>>[vector<16xi32>, vector<16xi32>], vector<16xf32>,
      %broadcast_in_dim3A_3160 = arith.constant 111 : i32
      %broadcast_in_dim3A_3161 = vector.broadcast %broadcast_in_dim3A_3160 : i32 to vector<16xi32>
      %get3A_3162 = arith.constant 111 : i32
      %get3A_3163 = arith.index_cast %select_n3A_261 : i32 to index
      %get3A_3164 = arith.index_cast %get3A_3162 : i32 to index
      %get3A_3165 = arith.constant 0 : index
      %get3A_3166 = tpu.vector_load %arg7[%get3A_3163, %get3A_3164, %get3A_3165] {strides = array<i32>} : memref<4x128x32xf32, #tpu.memory_space<vmem>>, vector<16xf32>,
      %mul3A_3167 = arith.constant 5.65685415 : f32
      %mul3A_3168 = vector.broadcast %mul3A_3167 : f32 to vector<16xf32>
      %mul3A_3169 = arith.mulf %get3A_3166, %mul3A_3168 : vector<16xf32>
      %get3A_3170 = arith.constant 111 : i32
      %get3A_3171 = arith.index_cast %select_n3A_261 : i32 to index
      %get3A_3172 = arith.index_cast %get3A_3170 : i32 to index
      %get3A_3173 = arith.constant 16 : index
      %get3A_3174 = tpu.vector_load %arg7[%get3A_3171, %get3A_3172, %get3A_3173] {strides = array<i32>} : memref<4x128x32xf32, #tpu.memory_space<vmem>>, vector<16xf32>,
      %mul3A_3175 = arith.constant 5.65685415 : f32
      %mul3A_3176 = vector.broadcast %mul3A_3175 : f32 to vector<16xf32>
      %mul3A_3177 = arith.mulf %get3A_3174, %mul3A_3176 : vector<16xf32>
      %scatter3A_3178 = arith.constant 0 : i32
      %scatter3A_3179 = arith.constant 0 : i32
      %scatter3A_3180 = tpu.memref_slice %arg8[%select_n3A_261, %scatter3A_3178, %scatter3A_3179] : memref<4x32x129xf32, #tpu.memory_space<vmem>> -> memref<1x32x129xf32, #tpu.memory_space<vmem>>
      %scatter3A_3181 = tpu.memref_squeeze %scatter3A_3180 : memref<1x32x129xf32, #tpu.memory_space<vmem>> -> memref<32x129xf32, #tpu.memory_space<vmem>>
      tpu.vector_store_idx %scatter3A_3181[%iota3A, %broadcast_in_dim3A_3161], %mul3A_3169 : memref<32x129xf32, #tpu.memory_space<vmem>>[vector<16xi32>, vector<16xi32>], vector<16xf32>,
      %scatter3A_3182 = arith.constant 0 : i32
      %scatter3A_3183 = arith.constant 0 : i32
      %scatter3A_3184 = tpu.memref_slice %arg8[%select_n3A_261, %scatter3A_3182, %scatter3A_3183] : memref<4x32x129xf32, #tpu.memory_space<vmem>> -> memref<1x32x129xf32, #tpu.memory_space<vmem>>
      %scatter3A_3185 = tpu.memref_squeeze %scatter3A_3184 : memref<1x32x129xf32, #tpu.memory_space<vmem>> -> memref<32x129xf32, #tpu.memory_space<vmem>>
      tpu.vector_store_idx %scatter3A_3185[%add3A_163, %broadcast_in_dim3A_3161], %mul3A_3177 : memref<32x129xf32, #tpu.memory_space<vmem>>[vector<16xi32>, vector<16xi32>], vector<16xf32>,
      %broadcast_in_dim3A_3186 = arith.constant 112 : i32
      %broadcast_in_dim3A_3187 = vector.broadcast %broadcast_in_dim3A_3186 : i32 to vector<16xi32>
      %get3A_3188 = arith.constant 112 : i32
      %get3A_3189 = arith.index_cast %select_n3A_261 : i32 to index
      %get3A_3190 = arith.index_cast %get3A_3188 : i32 to index
      %get3A_3191 = arith.constant 0 : index
      %get3A_3192 = tpu.vector_load %arg7[%get3A_3189, %get3A_3190, %get3A_3191] {strides = array<i32>} : memref<4x128x32xf32, #tpu.memory_space<vmem>>, vector<16xf32>,
      %mul3A_3193 = arith.constant 5.65685415 : f32
      %mul3A_3194 = vector.broadcast %mul3A_3193 : f32 to vector<16xf32>
      %mul3A_3195 = arith.mulf %get3A_3192, %mul3A_3194 : vector<16xf32>
      %get3A_3196 = arith.constant 112 : i32
      %get3A_3197 = arith.index_cast %select_n3A_261 : i32 to index
      %get3A_3198 = arith.index_cast %get3A_3196 : i32 to index
      %get3A_3199 = arith.constant 16 : index
      %get3A_3200 = tpu.vector_load %arg7[%get3A_3197, %get3A_3198, %get3A_3199] {strides = array<i32>} : memref<4x128x32xf32, #tpu.memory_space<vmem>>, vector<16xf32>,
      %mul3A_3201 = arith.constant 5.65685415 : f32
      %mul3A_3202 = vector.broadcast %mul3A_3201 : f32 to vector<16xf32>
      %mul3A_3203 = arith.mulf %get3A_3200, %mul3A_3202 : vector<16xf32>
      %scatter3A_3204 = arith.constant 0 : i32
      %scatter3A_3205 = arith.constant 0 : i32
      %scatter3A_3206 = tpu.memref_slice %arg8[%select_n3A_261, %scatter3A_3204, %scatter3A_3205] : memref<4x32x129xf32, #tpu.memory_space<vmem>> -> memref<1x32x129xf32, #tpu.memory_space<vmem>>
      %scatter3A_3207 = tpu.memref_squeeze %scatter3A_3206 : memref<1x32x129xf32, #tpu.memory_space<vmem>> -> memref<32x129xf32, #tpu.memory_space<vmem>>
      tpu.vector_store_idx %scatter3A_3207[%iota3A, %broadcast_in_dim3A_3187], %mul3A_3195 : memref<32x129xf32, #tpu.memory_space<vmem>>[vector<16xi32>, vector<16xi32>], vector<16xf32>,
      %scatter3A_3208 = arith.constant 0 : i32
      %scatter3A_3209 = arith.constant 0 : i32
      %scatter3A_3210 = tpu.memref_slice %arg8[%select_n3A_261, %scatter3A_3208, %scatter3A_3209] : memref<4x32x129xf32, #tpu.memory_space<vmem>> -> memref<1x32x129xf32, #tpu.memory_space<vmem>>
      %scatter3A_3211 = tpu.memref_squeeze %scatter3A_3210 : memref<1x32x129xf32, #tpu.memory_space<vmem>> -> memref<32x129xf32, #tpu.memory_space<vmem>>
      tpu.vector_store_idx %scatter3A_3211[%add3A_163, %broadcast_in_dim3A_3187], %mul3A_3203 : memref<32x129xf32, #tpu.memory_space<vmem>>[vector<16xi32>, vector<16xi32>], vector<16xf32>,
      %broadcast_in_dim3A_3212 = arith.constant 113 : i32
      %broadcast_in_dim3A_3213 = vector.broadcast %broadcast_in_dim3A_3212 : i32 to vector<16xi32>
      %get3A_3214 = arith.constant 113 : i32
      %get3A_3215 = arith.index_cast %select_n3A_261 : i32 to index
      %get3A_3216 = arith.index_cast %get3A_3214 : i32 to index
      %get3A_3217 = arith.constant 0 : index
      %get3A_3218 = tpu.vector_load %arg7[%get3A_3215, %get3A_3216, %get3A_3217] {strides = array<i32>} : memref<4x128x32xf32, #tpu.memory_space<vmem>>, vector<16xf32>,
      %mul3A_3219 = arith.constant 5.65685415 : f32
      %mul3A_3220 = vector.broadcast %mul3A_3219 : f32 to vector<16xf32>
      %mul3A_3221 = arith.mulf %get3A_3218, %mul3A_3220 : vector<16xf32>
      %get3A_3222 = arith.constant 113 : i32
      %get3A_3223 = arith.index_cast %select_n3A_261 : i32 to index
      %get3A_3224 = arith.index_cast %get3A_3222 : i32 to index
      %get3A_3225 = arith.constant 16 : index
      %get3A_3226 = tpu.vector_load %arg7[%get3A_3223, %get3A_3224, %get3A_3225] {strides = array<i32>} : memref<4x128x32xf32, #tpu.memory_space<vmem>>, vector<16xf32>,
      %mul3A_3227 = arith.constant 5.65685415 : f32
      %mul3A_3228 = vector.broadcast %mul3A_3227 : f32 to vector<16xf32>
      %mul3A_3229 = arith.mulf %get3A_3226, %mul3A_3228 : vector<16xf32>
      %scatter3A_3230 = arith.constant 0 : i32
      %scatter3A_3231 = arith.constant 0 : i32
      %scatter3A_3232 = tpu.memref_slice %arg8[%select_n3A_261, %scatter3A_3230, %scatter3A_3231] : memref<4x32x129xf32, #tpu.memory_space<vmem>> -> memref<1x32x129xf32, #tpu.memory_space<vmem>>
      %scatter3A_3233 = tpu.memref_squeeze %scatter3A_3232 : memref<1x32x129xf32, #tpu.memory_space<vmem>> -> memref<32x129xf32, #tpu.memory_space<vmem>>
      tpu.vector_store_idx %scatter3A_3233[%iota3A, %broadcast_in_dim3A_3213], %mul3A_3221 : memref<32x129xf32, #tpu.memory_space<vmem>>[vector<16xi32>, vector<16xi32>], vector<16xf32>,
      %scatter3A_3234 = arith.constant 0 : i32
      %scatter3A_3235 = arith.constant 0 : i32
      %scatter3A_3236 = tpu.memref_slice %arg8[%select_n3A_261, %scatter3A_3234, %scatter3A_3235] : memref<4x32x129xf32, #tpu.memory_space<vmem>> -> memref<1x32x129xf32, #tpu.memory_space<vmem>>
      %scatter3A_3237 = tpu.memref_squeeze %scatter3A_3236 : memref<1x32x129xf32, #tpu.memory_space<vmem>> -> memref<32x129xf32, #tpu.memory_space<vmem>>
      tpu.vector_store_idx %scatter3A_3237[%add3A_163, %broadcast_in_dim3A_3213], %mul3A_3229 : memref<32x129xf32, #tpu.memory_space<vmem>>[vector<16xi32>, vector<16xi32>], vector<16xf32>,
      %broadcast_in_dim3A_3238 = arith.constant 114 : i32
      %broadcast_in_dim3A_3239 = vector.broadcast %broadcast_in_dim3A_3238 : i32 to vector<16xi32>
      %get3A_3240 = arith.constant 114 : i32
      %get3A_3241 = arith.index_cast %select_n3A_261 : i32 to index
      %get3A_3242 = arith.index_cast %get3A_3240 : i32 to index
      %get3A_3243 = arith.constant 0 : index
      %get3A_3244 = tpu.vector_load %arg7[%get3A_3241, %get3A_3242, %get3A_3243] {strides = array<i32>} : memref<4x128x32xf32, #tpu.memory_space<vmem>>, vector<16xf32>,
      %mul3A_3245 = arith.constant 5.65685415 : f32
      %mul3A_3246 = vector.broadcast %mul3A_3245 : f32 to vector<16xf32>
      %mul3A_3247 = arith.mulf %get3A_3244, %mul3A_3246 : vector<16xf32>
      %get3A_3248 = arith.constant 114 : i32
      %get3A_3249 = arith.index_cast %select_n3A_261 : i32 to index
      %get3A_3250 = arith.index_cast %get3A_3248 : i32 to index
      %get3A_3251 = arith.constant 16 : index
      %get3A_3252 = tpu.vector_load %arg7[%get3A_3249, %get3A_3250, %get3A_3251] {strides = array<i32>} : memref<4x128x32xf32, #tpu.memory_space<vmem>>, vector<16xf32>,
      %mul3A_3253 = arith.constant 5.65685415 : f32
      %mul3A_3254 = vector.broadcast %mul3A_3253 : f32 to vector<16xf32>
      %mul3A_3255 = arith.mulf %get3A_3252, %mul3A_3254 : vector<16xf32>
      %scatter3A_3256 = arith.constant 0 : i32
      %scatter3A_3257 = arith.constant 0 : i32
      %scatter3A_3258 = tpu.memref_slice %arg8[%select_n3A_261, %scatter3A_3256, %scatter3A_3257] : memref<4x32x129xf32, #tpu.memory_space<vmem>> -> memref<1x32x129xf32, #tpu.memory_space<vmem>>
      %scatter3A_3259 = tpu.memref_squeeze %scatter3A_3258 : memref<1x32x129xf32, #tpu.memory_space<vmem>> -> memref<32x129xf32, #tpu.memory_space<vmem>>
      tpu.vector_store_idx %scatter3A_3259[%iota3A, %broadcast_in_dim3A_3239], %mul3A_3247 : memref<32x129xf32, #tpu.memory_space<vmem>>[vector<16xi32>, vector<16xi32>], vector<16xf32>,
      %scatter3A_3260 = arith.constant 0 : i32
      %scatter3A_3261 = arith.constant 0 : i32
      %scatter3A_3262 = tpu.memref_slice %arg8[%select_n3A_261, %scatter3A_3260, %scatter3A_3261] : memref<4x32x129xf32, #tpu.memory_space<vmem>> -> memref<1x32x129xf32, #tpu.memory_space<vmem>>
      %scatter3A_3263 = tpu.memref_squeeze %scatter3A_3262 : memref<1x32x129xf32, #tpu.memory_space<vmem>> -> memref<32x129xf32, #tpu.memory_space<vmem>>
      tpu.vector_store_idx %scatter3A_3263[%add3A_163, %broadcast_in_dim3A_3239], %mul3A_3255 : memref<32x129xf32, #tpu.memory_space<vmem>>[vector<16xi32>, vector<16xi32>], vector<16xf32>,
      %broadcast_in_dim3A_3264 = arith.constant 115 : i32
      %broadcast_in_dim3A_3265 = vector.broadcast %broadcast_in_dim3A_3264 : i32 to vector<16xi32>
      %get3A_3266 = arith.constant 115 : i32
      %get3A_3267 = arith.index_cast %select_n3A_261 : i32 to index
      %get3A_3268 = arith.index_cast %get3A_3266 : i32 to index
      %get3A_3269 = arith.constant 0 : index
      %get3A_3270 = tpu.vector_load %arg7[%get3A_3267, %get3A_3268, %get3A_3269] {strides = array<i32>} : memref<4x128x32xf32, #tpu.memory_space<vmem>>, vector<16xf32>,
      %mul3A_3271 = arith.constant 5.65685415 : f32
      %mul3A_3272 = vector.broadcast %mul3A_3271 : f32 to vector<16xf32>
      %mul3A_3273 = arith.mulf %get3A_3270, %mul3A_3272 : vector<16xf32>
      %get3A_3274 = arith.constant 115 : i32
      %get3A_3275 = arith.index_cast %select_n3A_261 : i32 to index
      %get3A_3276 = arith.index_cast %get3A_3274 : i32 to index
      %get3A_3277 = arith.constant 16 : index
      %get3A_3278 = tpu.vector_load %arg7[%get3A_3275, %get3A_3276, %get3A_3277] {strides = array<i32>} : memref<4x128x32xf32, #tpu.memory_space<vmem>>, vector<16xf32>,
      %mul3A_3279 = arith.constant 5.65685415 : f32
      %mul3A_3280 = vector.broadcast %mul3A_3279 : f32 to vector<16xf32>
      %mul3A_3281 = arith.mulf %get3A_3278, %mul3A_3280 : vector<16xf32>
      %scatter3A_3282 = arith.constant 0 : i32
      %scatter3A_3283 = arith.constant 0 : i32
      %scatter3A_3284 = tpu.memref_slice %arg8[%select_n3A_261, %scatter3A_3282, %scatter3A_3283] : memref<4x32x129xf32, #tpu.memory_space<vmem>> -> memref<1x32x129xf32, #tpu.memory_space<vmem>>
      %scatter3A_3285 = tpu.memref_squeeze %scatter3A_3284 : memref<1x32x129xf32, #tpu.memory_space<vmem>> -> memref<32x129xf32, #tpu.memory_space<vmem>>
      tpu.vector_store_idx %scatter3A_3285[%iota3A, %broadcast_in_dim3A_3265], %mul3A_3273 : memref<32x129xf32, #tpu.memory_space<vmem>>[vector<16xi32>, vector<16xi32>], vector<16xf32>,
      %scatter3A_3286 = arith.constant 0 : i32
      %scatter3A_3287 = arith.constant 0 : i32
      %scatter3A_3288 = tpu.memref_slice %arg8[%select_n3A_261, %scatter3A_3286, %scatter3A_3287] : memref<4x32x129xf32, #tpu.memory_space<vmem>> -> memref<1x32x129xf32, #tpu.memory_space<vmem>>
      %scatter3A_3289 = tpu.memref_squeeze %scatter3A_3288 : memref<1x32x129xf32, #tpu.memory_space<vmem>> -> memref<32x129xf32, #tpu.memory_space<vmem>>
      tpu.vector_store_idx %scatter3A_3289[%add3A_163, %broadcast_in_dim3A_3265], %mul3A_3281 : memref<32x129xf32, #tpu.memory_space<vmem>>[vector<16xi32>, vector<16xi32>], vector<16xf32>,
      %broadcast_in_dim3A_3290 = arith.constant 116 : i32
      %broadcast_in_dim3A_3291 = vector.broadcast %broadcast_in_dim3A_3290 : i32 to vector<16xi32>
      %get3A_3292 = arith.constant 116 : i32
      %get3A_3293 = arith.index_cast %select_n3A_261 : i32 to index
      %get3A_3294 = arith.index_cast %get3A_3292 : i32 to index
      %get3A_3295 = arith.constant 0 : index
      %get3A_3296 = tpu.vector_load %arg7[%get3A_3293, %get3A_3294, %get3A_3295] {strides = array<i32>} : memref<4x128x32xf32, #tpu.memory_space<vmem>>, vector<16xf32>,
      %mul3A_3297 = arith.constant 5.65685415 : f32
      %mul3A_3298 = vector.broadcast %mul3A_3297 : f32 to vector<16xf32>
      %mul3A_3299 = arith.mulf %get3A_3296, %mul3A_3298 : vector<16xf32>
      %get3A_3300 = arith.constant 116 : i32
      %get3A_3301 = arith.index_cast %select_n3A_261 : i32 to index
      %get3A_3302 = arith.index_cast %get3A_3300 : i32 to index
      %get3A_3303 = arith.constant 16 : index
      %get3A_3304 = tpu.vector_load %arg7[%get3A_3301, %get3A_3302, %get3A_3303] {strides = array<i32>} : memref<4x128x32xf32, #tpu.memory_space<vmem>>, vector<16xf32>,
      %mul3A_3305 = arith.constant 5.65685415 : f32
      %mul3A_3306 = vector.broadcast %mul3A_3305 : f32 to vector<16xf32>
      %mul3A_3307 = arith.mulf %get3A_3304, %mul3A_3306 : vector<16xf32>
      %scatter3A_3308 = arith.constant 0 : i32
      %scatter3A_3309 = arith.constant 0 : i32
      %scatter3A_3310 = tpu.memref_slice %arg8[%select_n3A_261, %scatter3A_3308, %scatter3A_3309] : memref<4x32x129xf32, #tpu.memory_space<vmem>> -> memref<1x32x129xf32, #tpu.memory_space<vmem>>
      %scatter3A_3311 = tpu.memref_squeeze %scatter3A_3310 : memref<1x32x129xf32, #tpu.memory_space<vmem>> -> memref<32x129xf32, #tpu.memory_space<vmem>>
      tpu.vector_store_idx %scatter3A_3311[%iota3A, %broadcast_in_dim3A_3291], %mul3A_3299 : memref<32x129xf32, #tpu.memory_space<vmem>>[vector<16xi32>, vector<16xi32>], vector<16xf32>,
      %scatter3A_3312 = arith.constant 0 : i32
      %scatter3A_3313 = arith.constant 0 : i32
      %scatter3A_3314 = tpu.memref_slice %arg8[%select_n3A_261, %scatter3A_3312, %scatter3A_3313] : memref<4x32x129xf32, #tpu.memory_space<vmem>> -> memref<1x32x129xf32, #tpu.memory_space<vmem>>
      %scatter3A_3315 = tpu.memref_squeeze %scatter3A_3314 : memref<1x32x129xf32, #tpu.memory_space<vmem>> -> memref<32x129xf32, #tpu.memory_space<vmem>>
      tpu.vector_store_idx %scatter3A_3315[%add3A_163, %broadcast_in_dim3A_3291], %mul3A_3307 : memref<32x129xf32, #tpu.memory_space<vmem>>[vector<16xi32>, vector<16xi32>], vector<16xf32>,
      %broadcast_in_dim3A_3316 = arith.constant 117 : i32
      %broadcast_in_dim3A_3317 = vector.broadcast %broadcast_in_dim3A_3316 : i32 to vector<16xi32>
      %get3A_3318 = arith.constant 117 : i32
      %get3A_3319 = arith.index_cast %select_n3A_261 : i32 to index
      %get3A_3320 = arith.index_cast %get3A_3318 : i32 to index
      %get3A_3321 = arith.constant 0 : index
      %get3A_3322 = tpu.vector_load %arg7[%get3A_3319, %get3A_3320, %get3A_3321] {strides = array<i32>} : memref<4x128x32xf32, #tpu.memory_space<vmem>>, vector<16xf32>,
      %mul3A_3323 = arith.constant 5.65685415 : f32
      %mul3A_3324 = vector.broadcast %mul3A_3323 : f32 to vector<16xf32>
      %mul3A_3325 = arith.mulf %get3A_3322, %mul3A_3324 : vector<16xf32>
      %get3A_3326 = arith.constant 117 : i32
      %get3A_3327 = arith.index_cast %select_n3A_261 : i32 to index
      %get3A_3328 = arith.index_cast %get3A_3326 : i32 to index
      %get3A_3329 = arith.constant 16 : index
      %get3A_3330 = tpu.vector_load %arg7[%get3A_3327, %get3A_3328, %get3A_3329] {strides = array<i32>} : memref<4x128x32xf32, #tpu.memory_space<vmem>>, vector<16xf32>,
      %mul3A_3331 = arith.constant 5.65685415 : f32
      %mul3A_3332 = vector.broadcast %mul3A_3331 : f32 to vector<16xf32>
      %mul3A_3333 = arith.mulf %get3A_3330, %mul3A_3332 : vector<16xf32>
      %scatter3A_3334 = arith.constant 0 : i32
      %scatter3A_3335 = arith.constant 0 : i32
      %scatter3A_3336 = tpu.memref_slice %arg8[%select_n3A_261, %scatter3A_3334, %scatter3A_3335] : memref<4x32x129xf32, #tpu.memory_space<vmem>> -> memref<1x32x129xf32, #tpu.memory_space<vmem>>
      %scatter3A_3337 = tpu.memref_squeeze %scatter3A_3336 : memref<1x32x129xf32, #tpu.memory_space<vmem>> -> memref<32x129xf32, #tpu.memory_space<vmem>>
      tpu.vector_store_idx %scatter3A_3337[%iota3A, %broadcast_in_dim3A_3317], %mul3A_3325 : memref<32x129xf32, #tpu.memory_space<vmem>>[vector<16xi32>, vector<16xi32>], vector<16xf32>,
      %scatter3A_3338 = arith.constant 0 : i32
      %scatter3A_3339 = arith.constant 0 : i32
      %scatter3A_3340 = tpu.memref_slice %arg8[%select_n3A_261, %scatter3A_3338, %scatter3A_3339] : memref<4x32x129xf32, #tpu.memory_space<vmem>> -> memref<1x32x129xf32, #tpu.memory_space<vmem>>
      %scatter3A_3341 = tpu.memref_squeeze %scatter3A_3340 : memref<1x32x129xf32, #tpu.memory_space<vmem>> -> memref<32x129xf32, #tpu.memory_space<vmem>>
      tpu.vector_store_idx %scatter3A_3341[%add3A_163, %broadcast_in_dim3A_3317], %mul3A_3333 : memref<32x129xf32, #tpu.memory_space<vmem>>[vector<16xi32>, vector<16xi32>], vector<16xf32>,
      %broadcast_in_dim3A_3342 = arith.constant 118 : i32
      %broadcast_in_dim3A_3343 = vector.broadcast %broadcast_in_dim3A_3342 : i32 to vector<16xi32>
      %get3A_3344 = arith.constant 118 : i32
      %get3A_3345 = arith.index_cast %select_n3A_261 : i32 to index
      %get3A_3346 = arith.index_cast %get3A_3344 : i32 to index
      %get3A_3347 = arith.constant 0 : index
      %get3A_3348 = tpu.vector_load %arg7[%get3A_3345, %get3A_3346, %get3A_3347] {strides = array<i32>} : memref<4x128x32xf32, #tpu.memory_space<vmem>>, vector<16xf32>,
      %mul3A_3349 = arith.constant 5.65685415 : f32
      %mul3A_3350 = vector.broadcast %mul3A_3349 : f32 to vector<16xf32>
      %mul3A_3351 = arith.mulf %get3A_3348, %mul3A_3350 : vector<16xf32>
      %get3A_3352 = arith.constant 118 : i32
      %get3A_3353 = arith.index_cast %select_n3A_261 : i32 to index
      %get3A_3354 = arith.index_cast %get3A_3352 : i32 to index
      %get3A_3355 = arith.constant 16 : index
      %get3A_3356 = tpu.vector_load %arg7[%get3A_3353, %get3A_3354, %get3A_3355] {strides = array<i32>} : memref<4x128x32xf32, #tpu.memory_space<vmem>>, vector<16xf32>,
      %mul3A_3357 = arith.constant 5.65685415 : f32
      %mul3A_3358 = vector.broadcast %mul3A_3357 : f32 to vector<16xf32>
      %mul3A_3359 = arith.mulf %get3A_3356, %mul3A_3358 : vector<16xf32>
      %scatter3A_3360 = arith.constant 0 : i32
      %scatter3A_3361 = arith.constant 0 : i32
      %scatter3A_3362 = tpu.memref_slice %arg8[%select_n3A_261, %scatter3A_3360, %scatter3A_3361] : memref<4x32x129xf32, #tpu.memory_space<vmem>> -> memref<1x32x129xf32, #tpu.memory_space<vmem>>
      %scatter3A_3363 = tpu.memref_squeeze %scatter3A_3362 : memref<1x32x129xf32, #tpu.memory_space<vmem>> -> memref<32x129xf32, #tpu.memory_space<vmem>>
      tpu.vector_store_idx %scatter3A_3363[%iota3A, %broadcast_in_dim3A_3343], %mul3A_3351 : memref<32x129xf32, #tpu.memory_space<vmem>>[vector<16xi32>, vector<16xi32>], vector<16xf32>,
      %scatter3A_3364 = arith.constant 0 : i32
      %scatter3A_3365 = arith.constant 0 : i32
      %scatter3A_3366 = tpu.memref_slice %arg8[%select_n3A_261, %scatter3A_3364, %scatter3A_3365] : memref<4x32x129xf32, #tpu.memory_space<vmem>> -> memref<1x32x129xf32, #tpu.memory_space<vmem>>
      %scatter3A_3367 = tpu.memref_squeeze %scatter3A_3366 : memref<1x32x129xf32, #tpu.memory_space<vmem>> -> memref<32x129xf32, #tpu.memory_space<vmem>>
      tpu.vector_store_idx %scatter3A_3367[%add3A_163, %broadcast_in_dim3A_3343], %mul3A_3359 : memref<32x129xf32, #tpu.memory_space<vmem>>[vector<16xi32>, vector<16xi32>], vector<16xf32>,
      %broadcast_in_dim3A_3368 = arith.constant 119 : i32
      %broadcast_in_dim3A_3369 = vector.broadcast %broadcast_in_dim3A_3368 : i32 to vector<16xi32>
      %get3A_3370 = arith.constant 119 : i32
      %get3A_3371 = arith.index_cast %select_n3A_261 : i32 to index
      %get3A_3372 = arith.index_cast %get3A_3370 : i32 to index
      %get3A_3373 = arith.constant 0 : index
      %get3A_3374 = tpu.vector_load %arg7[%get3A_3371, %get3A_3372, %get3A_3373] {strides = array<i32>} : memref<4x128x32xf32, #tpu.memory_space<vmem>>, vector<16xf32>,
      %mul3A_3375 = arith.constant 5.65685415 : f32
      %mul3A_3376 = vector.broadcast %mul3A_3375 : f32 to vector<16xf32>
      %mul3A_3377 = arith.mulf %get3A_3374, %mul3A_3376 : vector<16xf32>
      %get3A_3378 = arith.constant 119 : i32
      %get3A_3379 = arith.index_cast %select_n3A_261 : i32 to index
      %get3A_3380 = arith.index_cast %get3A_3378 : i32 to index
      %get3A_3381 = arith.constant 16 : index
      %get3A_3382 = tpu.vector_load %arg7[%get3A_3379, %get3A_3380, %get3A_3381] {strides = array<i32>} : memref<4x128x32xf32, #tpu.memory_space<vmem>>, vector<16xf32>,
      %mul3A_3383 = arith.constant 5.65685415 : f32
      %mul3A_3384 = vector.broadcast %mul3A_3383 : f32 to vector<16xf32>
      %mul3A_3385 = arith.mulf %get3A_3382, %mul3A_3384 : vector<16xf32>
      %scatter3A_3386 = arith.constant 0 : i32
      %scatter3A_3387 = arith.constant 0 : i32
      %scatter3A_3388 = tpu.memref_slice %arg8[%select_n3A_261, %scatter3A_3386, %scatter3A_3387] : memref<4x32x129xf32, #tpu.memory_space<vmem>> -> memref<1x32x129xf32, #tpu.memory_space<vmem>>
      %scatter3A_3389 = tpu.memref_squeeze %scatter3A_3388 : memref<1x32x129xf32, #tpu.memory_space<vmem>> -> memref<32x129xf32, #tpu.memory_space<vmem>>
      tpu.vector_store_idx %scatter3A_3389[%iota3A, %broadcast_in_dim3A_3369], %mul3A_3377 : memref<32x129xf32, #tpu.memory_space<vmem>>[vector<16xi32>, vector<16xi32>], vector<16xf32>,
      %scatter3A_3390 = arith.constant 0 : i32
      %scatter3A_3391 = arith.constant 0 : i32
      %scatter3A_3392 = tpu.memref_slice %arg8[%select_n3A_261, %scatter3A_3390, %scatter3A_3391] : memref<4x32x129xf32, #tpu.memory_space<vmem>> -> memref<1x32x129xf32, #tpu.memory_space<vmem>>
      %scatter3A_3393 = tpu.memref_squeeze %scatter3A_3392 : memref<1x32x129xf32, #tpu.memory_space<vmem>> -> memref<32x129xf32, #tpu.memory_space<vmem>>
      tpu.vector_store_idx %scatter3A_3393[%add3A_163, %broadcast_in_dim3A_3369], %mul3A_3385 : memref<32x129xf32, #tpu.memory_space<vmem>>[vector<16xi32>, vector<16xi32>], vector<16xf32>,
      %broadcast_in_dim3A_3394 = arith.constant 120 : i32
      %broadcast_in_dim3A_3395 = vector.broadcast %broadcast_in_dim3A_3394 : i32 to vector<16xi32>
      %get3A_3396 = arith.constant 120 : i32
      %get3A_3397 = arith.index_cast %select_n3A_261 : i32 to index
      %get3A_3398 = arith.index_cast %get3A_3396 : i32 to index
      %get3A_3399 = arith.constant 0 : index
      %get3A_3400 = tpu.vector_load %arg7[%get3A_3397, %get3A_3398, %get3A_3399] {strides = array<i32>} : memref<4x128x32xf32, #tpu.memory_space<vmem>>, vector<16xf32>,
      %mul3A_3401 = arith.constant 5.65685415 : f32
      %mul3A_3402 = vector.broadcast %mul3A_3401 : f32 to vector<16xf32>
      %mul3A_3403 = arith.mulf %get3A_3400, %mul3A_3402 : vector<16xf32>
      %get3A_3404 = arith.constant 120 : i32
      %get3A_3405 = arith.index_cast %select_n3A_261 : i32 to index
      %get3A_3406 = arith.index_cast %get3A_3404 : i32 to index
      %get3A_3407 = arith.constant 16 : index
      %get3A_3408 = tpu.vector_load %arg7[%get3A_3405, %get3A_3406, %get3A_3407] {strides = array<i32>} : memref<4x128x32xf32, #tpu.memory_space<vmem>>, vector<16xf32>,
      %mul3A_3409 = arith.constant 5.65685415 : f32
      %mul3A_3410 = vector.broadcast %mul3A_3409 : f32 to vector<16xf32>
      %mul3A_3411 = arith.mulf %get3A_3408, %mul3A_3410 : vector<16xf32>
      %scatter3A_3412 = arith.constant 0 : i32
      %scatter3A_3413 = arith.constant 0 : i32
      %scatter3A_3414 = tpu.memref_slice %arg8[%select_n3A_261, %scatter3A_3412, %scatter3A_3413] : memref<4x32x129xf32, #tpu.memory_space<vmem>> -> memref<1x32x129xf32, #tpu.memory_space<vmem>>
      %scatter3A_3415 = tpu.memref_squeeze %scatter3A_3414 : memref<1x32x129xf32, #tpu.memory_space<vmem>> -> memref<32x129xf32, #tpu.memory_space<vmem>>
      tpu.vector_store_idx %scatter3A_3415[%iota3A, %broadcast_in_dim3A_3395], %mul3A_3403 : memref<32x129xf32, #tpu.memory_space<vmem>>[vector<16xi32>, vector<16xi32>], vector<16xf32>,
      %scatter3A_3416 = arith.constant 0 : i32
      %scatter3A_3417 = arith.constant 0 : i32
      %scatter3A_3418 = tpu.memref_slice %arg8[%select_n3A_261, %scatter3A_3416, %scatter3A_3417] : memref<4x32x129xf32, #tpu.memory_space<vmem>> -> memref<1x32x129xf32, #tpu.memory_space<vmem>>
      %scatter3A_3419 = tpu.memref_squeeze %scatter3A_3418 : memref<1x32x129xf32, #tpu.memory_space<vmem>> -> memref<32x129xf32, #tpu.memory_space<vmem>>
      tpu.vector_store_idx %scatter3A_3419[%add3A_163, %broadcast_in_dim3A_3395], %mul3A_3411 : memref<32x129xf32, #tpu.memory_space<vmem>>[vector<16xi32>, vector<16xi32>], vector<16xf32>,
      %broadcast_in_dim3A_3420 = arith.constant 121 : i32
      %broadcast_in_dim3A_3421 = vector.broadcast %broadcast_in_dim3A_3420 : i32 to vector<16xi32>
      %get3A_3422 = arith.constant 121 : i32
      %get3A_3423 = arith.index_cast %select_n3A_261 : i32 to index
      %get3A_3424 = arith.index_cast %get3A_3422 : i32 to index
      %get3A_3425 = arith.constant 0 : index
      %get3A_3426 = tpu.vector_load %arg7[%get3A_3423, %get3A_3424, %get3A_3425] {strides = array<i32>} : memref<4x128x32xf32, #tpu.memory_space<vmem>>, vector<16xf32>,
      %mul3A_3427 = arith.constant 5.65685415 : f32
      %mul3A_3428 = vector.broadcast %mul3A_3427 : f32 to vector<16xf32>
      %mul3A_3429 = arith.mulf %get3A_3426, %mul3A_3428 : vector<16xf32>
      %get3A_3430 = arith.constant 121 : i32
      %get3A_3431 = arith.index_cast %select_n3A_261 : i32 to index
      %get3A_3432 = arith.index_cast %get3A_3430 : i32 to index
      %get3A_3433 = arith.constant 16 : index
      %get3A_3434 = tpu.vector_load %arg7[%get3A_3431, %get3A_3432, %get3A_3433] {strides = array<i32>} : memref<4x128x32xf32, #tpu.memory_space<vmem>>, vector<16xf32>,
      %mul3A_3435 = arith.constant 5.65685415 : f32
      %mul3A_3436 = vector.broadcast %mul3A_3435 : f32 to vector<16xf32>
      %mul3A_3437 = arith.mulf %get3A_3434, %mul3A_3436 : vector<16xf32>
      %scatter3A_3438 = arith.constant 0 : i32
      %scatter3A_3439 = arith.constant 0 : i32
      %scatter3A_3440 = tpu.memref_slice %arg8[%select_n3A_261, %scatter3A_3438, %scatter3A_3439] : memref<4x32x129xf32, #tpu.memory_space<vmem>> -> memref<1x32x129xf32, #tpu.memory_space<vmem>>
      %scatter3A_3441 = tpu.memref_squeeze %scatter3A_3440 : memref<1x32x129xf32, #tpu.memory_space<vmem>> -> memref<32x129xf32, #tpu.memory_space<vmem>>
      tpu.vector_store_idx %scatter3A_3441[%iota3A, %broadcast_in_dim3A_3421], %mul3A_3429 : memref<32x129xf32, #tpu.memory_space<vmem>>[vector<16xi32>, vector<16xi32>], vector<16xf32>,
      %scatter3A_3442 = arith.constant 0 : i32
      %scatter3A_3443 = arith.constant 0 : i32
      %scatter3A_3444 = tpu.memref_slice %arg8[%select_n3A_261, %scatter3A_3442, %scatter3A_3443] : memref<4x32x129xf32, #tpu.memory_space<vmem>> -> memref<1x32x129xf32, #tpu.memory_space<vmem>>
      %scatter3A_3445 = tpu.memref_squeeze %scatter3A_3444 : memref<1x32x129xf32, #tpu.memory_space<vmem>> -> memref<32x129xf32, #tpu.memory_space<vmem>>
      tpu.vector_store_idx %scatter3A_3445[%add3A_163, %broadcast_in_dim3A_3421], %mul3A_3437 : memref<32x129xf32, #tpu.memory_space<vmem>>[vector<16xi32>, vector<16xi32>], vector<16xf32>,
      %broadcast_in_dim3A_3446 = arith.constant 122 : i32
      %broadcast_in_dim3A_3447 = vector.broadcast %broadcast_in_dim3A_3446 : i32 to vector<16xi32>
      %get3A_3448 = arith.constant 122 : i32
      %get3A_3449 = arith.index_cast %select_n3A_261 : i32 to index
      %get3A_3450 = arith.index_cast %get3A_3448 : i32 to index
      %get3A_3451 = arith.constant 0 : index
      %get3A_3452 = tpu.vector_load %arg7[%get3A_3449, %get3A_3450, %get3A_3451] {strides = array<i32>} : memref<4x128x32xf32, #tpu.memory_space<vmem>>, vector<16xf32>,
      %mul3A_3453 = arith.constant 5.65685415 : f32
      %mul3A_3454 = vector.broadcast %mul3A_3453 : f32 to vector<16xf32>
      %mul3A_3455 = arith.mulf %get3A_3452, %mul3A_3454 : vector<16xf32>
      %get3A_3456 = arith.constant 122 : i32
      %get3A_3457 = arith.index_cast %select_n3A_261 : i32 to index
      %get3A_3458 = arith.index_cast %get3A_3456 : i32 to index
      %get3A_3459 = arith.constant 16 : index
      %get3A_3460 = tpu.vector_load %arg7[%get3A_3457, %get3A_3458, %get3A_3459] {strides = array<i32>} : memref<4x128x32xf32, #tpu.memory_space<vmem>>, vector<16xf32>,
      %mul3A_3461 = arith.constant 5.65685415 : f32
      %mul3A_3462 = vector.broadcast %mul3A_3461 : f32 to vector<16xf32>
      %mul3A_3463 = arith.mulf %get3A_3460, %mul3A_3462 : vector<16xf32>
      %scatter3A_3464 = arith.constant 0 : i32
      %scatter3A_3465 = arith.constant 0 : i32
      %scatter3A_3466 = tpu.memref_slice %arg8[%select_n3A_261, %scatter3A_3464, %scatter3A_3465] : memref<4x32x129xf32, #tpu.memory_space<vmem>> -> memref<1x32x129xf32, #tpu.memory_space<vmem>>
      %scatter3A_3467 = tpu.memref_squeeze %scatter3A_3466 : memref<1x32x129xf32, #tpu.memory_space<vmem>> -> memref<32x129xf32, #tpu.memory_space<vmem>>
      tpu.vector_store_idx %scatter3A_3467[%iota3A, %broadcast_in_dim3A_3447], %mul3A_3455 : memref<32x129xf32, #tpu.memory_space<vmem>>[vector<16xi32>, vector<16xi32>], vector<16xf32>,
      %scatter3A_3468 = arith.constant 0 : i32
      %scatter3A_3469 = arith.constant 0 : i32
      %scatter3A_3470 = tpu.memref_slice %arg8[%select_n3A_261, %scatter3A_3468, %scatter3A_3469] : memref<4x32x129xf32, #tpu.memory_space<vmem>> -> memref<1x32x129xf32, #tpu.memory_space<vmem>>
      %scatter3A_3471 = tpu.memref_squeeze %scatter3A_3470 : memref<1x32x129xf32, #tpu.memory_space<vmem>> -> memref<32x129xf32, #tpu.memory_space<vmem>>
      tpu.vector_store_idx %scatter3A_3471[%add3A_163, %broadcast_in_dim3A_3447], %mul3A_3463 : memref<32x129xf32, #tpu.memory_space<vmem>>[vector<16xi32>, vector<16xi32>], vector<16xf32>,
      %broadcast_in_dim3A_3472 = arith.constant 123 : i32
      %broadcast_in_dim3A_3473 = vector.broadcast %broadcast_in_dim3A_3472 : i32 to vector<16xi32>
      %get3A_3474 = arith.constant 123 : i32
      %get3A_3475 = arith.index_cast %select_n3A_261 : i32 to index
      %get3A_3476 = arith.index_cast %get3A_3474 : i32 to index
      %get3A_3477 = arith.constant 0 : index
      %get3A_3478 = tpu.vector_load %arg7[%get3A_3475, %get3A_3476, %get3A_3477] {strides = array<i32>} : memref<4x128x32xf32, #tpu.memory_space<vmem>>, vector<16xf32>,
      %mul3A_3479 = arith.constant 5.65685415 : f32
      %mul3A_3480 = vector.broadcast %mul3A_3479 : f32 to vector<16xf32>
      %mul3A_3481 = arith.mulf %get3A_3478, %mul3A_3480 : vector<16xf32>
      %get3A_3482 = arith.constant 123 : i32
      %get3A_3483 = arith.index_cast %select_n3A_261 : i32 to index
      %get3A_3484 = arith.index_cast %get3A_3482 : i32 to index
      %get3A_3485 = arith.constant 16 : index
      %get3A_3486 = tpu.vector_load %arg7[%get3A_3483, %get3A_3484, %get3A_3485] {strides = array<i32>} : memref<4x128x32xf32, #tpu.memory_space<vmem>>, vector<16xf32>,
      %mul3A_3487 = arith.constant 5.65685415 : f32
      %mul3A_3488 = vector.broadcast %mul3A_3487 : f32 to vector<16xf32>
      %mul3A_3489 = arith.mulf %get3A_3486, %mul3A_3488 : vector<16xf32>
      %scatter3A_3490 = arith.constant 0 : i32
      %scatter3A_3491 = arith.constant 0 : i32
      %scatter3A_3492 = tpu.memref_slice %arg8[%select_n3A_261, %scatter3A_3490, %scatter3A_3491] : memref<4x32x129xf32, #tpu.memory_space<vmem>> -> memref<1x32x129xf32, #tpu.memory_space<vmem>>
      %scatter3A_3493 = tpu.memref_squeeze %scatter3A_3492 : memref<1x32x129xf32, #tpu.memory_space<vmem>> -> memref<32x129xf32, #tpu.memory_space<vmem>>
      tpu.vector_store_idx %scatter3A_3493[%iota3A, %broadcast_in_dim3A_3473], %mul3A_3481 : memref<32x129xf32, #tpu.memory_space<vmem>>[vector<16xi32>, vector<16xi32>], vector<16xf32>,
      %scatter3A_3494 = arith.constant 0 : i32
      %scatter3A_3495 = arith.constant 0 : i32
      %scatter3A_3496 = tpu.memref_slice %arg8[%select_n3A_261, %scatter3A_3494, %scatter3A_3495] : memref<4x32x129xf32, #tpu.memory_space<vmem>> -> memref<1x32x129xf32, #tpu.memory_space<vmem>>
      %scatter3A_3497 = tpu.memref_squeeze %scatter3A_3496 : memref<1x32x129xf32, #tpu.memory_space<vmem>> -> memref<32x129xf32, #tpu.memory_space<vmem>>
      tpu.vector_store_idx %scatter3A_3497[%add3A_163, %broadcast_in_dim3A_3473], %mul3A_3489 : memref<32x129xf32, #tpu.memory_space<vmem>>[vector<16xi32>, vector<16xi32>], vector<16xf32>,
      %broadcast_in_dim3A_3498 = arith.constant 124 : i32
      %broadcast_in_dim3A_3499 = vector.broadcast %broadcast_in_dim3A_3498 : i32 to vector<16xi32>
      %get3A_3500 = arith.constant 124 : i32
      %get3A_3501 = arith.index_cast %select_n3A_261 : i32 to index
      %get3A_3502 = arith.index_cast %get3A_3500 : i32 to index
      %get3A_3503 = arith.constant 0 : index
      %get3A_3504 = tpu.vector_load %arg7[%get3A_3501, %get3A_3502, %get3A_3503] {strides = array<i32>} : memref<4x128x32xf32, #tpu.memory_space<vmem>>, vector<16xf32>,
      %mul3A_3505 = arith.constant 5.65685415 : f32
      %mul3A_3506 = vector.broadcast %mul3A_3505 : f32 to vector<16xf32>
      %mul3A_3507 = arith.mulf %get3A_3504, %mul3A_3506 : vector<16xf32>
      %get3A_3508 = arith.constant 124 : i32
      %get3A_3509 = arith.index_cast %select_n3A_261 : i32 to index
      %get3A_3510 = arith.index_cast %get3A_3508 : i32 to index
      %get3A_3511 = arith.constant 16 : index
      %get3A_3512 = tpu.vector_load %arg7[%get3A_3509, %get3A_3510, %get3A_3511] {strides = array<i32>} : memref<4x128x32xf32, #tpu.memory_space<vmem>>, vector<16xf32>,
      %mul3A_3513 = arith.constant 5.65685415 : f32
      %mul3A_3514 = vector.broadcast %mul3A_3513 : f32 to vector<16xf32>
      %mul3A_3515 = arith.mulf %get3A_3512, %mul3A_3514 : vector<16xf32>
      %scatter3A_3516 = arith.constant 0 : i32
      %scatter3A_3517 = arith.constant 0 : i32
      %scatter3A_3518 = tpu.memref_slice %arg8[%select_n3A_261, %scatter3A_3516, %scatter3A_3517] : memref<4x32x129xf32, #tpu.memory_space<vmem>> -> memref<1x32x129xf32, #tpu.memory_space<vmem>>
      %scatter3A_3519 = tpu.memref_squeeze %scatter3A_3518 : memref<1x32x129xf32, #tpu.memory_space<vmem>> -> memref<32x129xf32, #tpu.memory_space<vmem>>
      tpu.vector_store_idx %scatter3A_3519[%iota3A, %broadcast_in_dim3A_3499], %mul3A_3507 : memref<32x129xf32, #tpu.memory_space<vmem>>[vector<16xi32>, vector<16xi32>], vector<16xf32>,
      %scatter3A_3520 = arith.constant 0 : i32
      %scatter3A_3521 = arith.constant 0 : i32
      %scatter3A_3522 = tpu.memref_slice %arg8[%select_n3A_261, %scatter3A_3520, %scatter3A_3521] : memref<4x32x129xf32, #tpu.memory_space<vmem>> -> memref<1x32x129xf32, #tpu.memory_space<vmem>>
      %scatter3A_3523 = tpu.memref_squeeze %scatter3A_3522 : memref<1x32x129xf32, #tpu.memory_space<vmem>> -> memref<32x129xf32, #tpu.memory_space<vmem>>
      tpu.vector_store_idx %scatter3A_3523[%add3A_163, %broadcast_in_dim3A_3499], %mul3A_3515 : memref<32x129xf32, #tpu.memory_space<vmem>>[vector<16xi32>, vector<16xi32>], vector<16xf32>,
      %broadcast_in_dim3A_3524 = arith.constant 125 : i32
      %broadcast_in_dim3A_3525 = vector.broadcast %broadcast_in_dim3A_3524 : i32 to vector<16xi32>
      %get3A_3526 = arith.constant 125 : i32
      %get3A_3527 = arith.index_cast %select_n3A_261 : i32 to index
      %get3A_3528 = arith.index_cast %get3A_3526 : i32 to index
      %get3A_3529 = arith.constant 0 : index
      %get3A_3530 = tpu.vector_load %arg7[%get3A_3527, %get3A_3528, %get3A_3529] {strides = array<i32>} : memref<4x128x32xf32, #tpu.memory_space<vmem>>, vector<16xf32>,
      %mul3A_3531 = arith.constant 5.65685415 : f32
      %mul3A_3532 = vector.broadcast %mul3A_3531 : f32 to vector<16xf32>
      %mul3A_3533 = arith.mulf %get3A_3530, %mul3A_3532 : vector<16xf32>
      %get3A_3534 = arith.constant 125 : i32
      %get3A_3535 = arith.index_cast %select_n3A_261 : i32 to index
      %get3A_3536 = arith.index_cast %get3A_3534 : i32 to index
      %get3A_3537 = arith.constant 16 : index
      %get3A_3538 = tpu.vector_load %arg7[%get3A_3535, %get3A_3536, %get3A_3537] {strides = array<i32>} : memref<4x128x32xf32, #tpu.memory_space<vmem>>, vector<16xf32>,
      %mul3A_3539 = arith.constant 5.65685415 : f32
      %mul3A_3540 = vector.broadcast %mul3A_3539 : f32 to vector<16xf32>
      %mul3A_3541 = arith.mulf %get3A_3538, %mul3A_3540 : vector<16xf32>
      %scatter3A_3542 = arith.constant 0 : i32
      %scatter3A_3543 = arith.constant 0 : i32
      %scatter3A_3544 = tpu.memref_slice %arg8[%select_n3A_261, %scatter3A_3542, %scatter3A_3543] : memref<4x32x129xf32, #tpu.memory_space<vmem>> -> memref<1x32x129xf32, #tpu.memory_space<vmem>>
      %scatter3A_3545 = tpu.memref_squeeze %scatter3A_3544 : memref<1x32x129xf32, #tpu.memory_space<vmem>> -> memref<32x129xf32, #tpu.memory_space<vmem>>
      tpu.vector_store_idx %scatter3A_3545[%iota3A, %broadcast_in_dim3A_3525], %mul3A_3533 : memref<32x129xf32, #tpu.memory_space<vmem>>[vector<16xi32>, vector<16xi32>], vector<16xf32>,
      %scatter3A_3546 = arith.constant 0 : i32
      %scatter3A_3547 = arith.constant 0 : i32
      %scatter3A_3548 = tpu.memref_slice %arg8[%select_n3A_261, %scatter3A_3546, %scatter3A_3547] : memref<4x32x129xf32, #tpu.memory_space<vmem>> -> memref<1x32x129xf32, #tpu.memory_space<vmem>>
      %scatter3A_3549 = tpu.memref_squeeze %scatter3A_3548 : memref<1x32x129xf32, #tpu.memory_space<vmem>> -> memref<32x129xf32, #tpu.memory_space<vmem>>
      tpu.vector_store_idx %scatter3A_3549[%add3A_163, %broadcast_in_dim3A_3525], %mul3A_3541 : memref<32x129xf32, #tpu.memory_space<vmem>>[vector<16xi32>, vector<16xi32>], vector<16xf32>,
      %broadcast_in_dim3A_3550 = arith.constant 126 : i32
      %broadcast_in_dim3A_3551 = vector.broadcast %broadcast_in_dim3A_3550 : i32 to vector<16xi32>
      %get3A_3552 = arith.constant 126 : i32
      %get3A_3553 = arith.index_cast %select_n3A_261 : i32 to index
      %get3A_3554 = arith.index_cast %get3A_3552 : i32 to index
      %get3A_3555 = arith.constant 0 : index
      %get3A_3556 = tpu.vector_load %arg7[%get3A_3553, %get3A_3554, %get3A_3555] {strides = array<i32>} : memref<4x128x32xf32, #tpu.memory_space<vmem>>, vector<16xf32>,
      %mul3A_3557 = arith.constant 5.65685415 : f32
      %mul3A_3558 = vector.broadcast %mul3A_3557 : f32 to vector<16xf32>
      %mul3A_3559 = arith.mulf %get3A_3556, %mul3A_3558 : vector<16xf32>
      %get3A_3560 = arith.constant 126 : i32
      %get3A_3561 = arith.index_cast %select_n3A_261 : i32 to index
      %get3A_3562 = arith.index_cast %get3A_3560 : i32 to index
      %get3A_3563 = arith.constant 16 : index
      %get3A_3564 = tpu.vector_load %arg7[%get3A_3561, %get3A_3562, %get3A_3563] {strides = array<i32>} : memref<4x128x32xf32, #tpu.memory_space<vmem>>, vector<16xf32>,
      %mul3A_3565 = arith.constant 5.65685415 : f32
      %mul3A_3566 = vector.broadcast %mul3A_3565 : f32 to vector<16xf32>
      %mul3A_3567 = arith.mulf %get3A_3564, %mul3A_3566 : vector<16xf32>
      %scatter3A_3568 = arith.constant 0 : i32
      %scatter3A_3569 = arith.constant 0 : i32
      %scatter3A_3570 = tpu.memref_slice %arg8[%select_n3A_261, %scatter3A_3568, %scatter3A_3569] : memref<4x32x129xf32, #tpu.memory_space<vmem>> -> memref<1x32x129xf32, #tpu.memory_space<vmem>>
      %scatter3A_3571 = tpu.memref_squeeze %scatter3A_3570 : memref<1x32x129xf32, #tpu.memory_space<vmem>> -> memref<32x129xf32, #tpu.memory_space<vmem>>
      tpu.vector_store_idx %scatter3A_3571[%iota3A, %broadcast_in_dim3A_3551], %mul3A_3559 : memref<32x129xf32, #tpu.memory_space<vmem>>[vector<16xi32>, vector<16xi32>], vector<16xf32>,
      %scatter3A_3572 = arith.constant 0 : i32
      %scatter3A_3573 = arith.constant 0 : i32
      %scatter3A_3574 = tpu.memref_slice %arg8[%select_n3A_261, %scatter3A_3572, %scatter3A_3573] : memref<4x32x129xf32, #tpu.memory_space<vmem>> -> memref<1x32x129xf32, #tpu.memory_space<vmem>>
      %scatter3A_3575 = tpu.memref_squeeze %scatter3A_3574 : memref<1x32x129xf32, #tpu.memory_space<vmem>> -> memref<32x129xf32, #tpu.memory_space<vmem>>
      tpu.vector_store_idx %scatter3A_3575[%add3A_163, %broadcast_in_dim3A_3551], %mul3A_3567 : memref<32x129xf32, #tpu.memory_space<vmem>>[vector<16xi32>, vector<16xi32>], vector<16xf32>,
      %broadcast_in_dim3A_3576 = arith.constant 127 : i32
      %broadcast_in_dim3A_3577 = vector.broadcast %broadcast_in_dim3A_3576 : i32 to vector<16xi32>
      %get3A_3578 = arith.constant 127 : i32
      %get3A_3579 = arith.index_cast %select_n3A_261 : i32 to index
      %get3A_3580 = arith.index_cast %get3A_3578 : i32 to index
      %get3A_3581 = arith.constant 0 : index
      %get3A_3582 = tpu.vector_load %arg7[%get3A_3579, %get3A_3580, %get3A_3581] {strides = array<i32>} : memref<4x128x32xf32, #tpu.memory_space<vmem>>, vector<16xf32>,
      %mul3A_3583 = arith.constant 5.65685415 : f32
      %mul3A_3584 = vector.broadcast %mul3A_3583 : f32 to vector<16xf32>
      %mul3A_3585 = arith.mulf %get3A_3582, %mul3A_3584 : vector<16xf32>
      %get3A_3586 = arith.constant 127 : i32
      %get3A_3587 = arith.index_cast %select_n3A_261 : i32 to index
      %get3A_3588 = arith.index_cast %get3A_3586 : i32 to index
      %get3A_3589 = arith.constant 16 : index
      %get3A_3590 = tpu.vector_load %arg7[%get3A_3587, %get3A_3588, %get3A_3589] {strides = array<i32>} : memref<4x128x32xf32, #tpu.memory_space<vmem>>, vector<16xf32>,
      %mul3A_3591 = arith.constant 5.65685415 : f32
      %mul3A_3592 = vector.broadcast %mul3A_3591 : f32 to vector<16xf32>
      %mul3A_3593 = arith.mulf %get3A_3590, %mul3A_3592 : vector<16xf32>
      %scatter3A_3594 = arith.constant 0 : i32
      %scatter3A_3595 = arith.constant 0 : i32
      %scatter3A_3596 = tpu.memref_slice %arg8[%select_n3A_261, %scatter3A_3594, %scatter3A_3595] : memref<4x32x129xf32, #tpu.memory_space<vmem>> -> memref<1x32x129xf32, #tpu.memory_space<vmem>>
      %scatter3A_3597 = tpu.memref_squeeze %scatter3A_3596 : memref<1x32x129xf32, #tpu.memory_space<vmem>> -> memref<32x129xf32, #tpu.memory_space<vmem>>
      tpu.vector_store_idx %scatter3A_3597[%iota3A, %broadcast_in_dim3A_3577], %mul3A_3585 : memref<32x129xf32, #tpu.memory_space<vmem>>[vector<16xi32>, vector<16xi32>], vector<16xf32>,
      %scatter3A_3598 = arith.constant 0 : i32
      %scatter3A_3599 = arith.constant 0 : i32
      %scatter3A_3600 = tpu.memref_slice %arg8[%select_n3A_261, %scatter3A_3598, %scatter3A_3599] : memref<4x32x129xf32, #tpu.memory_space<vmem>> -> memref<1x32x129xf32, #tpu.memory_space<vmem>>
      %scatter3A_3601 = tpu.memref_squeeze %scatter3A_3600 : memref<1x32x129xf32, #tpu.memory_space<vmem>> -> memref<32x129xf32, #tpu.memory_space<vmem>>
      tpu.vector_store_idx %scatter3A_3601[%add3A_163, %broadcast_in_dim3A_3577], %mul3A_3593 : memref<32x129xf32, #tpu.memory_space<vmem>>[vector<16xi32>, vector<16xi32>], vector<16xf32>,
      %jit3A_3602 = arith.constant 4 : i32
      %div3A = arith.divsi %scan3A_252, %jit3A_3602 : i32
      %sign3A = arith.constant 0 : i32
      %sign3A_3603 = arith.cmpi sgt, %scan3A_252, %sign3A : i32
      %sign3A_3604 = arith.extui %sign3A_3603 : i1 to i32
      %sign3A_3605 = arith.constant 0 : i32
      %sign3A_3606 = arith.cmpi slt, %scan3A_252, %sign3A_3605 : i32
      %sign3A_3607 = arith.extui %sign3A_3606 : i1 to i32
      %sign3A_3608 = arith.subi %sign3A_3604, %sign3A_3607 : i32
      %sign3A_3609 = arith.constant 0 : i32
      %sign3A_3610 = arith.cmpi sgt, %jit3A_3602, %sign3A_3609 : i32
      %sign3A_3611 = arith.extui %sign3A_3610 : i1 to i32
      %sign3A_3612 = arith.constant 0 : i32
      %sign3A_3613 = arith.cmpi slt, %jit3A_3602, %sign3A_3612 : i32
      %sign3A_3614 = arith.extui %sign3A_3613 : i1 to i32
      %sign3A_3615 = arith.subi %sign3A_3611, %sign3A_3614 : i32
      %ne3A_3616 = arith.cmpi ne, %sign3A_3608, %sign3A_3615 : i32
      %rem3A_3617 = arith.remsi %scan3A_252, %jit3A_3602 : i32
      %ne3A_3618 = arith.constant 0 : i32
      %ne3A_3619 = arith.cmpi ne, %rem3A_3617, %ne3A_3618 : i32
      %and3A_3620 = arith.andi %ne3A_3616, %ne3A_3619 : i1
      %sub3A = arith.constant 1 : i32
      %sub3A_3621 = arith.subi %div3A, %sub3A : i32
      %select_n3A_3622 = arith.select %and3A_3620, %sub3A_3621, %div3A : i32
      %jit3A_3623 = arith.constant 4 : i32
      %eq3A_3624 = arith.constant 0 : i32
      %eq3A_3625 = arith.cmpi eq, %jit3A_3623, %eq3A_3624 : i32
      %jit3A_3626 = arith.constant 1 : i32
      %select_n3A_3627 = arith.select %eq3A_3625, %jit3A_3626, %jit3A_3623 : i32
      %rem3A_3628 = arith.remsi %scan3A_252, %select_n3A_3627 : i32
      %ne3A_3629 = arith.constant 0 : i32
      %ne3A_3630 = arith.cmpi ne, %rem3A_3628, %ne3A_3629 : i32
      %lt3A_3631 = arith.constant 0 : i32
      %lt3A_3632 = arith.cmpi slt, %rem3A_3628, %lt3A_3631 : i32
      %lt3A_3633 = arith.constant 0 : i32
      %lt3A_3634 = arith.cmpi slt, %select_n3A_3627, %lt3A_3633 : i32
      %ne3A_3635 = arith.xori %lt3A_3632, %lt3A_3634 : i1
      %and3A_3636 = arith.andi %ne3A_3635, %ne3A_3630 : i1
      %add3A_3637 = arith.addi %rem3A_3628, %select_n3A_3627 : i32
      %select_n3A_3638 = arith.select %and3A_3636, %add3A_3637, %rem3A_3628 : i32
      %mul3A_3639 = arith.constant 128 : i32
      %mul3A_3640 = arith.muli %select_n3A_3638, %mul3A_3639 : i32
      %add3A_3641 = arith.addi %mul3A_2, %mul3A_3640 : i32
      %dma_start3A_3642 = arith.constant 0 : i32
      %dma_start3A_3643 = arith.constant 0 : i32
      %dma_start3A_3644 = tpu.memref_slice %arg8[%select_n3A_261, %dma_start3A_3642, %dma_start3A_3643] : memref<4x32x129xf32, #tpu.memory_space<vmem>> -> memref<1x32x128xf32, #tpu.memory_space<vmem>>
      %dma_start3A_3645 = tpu.memref_squeeze %dma_start3A_3644 : memref<1x32x128xf32, #tpu.memory_space<vmem>> -> memref<32x128xf32, #tpu.memory_space<vmem>>
      %dma_start3A_3646 = arith.constant 0 : i32
      %dma_start3A_3647 = tpu.memref_slice %arg4[%select_n3A_3622, %dma_start3A_3646, %add3A_3641] : memref<50x32x16384xf32, #tpu.memory_space<hbm>> -> memref<1x32x128xf32, #tpu.memory_space<hbm>>
      %dma_start3A_3648 = tpu.memref_squeeze %dma_start3A_3647 : memref<1x32x128xf32, #tpu.memory_space<hbm>> -> memref<32x128xf32, #tpu.memory_space<hbm>>
      %dma_start3A_3649 = tpu.memref_slice %arg10[%select_n3A_261] : memref<4x!tpu.dma_semaphore, #tpu.memory_space<semaphore_mem>> -> memref<1x!tpu.dma_semaphore, #tpu.memory_space<semaphore_mem>>
      %dma_start3A_3650 = tpu.memref_squeeze %dma_start3A_3649 : memref<1x!tpu.dma_semaphore, #tpu.memory_space<semaphore_mem>> -> memref<!tpu.dma_semaphore, #tpu.memory_space<semaphore_mem>>
      %dma_start3A_3651 = arith.constant 0 : i32
      %dma_start3A_3652 = tpu.memref_slice %arg4[%select_n3A_3622, %dma_start3A_3651, %add3A_3641] : memref<50x32x16384xf32, #tpu.memory_space<hbm>> -> memref<1x32x128xf32, #tpu.memory_space<hbm>>
      %dma_start3A_3653 = tpu.memref_squeeze %dma_start3A_3652 : memref<1x32x128xf32, #tpu.memory_space<hbm>> -> memref<32x128xf32, #tpu.memory_space<hbm>>
      %dma_start3A_3654 = arith.constant 0 : i32
      %dma_start3A_3655 = arith.constant 0 : i32
      %dma_start3A_3656 = tpu.memref_slice %arg8[%select_n3A_261, %dma_start3A_3654, %dma_start3A_3655] : memref<4x32x129xf32, #tpu.memory_space<vmem>> -> memref<1x32x128xf32, #tpu.memory_space<vmem>>
      %dma_start3A_3657 = tpu.memref_squeeze %dma_start3A_3656 : memref<1x32x128xf32, #tpu.memory_space<vmem>> -> memref<32x128xf32, #tpu.memory_space<vmem>>
      tpu.enqueue_dma source(%dma_start3A_3657 : memref<32x128xf32, #tpu.memory_space<vmem>>) target(%dma_start3A_3653 : memref<32x128xf32, #tpu.memory_space<hbm>>) target_semaphore(%dma_start3A_3650 : memref<!tpu.dma_semaphore, #tpu.memory_space<semaphore_mem>>)
      %add3A_3658 = arith.constant 2 : i32
      %add3A_3659 = arith.addi %scan3A_252, %add3A_3658 : i32
      %add3A_3660 = arith.constant 2 : i32
      %add3A_3661 = arith.addi %select_n3A_261, %add3A_3660 : i32
      %jit3A_3662 = arith.constant 4 : i32
      %eq3A_3663 = arith.constant 0 : i32
      %eq3A_3664 = arith.cmpi eq, %jit3A_3662, %eq3A_3663 : i32
      %jit3A_3665 = arith.constant 1 : i32
      %select_n3A_3666 = arith.select %eq3A_3664, %jit3A_3665, %jit3A_3662 : i32
      %rem3A_3667 = arith.remsi %add3A_3661, %select_n3A_3666 : i32
      %ne3A_3668 = arith.constant 0 : i32
      %ne3A_3669 = arith.cmpi ne, %rem3A_3667, %ne3A_3668 : i32
      %lt3A_3670 = arith.constant 0 : i32
      %lt3A_3671 = arith.cmpi slt, %rem3A_3667, %lt3A_3670 : i32
      %lt3A_3672 = arith.constant 0 : i32
      %lt3A_3673 = arith.cmpi slt, %select_n3A_3666, %lt3A_3672 : i32
      %ne3A_3674 = arith.xori %lt3A_3671, %lt3A_3673 : i1
      %and3A_3675 = arith.andi %ne3A_3674, %ne3A_3669 : i1
      %add3A_3676 = arith.addi %rem3A_3667, %select_n3A_3666 : i32
      %select_n3A_3677 = arith.select %and3A_3675, %add3A_3676, %rem3A_3667 : i32
      %lt3A_3678 = arith.constant 200 : i32
      %lt3A_3679 = arith.cmpi slt, %add3A_3659, %lt3A_3678 : i32
      %convert_element_type3A_3680 = arith.extui %lt3A_3679 : i1 to i32
      %cond3A_3681 = arith.constant 0 : i32
      %cond3A_3682 = arith.cmpi ne, %convert_element_type3A_3680, %cond3A_3681 : i32
      scf.if %cond3A_3682 {
        %jit3A_3683 = arith.constant 4 : i32
        %div3A_3684 = arith.divsi %add3A_3659, %jit3A_3683 : i32
        %sign3A_3685 = arith.constant 0 : i32
        %sign3A_3686 = arith.cmpi sgt, %add3A_3659, %sign3A_3685 : i32
        %sign3A_3687 = arith.extui %sign3A_3686 : i1 to i32
        %sign3A_3688 = arith.constant 0 : i32
        %sign3A_3689 = arith.cmpi slt, %add3A_3659, %sign3A_3688 : i32
        %sign3A_3690 = arith.extui %sign3A_3689 : i1 to i32
        %sign3A_3691 = arith.subi %sign3A_3687, %sign3A_3690 : i32
        %sign3A_3692 = arith.constant 0 : i32
        %sign3A_3693 = arith.cmpi sgt, %jit3A_3683, %sign3A_3692 : i32
        %sign3A_3694 = arith.extui %sign3A_3693 : i1 to i32
        %sign3A_3695 = arith.constant 0 : i32
        %sign3A_3696 = arith.cmpi slt, %jit3A_3683, %sign3A_3695 : i32
        %sign3A_3697 = arith.extui %sign3A_3696 : i1 to i32
        %sign3A_3698 = arith.subi %sign3A_3694, %sign3A_3697 : i32
        %ne3A_3699 = arith.cmpi ne, %sign3A_3691, %sign3A_3698 : i32
        %rem3A_3700 = arith.remsi %add3A_3659, %jit3A_3683 : i32
        %ne3A_3701 = arith.constant 0 : i32
        %ne3A_3702 = arith.cmpi ne, %rem3A_3700, %ne3A_3701 : i32
        %and3A_3703 = arith.andi %ne3A_3699, %ne3A_3702 : i1
        %sub3A_3704 = arith.constant 1 : i32
        %sub3A_3705 = arith.subi %div3A_3684, %sub3A_3704 : i32
        %select_n3A_3706 = arith.select %and3A_3703, %sub3A_3705, %div3A_3684 : i32
        %jit3A_3707 = arith.constant 4 : i32
        %eq3A_3708 = arith.constant 0 : i32
        %eq3A_3709 = arith.cmpi eq, %jit3A_3707, %eq3A_3708 : i32
        %jit3A_3710 = arith.constant 1 : i32
        %select_n3A_3711 = arith.select %eq3A_3709, %jit3A_3710, %jit3A_3707 : i32
        %rem3A_3712 = arith.remsi %add3A_3659, %select_n3A_3711 : i32
        %ne3A_3713 = arith.constant 0 : i32
        %ne3A_3714 = arith.cmpi ne, %rem3A_3712, %ne3A_3713 : i32
        %lt3A_3715 = arith.constant 0 : i32
        %lt3A_3716 = arith.cmpi slt, %rem3A_3712, %lt3A_3715 : i32
        %lt3A_3717 = arith.constant 0 : i32
        %lt3A_3718 = arith.cmpi slt, %select_n3A_3711, %lt3A_3717 : i32
        %ne3A_3719 = arith.xori %lt3A_3716, %lt3A_3718 : i1
        %and3A_3720 = arith.andi %ne3A_3719, %ne3A_3714 : i1
        %add3A_3721 = arith.addi %rem3A_3712, %select_n3A_3711 : i32
        %select_n3A_3722 = arith.select %and3A_3720, %add3A_3721, %rem3A_3712 : i32
        %mul3A_3723 = arith.constant 128 : i32
        %mul3A_3724 = arith.muli %select_n3A_3722, %mul3A_3723 : i32
        %broadcast_in_dim3A_3725 = vector.broadcast %select_n3A_3706 : i32 to vector<16xi32>
        %add3A_3726 = arith.constant 0 : i32
        %add3A_3727 = arith.addi %mul3A_3724, %add3A_3726 : i32
        %add3A_3728 = vector.broadcast %add3A_3727 : i32 to vector<16xi32>
        %add3A_3729 = arith.addi %iota3A, %add3A_3728 : vector<16xi32>
        %gather3A_3730 = tpu.vector_load_idx %arg5[%add3A_3729, %broadcast_in_dim3A_3725] : memref<512x50xi32, #tpu.memory_space<vmem>>[vector<16xi32>, vector<16xi32>], vector<16xi32>,
        %swap3A_3731 = arith.index_cast %select_n3A_3677 : i32 to index
        %swap3A_3732 = arith.constant 0 : index
        %swap3A_3733 = tpu.vector_load %arg6[%swap3A_3731, %swap3A_3732] {strides = array<i32>} : memref<4x128xi32, #tpu.memory_space<vmem>>, vector<16xi32>,
        tpu.vector_store %arg6[%swap3A_3731, %swap3A_3732], %gather3A_3730 {strides = array<i32>} : memref<4x128xi32, #tpu.memory_space<vmem>>, vector<16xi32>,
        %add3A_3734 = arith.constant 16 : i32
        %add3A_3735 = arith.addi %mul3A_3724, %add3A_3734 : i32
        %add3A_3736 = vector.broadcast %add3A_3735 : i32 to vector<16xi32>
        %add3A_3737 = arith.addi %iota3A, %add3A_3736 : vector<16xi32>
        %gather3A_3738 = tpu.vector_load_idx %arg5[%add3A_3737, %broadcast_in_dim3A_3725] : memref<512x50xi32, #tpu.memory_space<vmem>>[vector<16xi32>, vector<16xi32>], vector<16xi32>,
        %swap3A_3739 = arith.index_cast %select_n3A_3677 : i32 to index
        %swap3A_3740 = arith.constant 16 : index
        %swap3A_3741 = tpu.vector_load %arg6[%swap3A_3739, %swap3A_3740] {strides = array<i32>} : memref<4x128xi32, #tpu.memory_space<vmem>>, vector<16xi32>,
        tpu.vector_store %arg6[%swap3A_3739, %swap3A_3740], %gather3A_3738 {strides = array<i32>} : memref<4x128xi32, #tpu.memory_space<vmem>>, vector<16xi32>,
        %add3A_3742 = arith.constant 32 : i32
        %add3A_3743 = arith.addi %mul3A_3724, %add3A_3742 : i32
        %add3A_3744 = vector.broadcast %add3A_3743 : i32 to vector<16xi32>
        %add3A_3745 = arith.addi %iota3A, %add3A_3744 : vector<16xi32>
        %gather3A_3746 = tpu.vector_load_idx %arg5[%add3A_3745, %broadcast_in_dim3A_3725] : memref<512x50xi32, #tpu.memory_space<vmem>>[vector<16xi32>, vector<16xi32>], vector<16xi32>,
        %swap3A_3747 = arith.index_cast %select_n3A_3677 : i32 to index
        %swap3A_3748 = arith.constant 32 : index
        %swap3A_3749 = tpu.vector_load %arg6[%swap3A_3747, %swap3A_3748] {strides = array<i32>} : memref<4x128xi32, #tpu.memory_space<vmem>>, vector<16xi32>,
        tpu.vector_store %arg6[%swap3A_3747, %swap3A_3748], %gather3A_3746 {strides = array<i32>} : memref<4x128xi32, #tpu.memory_space<vmem>>, vector<16xi32>,
        %add3A_3750 = arith.constant 48 : i32
        %add3A_3751 = arith.addi %mul3A_3724, %add3A_3750 : i32
        %add3A_3752 = vector.broadcast %add3A_3751 : i32 to vector<16xi32>
        %add3A_3753 = arith.addi %iota3A, %add3A_3752 : vector<16xi32>
        %gather3A_3754 = tpu.vector_load_idx %arg5[%add3A_3753, %broadcast_in_dim3A_3725] : memref<512x50xi32, #tpu.memory_space<vmem>>[vector<16xi32>, vector<16xi32>], vector<16xi32>,
        %swap3A_3755 = arith.index_cast %select_n3A_3677 : i32 to index
        %swap3A_3756 = arith.constant 48 : index
        %swap3A_3757 = tpu.vector_load %arg6[%swap3A_3755, %swap3A_3756] {strides = array<i32>} : memref<4x128xi32, #tpu.memory_space<vmem>>, vector<16xi32>,
        tpu.vector_store %arg6[%swap3A_3755, %swap3A_3756], %gather3A_3754 {strides = array<i32>} : memref<4x128xi32, #tpu.memory_space<vmem>>, vector<16xi32>,
        %add3A_3758 = arith.constant 64 : i32
        %add3A_3759 = arith.addi %mul3A_3724, %add3A_3758 : i32
        %add3A_3760 = vector.broadcast %add3A_3759 : i32 to vector<16xi32>
        %add3A_3761 = arith.addi %iota3A, %add3A_3760 : vector<16xi32>
        %gather3A_3762 = tpu.vector_load_idx %arg5[%add3A_3761, %broadcast_in_dim3A_3725] : memref<512x50xi32, #tpu.memory_space<vmem>>[vector<16xi32>, vector<16xi32>], vector<16xi32>,
        %swap3A_3763 = arith.index_cast %select_n3A_3677 : i32 to index
        %swap3A_3764 = arith.constant 64 : index
        %swap3A_3765 = tpu.vector_load %arg6[%swap3A_3763, %swap3A_3764] {strides = array<i32>} : memref<4x128xi32, #tpu.memory_space<vmem>>, vector<16xi32>,
        tpu.vector_store %arg6[%swap3A_3763, %swap3A_3764], %gather3A_3762 {strides = array<i32>} : memref<4x128xi32, #tpu.memory_space<vmem>>, vector<16xi32>,
        %add3A_3766 = arith.constant 80 : i32
        %add3A_3767 = arith.addi %mul3A_3724, %add3A_3766 : i32
        %add3A_3768 = vector.broadcast %add3A_3767 : i32 to vector<16xi32>
        %add3A_3769 = arith.addi %iota3A, %add3A_3768 : vector<16xi32>
        %gather3A_3770 = tpu.vector_load_idx %arg5[%add3A_3769, %broadcast_in_dim3A_3725] : memref<512x50xi32, #tpu.memory_space<vmem>>[vector<16xi32>, vector<16xi32>], vector<16xi32>,
        %swap3A_3771 = arith.index_cast %select_n3A_3677 : i32 to index
        %swap3A_3772 = arith.constant 80 : index
        %swap3A_3773 = tpu.vector_load %arg6[%swap3A_3771, %swap3A_3772] {strides = array<i32>} : memref<4x128xi32, #tpu.memory_space<vmem>>, vector<16xi32>,
        tpu.vector_store %arg6[%swap3A_3771, %swap3A_3772], %gather3A_3770 {strides = array<i32>} : memref<4x128xi32, #tpu.memory_space<vmem>>, vector<16xi32>,
        %add3A_3774 = arith.constant 96 : i32
        %add3A_3775 = arith.addi %mul3A_3724, %add3A_3774 : i32
        %add3A_3776 = vector.broadcast %add3A_3775 : i32 to vector<16xi32>
        %add3A_3777 = arith.addi %iota3A, %add3A_3776 : vector<16xi32>
        %gather3A_3778 = tpu.vector_load_idx %arg5[%add3A_3777, %broadcast_in_dim3A_3725] : memref<512x50xi32, #tpu.memory_space<vmem>>[vector<16xi32>, vector<16xi32>], vector<16xi32>,
        %swap3A_3779 = arith.index_cast %select_n3A_3677 : i32 to index
        %swap3A_3780 = arith.constant 96 : index
        %swap3A_3781 = tpu.vector_load %arg6[%swap3A_3779, %swap3A_3780] {strides = array<i32>} : memref<4x128xi32, #tpu.memory_space<vmem>>, vector<16xi32>,
        tpu.vector_store %arg6[%swap3A_3779, %swap3A_3780], %gather3A_3778 {strides = array<i32>} : memref<4x128xi32, #tpu.memory_space<vmem>>, vector<16xi32>,
        %add3A_3782 = arith.constant 112 : i32
        %add3A_3783 = arith.addi %mul3A_3724, %add3A_3782 : i32
        %add3A_3784 = vector.broadcast %add3A_3783 : i32 to vector<16xi32>
        %add3A_3785 = arith.addi %iota3A, %add3A_3784 : vector<16xi32>
        %gather3A_3786 = tpu.vector_load_idx %arg5[%add3A_3785, %broadcast_in_dim3A_3725] : memref<512x50xi32, #tpu.memory_space<vmem>>[vector<16xi32>, vector<16xi32>], vector<16xi32>,
        %swap3A_3787 = arith.index_cast %select_n3A_3677 : i32 to index
        %swap3A_3788 = arith.constant 112 : index
        %swap3A_3789 = tpu.vector_load %arg6[%swap3A_3787, %swap3A_3788] {strides = array<i32>} : memref<4x128xi32, #tpu.memory_space<vmem>>, vector<16xi32>,
        tpu.vector_store %arg6[%swap3A_3787, %swap3A_3788], %gather3A_3786 {strides = array<i32>} : memref<4x128xi32, #tpu.memory_space<vmem>>, vector<16xi32>,
        %dma_start3A_3790 = arith.constant 0 : i32
        %dma_start3A_3791 = arith.constant 0 : i32
        %dma_start3A_3792 = tpu.memref_slice %arg7[%select_n3A_3677, %dma_start3A_3790, %dma_start3A_3791] : memref<4x128x32xf32, #tpu.memory_space<vmem>> -> memref<1x128x32xf32, #tpu.memory_space<vmem>>
        %dma_start3A_3793 = tpu.memref_squeeze %dma_start3A_3792 : memref<1x128x32xf32, #tpu.memory_space<vmem>> -> memref<128x32xf32, #tpu.memory_space<vmem>>
        %dma_start3A_3794 = arith.constant 0 : i32
        %dma_start3A_3795 = tpu.memref_slice %arg6[%select_n3A_3677, %dma_start3A_3794] : memref<4x128xi32, #tpu.memory_space<vmem>> -> memref<1x128xi32, #tpu.memory_space<vmem>>
        %dma_start3A_3796 = tpu.memref_squeeze %dma_start3A_3795 : memref<1x128xi32, #tpu.memory_space<vmem>> -> memref<128xi32, #tpu.memory_space<vmem>>
        %dma_start3A_3797 = arith.constant 0 : i32
        %dma_start3A_3798 = arith.constant 0 : i32
        %dma_start3A_3799 = tpu.memref_slice %arg2[%dma_start3A_3797, %dma_start3A_3798] : memref<1000000x32xf32, #tpu.memory_space<hbm>> -> memref<1000000x32xf32, #tpu.memory_space<hbm>>
        %dma_start3A_3800 = tpu.memref_slice %arg9[%select_n3A_3677] : memref<4x!tpu.dma_semaphore, #tpu.memory_space<semaphore_mem>> -> memref<1x!tpu.dma_semaphore, #tpu.memory_space<semaphore_mem>>
        %dma_start3A_3801 = tpu.memref_squeeze %dma_start3A_3800 : memref<1x!tpu.dma_semaphore, #tpu.memory_space<semaphore_mem>> -> memref<!tpu.dma_semaphore, #tpu.memory_space<semaphore_mem>>
        tpu.enqueue_indirect_dma source(%dma_start3A_3799 : memref<1000000x32xf32, #tpu.memory_space<hbm>>) target(%dma_start3A_3793 : memref<128x32xf32, #tpu.memory_space<vmem>>) offsets(%dma_start3A_3796 : memref<128xi32, #tpu.memory_space<vmem>>) semaphore(%dma_start3A_3801 : memref<!tpu.dma_semaphore, #tpu.memory_space<semaphore_mem>>)
      } else {
      }
    }
    %scan3A_168 = arith.constant 200 : i32
    %add3A_169 = arith.constant 0 : i32
    %add3A_170 = arith.addi %mul3A_2, %add3A_169 : i32
    %dma_wait3A = arith.constant 0 : i32
    %dma_wait3A_171 = arith.constant 49 : i32
    %dma_wait3A_172 = arith.constant 0 : i32
    %dma_wait3A_173 = arith.constant 0 : i32
    %dma_wait3A_174 = arith.constant 0 : i32
    %dma_wait3A_175 = tpu.memref_slice %arg8[%dma_wait3A, %dma_wait3A_173, %dma_wait3A_174] : memref<4x32x129xf32, #tpu.memory_space<vmem>> -> memref<1x32x128xf32, #tpu.memory_space<vmem>>
    %dma_wait3A_176 = tpu.memref_squeeze %dma_wait3A_175 : memref<1x32x128xf32, #tpu.memory_space<vmem>> -> memref<32x128xf32, #tpu.memory_space<vmem>>
    %dma_wait3A_177 = arith.constant 0 : i32
    %dma_wait3A_178 = tpu.memref_slice %arg4[%dma_wait3A_171, %dma_wait3A_177, %add3A_170] : memref<50x32x16384xf32, #tpu.memory_space<hbm>> -> memref<1x32x128xf32, #tpu.memory_space<hbm>>
    %dma_wait3A_179 = tpu.memref_squeeze %dma_wait3A_178 : memref<1x32x128xf32, #tpu.memory_space<hbm>> -> memref<32x128xf32, #tpu.memory_space<hbm>>
    %dma_wait3A_180 = tpu.memref_slice %arg10[%dma_wait3A_172] : memref<4x!tpu.dma_semaphore, #tpu.memory_space<semaphore_mem>> -> memref<1x!tpu.dma_semaphore, #tpu.memory_space<semaphore_mem>>
    %dma_wait3A_181 = tpu.memref_squeeze %dma_wait3A_180 : memref<1x!tpu.dma_semaphore, #tpu.memory_space<semaphore_mem>> -> memref<!tpu.dma_semaphore, #tpu.memory_space<semaphore_mem>>
    %dma_wait3A_182 = arith.constant 0 : i32
    %dma_wait3A_183 = tpu.memref_slice %arg4[%dma_wait3A_171, %dma_wait3A_182, %add3A_170] : memref<50x32x16384xf32, #tpu.memory_space<hbm>> -> memref<1x32x128xf32, #tpu.memory_space<hbm>>
    %dma_wait3A_184 = tpu.memref_squeeze %dma_wait3A_183 : memref<1x32x128xf32, #tpu.memory_space<hbm>> -> memref<32x128xf32, #tpu.memory_space<hbm>>
    %dma_wait3A_185 = arith.constant 0 : i32
    %dma_wait3A_186 = arith.constant 0 : i32
    %dma_wait3A_187 = tpu.memref_slice %arg8[%dma_wait3A, %dma_wait3A_185, %dma_wait3A_186] : memref<4x32x129xf32, #tpu.memory_space<vmem>> -> memref<1x32x128xf32, #tpu.memory_space<vmem>>
    %dma_wait3A_188 = tpu.memref_squeeze %dma_wait3A_187 : memref<1x32x128xf32, #tpu.memory_space<vmem>> -> memref<32x128xf32, #tpu.memory_space<vmem>>
    tpu.wait_dma2 semaphore(%dma_wait3A_181 : memref<!tpu.dma_semaphore, #tpu.memory_space<semaphore_mem>>) src(%dma_wait3A_188 : memref<32x128xf32, #tpu.memory_space<vmem>>) dst(%dma_wait3A_184 : memref<32x128xf32, #tpu.memory_space<hbm>>)
    %add3A_189 = arith.constant 128 : i32
    %add3A_190 = arith.addi %mul3A_2, %add3A_189 : i32
    %dma_wait3A_191 = arith.constant 1 : i32
    %dma_wait3A_192 = arith.constant 49 : i32
    %dma_wait3A_193 = arith.constant 1 : i32
    %dma_wait3A_194 = arith.constant 0 : i32
    %dma_wait3A_195 = arith.constant 0 : i32
    %dma_wait3A_196 = tpu.memref_slice %arg8[%dma_wait3A_191, %dma_wait3A_194, %dma_wait3A_195] : memref<4x32x129xf32, #tpu.memory_space<vmem>> -> memref<1x32x128xf32, #tpu.memory_space<vmem>>
    %dma_wait3A_197 = tpu.memref_squeeze %dma_wait3A_196 : memref<1x32x128xf32, #tpu.memory_space<vmem>> -> memref<32x128xf32, #tpu.memory_space<vmem>>
    %dma_wait3A_198 = arith.constant 0 : i32
    %dma_wait3A_199 = tpu.memref_slice %arg4[%dma_wait3A_192, %dma_wait3A_198, %add3A_190] : memref<50x32x16384xf32, #tpu.memory_space<hbm>> -> memref<1x32x128xf32, #tpu.memory_space<hbm>>
    %dma_wait3A_200 = tpu.memref_squeeze %dma_wait3A_199 : memref<1x32x128xf32, #tpu.memory_space<hbm>> -> memref<32x128xf32, #tpu.memory_space<hbm>>
    %dma_wait3A_201 = tpu.memref_slice %arg10[%dma_wait3A_193] : memref<4x!tpu.dma_semaphore, #tpu.memory_space<semaphore_mem>> -> memref<1x!tpu.dma_semaphore, #tpu.memory_space<semaphore_mem>>
    %dma_wait3A_202 = tpu.memref_squeeze %dma_wait3A_201 : memref<1x!tpu.dma_semaphore, #tpu.memory_space<semaphore_mem>> -> memref<!tpu.dma_semaphore, #tpu.memory_space<semaphore_mem>>
    %dma_wait3A_203 = arith.constant 0 : i32
    %dma_wait3A_204 = tpu.memref_slice %arg4[%dma_wait3A_192, %dma_wait3A_203, %add3A_190] : memref<50x32x16384xf32, #tpu.memory_space<hbm>> -> memref<1x32x128xf32, #tpu.memory_space<hbm>>
    %dma_wait3A_205 = tpu.memref_squeeze %dma_wait3A_204 : memref<1x32x128xf32, #tpu.memory_space<hbm>> -> memref<32x128xf32, #tpu.memory_space<hbm>>
    %dma_wait3A_206 = arith.constant 0 : i32
    %dma_wait3A_207 = arith.constant 0 : i32
    %dma_wait3A_208 = tpu.memref_slice %arg8[%dma_wait3A_191, %dma_wait3A_206, %dma_wait3A_207] : memref<4x32x129xf32, #tpu.memory_space<vmem>> -> memref<1x32x128xf32, #tpu.memory_space<vmem>>
    %dma_wait3A_209 = tpu.memref_squeeze %dma_wait3A_208 : memref<1x32x128xf32, #tpu.memory_space<vmem>> -> memref<32x128xf32, #tpu.memory_space<vmem>>
    tpu.wait_dma2 semaphore(%dma_wait3A_202 : memref<!tpu.dma_semaphore, #tpu.memory_space<semaphore_mem>>) src(%dma_wait3A_209 : memref<32x128xf32, #tpu.memory_space<vmem>>) dst(%dma_wait3A_205 : memref<32x128xf32, #tpu.memory_space<hbm>>)
    %add3A_210 = arith.constant 256 : i32
    %add3A_211 = arith.addi %mul3A_2, %add3A_210 : i32
    %dma_wait3A_212 = arith.constant 2 : i32
    %dma_wait3A_213 = arith.constant 49 : i32
    %dma_wait3A_214 = arith.constant 2 : i32
    %dma_wait3A_215 = arith.constant 0 : i32
    %dma_wait3A_216 = arith.constant 0 : i32
    %dma_wait3A_217 = tpu.memref_slice %arg8[%dma_wait3A_212, %dma_wait3A_215, %dma_wait3A_216] : memref<4x32x129xf32, #tpu.memory_space<vmem>> -> memref<1x32x128xf32, #tpu.memory_space<vmem>>
    %dma_wait3A_218 = tpu.memref_squeeze %dma_wait3A_217 : memref<1x32x128xf32, #tpu.memory_space<vmem>> -> memref<32x128xf32, #tpu.memory_space<vmem>>
    %dma_wait3A_219 = arith.constant 0 : i32
    %dma_wait3A_220 = tpu.memref_slice %arg4[%dma_wait3A_213, %dma_wait3A_219, %add3A_211] : memref<50x32x16384xf32, #tpu.memory_space<hbm>> -> memref<1x32x128xf32, #tpu.memory_space<hbm>>
    %dma_wait3A_221 = tpu.memref_squeeze %dma_wait3A_220 : memref<1x32x128xf32, #tpu.memory_space<hbm>> -> memref<32x128xf32, #tpu.memory_space<hbm>>
    %dma_wait3A_222 = tpu.memref_slice %arg10[%dma_wait3A_214] : memref<4x!tpu.dma_semaphore, #tpu.memory_space<semaphore_mem>> -> memref<1x!tpu.dma_semaphore, #tpu.memory_space<semaphore_mem>>
    %dma_wait3A_223 = tpu.memref_squeeze %dma_wait3A_222 : memref<1x!tpu.dma_semaphore, #tpu.memory_space<semaphore_mem>> -> memref<!tpu.dma_semaphore, #tpu.memory_space<semaphore_mem>>
    %dma_wait3A_224 = arith.constant 0 : i32
    %dma_wait3A_225 = tpu.memref_slice %arg4[%dma_wait3A_213, %dma_wait3A_224, %add3A_211] : memref<50x32x16384xf32, #tpu.memory_space<hbm>> -> memref<1x32x128xf32, #tpu.memory_space<hbm>>
    %dma_wait3A_226 = tpu.memref_squeeze %dma_wait3A_225 : memref<1x32x128xf32, #tpu.memory_space<hbm>> -> memref<32x128xf32, #tpu.memory_space<hbm>>
    %dma_wait3A_227 = arith.constant 0 : i32
    %dma_wait3A_228 = arith.constant 0 : i32
    %dma_wait3A_229 = tpu.memref_slice %arg8[%dma_wait3A_212, %dma_wait3A_227, %dma_wait3A_228] : memref<4x32x129xf32, #tpu.memory_space<vmem>> -> memref<1x32x128xf32, #tpu.memory_space<vmem>>
    %dma_wait3A_230 = tpu.memref_squeeze %dma_wait3A_229 : memref<1x32x128xf32, #tpu.memory_space<vmem>> -> memref<32x128xf32, #tpu.memory_space<vmem>>
    tpu.wait_dma2 semaphore(%dma_wait3A_223 : memref<!tpu.dma_semaphore, #tpu.memory_space<semaphore_mem>>) src(%dma_wait3A_230 : memref<32x128xf32, #tpu.memory_space<vmem>>) dst(%dma_wait3A_226 : memref<32x128xf32, #tpu.memory_space<hbm>>)
    %add3A_231 = arith.constant 384 : i32
    %add3A_232 = arith.addi %mul3A_2, %add3A_231 : i32
    %dma_wait3A_233 = arith.constant 3 : i32
    %dma_wait3A_234 = arith.constant 49 : i32
    %dma_wait3A_235 = arith.constant 3 : i32
    %dma_wait3A_236 = arith.constant 0 : i32
    %dma_wait3A_237 = arith.constant 0 : i32
    %dma_wait3A_238 = tpu.memref_slice %arg8[%dma_wait3A_233, %dma_wait3A_236, %dma_wait3A_237] : memref<4x32x129xf32, #tpu.memory_space<vmem>> -> memref<1x32x128xf32, #tpu.memory_space<vmem>>
    %dma_wait3A_239 = tpu.memref_squeeze %dma_wait3A_238 : memref<1x32x128xf32, #tpu.memory_space<vmem>> -> memref<32x128xf32, #tpu.memory_space<vmem>>
    %dma_wait3A_240 = arith.constant 0 : i32
    %dma_wait3A_241 = tpu.memref_slice %arg4[%dma_wait3A_234, %dma_wait3A_240, %add3A_232] : memref<50x32x16384xf32, #tpu.memory_space<hbm>> -> memref<1x32x128xf32, #tpu.memory_space<hbm>>
    %dma_wait3A_242 = tpu.memref_squeeze %dma_wait3A_241 : memref<1x32x128xf32, #tpu.memory_space<hbm>> -> memref<32x128xf32, #tpu.memory_space<hbm>>
    %dma_wait3A_243 = tpu.memref_slice %arg10[%dma_wait3A_235] : memref<4x!tpu.dma_semaphore, #tpu.memory_space<semaphore_mem>> -> memref<1x!tpu.dma_semaphore, #tpu.memory_space<semaphore_mem>>
    %dma_wait3A_244 = tpu.memref_squeeze %dma_wait3A_243 : memref<1x!tpu.dma_semaphore, #tpu.memory_space<semaphore_mem>> -> memref<!tpu.dma_semaphore, #tpu.memory_space<semaphore_mem>>
    %dma_wait3A_245 = arith.constant 0 : i32
    %dma_wait3A_246 = tpu.memref_slice %arg4[%dma_wait3A_234, %dma_wait3A_245, %add3A_232] : memref<50x32x16384xf32, #tpu.memory_space<hbm>> -> memref<1x32x128xf32, #tpu.memory_space<hbm>>
    %dma_wait3A_247 = tpu.memref_squeeze %dma_wait3A_246 : memref<1x32x128xf32, #tpu.memory_space<hbm>> -> memref<32x128xf32, #tpu.memory_space<hbm>>
    %dma_wait3A_248 = arith.constant 0 : i32
    %dma_wait3A_249 = arith.constant 0 : i32
    %dma_wait3A_250 = tpu.memref_slice %arg8[%dma_wait3A_233, %dma_wait3A_248, %dma_wait3A_249] : memref<4x32x129xf32, #tpu.memory_space<vmem>> -> memref<1x32x128xf32, #tpu.memory_space<vmem>>
    %dma_wait3A_251 = tpu.memref_squeeze %dma_wait3A_250 : memref<1x32x128xf32, #tpu.memory_space<vmem>> -> memref<32x128xf32, #tpu.memory_space<vmem>>
    tpu.wait_dma2 semaphore(%dma_wait3A_244 : memref<!tpu.dma_semaphore, #tpu.memory_space<semaphore_mem>>) src(%dma_wait3A_251 : memref<32x128xf32, #tpu.memory_space<vmem>>) dst(%dma_wait3A_247 : memref<32x128xf32, #tpu.memory_space<hbm>>)
    return
  }
}

</mosaic_0001>

<sc_bundles>
// kernel: kernel.3.cloned.1.call-start
scs
__scs_entry_jumppad:
0x0: {  	(pc) =	sbr.rel $0x88, $3  }
0x1: {  	(tag) =	ssettag $0x0;
	lr =	simm.s32 $0x1  }
0x2: {  	[smem:$0x3F9F] =	sst lr;
	_ =	strace $0xD0000000  }
0x3: {  	_ = 	snop  }
0x4: {  	_ = 	snop  }
0x5: {  	_ = 	snop  }
0x6: {  	_ = 	snop  }
0x7: {  	_ = 	snop  }
__scs_overlays_trampoline_lowered:
0x8: {  	[smem:$0x3FAE] =	sst s0  }
0x9: {  	[smem:$0x3FAF] =	sst s1  }
0xa: {  	[smem:$0x3FB0] =	sst s2  }
0xb: {  	[smem:$0x3FB1] =	sst s3  }
0xc: {  	[smem:$0x3FB2] =	sst s4  }
0xd: {  	[smem:$0x3FB3] =	sst s5  }
0xe: {  	[smem:$0x3FB4] =	sst s6  }
0xf: {  	[smem:$0x3FB5] =	sst s7  }
0x10: {  	[smem:$0x3FB6] =	sst s8  }
0x11: {  	[smem:$0x3FB7] =	sst s9;
	s0 =	simm.s32 @!p0 $0x0  }
0x12: {  	s1 =	sld [smem:$0x3F9D];
	s0 =	simm.s32 @p0 $0x1  }
0x13: {  	[smem:$0x3FB8] =	sst s0;
	s0 =	simm.s32 @!p1 $0x0  }
0x14: {  	s2 =	sld [smem:$0x3F9C];
	s0 =	simm.s32 @p1 $0x1  }
0x15: {  	[smem:$0x3FB9] =	sst s0;
	s0 =	simm.s32 @!p2 $0x0  }
0x16: {  	s3 =	sld [smem:$0x3FDB];
	s0 =	simm.s32 @p2 $0x1  }
0x17: {  	s4 =	simm.s32 $0x1BF5;
	[smem:$0x3FBB] =	sst s0  }
0x18: {  	s0 =	sld [smem:$0x3F9E];
	_ =	swait.ge [sflag:s4], $0x0  }
0x19: {  	s7 =	sld [smem:$0x3F9F]  }
0x1a: {  	s8 =	sadd.s32 $0xFFFFE003, lr  }
0x1b: {  	s9 =	sadd.s32 $0xFFFFFEF7, lr;
	s5 =	simm.s32 $0xFFFFFFFF;
	p2 =	slt.u32 s8, $0xFFFFF086  }
0x1c: {  	p1 =	slt.u32 s9, $0xF7A;
	s5 =	simm.s32 @!p2 $0x0  }
0x1d: {  	s5 =	simm.s32 @p1 $0x1;
	p0 =	seq.s32 s7, s2  }
0x1e: {  	s7 =	smul.u32 @!p0 $0xF7A, s2;
	p2 =	seq.s32 @!p0 s5, $0x0  }
0x1f: {  	s9 =	smul.u32 $0xF7A, s1;
	s8 =	simm.s32 @!p0 $0x1BF5;
	p2 =	por !p2, p0  }
0x20: {  	[sflag:s8] =	ssyncset.s32 @!p0 $0xFFFFF086;
	s6 =	sadd.s32 @!p0 s3, s7;
	s7 =	simm.s32 @!p0 $0x108  }
0x21: {  	s3 =	sadd.s32 s3, s9;
	s6 =	sadd.s32 @!p0 $0x88, s6;
	s7 =	simm.s32 @p2 $0x1082  }
0x22: {  	[simem:s7], [sflag:s8] =	dma.local @!p0 [hbm:s6], $0xF7A  }
0x23: {  	s9 =	sor.u32 $0xD0000000, s2;
	s6 =	simm.s32 $0x108;
	_ =	swait.ge @!p0 [sflag:s8], $0x0  }
0x24: {  	s3 =	sadd.s32 $0x88, s3;
	s6 =	simm.s32 @!p1 $0x1082;
	[sflag:s4] =	ssyncset.s32 $0xFFFFF086  }
0x25: {  	[simem:s6], [sflag:s4] =	dma.local [hbm:s3], $0xF7A  }
0x26: {  	[smem:$0x3F9F] =	sst s1;
	(tag) =	ssettag s2;
	_ =	strace s9  }
0x27: {  	s1 =	sld [smem:$0x3FAF]  }
0x28: {  	s2 =	sld [smem:$0x3FB0]  }
0x29: {  	s4 =	sld [smem:$0x3FB2]  }
0x2a: {  	p0 =	seq.s32 s5, $0x0;
	s5 =	sld [smem:$0x3FB3]  }
0x2b: {  	s6 =	sld [smem:$0x3FB4]  }
0x2c: {  	s7 =	sld [smem:$0x3FB5]  }
0x2d: {  	s3 =	simm.s32 $0x108;
	s8 =	sld [smem:$0x3FB6]  }
0x2e: {  	s3 =	simm.s32 @!p0 $0x1082;
	s9 =	sld [smem:$0x3FB7]  }
0x2f: {  	lr =	sadd.s32 s0, s3;
	s0 =	sld [smem:$0x3FAE]  }
0x30: {  	s3 =	sld [smem:$0x3FB1]  }
0x31: {  	[smem:$0x3FBA] =	sst s10  }
0x32: {  	s10 =	sld [smem:$0x3FB8];
	_ =	sdelay $0x3  }
0x33: {  	p0 =	seq.s32 s10, $0x1;
	s10 =	sld [smem:$0x3FBA];
	_ =	sdelay $0x3  }
0x34: {  	[smem:$0x3FBA] =	sst s10  }
0x35: {  	s10 =	sld [smem:$0x3FB9];
	_ =	sdelay $0x3  }
0x36: {  	p1 =	seq.s32 s10, $0x1;
	s10 =	sld [smem:$0x3FBA];
	_ =	sdelay $0x3  }
0x37: {  	[smem:$0x3FBA] =	sst s10  }
0x38: {  	s10 =	sld [smem:$0x3FBB]  }
0x39: {  	_ = 	snop;
	(pc) =	sbr.ind lr, $3  }
0x3a: {  	_ = 	snop  }
0x3b: {  	_ = 	snop  }
0x3c: {  	p2 =	seq.s32 s10, $0x1;
	s10 =	sld [smem:$0x3FBA]  }
0x3d: {  	_ =	shalt  }
0x3e: {  	_ =	shalt  }
0x3f: {  	_ =	shalt  }
0x40: {  	_ =	shalt  }
0x41: {  	_ =	shalt  }
0x42: {  	_ =	shalt  }
0x43: {  	_ =	shalt  }
0x44: {  	_ =	shalt  }
0x45: {  	_ =	shalt  }
0x46: {  	_ =	shalt  }
0x47: {  	_ =	shalt  }
0x48: {  	_ =	shalt  }
0x49: {  	_ =	shalt  }
0x4a: {  	_ =	shalt  }
0x4b: {  	_ =	shalt  }
0x4c: {  	_ =	shalt  }
0x4d: {  	_ =	shalt  }
0x4e: {  	_ =	shalt  }
0x4f: {  	_ =	shalt  }
0x50: {  	_ =	shalt  }
0x51: {  	_ =	shalt  }
0x52: {  	_ =	shalt  }
0x53: {  	_ =	shalt  }
0x54: {  	_ =	shalt  }
0x55: {  	_ =	shalt  }
0x56: {  	_ =	shalt  }
0x57: {  	_ =	shalt  }
0x58: {  	_ =	shalt  }
0x59: {  	_ =	shalt  }
0x5a: {  	_ =	shalt  }
0x5b: {  	_ =	shalt  }
0x5c: {  	_ =	shalt  }
0x5d: {  	_ =	shalt  }
0x5e: {  	_ =	shalt  }
0x5f: {  	_ =	shalt  }
0x60: {  	_ =	shalt  }
0x61: {  	_ =	shalt  }
0x62: {  	_ =	shalt  }
0x63: {  	_ =	shalt  }
0x64: {  	_ =	shalt  }
0x65: {  	_ =	shalt  }
0x66: {  	_ =	shalt  }
0x67: {  	_ =	shalt  }
0x68: {  	_ =	shalt  }
0x69: {  	_ =	shalt  }
0x6a: {  	_ =	shalt  }
0x6b: {  	_ =	shalt  }
0x6c: {  	_ =	shalt  }
0x6d: {  	_ =	shalt  }
0x6e: {  	_ =	shalt  }
0x6f: {  	_ =	shalt  }
0x70: {  	_ =	shalt  }
0x71: {  	_ =	shalt  }
0x72: {  	_ =	shalt  }
0x73: {  	_ =	shalt  }
0x74: {  	_ =	shalt  }
0x75: {  	_ =	shalt  }
0x76: {  	_ =	shalt  }
0x77: {  	_ =	shalt  }
0x78: {  	_ =	shalt  }
0x79: {  	_ =	shalt  }
0x7a: {  	_ =	shalt  }
0x7b: {  	_ =	shalt  }
0x7c: {  	_ =	shalt  }
0x7d: {  	_ =	shalt  }
0x7e: {  	_ =	shalt  }
0x7f: {  	_ =	shalt  }
0x80: {  	_ =	shalt  }
0x81: {  	_ =	shalt  }
0x82: {  	_ =	shalt  }
0x83: {  	_ =	shalt  }
0x84: {  	_ =	shalt  }
0x85: {  	_ =	shalt  }
0x86: {  	_ =	shalt  }
0x87: {  	_ =	shalt  }
.Lfunc_end0:
.L_simem_size_0:
called_computation_lowered:
.L_overlay_start_0:
0x88: {  	s2 =	sld [smem:$0x3FD9]  }
0x89: {  	s3 =	sld [smem:$0x3FFE];
	_ =	sdelay $0x1  }
0x8a: {  	s1 =	srdreg.scid  }
0x8b: {  	s0 =	sand.u32 $0x1, s1  }
0x8c: {  	s17 =	sshll.u32 s0, $0xA;
	s2 =	sadd.s32 s3, s2  }
0x8d: {  	s2 =	sadd.s32 s2, s17  }
0x8e: {  	[smem:$0x3FC6] =	sst s2  }
0x8f: {  	_ = 	snop  }
0x90: {  	s2 =	sld [smem:$0x3FD0];
	(tm) =	ssettm $0x1  }
0x91: {  	s18 =	sld [smem:$0x3FFB];
	_ =	sdelay $0x3  }
0x92: {  	_ =	strace s18  }
0x93: {  	s3 =	sld [smem:$0x3FFC];
	_ =	sdelay $0x3  }
0x94: {  	_ =	strace s3  }
0x95: {  	s3 =	sld [smem:$0x3FFD];
	_ =	sdelay $0x3  }
0x96: {  	_ =	strace s3  }
0x97: {  	_ =	strace $0x8FFFFFFF  }
0x98: {  	s19 =	sld [smem:$0x3FDB];
	_ =	sdelay $0x1  }
0x99: {  	s4 =	simm.s32 $_scs_section_size  }
0x9a: {  	s5 =	simm.s32 $_size__tile_overlayer_lowered;
	s6 =	simm.s32 $_tile_overlayer_lowered  }
0x9b: {  	s22 =	simm.s32 $0x1BFF;
	s21 =	sshll.u32 s6, $0x1;
	s3 =	sadd.s32 s4, s19  }
0x9c: {  	s7 =	simm.s32 $0x0;
	s20 =	sshll.u32 s5, $0x1;
	s5 =	sadd.s32 s21, s3  }
0x9d: {  	[timem:s7], [sflag:s22] =	dma.local [hbm:s5], s20  }
0x9e: {  	_ =	swait.ge [sflag:s22], s20  }
0x9f: {  	s4 =	ssub.s32 $0x0, s20;
	[sflag:s22] =	ssyncset.done $0x0  }
0xa0: {  	[sflag:s22] =	ssyncadd.s32 s4;
	_ =	sdelay $0x1  }
0xa1: {  	s23 =	simm.s32 $0x1B8B  }
0xa2: {  	_ =	swait.ge [sflag:s23], $0x1  }
0xa3: {  	[sflag:s23] =	ssyncset.done $0x0  }
0xa4: {  	s25 =	simm.s32 $0x1B8E;
	s24 =	sld [smem:$0x3FFE];
	[sflag:s23] =	ssyncadd.s32 $0xFFFFFFFF  }
0xa5: {  	s26 =	simm.s32 $execute0_lowered;
	[smem:$0x3FD2] =	sst s25  }
0xa6: {  	s5 =	sshll.u32 s26, $0x1;
	_ =	strace $0x80000046;
	[dreg:$0x1] =	wrdreg $0xFFFFFFFF  }
0xa7: {  	s28 =	simm.s32 $_size_execute0_lowered;
	s3 =	sadd.s32 s3, s5;
	[dreg:$0x0] =	wrdreg $0x0  }
0xa8: {  	s5 =	sshll.u32 s28, $0x1;
	[dreg:$0x2] =	wrdreg s3  }
0xa9: {  	[dreg:$0x3] =	wrdreg s5  }
0xaa: {  	[dreg:$0x4] =	wrdreg $0xC0  }
0xab: {  	_ =	task [dreg:s7], $0x5FFFF  }
0xac: {  	[dreg:$0x1] =	wrdreg $0xFFFFFFFF  }
0xad: {  	[dreg:$0x0] =	wrdreg $0x60  }
0xae: {  	[dreg:$0x2] =	wrdreg s24  }
0xaf: {  	[dreg:$0x3] =	wrdreg s2  }
0xb0: {  	[dreg:$0x4] =	wrdreg $0x9  }
0xb1: {  	_ =	task.clear_ibuf [dreg:s7], $0x5FFFF;
	_ =	strace $0x90000046  }
0xb2: {  	s29 =	simm.s32 $0x9;
	_ =	strace $0x80000048  }
0xb3: {  	_ =	swait.ge [sflag:s29], $0x1  }
0xb4: {  	[sflag:s29] =	ssyncadd.s32 $0xFFFFFFFF  }
0xb5: {  	_ =	strace $0x90000048  }
0xb6: {  	_ =	sfence  }
0xb7: {  	s30 =	sld [smem:$0x0];
	_ =	sdelay $0x2  }
0xb8: {  	s31 =	sshll.u32 s1, $0xD;
	s1 =	sshrl.u32 s1, $0x2  }
0xb9: {  	s3 =	sand.u32 $0x4000, s31;
	s1 =	sadd.s32 s1, s30  }
0xba: {  	s0 =	sor.u32 s3, s0;
	s1 =	sshll.u32 s1, $0x11  }
0xbb: {  	s0 =	sor.u32 s1, s0  }
0xbc: {  	s0 =	sadd.s32 $0x8F2B, s0  }
0xbd: {  	[sflag:s0] =	ssyncadd.remote.s32 $0x1  }
0xbe: {  	_ =	sfence.sel $0xFFFF  }
0xbf: {  	[dreg:$0x0] =	wrdreg $0xFFFFFFFF;
	(pc) =	sbr.abs _section_cstart, $3  }
0xc0: {  	[dreg:$0x1] =	wrdreg $0xFFFFFFFF  }
0xc1: {  	_ =	task.clear_ibuf [dreg:s7], $0x2FFFF;
	_ =	strace $0x9FFFFFFF  }
0xc2: {  	(tm) =	ssettm $0x7FFFFFFF  }
0xc3: {  	_ =	shalt  }
tec
execute0_lowered:
.L_overlay_start_1:
0x0: {  	(tag) =	ssettag $0x1  }
0x1: {  	v12 =	vlaneseq.u32  }
0x2: {  	v0 =	vmul.u32 $0x38, v12;
	_ =	sdelay $0x1  }
0x3: {  	v12 =	vmul.u32 $0x88, v12;
	v1 =	vadd.s32 $0x380, v0;
	v5 =	vadd.s32 $0x1180, v0  }
0x4: {  	v6 =	vadd.s32 $0x1500, v0;
	v7 =	vadd.s32 $0x1880, v0;
	v8 =	vor.u32 $0x1C00, v0  }
0x5: {  	v9 =	vadd.s32 $0x1F80, v0;
	v10 =	vadd.s32 $0x2300, v0;
	v11 =	vadd.s32 $0x2680, v0  }
0x6: {  	v13 =	vadd.s32 $0x2A00, v0;
	v14 =	vadd.s32 $0x2D80, v0;
	v15 =	vadd.s32 $0x3100, v0  }
0x7: {  	v16 =	vadd.s32 $0x3480, v0;
	v17 =	vadd.s32 $0x880, v12;
	v18 =	vor.u32 $0x1, v12  }
0x8: {  	v19 =	vadd.s32 $0x881, v12;
	v20 =	vor.u32 $0x2, v12;
	v21 =	vadd.s32 $0x882, v12  }
0x9: {  	v22 =	vor.u32 $0x3, v12;
	v23 =	vadd.s32 $0x883, v12;
	v24 =	vor.u32 $0x4, v12  }
0xa: {  	v25 =	vadd.s32 $0x884, v12;
	v26 =	vor.u32 $0x5, v12;
	v27 =	vadd.s32 $0x885, v12  }
0xb: {  	v28 =	vor.u32 $0x6, v12;
	v29 =	vadd.s32 $0x886, v12;
	v30 =	vor.u32 $0x7, v12  }
0xc: {  	s5 =	rddreg [dreg:$0x0];
	v31 =	vadd.s32 $0x887, v12;
	v32 =	vadd.s32 $0x8, v12;
	v33 =	vadd.s32 $0x888, v12  }
0xd: {  	s6 =	rddreg [dreg:$0x1];
	s2 =	srdreg.scid;
	v34 =	vadd.s32 $0x9, v12;
	v35 =	vadd.s32 $0x889, v12;
	v36 =	vadd.s32 $0xA, v12  }
0xe: {  	s0 =	rddreg [dreg:$0x2];
	s1 =	stileid.u32;
	v37 =	vadd.s32 $0x88A, v12;
	v38 =	vadd.s32 $0xB, v12;
	v39 =	vadd.s32 $0x88B, v12  }
0xf: {  	s10 =	simm.s32 $0x7000;
	s11 =	simm.s32 $0x7200;
	s12 =	simm.s32 $0x7080;
	v40 =	vadd.s32 $0xC, v12;
	v41 =	vadd.s32 $0x88C, v12;
	v42 =	vadd.s32 $0xD, v12  }
0x10: {  	s13 =	simm.s32 $0x8200;
	s14 =	simm.s32 $0x5;
	s15 =	simm.s32 $0x6;
	v43 =	vadd.s32 $0x88D, v12;
	v44 =	vadd.s32 $0xE, v12;
	v45 =	vadd.s32 $0x88E, v12  }
0x11: {  	s16 =	simm.s32 $0x7;
	s17 =	simm.s32 $0x8;
	s18 =	simm.s32 $0x0;
	v46 =	vadd.s32 $0xF, v12;
	v47 =	vadd.s32 $0x88F, v12;
	v48 =	vadd.s32 $0x10, v12  }
0x12: {  	s4 =	sand.u32 $0x1, s2;
	s2 =	simm.s32 $0x0;
	s3 =	sshll.u32 s1, $0xA;
	v49 =	vadd.s32 $0x890, v12;
	v50 =	vadd.s32 $0x11, v12;
	v51 =	vadd.s32 $0x891, v12  }
.Ltmp0:
0x13: {  	s7 =	sshll.u32 s4, $0x9;
	s31 =	ssub.s32 $0x2, s4;
	v52 =	vadd.s32 $0x12, v12;
	v53 =	vadd.s32 $0x892, v12;
	[tilespmem:$0x1FFC0] =	vst v1;
	v1 =	vadd.s32 $0x700, v0;
	(pc) =	sbr.rel .LBB2_1-.Ltmp0, $4  }
0x14: {  	[smem:$0x7FF] =	sst s2;
	s3 =	sor.u32 s7, s3;
	s9 =	sshrl.u32 s31, $0x1;
	v54 =	vadd.s32 $0x13, v12;
	v55 =	vadd.s32 $0x893, v12;
	[tilespmem:$0x1FFD0] =	vst v1;
	v1 =	vadd.s32 $0xA80, v0  }
0x15: {  	s4 =	sadd.s32 $0xF42A00, s5;
	v56 =	vadd.s32 $0x14, v12;
	v57 =	vadd.s32 $0x894, v12;
	s8 =	smul.u32 $0x7, s3;
	s7 =	ssub.s32 s31, s9;
	[tilespmem:$0x1FFE0] =	vst v1;
	v1 =	vadd.s32 $0xE00, v0  }
0x16: {  	s5 =	sadd.s32 $0x600, s5;
	v58 =	vadd.s32 $0x15, v12;
	v59 =	vadd.s32 $0x895, v12;
	v60 =	vadd.s32 $0x16, v12;
	s9 =	simm.s32 $0x80;
	s7 =	smax.u32 s7, $0x1;
	[tilespmem:$0x1FFF0] =	vst v1  }
0x17: {  	v61 =	vadd.s32 $0x896, v12;
	v62 =	vadd.s32 $0x17, v12;
	v63 =	vadd.s32 $0x897, v12;
	s6 =	sadd.s32 s6, s8;
	s8 =	simm.s32 $0x9;
	_ =	strace $0x80000047  }
.LBB2_7:
0x18: {  	_ =	swait.ge [sflag:s14], $0x1000  }
0x19: {  	[sflag:s14] =	ssyncset.done $0x0  }
0x1a: {  	[sflag:s14] =	ssyncadd.s32 $0xFFFFF000  }
0x1b: {  	_ =	swait.ge [sflag:s15], $0x1000  }
0x1c: {  	[sflag:s15] =	ssyncset.done $0x0  }
0x1d: {  	s18 =	sadd.s32 $0x1, s18;
	[sflag:s15] =	ssyncadd.s32 $0xFFFFF000  }
0x1e: {  	p0 =	sne.s32 s18, s7;
	_ =	swait.ge [sflag:s16], $0x1000  }
.Ltmp1:
0x1f: {  	[sflag:s16] =	ssyncset.done $0x0;
	(pc) =	sbr.rel @!p0 .LBB2_8-.Ltmp1, $4  }
0x20: {  	[sflag:s16] =	ssyncadd.s32 $0xFFFFF000  }
0x21: {  	_ =	swait.ge [sflag:s17], $0x1000  }
0x22: {  	[sflag:s17] =	ssyncset.done $0x0  }
0x23: {  	[sflag:s17] =	ssyncadd.s32 $0xFFFFF000  }
.LBB2_1:
0x24: {  	[tilespmem:s2], [sflag:$0x9] =	stream.linear.gather [hbm4b:s6+s2], $0x7000, $0x38;
	[tilespmem:$0xF600] =	vst v63  }
0x25: {  	_ =	swait.ge [sflag:s8], $0x7000  }
0x26: {  	[sflag:s8] =	ssyncset.done $0x0  }
0x27: {  	[sflag:s8] =	ssyncadd.s32 $0xFFFF9000  }
0x28: {  	v1 =	vld.idx.msk [tilespmem:v0+s2+$0x0], $0xffff;
	_ =	sdelay $0x4  }
0x29: {  	[tilespmem:$0x7000] =	vst v1;
	v1 =	vld [tilespmem:$0x1FFC0];
	_ =	sdelay $0x7  }
0x2a: {  	v1 =	vld.idx.msk [tilespmem:v1+s2+$0x0], $0xffff;
	_ =	sdelay $0x4  }
0x2b: {  	[tilespmem:$0x7010] =	vst v1;
	v1 =	vld [tilespmem:$0x1FFD0];
	_ =	sdelay $0x7  }
0x2c: {  	v1 =	vld.idx.msk [tilespmem:v1+s2+$0x0], $0xffff;
	_ =	sdelay $0x4  }
0x2d: {  	[tilespmem:$0x7020] =	vst v1;
	v1 =	vld [tilespmem:$0x1FFE0];
	_ =	sdelay $0x7  }
0x2e: {  	v1 =	vld.idx.msk [tilespmem:v1+s2+$0x0], $0xffff;
	_ =	sdelay $0x4  }
0x2f: {  	[tilespmem:$0x7030] =	vst v1;
	v1 =	vld [tilespmem:$0x1FFF0];
	_ =	sdelay $0x7  }
0x30: {  	v1 =	vld.idx.msk [tilespmem:v1+s2+$0x0], $0xffff;
	_ =	sdelay $0x4  }
0x31: {  	[tilespmem:$0x7040] =	vst v1  }
0x32: {  	v1 =	vld.idx.msk [tilespmem:v5+s2+$0x0], $0xffff;
	_ =	sdelay $0x4  }
0x33: {  	[tilespmem:$0x7050] =	vst v1  }
0x34: {  	v1 =	vld.idx.msk [tilespmem:v6+s2+$0x0], $0xffff;
	_ =	sdelay $0x4  }
0x35: {  	[tilespmem:$0x7060] =	vst v1  }
0x36: {  	v1 =	vld.idx.msk [tilespmem:v7+s2+$0x0], $0xffff;
	_ =	sdelay $0x4  }
0x37: {  	[tilespmem:$0x7070] =	vst v1  }
0x38: {  	[tilespmem:s11], [sflag:$0x1] =	stream.indirect.gather [hbm4b:s4+s9], $0x20, s10, s9, $0xb8;
	[tilespmem:$0xF600] =	vst v63  }
0x39: {  	v1 =	vld.idx.msk [tilespmem:v8+s2+$0x0], $0xffff;
	_ =	sdelay $0x4  }
0x3a: {  	[tilespmem:$0x7080] =	vst v1  }
0x3b: {  	v1 =	vld.idx.msk [tilespmem:v9+s2+$0x0], $0xffff;
	_ =	sdelay $0x4  }
0x3c: {  	[tilespmem:$0x7090] =	vst v1  }
0x3d: {  	v1 =	vld.idx.msk [tilespmem:v10+s2+$0x0], $0xffff;
	_ =	sdelay $0x4  }
0x3e: {  	[tilespmem:$0x70A0] =	vst v1  }
0x3f: {  	v1 =	vld.idx.msk [tilespmem:v11+s2+$0x0], $0xffff;
	_ =	sdelay $0x4  }
0x40: {  	[tilespmem:$0x70B0] =	vst v1  }
0x41: {  	v1 =	vld.idx.msk [tilespmem:v13+s2+$0x0], $0xffff;
	_ =	sdelay $0x4  }
0x42: {  	[tilespmem:$0x70C0] =	vst v1  }
0x43: {  	v1 =	vld.idx.msk [tilespmem:v14+s2+$0x0], $0xffff;
	_ =	sdelay $0x4  }
0x44: {  	[tilespmem:$0x70D0] =	vst v1  }
0x45: {  	v1 =	vld.idx.msk [tilespmem:v15+s2+$0x0], $0xffff;
	_ =	sdelay $0x4  }
0x46: {  	[tilespmem:$0x70E0] =	vst v1  }
0x47: {  	v1 =	vld.idx.msk [tilespmem:v16+s2+$0x0], $0xffff;
	_ =	sdelay $0x1  }
.Ltmp2:
0x48: {  	_ = 	snop;
	(pc) =	sbr.rel .LBB2_2-.Ltmp2, $3  }
0x49: {  	_ =	sdelay $0x1  }
0x4a: {  	s19 =	simm.s32 $0x0;
	s20 =	simm.s32 $0x0;
	[tilespmem:$0x70F0] =	vst v1  }
0x4b: {  	[tilespmem:s13], [sflag:$0x2] =	stream.indirect.gather [hbm4b:s4+s9], $0x20, s12, s9, $0xb8;
	[tilespmem:$0xF600] =	vst v63  }
.LBB2_6:
0x4c: {  	s20 =	sadd.s32 $0x1, s20  }
0x4d: {  	p0 =	sne.s32 s20, $0xC8  }
.Ltmp3:
0x4e: {  	_ = 	snop;
	(pc) =	sbr.rel @!p0 .LBB2_7-.Ltmp3, $2  }
0x4f: {  	_ =	sdelay $0x2  }
0x50: {  	s19 =	sadd.s32 $0x1, s19  }
.LBB2_2:
0x51: {  	s21 =	sand.u32 $0x3, s20  }
0x52: {  	s22 =	sadd.s32 $0x1, s21  }
0x53: {  	_ =	swait.ge [sflag:s22], $0x1000  }
0x54: {  	p0 =	slt.u32 s20, $0x4;
	[sflag:s22] =	ssyncset.done $0x0  }
0x55: {  	[sflag:s22] =	ssyncadd.s32 $0xFFFFF000;
	s22 =	sadd.s32 @!p0 $0x5, s21  }
0x56: {  	_ =	swait.ge @!p0 [sflag:s22], $0x1000  }
0x57: {  	[sflag:s22] =	ssyncset.done @!p0 $0x0  }
0x58: {  	s23 =	sshll.u32 s21, $0xC;
	[sflag:s22] =	ssyncadd.s32 @!p0 $0xFFFFF000  }
0x59: {  	v1 =	vld [tilespmem:s23+$0x7200]  }
0x5a: {  	v2 =	vld [tilespmem:s23+$0x7210];
	_ =	sdelay $0x2  }
0x5b: {  	s29 =	smul.u32 $0x4400, s21  }
0x5c: {  	v1 =	vmul.f32 $5.656854150e+00, v1  }
0x5d: {  	s22 =	sshrl.u32 s29, $0x2;
	v2 =	vmul.f32 $5.656854150e+00, v2  }
0x5e: {  	[tilespmem:v12+s22+$0xB200] =	vst.idx.msk $0xffff, v1  }
0x5f: {  	[tilespmem:v17+s22+$0xB200] =	vst.idx.msk $0xffff, v2  }
0x60: {  	v1 =	vld [tilespmem:s23+$0x7220]  }
0x61: {  	v2 =	vld [tilespmem:s23+$0x7230];
	_ =	sdelay $0x3  }
0x62: {  	v1 =	vmul.f32 $5.656854150e+00, v1  }
0x63: {  	v2 =	vmul.f32 $5.656854150e+00, v2  }
0x64: {  	[tilespmem:v18+s22+$0xB200] =	vst.idx.msk $0xffff, v1  }
0x65: {  	[tilespmem:v19+s22+$0xB200] =	vst.idx.msk $0xffff, v2  }
0x66: {  	v1 =	vld [tilespmem:s23+$0x7240]  }
0x67: {  	v2 =	vld [tilespmem:s23+$0x7250];
	_ =	sdelay $0x3  }
0x68: {  	v1 =	vmul.f32 $5.656854150e+00, v1  }
0x69: {  	v2 =	vmul.f32 $5.656854150e+00, v2  }
0x6a: {  	[tilespmem:v20+s22+$0xB200] =	vst.idx.msk $0xffff, v1  }
0x6b: {  	[tilespmem:v21+s22+$0xB200] =	vst.idx.msk $0xffff, v2  }
0x6c: {  	v1 =	vld [tilespmem:s23+$0x7260]  }
0x6d: {  	v2 =	vld [tilespmem:s23+$0x7270];
	_ =	sdelay $0x3  }
0x6e: {  	v1 =	vmul.f32 $5.656854150e+00, v1  }
0x6f: {  	v2 =	vmul.f32 $5.656854150e+00, v2  }
0x70: {  	[tilespmem:v22+s22+$0xB200] =	vst.idx.msk $0xffff, v1  }
0x71: {  	[tilespmem:v23+s22+$0xB200] =	vst.idx.msk $0xffff, v2  }
0x72: {  	v1 =	vld [tilespmem:s23+$0x7280]  }
0x73: {  	v2 =	vld [tilespmem:s23+$0x7290];
	_ =	sdelay $0x3  }
0x74: {  	v1 =	vmul.f32 $5.656854150e+00, v1  }
0x75: {  	v2 =	vmul.f32 $5.656854150e+00, v2  }
0x76: {  	[tilespmem:v24+s22+$0xB200] =	vst.idx.msk $0xffff, v1  }
0x77: {  	[tilespmem:v25+s22+$0xB200] =	vst.idx.msk $0xffff, v2  }
0x78: {  	v1 =	vld [tilespmem:s23+$0x72A0]  }
0x79: {  	v2 =	vld [tilespmem:s23+$0x72B0];
	_ =	sdelay $0x3  }
0x7a: {  	v1 =	vmul.f32 $5.656854150e+00, v1  }
0x7b: {  	v2 =	vmul.f32 $5.656854150e+00, v2  }
0x7c: {  	[tilespmem:v26+s22+$0xB200] =	vst.idx.msk $0xffff, v1  }
0x7d: {  	[tilespmem:v27+s22+$0xB200] =	vst.idx.msk $0xffff, v2  }
0x7e: {  	v1 =	vld [tilespmem:s23+$0x72C0]  }
0x7f: {  	v2 =	vld [tilespmem:s23+$0x72D0];
	_ =	sdelay $0x3  }
0x80: {  	v1 =	vmul.f32 $5.656854150e+00, v1  }
0x81: {  	v2 =	vmul.f32 $5.656854150e+00, v2  }
0x82: {  	[tilespmem:v28+s22+$0xB200] =	vst.idx.msk $0xffff, v1  }
0x83: {  	[tilespmem:v29+s22+$0xB200] =	vst.idx.msk $0xffff, v2  }
0x84: {  	v1 =	vld [tilespmem:s23+$0x72E0]  }
0x85: {  	v2 =	vld [tilespmem:s23+$0x72F0];
	_ =	sdelay $0x3  }
0x86: {  	v1 =	vmul.f32 $5.656854150e+00, v1  }
0x87: {  	v2 =	vmul.f32 $5.656854150e+00, v2  }
0x88: {  	[tilespmem:v30+s22+$0xB200] =	vst.idx.msk $0xffff, v1  }
0x89: {  	[tilespmem:v31+s22+$0xB200] =	vst.idx.msk $0xffff, v2  }
0x8a: {  	v1 =	vld [tilespmem:s23+$0x7300]  }
0x8b: {  	v2 =	vld [tilespmem:s23+$0x7310];
	_ =	sdelay $0x3  }
0x8c: {  	v1 =	vmul.f32 $5.656854150e+00, v1  }
0x8d: {  	v2 =	vmul.f32 $5.656854150e+00, v2  }
0x8e: {  	[tilespmem:v32+s22+$0xB200] =	vst.idx.msk $0xffff, v1  }
0x8f: {  	[tilespmem:v33+s22+$0xB200] =	vst.idx.msk $0xffff, v2  }
0x90: {  	v1 =	vld [tilespmem:s23+$0x7320]  }
0x91: {  	v2 =	vld [tilespmem:s23+$0x7330];
	_ =	sdelay $0x3  }
0x92: {  	v1 =	vmul.f32 $5.656854150e+00, v1  }
0x93: {  	v2 =	vmul.f32 $5.656854150e+00, v2  }
0x94: {  	[tilespmem:v34+s22+$0xB200] =	vst.idx.msk $0xffff, v1  }
0x95: {  	[tilespmem:v35+s22+$0xB200] =	vst.idx.msk $0xffff, v2  }
0x96: {  	v1 =	vld [tilespmem:s23+$0x7340]  }
0x97: {  	v2 =	vld [tilespmem:s23+$0x7350];
	_ =	sdelay $0x3  }
0x98: {  	v1 =	vmul.f32 $5.656854150e+00, v1  }
0x99: {  	v2 =	vmul.f32 $5.656854150e+00, v2  }
0x9a: {  	[tilespmem:v36+s22+$0xB200] =	vst.idx.msk $0xffff, v1  }
0x9b: {  	[tilespmem:v37+s22+$0xB200] =	vst.idx.msk $0xffff, v2  }
0x9c: {  	v1 =	vld [tilespmem:s23+$0x7360]  }
0x9d: {  	v2 =	vld [tilespmem:s23+$0x7370];
	_ =	sdelay $0x3  }
0x9e: {  	v1 =	vmul.f32 $5.656854150e+00, v1  }
0x9f: {  	v2 =	vmul.f32 $5.656854150e+00, v2  }
0xa0: {  	[tilespmem:v38+s22+$0xB200] =	vst.idx.msk $0xffff, v1  }
0xa1: {  	[tilespmem:v39+s22+$0xB200] =	vst.idx.msk $0xffff, v2  }
0xa2: {  	v1 =	vld [tilespmem:s23+$0x7380]  }
0xa3: {  	v2 =	vld [tilespmem:s23+$0x7390];
	_ =	sdelay $0x3  }
0xa4: {  	v1 =	vmul.f32 $5.656854150e+00, v1  }
0xa5: {  	v2 =	vmul.f32 $5.656854150e+00, v2  }
0xa6: {  	[tilespmem:v40+s22+$0xB200] =	vst.idx.msk $0xffff, v1  }
0xa7: {  	[tilespmem:v41+s22+$0xB200] =	vst.idx.msk $0xffff, v2  }
0xa8: {  	v1 =	vld [tilespmem:s23+$0x73A0]  }
0xa9: {  	v2 =	vld [tilespmem:s23+$0x73B0];
	_ =	sdelay $0x3  }
0xaa: {  	v1 =	vmul.f32 $5.656854150e+00, v1  }
0xab: {  	v2 =	vmul.f32 $5.656854150e+00, v2  }
0xac: {  	[tilespmem:v42+s22+$0xB200] =	vst.idx.msk $0xffff, v1  }
0xad: {  	[tilespmem:v43+s22+$0xB200] =	vst.idx.msk $0xffff, v2  }
0xae: {  	v1 =	vld [tilespmem:s23+$0x73C0]  }
0xaf: {  	v2 =	vld [tilespmem:s23+$0x73D0];
	_ =	sdelay $0x3  }
0xb0: {  	v1 =	vmul.f32 $5.656854150e+00, v1  }
0xb1: {  	v2 =	vmul.f32 $5.656854150e+00, v2  }
0xb2: {  	[tilespmem:v44+s22+$0xB200] =	vst.idx.msk $0xffff, v1  }
0xb3: {  	[tilespmem:v45+s22+$0xB200] =	vst.idx.msk $0xffff, v2  }
0xb4: {  	v1 =	vld [tilespmem:s23+$0x73E0]  }
0xb5: {  	v2 =	vld [tilespmem:s23+$0x73F0];
	_ =	sdelay $0x3  }
0xb6: {  	v1 =	vmul.f32 $5.656854150e+00, v1  }
0xb7: {  	v2 =	vmul.f32 $5.656854150e+00, v2  }
0xb8: {  	[tilespmem:v46+s22+$0xB200] =	vst.idx.msk $0xffff, v1  }
0xb9: {  	[tilespmem:v47+s22+$0xB200] =	vst.idx.msk $0xffff, v2  }
0xba: {  	v1 =	vld [tilespmem:s23+$0x7400]  }
0xbb: {  	v2 =	vld [tilespmem:s23+$0x7410];
	_ =	sdelay $0x3  }
0xbc: {  	v1 =	vmul.f32 $5.656854150e+00, v1  }
0xbd: {  	v2 =	vmul.f32 $5.656854150e+00, v2  }
0xbe: {  	[tilespmem:v48+s22+$0xB200] =	vst.idx.msk $0xffff, v1  }
0xbf: {  	[tilespmem:v49+s22+$0xB200] =	vst.idx.msk $0xffff, v2  }
0xc0: {  	v1 =	vld [tilespmem:s23+$0x7420]  }
0xc1: {  	v2 =	vld [tilespmem:s23+$0x7430];
	_ =	sdelay $0x3  }
0xc2: {  	v1 =	vmul.f32 $5.656854150e+00, v1  }
0xc3: {  	v2 =	vmul.f32 $5.656854150e+00, v2  }
0xc4: {  	[tilespmem:v50+s22+$0xB200] =	vst.idx.msk $0xffff, v1  }
0xc5: {  	[tilespmem:v51+s22+$0xB200] =	vst.idx.msk $0xffff, v2  }
0xc6: {  	v1 =	vld [tilespmem:s23+$0x7440]  }
0xc7: {  	v2 =	vld [tilespmem:s23+$0x7450];
	_ =	sdelay $0x3  }
0xc8: {  	v1 =	vmul.f32 $5.656854150e+00, v1  }
0xc9: {  	v2 =	vmul.f32 $5.656854150e+00, v2  }
0xca: {  	[tilespmem:v52+s22+$0xB200] =	vst.idx.msk $0xffff, v1  }
0xcb: {  	[tilespmem:v53+s22+$0xB200] =	vst.idx.msk $0xffff, v2  }
0xcc: {  	v1 =	vld [tilespmem:s23+$0x7460]  }
0xcd: {  	v2 =	vld [tilespmem:s23+$0x7470];
	_ =	sdelay $0x3  }
0xce: {  	v1 =	vmul.f32 $5.656854150e+00, v1  }
0xcf: {  	v2 =	vmul.f32 $5.656854150e+00, v2  }
0xd0: {  	[tilespmem:v54+s22+$0xB200] =	vst.idx.msk $0xffff, v1  }
0xd1: {  	[tilespmem:v55+s22+$0xB200] =	vst.idx.msk $0xffff, v2  }
0xd2: {  	v1 =	vld [tilespmem:s23+$0x7480]  }
0xd3: {  	v2 =	vld [tilespmem:s23+$0x7490];
	_ =	sdelay $0x3  }
0xd4: {  	v1 =	vmul.f32 $5.656854150e+00, v1  }
0xd5: {  	v2 =	vmul.f32 $5.656854150e+00, v2  }
0xd6: {  	[tilespmem:v56+s22+$0xB200] =	vst.idx.msk $0xffff, v1  }
0xd7: {  	[tilespmem:v57+s22+$0xB200] =	vst.idx.msk $0xffff, v2  }
0xd8: {  	v1 =	vld [tilespmem:s23+$0x74A0]  }
0xd9: {  	v2 =	vld [tilespmem:s23+$0x74B0];
	_ =	sdelay $0x3  }
0xda: {  	v1 =	vmul.f32 $5.656854150e+00, v1  }
0xdb: {  	v2 =	vmul.f32 $5.656854150e+00, v2  }
0xdc: {  	[tilespmem:v58+s22+$0xB200] =	vst.idx.msk $0xffff, v1  }
0xdd: {  	[tilespmem:v59+s22+$0xB200] =	vst.idx.msk $0xffff, v2  }
0xde: {  	v1 =	vld [tilespmem:s23+$0x74C0]  }
0xdf: {  	v2 =	vld [tilespmem:s23+$0x74D0];
	_ =	sdelay $0x3  }
0xe0: {  	v1 =	vmul.f32 $5.656854150e+00, v1  }
0xe1: {  	v2 =	vmul.f32 $5.656854150e+00, v2  }
0xe2: {  	[tilespmem:v60+s22+$0xB200] =	vst.idx.msk $0xffff, v1  }
0xe3: {  	[tilespmem:v61+s22+$0xB200] =	vst.idx.msk $0xffff, v2  }
0xe4: {  	v1 =	vld [tilespmem:s23+$0x74E0]  }
0xe5: {  	v2 =	vld [tilespmem:s23+$0x74F0];
	_ =	sdelay $0x3  }
0xe6: {  	v1 =	vmul.f32 $5.656854150e+00, v1  }
0xe7: {  	v2 =	vmul.f32 $5.656854150e+00, v2  }
0xe8: {  	[tilespmem:v62+s22+$0xB200] =	vst.idx.msk $0xffff, v1  }
0xe9: {  	[tilespmem:v63+s22+$0xB200] =	vst.idx.msk $0xffff, v2  }
0xea: {  	v1 =	vld [tilespmem:s23+$0x7500]  }
0xeb: {  	v2 =	vld [tilespmem:s23+$0x7510]  }
0xec: {  	v3 =	vadd.s32 $0x18, v12  }
0xed: {  	v4 =	vadd.s32 $0x898, v12;
	_ =	sdelay $0x1  }
0xee: {  	v1 =	vmul.f32 $5.656854150e+00, v1  }
0xef: {  	v2 =	vmul.f32 $5.656854150e+00, v2  }
0xf0: {  	[tilespmem:v3+s22+$0xB200] =	vst.idx.msk $0xffff, v1  }
0xf1: {  	[tilespmem:v4+s22+$0xB200] =	vst.idx.msk $0xffff, v2  }
0xf2: {  	v1 =	vld [tilespmem:s23+$0x7520]  }
0xf3: {  	v2 =	vld [tilespmem:s23+$0x7530]  }
0xf4: {  	v3 =	vadd.s32 $0x19, v12  }
0xf5: {  	v4 =	vadd.s32 $0x899, v12;
	_ =	sdelay $0x1  }
0xf6: {  	v1 =	vmul.f32 $5.656854150e+00, v1  }
0xf7: {  	v2 =	vmul.f32 $5.656854150e+00, v2  }
0xf8: {  	[tilespmem:v3+s22+$0xB200] =	vst.idx.msk $0xffff, v1  }
0xf9: {  	[tilespmem:v4+s22+$0xB200] =	vst.idx.msk $0xffff, v2  }
0xfa: {  	v1 =	vld [tilespmem:s23+$0x7540]  }
0xfb: {  	v2 =	vld [tilespmem:s23+$0x7550]  }
0xfc: {  	v3 =	vadd.s32 $0x1A, v12  }
0xfd: {  	v4 =	vadd.s32 $0x89A, v12;
	_ =	sdelay $0x1  }
0xfe: {  	v1 =	vmul.f32 $5.656854150e+00, v1  }
0xff: {  	v2 =	vmul.f32 $5.656854150e+00, v2  }
0x100: {  	[tilespmem:v3+s22+$0xB200] =	vst.idx.msk $0xffff, v1  }
0x101: {  	[tilespmem:v4+s22+$0xB200] =	vst.idx.msk $0xffff, v2  }
0x102: {  	v1 =	vld [tilespmem:s23+$0x7560]  }
0x103: {  	v2 =	vld [tilespmem:s23+$0x7570]  }
0x104: {  	v3 =	vadd.s32 $0x1B, v12  }
0x105: {  	v4 =	vadd.s32 $0x89B, v12;
	_ =	sdelay $0x1  }
0x106: {  	v1 =	vmul.f32 $5.656854150e+00, v1  }
0x107: {  	v2 =	vmul.f32 $5.656854150e+00, v2  }
0x108: {  	[tilespmem:v3+s22+$0xB200] =	vst.idx.msk $0xffff, v1  }
0x109: {  	[tilespmem:v4+s22+$0xB200] =	vst.idx.msk $0xffff, v2  }
0x10a: {  	v1 =	vld [tilespmem:s23+$0x7580]  }
0x10b: {  	v2 =	vld [tilespmem:s23+$0x7590]  }
0x10c: {  	v3 =	vadd.s32 $0x1C, v12  }
0x10d: {  	v4 =	vadd.s32 $0x89C, v12;
	_ =	sdelay $0x1  }
0x10e: {  	v1 =	vmul.f32 $5.656854150e+00, v1  }
0x10f: {  	v2 =	vmul.f32 $5.656854150e+00, v2  }
0x110: {  	[tilespmem:v3+s22+$0xB200] =	vst.idx.msk $0xffff, v1  }
0x111: {  	[tilespmem:v4+s22+$0xB200] =	vst.idx.msk $0xffff, v2  }
0x112: {  	v1 =	vld [tilespmem:s23+$0x75A0]  }
0x113: {  	v2 =	vld [tilespmem:s23+$0x75B0]  }
0x114: {  	v3 =	vadd.s32 $0x1D, v12  }
0x115: {  	v4 =	vadd.s32 $0x89D, v12;
	_ =	sdelay $0x1  }
0x116: {  	v1 =	vmul.f32 $5.656854150e+00, v1  }
0x117: {  	v2 =	vmul.f32 $5.656854150e+00, v2  }
0x118: {  	[tilespmem:v3+s22+$0xB200] =	vst.idx.msk $0xffff, v1  }
0x119: {  	[tilespmem:v4+s22+$0xB200] =	vst.idx.msk $0xffff, v2  }
0x11a: {  	v1 =	vld [tilespmem:s23+$0x75C0]  }
0x11b: {  	v2 =	vld [tilespmem:s23+$0x75D0]  }
0x11c: {  	v3 =	vadd.s32 $0x1E, v12  }
0x11d: {  	v4 =	vadd.s32 $0x89E, v12;
	_ =	sdelay $0x1  }
0x11e: {  	v1 =	vmul.f32 $5.656854150e+00, v1  }
0x11f: {  	v2 =	vmul.f32 $5.656854150e+00, v2  }
0x120: {  	[tilespmem:v3+s22+$0xB200] =	vst.idx.msk $0xffff, v1  }
0x121: {  	[tilespmem:v4+s22+$0xB200] =	vst.idx.msk $0xffff, v2  }
0x122: {  	v1 =	vld [tilespmem:s23+$0x75E0]  }
0x123: {  	v2 =	vld [tilespmem:s23+$0x75F0]  }
0x124: {  	v3 =	vadd.s32 $0x1F, v12  }
0x125: {  	v4 =	vadd.s32 $0x89F, v12;
	_ =	sdelay $0x1  }
0x126: {  	v1 =	vmul.f32 $5.656854150e+00, v1  }
0x127: {  	v2 =	vmul.f32 $5.656854150e+00, v2  }
0x128: {  	[tilespmem:v3+s22+$0xB200] =	vst.idx.msk $0xffff, v1  }
0x129: {  	[tilespmem:v4+s22+$0xB200] =	vst.idx.msk $0xffff, v2  }
0x12a: {  	v1 =	vld [tilespmem:s23+$0x7600]  }
0x12b: {  	v2 =	vld [tilespmem:s23+$0x7610]  }
0x12c: {  	v3 =	vadd.s32 $0x20, v12  }
0x12d: {  	v4 =	vadd.s32 $0x8A0, v12;
	_ =	sdelay $0x1  }
0x12e: {  	v1 =	vmul.f32 $5.656854150e+00, v1  }
0x12f: {  	v2 =	vmul.f32 $5.656854150e+00, v2  }
0x130: {  	[tilespmem:v3+s22+$0xB200] =	vst.idx.msk $0xffff, v1  }
0x131: {  	[tilespmem:v4+s22+$0xB200] =	vst.idx.msk $0xffff, v2  }
0x132: {  	v1 =	vld [tilespmem:s23+$0x7620]  }
0x133: {  	v2 =	vld [tilespmem:s23+$0x7630]  }
0x134: {  	v3 =	vadd.s32 $0x21, v12  }
0x135: {  	v4 =	vadd.s32 $0x8A1, v12;
	_ =	sdelay $0x1  }
0x136: {  	v1 =	vmul.f32 $5.656854150e+00, v1  }
0x137: {  	v2 =	vmul.f32 $5.656854150e+00, v2  }
0x138: {  	[tilespmem:v3+s22+$0xB200] =	vst.idx.msk $0xffff, v1  }
0x139: {  	[tilespmem:v4+s22+$0xB200] =	vst.idx.msk $0xffff, v2  }
0x13a: {  	v1 =	vld [tilespmem:s23+$0x7640]  }
0x13b: {  	v2 =	vld [tilespmem:s23+$0x7650]  }
0x13c: {  	v3 =	vadd.s32 $0x22, v12  }
0x13d: {  	v4 =	vadd.s32 $0x8A2, v12;
	_ =	sdelay $0x1  }
0x13e: {  	v1 =	vmul.f32 $5.656854150e+00, v1  }
0x13f: {  	v2 =	vmul.f32 $5.656854150e+00, v2  }
0x140: {  	[tilespmem:v3+s22+$0xB200] =	vst.idx.msk $0xffff, v1  }
0x141: {  	[tilespmem:v4+s22+$0xB200] =	vst.idx.msk $0xffff, v2  }
0x142: {  	v1 =	vld [tilespmem:s23+$0x7660]  }
0x143: {  	v2 =	vld [tilespmem:s23+$0x7670]  }
0x144: {  	v3 =	vadd.s32 $0x23, v12  }
0x145: {  	v4 =	vadd.s32 $0x8A3, v12;
	_ =	sdelay $0x1  }
0x146: {  	v1 =	vmul.f32 $5.656854150e+00, v1  }
0x147: {  	v2 =	vmul.f32 $5.656854150e+00, v2  }
0x148: {  	[tilespmem:v3+s22+$0xB200] =	vst.idx.msk $0xffff, v1  }
0x149: {  	[tilespmem:v4+s22+$0xB200] =	vst.idx.msk $0xffff, v2  }
0x14a: {  	v1 =	vld [tilespmem:s23+$0x7680]  }
0x14b: {  	v2 =	vld [tilespmem:s23+$0x7690]  }
0x14c: {  	v3 =	vadd.s32 $0x24, v12  }
0x14d: {  	v4 =	vadd.s32 $0x8A4, v12;
	_ =	sdelay $0x1  }
0x14e: {  	v1 =	vmul.f32 $5.656854150e+00, v1  }
0x14f: {  	v2 =	vmul.f32 $5.656854150e+00, v2  }
0x150: {  	[tilespmem:v3+s22+$0xB200] =	vst.idx.msk $0xffff, v1  }
0x151: {  	[tilespmem:v4+s22+$0xB200] =	vst.idx.msk $0xffff, v2  }
0x152: {  	v1 =	vld [tilespmem:s23+$0x76A0]  }
0x153: {  	v2 =	vld [tilespmem:s23+$0x76B0]  }
0x154: {  	v3 =	vadd.s32 $0x25, v12  }
0x155: {  	v4 =	vadd.s32 $0x8A5, v12;
	_ =	sdelay $0x1  }
0x156: {  	v1 =	vmul.f32 $5.656854150e+00, v1  }
0x157: {  	v2 =	vmul.f32 $5.656854150e+00, v2  }
0x158: {  	[tilespmem:v3+s22+$0xB200] =	vst.idx.msk $0xffff, v1  }
0x159: {  	[tilespmem:v4+s22+$0xB200] =	vst.idx.msk $0xffff, v2  }
0x15a: {  	v1 =	vld [tilespmem:s23+$0x76C0]  }
0x15b: {  	v2 =	vld [tilespmem:s23+$0x76D0]  }
0x15c: {  	v3 =	vadd.s32 $0x26, v12  }
0x15d: {  	v4 =	vadd.s32 $0x8A6, v12;
	_ =	sdelay $0x1  }
0x15e: {  	v1 =	vmul.f32 $5.656854150e+00, v1  }
0x15f: {  	v2 =	vmul.f32 $5.656854150e+00, v2  }
0x160: {  	[tilespmem:v3+s22+$0xB200] =	vst.idx.msk $0xffff, v1  }
0x161: {  	[tilespmem:v4+s22+$0xB200] =	vst.idx.msk $0xffff, v2  }
0x162: {  	v1 =	vld [tilespmem:s23+$0x76E0]  }
0x163: {  	v2 =	vld [tilespmem:s23+$0x76F0]  }
0x164: {  	v3 =	vadd.s32 $0x27, v12  }
0x165: {  	v4 =	vadd.s32 $0x8A7, v12;
	_ =	sdelay $0x1  }
0x166: {  	v1 =	vmul.f32 $5.656854150e+00, v1  }
0x167: {  	v2 =	vmul.f32 $5.656854150e+00, v2  }
0x168: {  	[tilespmem:v3+s22+$0xB200] =	vst.idx.msk $0xffff, v1  }
0x169: {  	[tilespmem:v4+s22+$0xB200] =	vst.idx.msk $0xffff, v2  }
0x16a: {  	v1 =	vld [tilespmem:s23+$0x7700]  }
0x16b: {  	v2 =	vld [tilespmem:s23+$0x7710]  }
0x16c: {  	v3 =	vadd.s32 $0x28, v12  }
0x16d: {  	v4 =	vadd.s32 $0x8A8, v12;
	_ =	sdelay $0x1  }
0x16e: {  	v1 =	vmul.f32 $5.656854150e+00, v1  }
0x16f: {  	v2 =	vmul.f32 $5.656854150e+00, v2  }
0x170: {  	[tilespmem:v3+s22+$0xB200] =	vst.idx.msk $0xffff, v1  }
0x171: {  	[tilespmem:v4+s22+$0xB200] =	vst.idx.msk $0xffff, v2  }
0x172: {  	v1 =	vld [tilespmem:s23+$0x7720]  }
0x173: {  	v2 =	vld [tilespmem:s23+$0x7730]  }
0x174: {  	v3 =	vadd.s32 $0x29, v12  }
0x175: {  	v4 =	vadd.s32 $0x8A9, v12;
	_ =	sdelay $0x1  }
0x176: {  	v1 =	vmul.f32 $5.656854150e+00, v1  }
0x177: {  	v2 =	vmul.f32 $5.656854150e+00, v2  }
0x178: {  	[tilespmem:v3+s22+$0xB200] =	vst.idx.msk $0xffff, v1  }
0x179: {  	[tilespmem:v4+s22+$0xB200] =	vst.idx.msk $0xffff, v2  }
0x17a: {  	v1 =	vld [tilespmem:s23+$0x7740]  }
0x17b: {  	v2 =	vld [tilespmem:s23+$0x7750]  }
0x17c: {  	v3 =	vadd.s32 $0x2A, v12  }
0x17d: {  	v4 =	vadd.s32 $0x8AA, v12;
	_ =	sdelay $0x1  }
0x17e: {  	v1 =	vmul.f32 $5.656854150e+00, v1  }
0x17f: {  	v2 =	vmul.f32 $5.656854150e+00, v2  }
0x180: {  	[tilespmem:v3+s22+$0xB200] =	vst.idx.msk $0xffff, v1  }
0x181: {  	[tilespmem:v4+s22+$0xB200] =	vst.idx.msk $0xffff, v2  }
0x182: {  	v1 =	vld [tilespmem:s23+$0x7760]  }
0x183: {  	v2 =	vld [tilespmem:s23+$0x7770]  }
0x184: {  	v3 =	vadd.s32 $0x2B, v12  }
0x185: {  	v4 =	vadd.s32 $0x8AB, v12;
	_ =	sdelay $0x1  }
0x186: {  	v1 =	vmul.f32 $5.656854150e+00, v1  }
0x187: {  	v2 =	vmul.f32 $5.656854150e+00, v2  }
0x188: {  	[tilespmem:v3+s22+$0xB200] =	vst.idx.msk $0xffff, v1  }
0x189: {  	[tilespmem:v4+s22+$0xB200] =	vst.idx.msk $0xffff, v2  }
0x18a: {  	v1 =	vld [tilespmem:s23+$0x7780]  }
0x18b: {  	v2 =	vld [tilespmem:s23+$0x7790]  }
0x18c: {  	v3 =	vadd.s32 $0x2C, v12  }
0x18d: {  	v4 =	vadd.s32 $0x8AC, v12;
	_ =	sdelay $0x1  }
0x18e: {  	v1 =	vmul.f32 $5.656854150e+00, v1  }
0x18f: {  	v2 =	vmul.f32 $5.656854150e+00, v2  }
0x190: {  	[tilespmem:v3+s22+$0xB200] =	vst.idx.msk $0xffff, v1  }
0x191: {  	[tilespmem:v4+s22+$0xB200] =	vst.idx.msk $0xffff, v2  }
0x192: {  	v1 =	vld [tilespmem:s23+$0x77A0]  }
0x193: {  	v2 =	vld [tilespmem:s23+$0x77B0]  }
0x194: {  	v3 =	vadd.s32 $0x2D, v12  }
0x195: {  	v4 =	vadd.s32 $0x8AD, v12;
	_ =	sdelay $0x1  }
0x196: {  	v1 =	vmul.f32 $5.656854150e+00, v1  }
0x197: {  	v2 =	vmul.f32 $5.656854150e+00, v2  }
0x198: {  	[tilespmem:v3+s22+$0xB200] =	vst.idx.msk $0xffff, v1  }
0x199: {  	[tilespmem:v4+s22+$0xB200] =	vst.idx.msk $0xffff, v2  }
0x19a: {  	v1 =	vld [tilespmem:s23+$0x77C0]  }
0x19b: {  	v2 =	vld [tilespmem:s23+$0x77D0]  }
0x19c: {  	v3 =	vadd.s32 $0x2E, v12  }
0x19d: {  	v4 =	vadd.s32 $0x8AE, v12;
	_ =	sdelay $0x1  }
0x19e: {  	v1 =	vmul.f32 $5.656854150e+00, v1  }
0x19f: {  	v2 =	vmul.f32 $5.656854150e+00, v2  }
0x1a0: {  	[tilespmem:v3+s22+$0xB200] =	vst.idx.msk $0xffff, v1  }
0x1a1: {  	[tilespmem:v4+s22+$0xB200] =	vst.idx.msk $0xffff, v2  }
0x1a2: {  	v1 =	vld [tilespmem:s23+$0x77E0]  }
0x1a3: {  	v2 =	vld [tilespmem:s23+$0x77F0]  }
0x1a4: {  	v3 =	vadd.s32 $0x2F, v12  }
0x1a5: {  	v4 =	vadd.s32 $0x8AF, v12;
	_ =	sdelay $0x1  }
0x1a6: {  	v1 =	vmul.f32 $5.656854150e+00, v1  }
0x1a7: {  	v2 =	vmul.f32 $5.656854150e+00, v2  }
0x1a8: {  	[tilespmem:v3+s22+$0xB200] =	vst.idx.msk $0xffff, v1  }
0x1a9: {  	[tilespmem:v4+s22+$0xB200] =	vst.idx.msk $0xffff, v2  }
0x1aa: {  	v1 =	vld [tilespmem:s23+$0x7800]  }
0x1ab: {  	v2 =	vld [tilespmem:s23+$0x7810]  }
0x1ac: {  	v3 =	vadd.s32 $0x30, v12  }
0x1ad: {  	v4 =	vadd.s32 $0x8B0, v12;
	_ =	sdelay $0x1  }
0x1ae: {  	v1 =	vmul.f32 $5.656854150e+00, v1  }
0x1af: {  	v2 =	vmul.f32 $5.656854150e+00, v2  }
0x1b0: {  	[tilespmem:v3+s22+$0xB200] =	vst.idx.msk $0xffff, v1  }
0x1b1: {  	[tilespmem:v4+s22+$0xB200] =	vst.idx.msk $0xffff, v2  }
0x1b2: {  	v1 =	vld [tilespmem:s23+$0x7820]  }
0x1b3: {  	v2 =	vld [tilespmem:s23+$0x7830]  }
0x1b4: {  	v3 =	vadd.s32 $0x31, v12  }
0x1b5: {  	v4 =	vadd.s32 $0x8B1, v12;
	_ =	sdelay $0x1  }
0x1b6: {  	v1 =	vmul.f32 $5.656854150e+00, v1  }
0x1b7: {  	v2 =	vmul.f32 $5.656854150e+00, v2  }
0x1b8: {  	[tilespmem:v3+s22+$0xB200] =	vst.idx.msk $0xffff, v1  }
0x1b9: {  	[tilespmem:v4+s22+$0xB200] =	vst.idx.msk $0xffff, v2  }
0x1ba: {  	v1 =	vld [tilespmem:s23+$0x7840]  }
0x1bb: {  	v2 =	vld [tilespmem:s23+$0x7850]  }
0x1bc: {  	v3 =	vadd.s32 $0x32, v12  }
0x1bd: {  	v4 =	vadd.s32 $0x8B2, v12;
	_ =	sdelay $0x1  }
0x1be: {  	v1 =	vmul.f32 $5.656854150e+00, v1  }
0x1bf: {  	v2 =	vmul.f32 $5.656854150e+00, v2  }
0x1c0: {  	[tilespmem:v3+s22+$0xB200] =	vst.idx.msk $0xffff, v1  }
0x1c1: {  	[tilespmem:v4+s22+$0xB200] =	vst.idx.msk $0xffff, v2  }
0x1c2: {  	v1 =	vld [tilespmem:s23+$0x7860]  }
0x1c3: {  	v2 =	vld [tilespmem:s23+$0x7870]  }
0x1c4: {  	v3 =	vadd.s32 $0x33, v12  }
0x1c5: {  	v4 =	vadd.s32 $0x8B3, v12;
	_ =	sdelay $0x1  }
0x1c6: {  	v1 =	vmul.f32 $5.656854150e+00, v1  }
0x1c7: {  	v2 =	vmul.f32 $5.656854150e+00, v2  }
0x1c8: {  	[tilespmem:v3+s22+$0xB200] =	vst.idx.msk $0xffff, v1  }
0x1c9: {  	[tilespmem:v4+s22+$0xB200] =	vst.idx.msk $0xffff, v2  }
0x1ca: {  	v1 =	vld [tilespmem:s23+$0x7880]  }
0x1cb: {  	v2 =	vld [tilespmem:s23+$0x7890]  }
0x1cc: {  	v3 =	vadd.s32 $0x34, v12  }
0x1cd: {  	v4 =	vadd.s32 $0x8B4, v12;
	_ =	sdelay $0x1  }
0x1ce: {  	v1 =	vmul.f32 $5.656854150e+00, v1  }
0x1cf: {  	v2 =	vmul.f32 $5.656854150e+00, v2  }
0x1d0: {  	[tilespmem:v3+s22+$0xB200] =	vst.idx.msk $0xffff, v1  }
0x1d1: {  	[tilespmem:v4+s22+$0xB200] =	vst.idx.msk $0xffff, v2  }
0x1d2: {  	v1 =	vld [tilespmem:s23+$0x78A0]  }
0x1d3: {  	v2 =	vld [tilespmem:s23+$0x78B0]  }
0x1d4: {  	v3 =	vadd.s32 $0x35, v12  }
0x1d5: {  	v4 =	vadd.s32 $0x8B5, v12;
	_ =	sdelay $0x1  }
0x1d6: {  	v1 =	vmul.f32 $5.656854150e+00, v1  }
0x1d7: {  	v2 =	vmul.f32 $5.656854150e+00, v2  }
0x1d8: {  	[tilespmem:v3+s22+$0xB200] =	vst.idx.msk $0xffff, v1  }
0x1d9: {  	[tilespmem:v4+s22+$0xB200] =	vst.idx.msk $0xffff, v2  }
0x1da: {  	v1 =	vld [tilespmem:s23+$0x78C0]  }
0x1db: {  	v2 =	vld [tilespmem:s23+$0x78D0]  }
0x1dc: {  	v3 =	vadd.s32 $0x36, v12  }
0x1dd: {  	v4 =	vadd.s32 $0x8B6, v12;
	_ =	sdelay $0x1  }
0x1de: {  	v1 =	vmul.f32 $5.656854150e+00, v1  }
0x1df: {  	v2 =	vmul.f32 $5.656854150e+00, v2  }
0x1e0: {  	[tilespmem:v3+s22+$0xB200] =	vst.idx.msk $0xffff, v1  }
0x1e1: {  	[tilespmem:v4+s22+$0xB200] =	vst.idx.msk $0xffff, v2  }
0x1e2: {  	v1 =	vld [tilespmem:s23+$0x78E0]  }
0x1e3: {  	v2 =	vld [tilespmem:s23+$0x78F0]  }
0x1e4: {  	v3 =	vadd.s32 $0x37, v12  }
0x1e5: {  	v4 =	vadd.s32 $0x8B7, v12;
	_ =	sdelay $0x1  }
0x1e6: {  	v1 =	vmul.f32 $5.656854150e+00, v1  }
0x1e7: {  	v2 =	vmul.f32 $5.656854150e+00, v2  }
0x1e8: {  	[tilespmem:v3+s22+$0xB200] =	vst.idx.msk $0xffff, v1  }
0x1e9: {  	[tilespmem:v4+s22+$0xB200] =	vst.idx.msk $0xffff, v2  }
0x1ea: {  	v1 =	vld [tilespmem:s23+$0x7900]  }
0x1eb: {  	v2 =	vld [tilespmem:s23+$0x7910]  }
0x1ec: {  	v3 =	vadd.s32 $0x38, v12  }
0x1ed: {  	v4 =	vadd.s32 $0x8B8, v12;
	_ =	sdelay $0x1  }
0x1ee: {  	v1 =	vmul.f32 $5.656854150e+00, v1  }
0x1ef: {  	v2 =	vmul.f32 $5.656854150e+00, v2  }
0x1f0: {  	[tilespmem:v3+s22+$0xB200] =	vst.idx.msk $0xffff, v1  }
0x1f1: {  	[tilespmem:v4+s22+$0xB200] =	vst.idx.msk $0xffff, v2  }
0x1f2: {  	v1 =	vld [tilespmem:s23+$0x7920]  }
0x1f3: {  	v2 =	vld [tilespmem:s23+$0x7930]  }
0x1f4: {  	v3 =	vadd.s32 $0x39, v12  }
0x1f5: {  	v4 =	vadd.s32 $0x8B9, v12;
	_ =	sdelay $0x1  }
0x1f6: {  	v1 =	vmul.f32 $5.656854150e+00, v1  }
0x1f7: {  	v2 =	vmul.f32 $5.656854150e+00, v2  }
0x1f8: {  	[tilespmem:v3+s22+$0xB200] =	vst.idx.msk $0xffff, v1  }
0x1f9: {  	[tilespmem:v4+s22+$0xB200] =	vst.idx.msk $0xffff, v2  }
0x1fa: {  	v1 =	vld [tilespmem:s23+$0x7940]  }
0x1fb: {  	v2 =	vld [tilespmem:s23+$0x7950]  }
0x1fc: {  	v3 =	vadd.s32 $0x3A, v12  }
0x1fd: {  	v4 =	vadd.s32 $0x8BA, v12;
	_ =	sdelay $0x1  }
0x1fe: {  	v1 =	vmul.f32 $5.656854150e+00, v1  }
0x1ff: {  	v2 =	vmul.f32 $5.656854150e+00, v2  }
0x200: {  	[tilespmem:v3+s22+$0xB200] =	vst.idx.msk $0xffff, v1  }
0x201: {  	[tilespmem:v4+s22+$0xB200] =	vst.idx.msk $0xffff, v2  }
0x202: {  	v1 =	vld [tilespmem:s23+$0x7960]  }
0x203: {  	v2 =	vld [tilespmem:s23+$0x7970]  }
0x204: {  	v3 =	vadd.s32 $0x3B, v12  }
0x205: {  	v4 =	vadd.s32 $0x8BB, v12;
	_ =	sdelay $0x1  }
0x206: {  	v1 =	vmul.f32 $5.656854150e+00, v1  }
0x207: {  	v2 =	vmul.f32 $5.656854150e+00, v2  }
0x208: {  	[tilespmem:v3+s22+$0xB200] =	vst.idx.msk $0xffff, v1  }
0x209: {  	[tilespmem:v4+s22+$0xB200] =	vst.idx.msk $0xffff, v2  }
0x20a: {  	v1 =	vld [tilespmem:s23+$0x7980]  }
0x20b: {  	v2 =	vld [tilespmem:s23+$0x7990]  }
0x20c: {  	v3 =	vadd.s32 $0x3C, v12  }
0x20d: {  	v4 =	vadd.s32 $0x8BC, v12;
	_ =	sdelay $0x1  }
0x20e: {  	v1 =	vmul.f32 $5.656854150e+00, v1  }
0x20f: {  	v2 =	vmul.f32 $5.656854150e+00, v2  }
0x210: {  	[tilespmem:v3+s22+$0xB200] =	vst.idx.msk $0xffff, v1  }
0x211: {  	[tilespmem:v4+s22+$0xB200] =	vst.idx.msk $0xffff, v2  }
0x212: {  	v1 =	vld [tilespmem:s23+$0x79A0]  }
0x213: {  	v2 =	vld [tilespmem:s23+$0x79B0]  }
0x214: {  	v3 =	vadd.s32 $0x3D, v12  }
0x215: {  	v4 =	vadd.s32 $0x8BD, v12;
	_ =	sdelay $0x1  }
0x216: {  	v1 =	vmul.f32 $5.656854150e+00, v1  }
0x217: {  	v2 =	vmul.f32 $5.656854150e+00, v2  }
0x218: {  	[tilespmem:v3+s22+$0xB200] =	vst.idx.msk $0xffff, v1  }
0x219: {  	[tilespmem:v4+s22+$0xB200] =	vst.idx.msk $0xffff, v2  }
0x21a: {  	v1 =	vld [tilespmem:s23+$0x79C0]  }
0x21b: {  	v2 =	vld [tilespmem:s23+$0x79D0]  }
0x21c: {  	v3 =	vadd.s32 $0x3E, v12  }
0x21d: {  	v4 =	vadd.s32 $0x8BE, v12;
	_ =	sdelay $0x1  }
0x21e: {  	v1 =	vmul.f32 $5.656854150e+00, v1  }
0x21f: {  	v2 =	vmul.f32 $5.656854150e+00, v2  }
0x220: {  	[tilespmem:v3+s22+$0xB200] =	vst.idx.msk $0xffff, v1  }
0x221: {  	[tilespmem:v4+s22+$0xB200] =	vst.idx.msk $0xffff, v2  }
0x222: {  	v1 =	vld [tilespmem:s23+$0x79E0]  }
0x223: {  	v2 =	vld [tilespmem:s23+$0x79F0]  }
0x224: {  	v3 =	vadd.s32 $0x3F, v12  }
0x225: {  	v4 =	vadd.s32 $0x8BF, v12;
	_ =	sdelay $0x1  }
0x226: {  	v1 =	vmul.f32 $5.656854150e+00, v1  }
0x227: {  	v2 =	vmul.f32 $5.656854150e+00, v2  }
0x228: {  	[tilespmem:v3+s22+$0xB200] =	vst.idx.msk $0xffff, v1  }
0x229: {  	[tilespmem:v4+s22+$0xB200] =	vst.idx.msk $0xffff, v2  }
0x22a: {  	v1 =	vld [tilespmem:s23+$0x7A00]  }
0x22b: {  	v2 =	vld [tilespmem:s23+$0x7A10]  }
0x22c: {  	v3 =	vadd.s32 $0x40, v12  }
0x22d: {  	v4 =	vadd.s32 $0x8C0, v12;
	_ =	sdelay $0x1  }
0x22e: {  	v1 =	vmul.f32 $5.656854150e+00, v1  }
0x22f: {  	v2 =	vmul.f32 $5.656854150e+00, v2  }
0x230: {  	[tilespmem:v3+s22+$0xB200] =	vst.idx.msk $0xffff, v1  }
0x231: {  	[tilespmem:v4+s22+$0xB200] =	vst.idx.msk $0xffff, v2  }
0x232: {  	v1 =	vld [tilespmem:s23+$0x7A20]  }
0x233: {  	v2 =	vld [tilespmem:s23+$0x7A30]  }
0x234: {  	v3 =	vadd.s32 $0x41, v12  }
0x235: {  	v4 =	vadd.s32 $0x8C1, v12;
	_ =	sdelay $0x1  }
0x236: {  	v1 =	vmul.f32 $5.656854150e+00, v1  }
0x237: {  	v2 =	vmul.f32 $5.656854150e+00, v2  }
0x238: {  	[tilespmem:v3+s22+$0xB200] =	vst.idx.msk $0xffff, v1  }
0x239: {  	[tilespmem:v4+s22+$0xB200] =	vst.idx.msk $0xffff, v2  }
0x23a: {  	v1 =	vld [tilespmem:s23+$0x7A40]  }
0x23b: {  	v2 =	vld [tilespmem:s23+$0x7A50]  }
0x23c: {  	v3 =	vadd.s32 $0x42, v12  }
0x23d: {  	v4 =	vadd.s32 $0x8C2, v12;
	_ =	sdelay $0x1  }
0x23e: {  	v1 =	vmul.f32 $5.656854150e+00, v1  }
0x23f: {  	v2 =	vmul.f32 $5.656854150e+00, v2  }
0x240: {  	[tilespmem:v3+s22+$0xB200] =	vst.idx.msk $0xffff, v1  }
0x241: {  	[tilespmem:v4+s22+$0xB200] =	vst.idx.msk $0xffff, v2  }
0x242: {  	v1 =	vld [tilespmem:s23+$0x7A60]  }
0x243: {  	v2 =	vld [tilespmem:s23+$0x7A70]  }
0x244: {  	v3 =	vadd.s32 $0x43, v12  }
0x245: {  	v4 =	vadd.s32 $0x8C3, v12;
	_ =	sdelay $0x1  }
0x246: {  	v1 =	vmul.f32 $5.656854150e+00, v1  }
0x247: {  	v2 =	vmul.f32 $5.656854150e+00, v2  }
0x248: {  	[tilespmem:v3+s22+$0xB200] =	vst.idx.msk $0xffff, v1  }
0x249: {  	[tilespmem:v4+s22+$0xB200] =	vst.idx.msk $0xffff, v2  }
0x24a: {  	v1 =	vld [tilespmem:s23+$0x7A80]  }
0x24b: {  	v2 =	vld [tilespmem:s23+$0x7A90]  }
0x24c: {  	v3 =	vadd.s32 $0x44, v12  }
0x24d: {  	v4 =	vadd.s32 $0x8C4, v12;
	_ =	sdelay $0x1  }
0x24e: {  	v1 =	vmul.f32 $5.656854150e+00, v1  }
0x24f: {  	v2 =	vmul.f32 $5.656854150e+00, v2  }
0x250: {  	[tilespmem:v3+s22+$0xB200] =	vst.idx.msk $0xffff, v1  }
0x251: {  	[tilespmem:v4+s22+$0xB200] =	vst.idx.msk $0xffff, v2  }
0x252: {  	v1 =	vld [tilespmem:s23+$0x7AA0]  }
0x253: {  	v2 =	vld [tilespmem:s23+$0x7AB0]  }
0x254: {  	v3 =	vadd.s32 $0x45, v12  }
0x255: {  	v4 =	vadd.s32 $0x8C5, v12;
	_ =	sdelay $0x1  }
0x256: {  	v1 =	vmul.f32 $5.656854150e+00, v1  }
0x257: {  	v2 =	vmul.f32 $5.656854150e+00, v2  }
0x258: {  	[tilespmem:v3+s22+$0xB200] =	vst.idx.msk $0xffff, v1  }
0x259: {  	[tilespmem:v4+s22+$0xB200] =	vst.idx.msk $0xffff, v2  }
0x25a: {  	v1 =	vld [tilespmem:s23+$0x7AC0]  }
0x25b: {  	v2 =	vld [tilespmem:s23+$0x7AD0]  }
0x25c: {  	v3 =	vadd.s32 $0x46, v12  }
0x25d: {  	v4 =	vadd.s32 $0x8C6, v12;
	_ =	sdelay $0x1  }
0x25e: {  	v1 =	vmul.f32 $5.656854150e+00, v1  }
0x25f: {  	v2 =	vmul.f32 $5.656854150e+00, v2  }
0x260: {  	[tilespmem:v3+s22+$0xB200] =	vst.idx.msk $0xffff, v1  }
0x261: {  	[tilespmem:v4+s22+$0xB200] =	vst.idx.msk $0xffff, v2  }
0x262: {  	v1 =	vld [tilespmem:s23+$0x7AE0]  }
0x263: {  	v2 =	vld [tilespmem:s23+$0x7AF0]  }
0x264: {  	v3 =	vadd.s32 $0x47, v12  }
0x265: {  	v4 =	vadd.s32 $0x8C7, v12;
	_ =	sdelay $0x1  }
0x266: {  	v1 =	vmul.f32 $5.656854150e+00, v1  }
0x267: {  	v2 =	vmul.f32 $5.656854150e+00, v2  }
0x268: {  	[tilespmem:v3+s22+$0xB200] =	vst.idx.msk $0xffff, v1  }
0x269: {  	[tilespmem:v4+s22+$0xB200] =	vst.idx.msk $0xffff, v2  }
0x26a: {  	v1 =	vld [tilespmem:s23+$0x7B00]  }
0x26b: {  	v2 =	vld [tilespmem:s23+$0x7B10]  }
0x26c: {  	v3 =	vadd.s32 $0x48, v12  }
0x26d: {  	v4 =	vadd.s32 $0x8C8, v12;
	_ =	sdelay $0x1  }
0x26e: {  	v1 =	vmul.f32 $5.656854150e+00, v1  }
0x26f: {  	v2 =	vmul.f32 $5.656854150e+00, v2  }
0x270: {  	[tilespmem:v3+s22+$0xB200] =	vst.idx.msk $0xffff, v1  }
0x271: {  	[tilespmem:v4+s22+$0xB200] =	vst.idx.msk $0xffff, v2  }
0x272: {  	v1 =	vld [tilespmem:s23+$0x7B20]  }
0x273: {  	v2 =	vld [tilespmem:s23+$0x7B30]  }
0x274: {  	v3 =	vadd.s32 $0x49, v12  }
0x275: {  	v4 =	vadd.s32 $0x8C9, v12;
	_ =	sdelay $0x1  }
0x276: {  	v1 =	vmul.f32 $5.656854150e+00, v1  }
0x277: {  	v2 =	vmul.f32 $5.656854150e+00, v2  }
0x278: {  	[tilespmem:v3+s22+$0xB200] =	vst.idx.msk $0xffff, v1  }
0x279: {  	[tilespmem:v4+s22+$0xB200] =	vst.idx.msk $0xffff, v2  }
0x27a: {  	v1 =	vld [tilespmem:s23+$0x7B40]  }
0x27b: {  	v2 =	vld [tilespmem:s23+$0x7B50]  }
0x27c: {  	v3 =	vadd.s32 $0x4A, v12  }
0x27d: {  	v4 =	vadd.s32 $0x8CA, v12;
	_ =	sdelay $0x1  }
0x27e: {  	v1 =	vmul.f32 $5.656854150e+00, v1  }
0x27f: {  	v2 =	vmul.f32 $5.656854150e+00, v2  }
0x280: {  	[tilespmem:v3+s22+$0xB200] =	vst.idx.msk $0xffff, v1  }
0x281: {  	[tilespmem:v4+s22+$0xB200] =	vst.idx.msk $0xffff, v2  }
0x282: {  	v1 =	vld [tilespmem:s23+$0x7B60]  }
0x283: {  	v2 =	vld [tilespmem:s23+$0x7B70]  }
0x284: {  	v3 =	vadd.s32 $0x4B, v12  }
0x285: {  	v4 =	vadd.s32 $0x8CB, v12;
	_ =	sdelay $0x1  }
0x286: {  	v1 =	vmul.f32 $5.656854150e+00, v1  }
0x287: {  	v2 =	vmul.f32 $5.656854150e+00, v2  }
0x288: {  	[tilespmem:v3+s22+$0xB200] =	vst.idx.msk $0xffff, v1  }
0x289: {  	[tilespmem:v4+s22+$0xB200] =	vst.idx.msk $0xffff, v2  }
0x28a: {  	v1 =	vld [tilespmem:s23+$0x7B80]  }
0x28b: {  	v2 =	vld [tilespmem:s23+$0x7B90]  }
0x28c: {  	v3 =	vadd.s32 $0x4C, v12  }
0x28d: {  	v4 =	vadd.s32 $0x8CC, v12;
	_ =	sdelay $0x1  }
0x28e: {  	v1 =	vmul.f32 $5.656854150e+00, v1  }
0x28f: {  	v2 =	vmul.f32 $5.656854150e+00, v2  }
0x290: {  	[tilespmem:v3+s22+$0xB200] =	vst.idx.msk $0xffff, v1  }
0x291: {  	[tilespmem:v4+s22+$0xB200] =	vst.idx.msk $0xffff, v2  }
0x292: {  	v1 =	vld [tilespmem:s23+$0x7BA0]  }
0x293: {  	v2 =	vld [tilespmem:s23+$0x7BB0]  }
0x294: {  	v3 =	vadd.s32 $0x4D, v12  }
0x295: {  	v4 =	vadd.s32 $0x8CD, v12;
	_ =	sdelay $0x1  }
0x296: {  	v1 =	vmul.f32 $5.656854150e+00, v1  }
0x297: {  	v2 =	vmul.f32 $5.656854150e+00, v2  }
0x298: {  	[tilespmem:v3+s22+$0xB200] =	vst.idx.msk $0xffff, v1  }
0x299: {  	[tilespmem:v4+s22+$0xB200] =	vst.idx.msk $0xffff, v2  }
0x29a: {  	v1 =	vld [tilespmem:s23+$0x7BC0]  }
0x29b: {  	v2 =	vld [tilespmem:s23+$0x7BD0]  }
0x29c: {  	v3 =	vadd.s32 $0x4E, v12  }
0x29d: {  	v4 =	vadd.s32 $0x8CE, v12;
	_ =	sdelay $0x1  }
0x29e: {  	v1 =	vmul.f32 $5.656854150e+00, v1  }
0x29f: {  	v2 =	vmul.f32 $5.656854150e+00, v2  }
0x2a0: {  	[tilespmem:v3+s22+$0xB200] =	vst.idx.msk $0xffff, v1  }
0x2a1: {  	[tilespmem:v4+s22+$0xB200] =	vst.idx.msk $0xffff, v2  }
0x2a2: {  	v1 =	vld [tilespmem:s23+$0x7BE0]  }
0x2a3: {  	v2 =	vld [tilespmem:s23+$0x7BF0]  }
0x2a4: {  	v3 =	vadd.s32 $0x4F, v12  }
0x2a5: {  	v4 =	vadd.s32 $0x8CF, v12;
	_ =	sdelay $0x1  }
0x2a6: {  	v1 =	vmul.f32 $5.656854150e+00, v1  }
0x2a7: {  	v2 =	vmul.f32 $5.656854150e+00, v2  }
0x2a8: {  	[tilespmem:v3+s22+$0xB200] =	vst.idx.msk $0xffff, v1  }
0x2a9: {  	[tilespmem:v4+s22+$0xB200] =	vst.idx.msk $0xffff, v2  }
0x2aa: {  	v1 =	vld [tilespmem:s23+$0x7C00]  }
0x2ab: {  	v2 =	vld [tilespmem:s23+$0x7C10]  }
0x2ac: {  	v3 =	vadd.s32 $0x50, v12  }
0x2ad: {  	v4 =	vadd.s32 $0x8D0, v12;
	_ =	sdelay $0x1  }
0x2ae: {  	v1 =	vmul.f32 $5.656854150e+00, v1  }
0x2af: {  	v2 =	vmul.f32 $5.656854150e+00, v2  }
0x2b0: {  	[tilespmem:v3+s22+$0xB200] =	vst.idx.msk $0xffff, v1  }
0x2b1: {  	[tilespmem:v4+s22+$0xB200] =	vst.idx.msk $0xffff, v2  }
0x2b2: {  	v1 =	vld [tilespmem:s23+$0x7C20]  }
0x2b3: {  	v2 =	vld [tilespmem:s23+$0x7C30]  }
0x2b4: {  	v3 =	vadd.s32 $0x51, v12  }
0x2b5: {  	v4 =	vadd.s32 $0x8D1, v12;
	_ =	sdelay $0x1  }
0x2b6: {  	v1 =	vmul.f32 $5.656854150e+00, v1  }
0x2b7: {  	v2 =	vmul.f32 $5.656854150e+00, v2  }
0x2b8: {  	[tilespmem:v3+s22+$0xB200] =	vst.idx.msk $0xffff, v1  }
0x2b9: {  	[tilespmem:v4+s22+$0xB200] =	vst.idx.msk $0xffff, v2  }
0x2ba: {  	v1 =	vld [tilespmem:s23+$0x7C40]  }
0x2bb: {  	v2 =	vld [tilespmem:s23+$0x7C50]  }
0x2bc: {  	v3 =	vadd.s32 $0x52, v12  }
0x2bd: {  	v4 =	vadd.s32 $0x8D2, v12;
	_ =	sdelay $0x1  }
0x2be: {  	v1 =	vmul.f32 $5.656854150e+00, v1  }
0x2bf: {  	v2 =	vmul.f32 $5.656854150e+00, v2  }
0x2c0: {  	[tilespmem:v3+s22+$0xB200] =	vst.idx.msk $0xffff, v1  }
0x2c1: {  	[tilespmem:v4+s22+$0xB200] =	vst.idx.msk $0xffff, v2  }
0x2c2: {  	v1 =	vld [tilespmem:s23+$0x7C60]  }
0x2c3: {  	v2 =	vld [tilespmem:s23+$0x7C70]  }
0x2c4: {  	v3 =	vadd.s32 $0x53, v12  }
0x2c5: {  	v4 =	vadd.s32 $0x8D3, v12;
	_ =	sdelay $0x1  }
0x2c6: {  	v1 =	vmul.f32 $5.656854150e+00, v1  }
0x2c7: {  	v2 =	vmul.f32 $5.656854150e+00, v2  }
0x2c8: {  	[tilespmem:v3+s22+$0xB200] =	vst.idx.msk $0xffff, v1  }
0x2c9: {  	[tilespmem:v4+s22+$0xB200] =	vst.idx.msk $0xffff, v2  }
0x2ca: {  	v1 =	vld [tilespmem:s23+$0x7C80]  }
0x2cb: {  	v2 =	vld [tilespmem:s23+$0x7C90]  }
0x2cc: {  	v3 =	vadd.s32 $0x54, v12  }
0x2cd: {  	v4 =	vadd.s32 $0x8D4, v12;
	_ =	sdelay $0x1  }
0x2ce: {  	v1 =	vmul.f32 $5.656854150e+00, v1  }
0x2cf: {  	v2 =	vmul.f32 $5.656854150e+00, v2  }
0x2d0: {  	[tilespmem:v3+s22+$0xB200] =	vst.idx.msk $0xffff, v1  }
0x2d1: {  	[tilespmem:v4+s22+$0xB200] =	vst.idx.msk $0xffff, v2  }
0x2d2: {  	v1 =	vld [tilespmem:s23+$0x7CA0]  }
0x2d3: {  	v2 =	vld [tilespmem:s23+$0x7CB0]  }
0x2d4: {  	v3 =	vadd.s32 $0x55, v12  }
0x2d5: {  	v4 =	vadd.s32 $0x8D5, v12;
	_ =	sdelay $0x1  }
0x2d6: {  	v1 =	vmul.f32 $5.656854150e+00, v1  }
0x2d7: {  	v2 =	vmul.f32 $5.656854150e+00, v2  }
0x2d8: {  	[tilespmem:v3+s22+$0xB200] =	vst.idx.msk $0xffff, v1  }
0x2d9: {  	[tilespmem:v4+s22+$0xB200] =	vst.idx.msk $0xffff, v2  }
0x2da: {  	v1 =	vld [tilespmem:s23+$0x7CC0]  }
0x2db: {  	v2 =	vld [tilespmem:s23+$0x7CD0]  }
0x2dc: {  	v3 =	vadd.s32 $0x56, v12  }
0x2dd: {  	v4 =	vadd.s32 $0x8D6, v12;
	_ =	sdelay $0x1  }
0x2de: {  	v1 =	vmul.f32 $5.656854150e+00, v1  }
0x2df: {  	v2 =	vmul.f32 $5.656854150e+00, v2  }
0x2e0: {  	[tilespmem:v3+s22+$0xB200] =	vst.idx.msk $0xffff, v1  }
0x2e1: {  	[tilespmem:v4+s22+$0xB200] =	vst.idx.msk $0xffff, v2  }
0x2e2: {  	v1 =	vld [tilespmem:s23+$0x7CE0]  }
0x2e3: {  	v2 =	vld [tilespmem:s23+$0x7CF0]  }
0x2e4: {  	v3 =	vadd.s32 $0x57, v12  }
0x2e5: {  	v4 =	vadd.s32 $0x8D7, v12;
	_ =	sdelay $0x1  }
0x2e6: {  	v1 =	vmul.f32 $5.656854150e+00, v1  }
0x2e7: {  	v2 =	vmul.f32 $5.656854150e+00, v2  }
0x2e8: {  	[tilespmem:v3+s22+$0xB200] =	vst.idx.msk $0xffff, v1  }
0x2e9: {  	[tilespmem:v4+s22+$0xB200] =	vst.idx.msk $0xffff, v2  }
0x2ea: {  	v1 =	vld [tilespmem:s23+$0x7D00]  }
0x2eb: {  	v2 =	vld [tilespmem:s23+$0x7D10]  }
0x2ec: {  	v3 =	vadd.s32 $0x58, v12  }
0x2ed: {  	v4 =	vadd.s32 $0x8D8, v12;
	_ =	sdelay $0x1  }
0x2ee: {  	v1 =	vmul.f32 $5.656854150e+00, v1  }
0x2ef: {  	v2 =	vmul.f32 $5.656854150e+00, v2  }
0x2f0: {  	[tilespmem:v3+s22+$0xB200] =	vst.idx.msk $0xffff, v1  }
0x2f1: {  	[tilespmem:v4+s22+$0xB200] =	vst.idx.msk $0xffff, v2  }
0x2f2: {  	v1 =	vld [tilespmem:s23+$0x7D20]  }
0x2f3: {  	v2 =	vld [tilespmem:s23+$0x7D30]  }
0x2f4: {  	v3 =	vadd.s32 $0x59, v12  }
0x2f5: {  	v4 =	vadd.s32 $0x8D9, v12;
	_ =	sdelay $0x1  }
0x2f6: {  	v1 =	vmul.f32 $5.656854150e+00, v1  }
0x2f7: {  	v2 =	vmul.f32 $5.656854150e+00, v2  }
0x2f8: {  	[tilespmem:v3+s22+$0xB200] =	vst.idx.msk $0xffff, v1  }
0x2f9: {  	[tilespmem:v4+s22+$0xB200] =	vst.idx.msk $0xffff, v2  }
0x2fa: {  	v1 =	vld [tilespmem:s23+$0x7D40]  }
0x2fb: {  	v2 =	vld [tilespmem:s23+$0x7D50]  }
0x2fc: {  	v3 =	vadd.s32 $0x5A, v12  }
0x2fd: {  	v4 =	vadd.s32 $0x8DA, v12;
	_ =	sdelay $0x1  }
0x2fe: {  	v1 =	vmul.f32 $5.656854150e+00, v1  }
0x2ff: {  	v2 =	vmul.f32 $5.656854150e+00, v2  }
0x300: {  	[tilespmem:v3+s22+$0xB200] =	vst.idx.msk $0xffff, v1  }
0x301: {  	[tilespmem:v4+s22+$0xB200] =	vst.idx.msk $0xffff, v2  }
0x302: {  	v1 =	vld [tilespmem:s23+$0x7D60]  }
0x303: {  	v2 =	vld [tilespmem:s23+$0x7D70]  }
0x304: {  	v3 =	vadd.s32 $0x5B, v12  }
0x305: {  	v4 =	vadd.s32 $0x8DB, v12;
	_ =	sdelay $0x1  }
0x306: {  	v1 =	vmul.f32 $5.656854150e+00, v1  }
0x307: {  	v2 =	vmul.f32 $5.656854150e+00, v2  }
0x308: {  	[tilespmem:v3+s22+$0xB200] =	vst.idx.msk $0xffff, v1  }
0x309: {  	[tilespmem:v4+s22+$0xB200] =	vst.idx.msk $0xffff, v2  }
0x30a: {  	v1 =	vld [tilespmem:s23+$0x7D80]  }
0x30b: {  	v2 =	vld [tilespmem:s23+$0x7D90]  }
0x30c: {  	v3 =	vadd.s32 $0x5C, v12  }
0x30d: {  	v4 =	vadd.s32 $0x8DC, v12;
	_ =	sdelay $0x1  }
0x30e: {  	v1 =	vmul.f32 $5.656854150e+00, v1  }
0x30f: {  	v2 =	vmul.f32 $5.656854150e+00, v2  }
0x310: {  	[tilespmem:v3+s22+$0xB200] =	vst.idx.msk $0xffff, v1  }
0x311: {  	[tilespmem:v4+s22+$0xB200] =	vst.idx.msk $0xffff, v2  }
0x312: {  	v1 =	vld [tilespmem:s23+$0x7DA0]  }
0x313: {  	v2 =	vld [tilespmem:s23+$0x7DB0]  }
0x314: {  	v3 =	vadd.s32 $0x5D, v12  }
0x315: {  	v4 =	vadd.s32 $0x8DD, v12;
	_ =	sdelay $0x1  }
0x316: {  	v1 =	vmul.f32 $5.656854150e+00, v1  }
0x317: {  	v2 =	vmul.f32 $5.656854150e+00, v2  }
0x318: {  	[tilespmem:v3+s22+$0xB200] =	vst.idx.msk $0xffff, v1  }
0x319: {  	[tilespmem:v4+s22+$0xB200] =	vst.idx.msk $0xffff, v2  }
0x31a: {  	v1 =	vld [tilespmem:s23+$0x7DC0]  }
0x31b: {  	v2 =	vld [tilespmem:s23+$0x7DD0]  }
0x31c: {  	v3 =	vadd.s32 $0x5E, v12  }
0x31d: {  	v4 =	vadd.s32 $0x8DE, v12;
	_ =	sdelay $0x1  }
0x31e: {  	v1 =	vmul.f32 $5.656854150e+00, v1  }
0x31f: {  	v2 =	vmul.f32 $5.656854150e+00, v2  }
0x320: {  	[tilespmem:v3+s22+$0xB200] =	vst.idx.msk $0xffff, v1  }
0x321: {  	[tilespmem:v4+s22+$0xB200] =	vst.idx.msk $0xffff, v2  }
0x322: {  	v1 =	vld [tilespmem:s23+$0x7DE0]  }
0x323: {  	v2 =	vld [tilespmem:s23+$0x7DF0]  }
0x324: {  	v3 =	vadd.s32 $0x5F, v12  }
0x325: {  	v4 =	vadd.s32 $0x8DF, v12;
	_ =	sdelay $0x1  }
0x326: {  	v1 =	vmul.f32 $5.656854150e+00, v1  }
0x327: {  	v2 =	vmul.f32 $5.656854150e+00, v2  }
0x328: {  	[tilespmem:v3+s22+$0xB200] =	vst.idx.msk $0xffff, v1  }
0x329: {  	[tilespmem:v4+s22+$0xB200] =	vst.idx.msk $0xffff, v2  }
0x32a: {  	v1 =	vld [tilespmem:s23+$0x7E00]  }
0x32b: {  	v2 =	vld [tilespmem:s23+$0x7E10]  }
0x32c: {  	v3 =	vadd.s32 $0x60, v12  }
0x32d: {  	v4 =	vadd.s32 $0x8E0, v12;
	_ =	sdelay $0x1  }
0x32e: {  	v1 =	vmul.f32 $5.656854150e+00, v1  }
0x32f: {  	v2 =	vmul.f32 $5.656854150e+00, v2  }
0x330: {  	[tilespmem:v3+s22+$0xB200] =	vst.idx.msk $0xffff, v1  }
0x331: {  	[tilespmem:v4+s22+$0xB200] =	vst.idx.msk $0xffff, v2  }
0x332: {  	v1 =	vld [tilespmem:s23+$0x7E20]  }
0x333: {  	v2 =	vld [tilespmem:s23+$0x7E30]  }
0x334: {  	v3 =	vadd.s32 $0x61, v12  }
0x335: {  	v4 =	vadd.s32 $0x8E1, v12;
	_ =	sdelay $0x1  }
0x336: {  	v1 =	vmul.f32 $5.656854150e+00, v1  }
0x337: {  	v2 =	vmul.f32 $5.656854150e+00, v2  }
0x338: {  	[tilespmem:v3+s22+$0xB200] =	vst.idx.msk $0xffff, v1  }
0x339: {  	[tilespmem:v4+s22+$0xB200] =	vst.idx.msk $0xffff, v2  }
0x33a: {  	v1 =	vld [tilespmem:s23+$0x7E40]  }
0x33b: {  	v2 =	vld [tilespmem:s23+$0x7E50]  }
0x33c: {  	v3 =	vadd.s32 $0x62, v12  }
0x33d: {  	v4 =	vadd.s32 $0x8E2, v12;
	_ =	sdelay $0x1  }
0x33e: {  	v1 =	vmul.f32 $5.656854150e+00, v1  }
0x33f: {  	v2 =	vmul.f32 $5.656854150e+00, v2  }
0x340: {  	[tilespmem:v3+s22+$0xB200] =	vst.idx.msk $0xffff, v1  }
0x341: {  	[tilespmem:v4+s22+$0xB200] =	vst.idx.msk $0xffff, v2  }
0x342: {  	v1 =	vld [tilespmem:s23+$0x7E60]  }
0x343: {  	v2 =	vld [tilespmem:s23+$0x7E70]  }
0x344: {  	v3 =	vadd.s32 $0x63, v12  }
0x345: {  	v4 =	vadd.s32 $0x8E3, v12;
	_ =	sdelay $0x1  }
0x346: {  	v1 =	vmul.f32 $5.656854150e+00, v1  }
0x347: {  	v2 =	vmul.f32 $5.656854150e+00, v2  }
0x348: {  	[tilespmem:v3+s22+$0xB200] =	vst.idx.msk $0xffff, v1  }
0x349: {  	[tilespmem:v4+s22+$0xB200] =	vst.idx.msk $0xffff, v2  }
0x34a: {  	v1 =	vld [tilespmem:s23+$0x7E80]  }
0x34b: {  	v2 =	vld [tilespmem:s23+$0x7E90]  }
0x34c: {  	v3 =	vadd.s32 $0x64, v12  }
0x34d: {  	v4 =	vadd.s32 $0x8E4, v12;
	_ =	sdelay $0x1  }
0x34e: {  	v1 =	vmul.f32 $5.656854150e+00, v1  }
0x34f: {  	v2 =	vmul.f32 $5.656854150e+00, v2  }
0x350: {  	[tilespmem:v3+s22+$0xB200] =	vst.idx.msk $0xffff, v1  }
0x351: {  	[tilespmem:v4+s22+$0xB200] =	vst.idx.msk $0xffff, v2  }
0x352: {  	v1 =	vld [tilespmem:s23+$0x7EA0]  }
0x353: {  	v2 =	vld [tilespmem:s23+$0x7EB0]  }
0x354: {  	v3 =	vadd.s32 $0x65, v12  }
0x355: {  	v4 =	vadd.s32 $0x8E5, v12;
	_ =	sdelay $0x1  }
0x356: {  	v1 =	vmul.f32 $5.656854150e+00, v1  }
0x357: {  	v2 =	vmul.f32 $5.656854150e+00, v2  }
0x358: {  	[tilespmem:v3+s22+$0xB200] =	vst.idx.msk $0xffff, v1  }
0x359: {  	[tilespmem:v4+s22+$0xB200] =	vst.idx.msk $0xffff, v2  }
0x35a: {  	v1 =	vld [tilespmem:s23+$0x7EC0]  }
0x35b: {  	v2 =	vld [tilespmem:s23+$0x7ED0]  }
0x35c: {  	v3 =	vadd.s32 $0x66, v12  }
0x35d: {  	v4 =	vadd.s32 $0x8E6, v12;
	_ =	sdelay $0x1  }
0x35e: {  	v1 =	vmul.f32 $5.656854150e+00, v1  }
0x35f: {  	v2 =	vmul.f32 $5.656854150e+00, v2  }
0x360: {  	[tilespmem:v3+s22+$0xB200] =	vst.idx.msk $0xffff, v1  }
0x361: {  	[tilespmem:v4+s22+$0xB200] =	vst.idx.msk $0xffff, v2  }
0x362: {  	v1 =	vld [tilespmem:s23+$0x7EE0]  }
0x363: {  	v2 =	vld [tilespmem:s23+$0x7EF0]  }
0x364: {  	v3 =	vadd.s32 $0x67, v12  }
0x365: {  	v4 =	vadd.s32 $0x8E7, v12;
	_ =	sdelay $0x1  }
0x366: {  	v1 =	vmul.f32 $5.656854150e+00, v1  }
0x367: {  	v2 =	vmul.f32 $5.656854150e+00, v2  }
0x368: {  	[tilespmem:v3+s22+$0xB200] =	vst.idx.msk $0xffff, v1  }
0x369: {  	[tilespmem:v4+s22+$0xB200] =	vst.idx.msk $0xffff, v2  }
0x36a: {  	v1 =	vld [tilespmem:s23+$0x7F00]  }
0x36b: {  	v2 =	vld [tilespmem:s23+$0x7F10]  }
0x36c: {  	v3 =	vadd.s32 $0x68, v12  }
0x36d: {  	v4 =	vadd.s32 $0x8E8, v12;
	_ =	sdelay $0x1  }
0x36e: {  	v1 =	vmul.f32 $5.656854150e+00, v1  }
0x36f: {  	v2 =	vmul.f32 $5.656854150e+00, v2  }
0x370: {  	[tilespmem:v3+s22+$0xB200] =	vst.idx.msk $0xffff, v1  }
0x371: {  	[tilespmem:v4+s22+$0xB200] =	vst.idx.msk $0xffff, v2  }
0x372: {  	v1 =	vld [tilespmem:s23+$0x7F20]  }
0x373: {  	v2 =	vld [tilespmem:s23+$0x7F30]  }
0x374: {  	v3 =	vadd.s32 $0x69, v12  }
0x375: {  	v4 =	vadd.s32 $0x8E9, v12;
	_ =	sdelay $0x1  }
0x376: {  	v1 =	vmul.f32 $5.656854150e+00, v1  }
0x377: {  	v2 =	vmul.f32 $5.656854150e+00, v2  }
0x378: {  	[tilespmem:v3+s22+$0xB200] =	vst.idx.msk $0xffff, v1  }
0x379: {  	[tilespmem:v4+s22+$0xB200] =	vst.idx.msk $0xffff, v2  }
0x37a: {  	v1 =	vld [tilespmem:s23+$0x7F40]  }
0x37b: {  	v2 =	vld [tilespmem:s23+$0x7F50]  }
0x37c: {  	v3 =	vadd.s32 $0x6A, v12  }
0x37d: {  	v4 =	vadd.s32 $0x8EA, v12;
	_ =	sdelay $0x1  }
0x37e: {  	v1 =	vmul.f32 $5.656854150e+00, v1  }
0x37f: {  	v2 =	vmul.f32 $5.656854150e+00, v2  }
0x380: {  	[tilespmem:v3+s22+$0xB200] =	vst.idx.msk $0xffff, v1  }
0x381: {  	[tilespmem:v4+s22+$0xB200] =	vst.idx.msk $0xffff, v2  }
0x382: {  	v1 =	vld [tilespmem:s23+$0x7F60]  }
0x383: {  	v2 =	vld [tilespmem:s23+$0x7F70]  }
0x384: {  	v3 =	vadd.s32 $0x6B, v12  }
0x385: {  	v4 =	vadd.s32 $0x8EB, v12;
	_ =	sdelay $0x1  }
0x386: {  	v1 =	vmul.f32 $5.656854150e+00, v1  }
0x387: {  	v2 =	vmul.f32 $5.656854150e+00, v2  }
0x388: {  	[tilespmem:v3+s22+$0xB200] =	vst.idx.msk $0xffff, v1  }
0x389: {  	[tilespmem:v4+s22+$0xB200] =	vst.idx.msk $0xffff, v2  }
0x38a: {  	v1 =	vld [tilespmem:s23+$0x7F80]  }
0x38b: {  	v2 =	vld [tilespmem:s23+$0x7F90]  }
0x38c: {  	v3 =	vadd.s32 $0x6C, v12  }
0x38d: {  	v4 =	vadd.s32 $0x8EC, v12;
	_ =	sdelay $0x1  }
0x38e: {  	v1 =	vmul.f32 $5.656854150e+00, v1  }
0x38f: {  	v2 =	vmul.f32 $5.656854150e+00, v2  }
0x390: {  	[tilespmem:v3+s22+$0xB200] =	vst.idx.msk $0xffff, v1  }
0x391: {  	[tilespmem:v4+s22+$0xB200] =	vst.idx.msk $0xffff, v2  }
0x392: {  	v1 =	vld [tilespmem:s23+$0x7FA0]  }
0x393: {  	v2 =	vld [tilespmem:s23+$0x7FB0]  }
0x394: {  	v3 =	vadd.s32 $0x6D, v12  }
0x395: {  	v4 =	vadd.s32 $0x8ED, v12;
	_ =	sdelay $0x1  }
0x396: {  	v1 =	vmul.f32 $5.656854150e+00, v1  }
0x397: {  	v2 =	vmul.f32 $5.656854150e+00, v2  }
0x398: {  	[tilespmem:v3+s22+$0xB200] =	vst.idx.msk $0xffff, v1  }
0x399: {  	[tilespmem:v4+s22+$0xB200] =	vst.idx.msk $0xffff, v2  }
0x39a: {  	v1 =	vld [tilespmem:s23+$0x7FC0]  }
0x39b: {  	v2 =	vld [tilespmem:s23+$0x7FD0]  }
0x39c: {  	v3 =	vadd.s32 $0x6E, v12  }
0x39d: {  	v4 =	vadd.s32 $0x8EE, v12;
	_ =	sdelay $0x1  }
0x39e: {  	v1 =	vmul.f32 $5.656854150e+00, v1  }
0x39f: {  	v2 =	vmul.f32 $5.656854150e+00, v2  }
0x3a0: {  	[tilespmem:v3+s22+$0xB200] =	vst.idx.msk $0xffff, v1  }
0x3a1: {  	[tilespmem:v4+s22+$0xB200] =	vst.idx.msk $0xffff, v2  }
0x3a2: {  	v1 =	vld [tilespmem:s23+$0x7FE0]  }
0x3a3: {  	v2 =	vld [tilespmem:s23+$0x7FF0]  }
0x3a4: {  	v3 =	vadd.s32 $0x6F, v12  }
0x3a5: {  	v4 =	vadd.s32 $0x8EF, v12;
	_ =	sdelay $0x1  }
0x3a6: {  	v1 =	vmul.f32 $5.656854150e+00, v1  }
0x3a7: {  	v2 =	vmul.f32 $5.656854150e+00, v2  }
0x3a8: {  	[tilespmem:v3+s22+$0xB200] =	vst.idx.msk $0xffff, v1  }
0x3a9: {  	[tilespmem:v4+s22+$0xB200] =	vst.idx.msk $0xffff, v2  }
0x3aa: {  	v1 =	vld [tilespmem:s23+$0x8000]  }
0x3ab: {  	v2 =	vld [tilespmem:s23+$0x8010]  }
0x3ac: {  	v3 =	vadd.s32 $0x70, v12  }
0x3ad: {  	v4 =	vadd.s32 $0x8F0, v12;
	_ =	sdelay $0x1  }
0x3ae: {  	v1 =	vmul.f32 $5.656854150e+00, v1  }
0x3af: {  	v2 =	vmul.f32 $5.656854150e+00, v2  }
0x3b0: {  	[tilespmem:v3+s22+$0xB200] =	vst.idx.msk $0xffff, v1  }
0x3b1: {  	[tilespmem:v4+s22+$0xB200] =	vst.idx.msk $0xffff, v2  }
0x3b2: {  	v1 =	vld [tilespmem:s23+$0x8020]  }
0x3b3: {  	v2 =	vld [tilespmem:s23+$0x8030]  }
0x3b4: {  	v3 =	vadd.s32 $0x71, v12  }
0x3b5: {  	v4 =	vadd.s32 $0x8F1, v12;
	_ =	sdelay $0x1  }
0x3b6: {  	v1 =	vmul.f32 $5.656854150e+00, v1  }
0x3b7: {  	v2 =	vmul.f32 $5.656854150e+00, v2  }
0x3b8: {  	[tilespmem:v3+s22+$0xB200] =	vst.idx.msk $0xffff, v1  }
0x3b9: {  	[tilespmem:v4+s22+$0xB200] =	vst.idx.msk $0xffff, v2  }
0x3ba: {  	v1 =	vld [tilespmem:s23+$0x8040]  }
0x3bb: {  	v2 =	vld [tilespmem:s23+$0x8050]  }
0x3bc: {  	v3 =	vadd.s32 $0x72, v12  }
0x3bd: {  	v4 =	vadd.s32 $0x8F2, v12;
	_ =	sdelay $0x1  }
0x3be: {  	v1 =	vmul.f32 $5.656854150e+00, v1  }
0x3bf: {  	v2 =	vmul.f32 $5.656854150e+00, v2  }
0x3c0: {  	[tilespmem:v3+s22+$0xB200] =	vst.idx.msk $0xffff, v1  }
0x3c1: {  	[tilespmem:v4+s22+$0xB200] =	vst.idx.msk $0xffff, v2  }
0x3c2: {  	v1 =	vld [tilespmem:s23+$0x8060]  }
0x3c3: {  	v2 =	vld [tilespmem:s23+$0x8070]  }
0x3c4: {  	v3 =	vadd.s32 $0x73, v12  }
0x3c5: {  	v4 =	vadd.s32 $0x8F3, v12;
	_ =	sdelay $0x1  }
0x3c6: {  	v1 =	vmul.f32 $5.656854150e+00, v1  }
0x3c7: {  	v2 =	vmul.f32 $5.656854150e+00, v2  }
0x3c8: {  	[tilespmem:v3+s22+$0xB200] =	vst.idx.msk $0xffff, v1  }
0x3c9: {  	[tilespmem:v4+s22+$0xB200] =	vst.idx.msk $0xffff, v2  }
0x3ca: {  	v1 =	vld [tilespmem:s23+$0x8080]  }
0x3cb: {  	v2 =	vld [tilespmem:s23+$0x8090]  }
0x3cc: {  	v3 =	vadd.s32 $0x74, v12  }
0x3cd: {  	v4 =	vadd.s32 $0x8F4, v12;
	_ =	sdelay $0x1  }
0x3ce: {  	v1 =	vmul.f32 $5.656854150e+00, v1  }
0x3cf: {  	v2 =	vmul.f32 $5.656854150e+00, v2  }
0x3d0: {  	[tilespmem:v3+s22+$0xB200] =	vst.idx.msk $0xffff, v1  }
0x3d1: {  	[tilespmem:v4+s22+$0xB200] =	vst.idx.msk $0xffff, v2  }
0x3d2: {  	v1 =	vld [tilespmem:s23+$0x80A0]  }
0x3d3: {  	v2 =	vld [tilespmem:s23+$0x80B0]  }
0x3d4: {  	v3 =	vadd.s32 $0x75, v12  }
0x3d5: {  	v4 =	vadd.s32 $0x8F5, v12;
	_ =	sdelay $0x1  }
0x3d6: {  	v1 =	vmul.f32 $5.656854150e+00, v1  }
0x3d7: {  	v2 =	vmul.f32 $5.656854150e+00, v2  }
0x3d8: {  	[tilespmem:v3+s22+$0xB200] =	vst.idx.msk $0xffff, v1  }
0x3d9: {  	[tilespmem:v4+s22+$0xB200] =	vst.idx.msk $0xffff, v2  }
0x3da: {  	v1 =	vld [tilespmem:s23+$0x80C0]  }
0x3db: {  	v2 =	vld [tilespmem:s23+$0x80D0]  }
0x3dc: {  	v3 =	vadd.s32 $0x76, v12  }
0x3dd: {  	v4 =	vadd.s32 $0x8F6, v12;
	_ =	sdelay $0x1  }
0x3de: {  	v1 =	vmul.f32 $5.656854150e+00, v1  }
0x3df: {  	v2 =	vmul.f32 $5.656854150e+00, v2  }
0x3e0: {  	[tilespmem:v3+s22+$0xB200] =	vst.idx.msk $0xffff, v1  }
0x3e1: {  	[tilespmem:v4+s22+$0xB200] =	vst.idx.msk $0xffff, v2  }
0x3e2: {  	v1 =	vld [tilespmem:s23+$0x80E0]  }
0x3e3: {  	v2 =	vld [tilespmem:s23+$0x80F0]  }
0x3e4: {  	v3 =	vadd.s32 $0x77, v12  }
0x3e5: {  	v4 =	vadd.s32 $0x8F7, v12;
	_ =	sdelay $0x1  }
0x3e6: {  	v1 =	vmul.f32 $5.656854150e+00, v1  }
0x3e7: {  	v2 =	vmul.f32 $5.656854150e+00, v2  }
0x3e8: {  	[tilespmem:v3+s22+$0xB200] =	vst.idx.msk $0xffff, v1  }
0x3e9: {  	[tilespmem:v4+s22+$0xB200] =	vst.idx.msk $0xffff, v2  }
0x3ea: {  	v1 =	vld [tilespmem:s23+$0x8100]  }
0x3eb: {  	v2 =	vld [tilespmem:s23+$0x8110]  }
0x3ec: {  	v3 =	vadd.s32 $0x78, v12  }
0x3ed: {  	v4 =	vadd.s32 $0x8F8, v12;
	_ =	sdelay $0x1  }
0x3ee: {  	v1 =	vmul.f32 $5.656854150e+00, v1  }
0x3ef: {  	v2 =	vmul.f32 $5.656854150e+00, v2  }
0x3f0: {  	[tilespmem:v3+s22+$0xB200] =	vst.idx.msk $0xffff, v1  }
0x3f1: {  	[tilespmem:v4+s22+$0xB200] =	vst.idx.msk $0xffff, v2  }
0x3f2: {  	v1 =	vld [tilespmem:s23+$0x8120]  }
0x3f3: {  	v2 =	vld [tilespmem:s23+$0x8130]  }
0x3f4: {  	v3 =	vadd.s32 $0x79, v12  }
0x3f5: {  	v4 =	vadd.s32 $0x8F9, v12;
	_ =	sdelay $0x1  }
0x3f6: {  	v1 =	vmul.f32 $5.656854150e+00, v1  }
0x3f7: {  	v2 =	vmul.f32 $5.656854150e+00, v2  }
0x3f8: {  	[tilespmem:v3+s22+$0xB200] =	vst.idx.msk $0xffff, v1  }
0x3f9: {  	[tilespmem:v4+s22+$0xB200] =	vst.idx.msk $0xffff, v2  }
0x3fa: {  	v1 =	vld [tilespmem:s23+$0x8140]  }
0x3fb: {  	v2 =	vld [tilespmem:s23+$0x8150]  }
0x3fc: {  	v3 =	vadd.s32 $0x7A, v12  }
0x3fd: {  	v4 =	vadd.s32 $0x8FA, v12;
	_ =	sdelay $0x1  }
0x3fe: {  	v1 =	vmul.f32 $5.656854150e+00, v1  }
0x3ff: {  	v2 =	vmul.f32 $5.656854150e+00, v2  }
0x400: {  	[tilespmem:v3+s22+$0xB200] =	vst.idx.msk $0xffff, v1  }
0x401: {  	[tilespmem:v4+s22+$0xB200] =	vst.idx.msk $0xffff, v2  }
0x402: {  	v1 =	vld [tilespmem:s23+$0x8160]  }
0x403: {  	v2 =	vld [tilespmem:s23+$0x8170]  }
0x404: {  	v3 =	vadd.s32 $0x7B, v12  }
0x405: {  	v4 =	vadd.s32 $0x8FB, v12;
	_ =	sdelay $0x1  }
0x406: {  	v1 =	vmul.f32 $5.656854150e+00, v1  }
0x407: {  	v2 =	vmul.f32 $5.656854150e+00, v2  }
0x408: {  	[tilespmem:v3+s22+$0xB200] =	vst.idx.msk $0xffff, v1  }
0x409: {  	[tilespmem:v4+s22+$0xB200] =	vst.idx.msk $0xffff, v2  }
0x40a: {  	v1 =	vld [tilespmem:s23+$0x8180]  }
0x40b: {  	v2 =	vld [tilespmem:s23+$0x8190]  }
0x40c: {  	v3 =	vadd.s32 $0x7C, v12  }
0x40d: {  	v4 =	vadd.s32 $0x8FC, v12;
	_ =	sdelay $0x1  }
0x40e: {  	v1 =	vmul.f32 $5.656854150e+00, v1  }
0x40f: {  	v2 =	vmul.f32 $5.656854150e+00, v2  }
0x410: {  	[tilespmem:v3+s22+$0xB200] =	vst.idx.msk $0xffff, v1  }
0x411: {  	[tilespmem:v4+s22+$0xB200] =	vst.idx.msk $0xffff, v2  }
0x412: {  	v1 =	vld [tilespmem:s23+$0x81A0]  }
0x413: {  	v2 =	vld [tilespmem:s23+$0x81B0]  }
0x414: {  	v3 =	vadd.s32 $0x7D, v12  }
0x415: {  	v4 =	vadd.s32 $0x8FD, v12;
	_ =	sdelay $0x1  }
0x416: {  	v1 =	vmul.f32 $5.656854150e+00, v1  }
0x417: {  	v2 =	vmul.f32 $5.656854150e+00, v2  }
0x418: {  	[tilespmem:v3+s22+$0xB200] =	vst.idx.msk $0xffff, v1  }
0x419: {  	[tilespmem:v4+s22+$0xB200] =	vst.idx.msk $0xffff, v2  }
0x41a: {  	v1 =	vld [tilespmem:s23+$0x81C0]  }
0x41b: {  	v2 =	vld [tilespmem:s23+$0x81D0]  }
0x41c: {  	v3 =	vadd.s32 $0x7E, v12  }
0x41d: {  	v4 =	vadd.s32 $0x8FE, v12;
	_ =	sdelay $0x1  }
0x41e: {  	v1 =	vmul.f32 $5.656854150e+00, v1  }
0x41f: {  	v2 =	vmul.f32 $5.656854150e+00, v2  }
0x420: {  	[tilespmem:v3+s22+$0xB200] =	vst.idx.msk $0xffff, v1  }
0x421: {  	[tilespmem:v4+s22+$0xB200] =	vst.idx.msk $0xffff, v2  }
0x422: {  	v1 =	vld [tilespmem:s23+$0x81E0]  }
0x423: {  	v2 =	vld [tilespmem:s23+$0x81F0]  }
0x424: {  	v3 =	vadd.s32 $0x7F, v12  }
0x425: {  	s30 =	sand.u32 $0x3, s19;
	s24 =	sshll.u32 s20, $0x11;
	v4 =	vadd.s32 $0x8FF, v12  }
0x426: {  	s24 =	sand.u32 $0x1F80000, s24;
	s25 =	sshll.u32 s21, $0x7;
	s23 =	smul.u32 $0x4400, s30  }
0x427: {  	s24 =	sor.u32 s24, s25;
	v1 =	vmul.f32 $5.656854150e+00, v1  }
0x428: {  	s24 =	sor.u32 s3, s24;
	s23 =	sshrl.u32 s23, $0x2;
	v2 =	vmul.f32 $5.656854150e+00, v2  }
0x429: {  	s25 =	simm.s32 $0x220;
	s24 =	sshrl.u32 s24, $0x3;
	s23 =	sadd.s32 $0xB200, s23;
	[tilespmem:v3+s22+$0xB200] =	vst.idx.msk $0xffff, v1  }
0x42a: {  	s24 =	sadd.s32 s5, s24;
	s31 =	sadd.s32 $0x0, s23;
	[tilespmem:v4+s22+$0xB200] =	vst.idx.msk $0xffff, v2;
	s22 =	sadd.s32 $0x5, s21  }
0x42b: {  	[hbm4b:s24+s2] =	stream.linear.scatter [tilespmem:s31], [sflag:s22], $0x80, $0x38;
	[tilespmem:$0xF600] =	vst v63  }
.LBB2_3:
0x42c: {  	p0 =	sne.s32 s25, $0x41E0  }
.Ltmp4:
0x42d: {  	_ = 	snop;
	(pc) =	sbr.rel @p0 .LBB2_3-.Ltmp4, $4  }
0x42e: {  	_ = 	snop  }
0x42f: {  	s26 =	sshra.s32 s25, $0x2;
	s25 =	sadd.s32 $0x220, s25  }
0x430: {  	s24 =	sadd.s32 $0x800, s24;
	s26 =	sadd.s32 s26, s23  }
0x431: {  	[hbm4b:s24+s2] =	stream.linear.scatter [tilespmem:s26], [sflag:s22], $0x80, $0x38;
	[tilespmem:$0xF600] =	vst v63  }
0x432: {  	p0 =	sgt.u32 s20, $0xC5  }
.Ltmp5:
0x433: {  	_ = 	snop;
	(pc) =	sbr.rel @p0 .LBB2_6-.Ltmp5, $1  }
0x434: {  	_ =	sdelay $0x3  }
0x435: {  	s22 =	sadd.s32 $0x2, s20  }
0x436: {  	s23 =	sshll.u32 s22, $0x7  }
0x437: {  	s23 =	sand.u32 $0x180, s23  }
0x438: {  	v1 =	vmov s23  }
0x439: {  	s22 =	sshrl.u32 s22, $0x2;
	v1 =	vmul.u32 $0x38, v1  }
0x43a: {  	v2 =	vmov s22  }
0x43b: {  	v2 =	vand.u32 $0x7F, v2;
	v1 =	vbroadcast v1, $0x0  }
0x43c: {  	v2 =	vadd.s32 v0, v2  }
0x43d: {  	s29 =	sor.u32 $0x10, s23;
	v1 =	vadd.s32 v1, v2  }
0x43e: {  	v3 =	vmov s29  }
0x43f: {  	v3 =	vmul.u32 $0x38, v3;
	_ =	sdelay $0x1  }
0x440: {  	v3 =	vbroadcast v3, $0x0  }
0x441: {  	v1 =	vld.idx.msk [tilespmem:v1+s2+$0x0], $0xffff  }
0x442: {  	s30 =	sor.u32 $0x20, s23;
	v3 =	vadd.s32 v3, v2  }
0x443: {  	v4 =	vmov s30  }
0x444: {  	s21 =	sxor.u32 $0x2, s21;
	v4 =	vmul.u32 $0x38, v4  }
0x445: {  	s31 =	sshll.u32 s21, $0x7  }
0x446: {  	[tilespmem:s31+$0x7000] =	vst v1;
	v1 =	vbroadcast v4, $0x0  }
0x447: {  	v3 =	vld.idx.msk [tilespmem:v3+s2+$0x0], $0xffff  }
0x448: {  	s24 =	sor.u32 $0x30, s23;
	v1 =	vadd.s32 v1, v2  }
0x449: {  	v4 =	vmov s24  }
0x44a: {  	v4 =	vmul.u32 $0x38, v4;
	_ =	sdelay $0x1  }
0x44b: {  	[tilespmem:s31+$0x7010] =	vst v3;
	v3 =	vbroadcast v4, $0x0  }
0x44c: {  	v1 =	vld.idx.msk [tilespmem:v1+s2+$0x0], $0xffff  }
0x44d: {  	s25 =	sor.u32 $0x40, s23;
	v3 =	vadd.s32 v3, v2  }
0x44e: {  	v4 =	vmov s25  }
0x44f: {  	v4 =	vmul.u32 $0x38, v4;
	_ =	sdelay $0x1  }
0x450: {  	[tilespmem:s31+$0x7020] =	vst v1;
	v1 =	vbroadcast v4, $0x0  }
0x451: {  	v3 =	vld.idx.msk [tilespmem:v3+s2+$0x0], $0xffff  }
0x452: {  	s26 =	sor.u32 $0x50, s23;
	v1 =	vadd.s32 v1, v2  }
0x453: {  	v4 =	vmov s26  }
0x454: {  	v4 =	vmul.u32 $0x38, v4;
	_ =	sdelay $0x1  }
0x455: {  	[tilespmem:s31+$0x7030] =	vst v3;
	v3 =	vbroadcast v4, $0x0  }
0x456: {  	v1 =	vld.idx.msk [tilespmem:v1+s2+$0x0], $0xffff  }
0x457: {  	s28 =	sor.u32 $0x60, s23;
	v3 =	vadd.s32 v3, v2  }
0x458: {  	v4 =	vmov s28  }
0x459: {  	v4 =	vmul.u32 $0x38, v4;
	_ =	sdelay $0x1  }
0x45a: {  	[tilespmem:s31+$0x7040] =	vst v1;
	v1 =	vbroadcast v4, $0x0  }
0x45b: {  	v3 =	vld.idx.msk [tilespmem:v3+s2+$0x0], $0xffff  }
0x45c: {  	s23 =	sor.u32 $0x70, s23;
	v1 =	vadd.s32 v1, v2  }
0x45d: {  	v4 =	vmov s23  }
0x45e: {  	v4 =	vmul.u32 $0x38, v4;
	_ =	sdelay $0x1  }
0x45f: {  	[tilespmem:s31+$0x7050] =	vst v3;
	v3 =	vbroadcast v4, $0x0  }
0x460: {  	v1 =	vld.idx.msk [tilespmem:v1+s2+$0x0], $0xffff  }
0x461: {  	v2 =	vadd.s32 v3, v2;
	_ =	sdelay $0x3  }
0x462: {  	[tilespmem:s31+$0x7060] =	vst v1  }
0x463: {  	v1 =	vld.idx.msk [tilespmem:v2+s2+$0x0], $0xffff;
	_ =	sdelay $0x1  }
.Ltmp6:
0x464: {  	_ = 	snop;
	(pc) =	sbr.rel .LBB2_6-.Ltmp6, $4  }
0x465: {  	_ = 	snop  }
0x466: {  	s29 =	sshll.u32 s21, $0xC  }
0x467: {  	s30 =	sor.u32 $0x7000, s31;
	s21 =	sadd.s32 $0x1, s21;
	[tilespmem:s31+$0x7070] =	vst v1;
	s31 =	sadd.s32 $0x7200, s29  }
0x468: {  	[tilespmem:s31], [sflag:s21] =	stream.indirect.gather [hbm4b:s4+s9], $0x20, s30, s9, $0xb8;
	[tilespmem:$0xF600] =	vst v63  }
.LBB2_8:
0x469: {  	_ =	sfence.sel $0x180000  }
0x46a: {  	[bflag:$0x0] =	sbarrier.arrive $0xFFFF  }
0x46b: {  	p0 =	sne.s32 s1, $0x0;
	_ =	strace $0x90000047  }
0x46c: {  	s0 =	sadd.s32 @!p0 $0x100000, s0;
	[bflag:$0x2] =	sbarrier.arrive $0xFFFF  }
0x46d: {  	[sflag:s0] =	ssyncadd.tile.s32 @!p0 $0x1;
	_ =	shalt  }
.Lfunc_end2:
_tile_overlayer_lowered:
.L_overlay_start_2:
0x46e: {  	(tag) =	ssettag $0x2  }
0x46f: {  	s0 =	rddreg [dreg:$0x0];
	s2 =	stileid.u32  }
0x470: {  	s1 =	rddreg [dreg:$0x1];
	p0 =	sne.s32 s2, $0x0  }
0x471: {  	s3 =	rddreg [dreg:$0x2];
	[bflag:$0x3] =	sbarrier.arrive $0xFFFF;
	s2 =	simm.s32 @!p0 $0x1C09  }
0x472: {  	[timem:s3], [sflag:s2] =	dma.local @!p0 [hbm:s0], s1  }
0x473: {  	s0 =	simm.s32 @!p0 $0x9  }
0x474: {  	_ =	swait.ge @!p0 [sflag:s0], s1  }
0x475: {  	s1 =	ssub.s32 @!p0 $0x0, s1;
	[sflag:s0] =	ssyncset.done @!p0 $0x0  }
0x476: {  	[sflag:s0] =	ssyncadd.s32 @!p0 s1  }
0x477: {  	[bflag:$0x3] =	sbarrier.arrive $0xFFFF  }
0x478: {  	_ =	shalt  }

</sc_bundles>
